<compile_context>
chip_gen: v7x
topology: tpu7x:2x2x1
jax: 0.10.2.dev20260603
libtpu: 0.0.44.dev20260713+nightly
codegen_flags: <defaults>
</compile_context>

<pallas_src>
import dataclasses
import functools

import jax
import jax.numpy as jnp
from jax.experimental import pallas as pl
from jax.experimental.pallas import tpu as pltpu
from jax.experimental.pallas import tpu_sc as plsc

NUM_SAMPLES = 8
EPS = 1e-08

SB = 1024
OC = 1024
PAD_VAL = 1e17
M_INIT = 3.4e37
W = 128
VROW = 16


def _sc_compiler_params():
    cp = pltpu.CompilerParams()
    fields = pltpu.CompilerParams.__dataclass_fields__
    if "needs_layout_passes" in fields:
        cp = dataclasses.replace(cp, needs_layout_passes=False)
    if "use_tc_tiling_on_sc" in fields:
        cp = dataclasses.replace(cp, use_tc_tiling_on_sc=False)
    return cp


def _sc_mesh():
    return plsc.VectorSubcoreMesh(core_axis_name="c", subcore_axis_name="s")



def _sc_simplified(svp, sf0, sf1, sf2, ca, cb, cc, fs_pad):
    ns_pad = fs_pad * NUM_SAMPLES

    @pl.kernel(
        compiler_params=_sc_compiler_params(),
        out_type=[
            jax.ShapeDtypeStruct((fs_pad, VROW), jnp.float32),
            jax.ShapeDtypeStruct((1, ns_pad), jnp.float32),
            jax.ShapeDtypeStruct((1, ns_pad), jnp.float32),
            jax.ShapeDtypeStruct((1, ns_pad), jnp.float32),
        ],
        mesh=_sc_mesh(),
        scratch_types=[
            pltpu.VMEM((W, VROW), jnp.float32),
            pltpu.VMEM((W, VROW), jnp.float32),
            pltpu.VMEM((W, VROW), jnp.float32),
        ],
    )
    def sc_kernel(svp_hbm, sf0_hbm, sf1_hbm, sf2_hbm,
                  ca_hbm, cb_hbm, cc_hbm,
                  sb_hbm, spx_hbm, spy_hbm, spz_hbm, g0, g1, g2):

        def face_body(i0, i1, i2, a, b, c, osb, ox, oy, oz):
            pltpu.sync_copy(svp_hbm.at[i0.at[0]], g0)
            pltpu.sync_copy(svp_hbm.at[i1.at[0]], g1)
            pltpu.sync_copy(svp_hbm.at[i2.at[0]], g2)

            @pl.loop(0, W)
            def _(r):
                osb[r, :] = (g0[r, :] + g1[r, :] + g2[r, :]) * (1.0 / 3.0)

            lane = jax.lax.iota(jnp.int32, 16)
            sub = jax.lax.shift_right_logical(lane, 3)
            col0 = jnp.zeros((16,), jnp.int32)

            @pl.loop(0, W * NUM_SAMPLES // 16)
            def _(j):
                k0 = j * 16
                rows = sub + j * 2
                av = a[0, pl.ds(k0, 16)]
                bv = b[0, pl.ds(k0, 16)]
                cv = c[0, pl.ds(k0, 16)]
                for col, o in ((col0, ox), (col0 + 1, oy), (col0 + 2, oz)):
                    val = (av * plsc.load_gather(g0, [rows, col])
                           + bv * plsc.load_gather(g1, [rows, col])
                           + cv * plsc.load_gather(g2, [rows, col]))
                    o[0, pl.ds(k0, 16)] = val

        pltpu.emit_pipeline(
            face_body,
            grid=(fs_pad // W,),
            in_specs=[pl.BlockSpec((1, W), lambda i: (0, i))] * 3
            + [pl.BlockSpec((1, W * NUM_SAMPLES), lambda i: (0, i))] * 3,
            out_specs=[pl.BlockSpec((W, VROW), lambda i: (i, 0))]
            + [pl.BlockSpec((1, W * NUM_SAMPLES), lambda i: (0, i))] * 3,
            core_axis_name=("c", "s"),
            dimension_semantics=(pltpu.PARALLEL,),
        )(sf0_hbm, sf1_hbm, sf2_hbm, ca_hbm, cb_hbm, cc_hbm,
          sb_hbm, spx_hbm, spy_hbm, spz_hbm)

    return sc_kernel(svp, sf0, sf1, sf2, ca, cb, cc)


def _sc_original(ovp, of0, of1, of2, fo_pad):

    @pl.kernel(
        compiler_params=_sc_compiler_params(),
        out_type=jax.ShapeDtypeStruct((fo_pad, VROW), jnp.float32),
        mesh=_sc_mesh(),
        scratch_types=[
            pltpu.VMEM((W, VROW), jnp.float32),
            pltpu.VMEM((W, VROW), jnp.float32),
            pltpu.VMEM((W, VROW), jnp.float32),
        ],
    )
    def sc_kernel(ovp_hbm, of0_hbm, of1_hbm, of2_hbm, ob_hbm, g0, g1, g2):

        def bary_body(i0, i1, i2, o):
            pltpu.sync_copy(ovp_hbm.at[i0.at[0]], g0)
            pltpu.sync_copy(ovp_hbm.at[i1.at[0]], g1)
            pltpu.sync_copy(ovp_hbm.at[i2.at[0]], g2)

            @pl.loop(0, W)
            def _(r):
                o[r, :] = (g0[r, :] + g1[r, :] + g2[r, :]) * (1.0 / 3.0)

        pltpu.emit_pipeline(
            bary_body,
            grid=(fo_pad // W,),
            in_specs=[pl.BlockSpec((1, W), lambda i: (0, i))] * 3,
            out_specs=[pl.BlockSpec((W, VROW), lambda i: (i, 0))],
            core_axis_name=("c", "s"),
            dimension_semantics=(pltpu.PARALLEL,),
        )(of0_hbm, of1_hbm, of2_hbm, ob_hbm)

    return sc_kernel(ovp, of0, of1, of2)



def _nn_kernel(n_blocks, o_pad, with_max, q_ref, t_ref, out_ref, acc_ref):
    pid = pl.program_id(0)

    @pl.when(pid == 0)
    def _():
        acc_ref[0] = 0.0
        acc_ref[1] = 0.0

    qx = q_ref[:, 0:1]
    qy = q_ref[:, 1:2]
    qz = q_ref[:, 2:3]
    w = q_ref[:, 3:4]
    qq = qx * qx + qy * qy + qz * qz

    m = jnp.full((SB, 1), M_INIT, jnp.float32)
    for c in range(o_pad // OC):
        tx = t_ref[0:1, c * OC:(c + 1) * OC]
        ty = t_ref[1:2, c * OC:(c + 1) * OC]
        tz = t_ref[2:3, c * OC:(c + 1) * OC]
        tt = t_ref[3:4, c * OC:(c + 1) * OC]
        f = tt + qx * tx
        f = f + qy * ty
        f = f + qz * tz
        m = jnp.minimum(m, jnp.min(f, axis=1, keepdims=True))
    d2 = jnp.maximum(qq + m, 0.0)

    if with_max:
        valid = q_ref[:, 4:5]
        d = jnp.sqrt(d2)
        acc_ref[0] += jnp.sum(w * d)
        acc_ref[1] = jnp.maximum(acc_ref[1], jnp.max(d * valid))
    else:
        acc_ref[0] += jnp.sum(w * d2)

    @pl.when(pid == n_blocks - 1)
    def _():
        r = jax.lax.broadcasted_iota(jnp.int32, (8, 128), 0)
        c = jax.lax.broadcasted_iota(jnp.int32, (8, 128), 1)
        z = jnp.where((r == 0) & (c == 0), acc_ref[0],
            jnp.where((r == 0) & (c == 1), acc_ref[1], 0.0))
        out_ref[...] = z


def _nn_search(q, t, o_pad, with_max):
    n_blocks = q.shape[0] // SB
    return pl.pallas_call(
        functools.partial(_nn_kernel, n_blocks, o_pad, with_max),
        grid=(n_blocks,),
        in_specs=[
            pl.BlockSpec((SB, 8), lambda i: (i, 0)),
            pl.BlockSpec((8, o_pad), lambda i: (0, 0)),
        ],
        out_specs=pl.BlockSpec((8, 128), lambda i: (0, 0)),
        out_shape=jax.ShapeDtypeStruct((8, 128), jnp.float32),
        scratch_shapes=[pltpu.SMEM((2,), jnp.float32)],
    )(q, t)


def _round_up(x, m):
    return (x + m - 1) // m * m


def kernel(original_vertices, original_faces, simplified_vertices,
           simplified_faces, face_probabilities):
    n_orig = original_vertices.shape[0]
    n_simp = simplified_vertices.shape[0]
    n_ofaces = original_faces.shape[0]
    n_sfaces = simplified_faces.shape[0]
    n_samp = n_sfaces * NUM_SAMPLES

    fo_pad = _round_up(n_ofaces, SB)
    fs_pad = _round_up(n_sfaces, SB)
    ns_pad = fs_pad * NUM_SAMPLES

    ovp = jnp.zeros((n_orig, VROW), jnp.float32).at[:, 0:3].set(
        original_vertices)
    svp = jnp.zeros((n_simp, VROW), jnp.float32).at[:, 0:3].set(
        simplified_vertices)

    def pad_idx(col, n, npad):
        return jnp.zeros((1, npad), jnp.int32).at[0, :n].set(col)

    of0 = pad_idx(original_faces[:, 0], n_ofaces, fo_pad)
    of1 = pad_idx(original_faces[:, 1], n_ofaces, fo_pad)
    of2 = pad_idx(original_faces[:, 2], n_ofaces, fo_pad)
    sf0 = pad_idx(simplified_faces[:, 0], n_sfaces, fs_pad)
    sf1 = pad_idx(simplified_faces[:, 1], n_sfaces, fs_pad)
    sf2 = pad_idx(simplified_faces[:, 2], n_sfaces, fs_pad)

    rk1, rk2 = jax.random.split(jax.random.key(42))
    r1 = jnp.sqrt(jax.random.uniform(rk1, (n_sfaces, NUM_SAMPLES),
                                     dtype=jnp.float32))
    r2 = jax.random.uniform(rk2, (n_sfaces, NUM_SAMPLES), dtype=jnp.float32)

    def coef(v):
        return jnp.zeros((1, ns_pad), jnp.float32).at[0, :n_samp].set(
            v.reshape(-1))

    ca = coef(1.0 - r1)
    cb = coef(r1 * (1.0 - r2))
    cc = coef(r1 * r2)

    sb, spx, spy, spz = _sc_simplified(svp, sf0, sf1, sf2, ca, cb, cc, fs_pad)
    ob = _sc_original(ovp, of0, of1, of2, fo_pad)

    fp_pad = jnp.zeros((fs_pad,), jnp.float32).at[:n_sfaces].set(
        face_probabilities)
    fp8 = jnp.zeros((ns_pad,), jnp.float32).at[:n_samp].set(
        jnp.repeat(face_probabilities, NUM_SAMPLES))
    val8 = (jnp.arange(ns_pad) < n_samp).astype(jnp.float32)

    qf = jnp.concatenate(
        [sb[:, 0:3], fp_pad[:, None], jnp.zeros((fs_pad, 4), jnp.float32)],
        axis=1)
    qr = jnp.concatenate(
        [spx[0][:, None], spy[0][:, None], spz[0][:, None],
         fp8[:, None], val8[:, None],
         jnp.zeros((ns_pad, 3), jnp.float32)], axis=1)

    o_pad = _round_up(max(n_ofaces, n_orig), OC)

    def pack_targets(t, n):
        p = jnp.zeros((8, o_pad), jnp.float32)
        p = p.at[0:3, :n].set(-2.0 * t.T)
        p = p.at[3, :].set(PAD_VAL)
        p = p.at[3, :n].set(jnp.sum(t * t, axis=1))
        return p

    tv = pack_targets(original_vertices, n_orig)
    tb = pack_targets(ob[:n_ofaces, 0:3], n_ofaces)

    rev = _nn_search(qr, tv, o_pad, with_max=True)
    fwd = _nn_search(qf, tb, o_pad, with_max=False)

    forward_term = fwd[0, 0] + 0.0001 * jnp.sum(1.0 - face_probabilities)
    reverse_term = 0.1 * rev[0, 0] / (rev[0, 1] + EPS)
    return forward_term + reverse_term

# --- scband reference (transcript-rebuilt; emitter-appended) ---
"""Pipeline reference for scband-probabilistic-surface-distance-loss-60292750901759 (READ-ONLY COPY).

The authoritative reference and input builder live on the scoring server;
editing this copy changes nothing except your own understanding.
"""

import jax, jax.numpy as jnp
import numpy as np

NUM_SAMPLES = 8
EPS = 1e-08
N_CHUNKS = 10


def setup_inputs(seed: int = 0) -> dict:
    key = jax.random.key(seed)
    k1, k2, k3, k4, k5 = jax.random.split(key, 5)
    return {
        'original_vertices': jax.random.normal(k1, (10000, 3), dtype=jnp.float32),
        'original_faces': jax.random.randint(k2, (10000, 3), 0, 10000, dtype=jnp.int32),
        'simplified_vertices': jax.random.normal(k3, (2500, 3), dtype=jnp.float32),
        'simplified_faces': jax.random.randint(k4, (5000, 3), 0, 2500, dtype=jnp.int32),
        'face_probabilities': jax.random.uniform(k5, (5000,), dtype=jnp.float32),
    }


def _barycenters(vertices, faces):
    return vertices[faces].mean(axis=1)


def _min_dists_to_points(pts, verts):
    # brute-force knn (k=1) in chunks; returns euclidean distance to nearest vertex
    chunks = pts.reshape(N_CHUNKS, -1, 3)

    def chunk_fn(p):
        d2 = jnp.sum((p[:, None, :] - verts[None, :, :]) ** 2, axis=-1)
        return jnp.sqrt(jnp.min(d2, axis=1))

    return jax.lax.map(chunk_fn, chunks).reshape(-1)


def _sample_points_from_triangles(vertices, faces, num_samples):
    face_vertices = vertices[faces]  # [F, 3, 3]
    num_faces = faces.shape[0]
    rk = jax.random.key(42)
    rk1, rk2 = jax.random.split(rk)
    r1 = jnp.sqrt(jax.random.uniform(rk1, (num_faces, num_samples, 1), dtype=jnp.float32))
    r2 = jax.random.uniform(rk2, (num_faces, num_samples, 1), dtype=jnp.float32)
    a = 1.0 - r1
    b = r1 * (1.0 - r2)
    c = r1 * r2
    samples = (a * face_vertices[:, None, 0]
               + b * face_vertices[:, None, 1]
               + c * face_vertices[:, None, 2])
    return samples.reshape(-1, 3)


def reference(original_vertices, original_faces, simplified_vertices, simplified_faces, face_probabilities):
    # forward term
    simplified_bary = _barycenters(simplified_vertices, simplified_faces)  # [Fs,3]
    original_bary = _barycenters(original_vertices, original_faces)        # [Fo,3]
    distances = jnp.sum((simplified_bary[:, None, :] - original_bary[None, :, :]) ** 2, axis=2)
    min_distances = distances.min(axis=1)
    weighted_distances = face_probabilities * min_distances
    forward_term = weighted_distances.sum() + 0.0001 * (1.0 - face_probabilities).sum()

    # reverse term
    sampled_points = _sample_points_from_triangles(simplified_vertices, simplified_faces, NUM_SAMPLES)
    min_d = _min_dists_to_points(sampled_points, original_vertices)
    normalized = min_d / (min_d.max() + EPS)
    scaled = normalized * 0.1
    fp_expanded = jnp.repeat(face_probabilities, NUM_SAMPLES)
    reverse_term = (fp_expanded * scaled).sum()

    return forward_term + reverse_term

if __name__ == "__main__":
    import jax
    _d = setup_inputs()
    print(jax.jit(kernel)(*tuple(_d.values())))

</pallas_src>

<mosaic_0001>
#map = affine_map<(d0, d1) -> (0, 0)>
module attributes {stable_mosaic.version = 14 : i64} {
  func.func @sc_kernel(%arg0: i32, %arg1: i32, %arg2: memref<2500x16xf32, #tpu.memory_space<hbm>>, %arg3: memref<1x5120xi32, #tpu.memory_space<hbm>>, %arg4: memref<1x5120xi32, #tpu.memory_space<hbm>>, %arg5: memref<1x5120xi32, #tpu.memory_space<hbm>>, %arg6: memref<1x40960xf32, #tpu.memory_space<hbm>>, %arg7: memref<1x40960xf32, #tpu.memory_space<hbm>>, %arg8: memref<1x40960xf32, #tpu.memory_space<hbm>>, %arg9: memref<5120x16xf32, #tpu.memory_space<hbm>>, %arg10: memref<1x40960xf32, #tpu.memory_space<hbm>>, %arg11: memref<1x40960xf32, #tpu.memory_space<hbm>>, %arg12: memref<1x40960xf32, #tpu.memory_space<hbm>>, %arg13: memref<128x16xf32, #tpu.memory_space<vmem>>, %arg14: memref<128x16xf32, #tpu.memory_space<vmem>>, %arg15: memref<128x16xf32, #tpu.memory_space<vmem>>) attributes {dimension_semantics = [#tpu.dimension_semantics<core_parallel>, #tpu.dimension_semantics<subcore_parallel>], iteration_bounds = array<i64: 2, 16>, scalar_prefetch = 0 : i64, scratch_operands = 3 : i64, tpu.core_type = #tpu.core_type<sc_vector_subcore>, window_params = [{transform_indices = #map}, {transform_indices = #map}, {transform_indices = #map}, {transform_indices = #map}, {transform_indices = #map}, {transform_indices = #map}, {transform_indices = #map}, {transform_indices = #map}, {transform_indices = #map}, {transform_indices = #map}, {transform_indices = #map}]} {
    %mul3A = arith.constant 1 : i32
    %mul3A_0 = arith.muli %arg1, %mul3A : i32
    %add3A = arith.constant 0 : i32
    %add3A_1 = arith.addi %add3A, %mul3A_0 : i32
    %mul3A_2 = arith.constant 16 : i32
    %mul3A_3 = arith.muli %arg0, %mul3A_2 : i32
    %add3A_4 = arith.addi %add3A_1, %mul3A_3 : i32
    %lt3A = arith.constant 8 : i32
    %lt3A_5 = arith.cmpi slt, %add3A_4, %lt3A : i32
    %jit3A = arith.constant 2 : i32
    %jit3A_6 = arith.constant 1 : i32
    %select_n3A = arith.select %lt3A_5, %jit3A, %jit3A_6 : i32
    %lt3A_7 = arith.constant 8 : i32
    %lt3A_8 = arith.cmpi slt, %add3A_4, %lt3A_7 : i32
    %mul3A_9 = arith.muli %add3A_4, %select_n3A : i32
    %mul3A_10 = arith.constant 1 : i32
    %mul3A_11 = arith.muli %add3A_4, %mul3A_10 : i32
    %add3A_12 = arith.constant 8 : i32
    %add3A_13 = arith.addi %mul3A_11, %add3A_12 : i32
    %select_n3A_14 = arith.select %lt3A_8, %mul3A_9, %add3A_13 : i32
    %mul3A_15 = arith.constant 1 : i32
    %mul3A_16 = arith.muli %mul3A_15, %select_n3A : i32
    "tpu.region"() ({
      %run_scoped3A = memref.alloca() : memref<2x1x128xi32, #tpu.memory_space<vmem>>
      %run_scoped3A_17 = tpu.sem_alloc : memref<2x!tpu.dma_semaphore, #tpu.memory_space<semaphore_mem>>
      %run_scoped3A_18 = memref.alloca() : memref<2x1x128xi32, #tpu.memory_space<vmem>>
      %run_scoped3A_19 = tpu.sem_alloc : memref<2x!tpu.dma_semaphore, #tpu.memory_space<semaphore_mem>>
      %run_scoped3A_20 = memref.alloca() : memref<2x1x128xi32, #tpu.memory_space<vmem>>
      %run_scoped3A_21 = tpu.sem_alloc : memref<2x!tpu.dma_semaphore, #tpu.memory_space<semaphore_mem>>
      %run_scoped3A_22 = memref.alloca() : memref<2x1x1024xf32, #tpu.memory_space<vmem>>
      %run_scoped3A_23 = tpu.sem_alloc : memref<2x!tpu.dma_semaphore, #tpu.memory_space<semaphore_mem>>
      %run_scoped3A_24 = memref.alloca() : memref<2x1x1024xf32, #tpu.memory_space<vmem>>
      %run_scoped3A_25 = tpu.sem_alloc : memref<2x!tpu.dma_semaphore, #tpu.memory_space<semaphore_mem>>
      %run_scoped3A_26 = memref.alloca() : memref<2x1x1024xf32, #tpu.memory_space<vmem>>
      %run_scoped3A_27 = tpu.sem_alloc : memref<2x!tpu.dma_semaphore, #tpu.memory_space<semaphore_mem>>
      %run_scoped3A_28 = memref.alloca() : memref<2x128x16xf32, #tpu.memory_space<vmem>>
      %run_scoped3A_29 = tpu.sem_alloc : memref<2x!tpu.dma_semaphore, #tpu.memory_space<semaphore_mem>>
      %run_scoped3A_30 = memref.alloca() : memref<2x1x1024xf32, #tpu.memory_space<vmem>>
      %run_scoped3A_31 = tpu.sem_alloc : memref<2x!tpu.dma_semaphore, #tpu.memory_space<semaphore_mem>>
      %run_scoped3A_32 = memref.alloca() : memref<2x1x1024xf32, #tpu.memory_space<vmem>>
      %run_scoped3A_33 = tpu.sem_alloc : memref<2x!tpu.dma_semaphore, #tpu.memory_space<semaphore_mem>>
      %run_scoped3A_34 = memref.alloca() : memref<2x1x1024xf32, #tpu.memory_space<vmem>>
      %run_scoped3A_35 = tpu.sem_alloc : memref<2x!tpu.dma_semaphore, #tpu.memory_space<semaphore_mem>>
      %gt3A = arith.constant 0 : i32
      %gt3A_36 = arith.cmpi sgt, %mul3A_16, %gt3A : i32
      %convert_element_type3A = arith.extui %gt3A_36 : i1 to i32
      %cond3A = arith.constant 0 : i32
      %cond3A_37 = arith.cmpi ne, %convert_element_type3A, %cond3A : i32
      scf.if %cond3A_37 {
        %mul3A_38 = arith.constant 1 : i32
        %mul3A_39 = arith.muli %mul3A_38, %select_n3A : i32
        %sub3A = arith.constant 1 : i32
        %sub3A_40 = arith.subi %mul3A_39, %sub3A : i32
        %eq3A = arith.constant 0 : i32
        %eq3A_41 = arith.cmpi eq, %sub3A_40, %eq3A : i32
        %add3A_42 = arith.constant 0 : i32
        %add3A_43 = arith.addi %add3A_42, %select_n3A_14 : i32
        %select_n3A_44 = arith.constant true
        %select_n3A_45 = arith.constant 0 : i32
        %select_n3A_46 = arith.constant -1 : i32
        %select_n3A_47 = arith.select %select_n3A_44, %select_n3A_46, %select_n3A_45 : i32
        %eq3A_48 = arith.constant -1 : i32
        %eq3A_49 = arith.cmpi eq, %select_n3A_47, %eq3A_48 : i32
        %sub3A_50 = arith.constant 1 : i32
        %sub3A_51 = arith.subi %select_n3A, %sub3A_50 : i32
        %select_n3A_52 = arith.select %eq3A_49, %sub3A_51, %select_n3A_47 : i32
        %add3A_53 = arith.addi %select_n3A_52, %select_n3A_14 : i32
        %select_n3A_54 = arith.constant true
        %select_n3A_55 = arith.constant 0 : i32
        %select_n3A_56 = arith.constant 1 : i32
        %select_n3A_57 = arith.select %select_n3A_54, %select_n3A_56, %select_n3A_55 : i32
        %eq3A_58 = arith.cmpi eq, %select_n3A_57, %select_n3A : i32
        %select_n3A_59 = arith.constant 0 : i32
        %select_n3A_60 = arith.select %eq3A_58, %select_n3A_59, %select_n3A_57 : i32
        %add3A_61 = arith.addi %select_n3A_60, %select_n3A_14 : i32
        %add3A_62 = arith.constant 1 : i32
        %add3A_63 = arith.addi %select_n3A_60, %add3A_62 : i32
        %select_n3A_64 = arith.constant true
        %select_n3A_65 = arith.select %select_n3A_64, %add3A_63, %select_n3A_60 : i32
        %eq3A_66 = arith.cmpi eq, %select_n3A_65, %select_n3A : i32
        %select_n3A_67 = arith.constant 0 : i32
        %select_n3A_68 = arith.select %eq3A_66, %select_n3A_67, %select_n3A_65 : i32
        %add3A_69 = arith.addi %select_n3A_68, %select_n3A_14 : i32
        "tpu.trace_start"() <{level = 10 : i32, message = "ep_initialize_0"}> : () -> ()
        %rem3A = arith.constant 0 : i32
        %rem3A_70 = arith.constant 2 : i32
        %rem3A_71 = arith.remui %rem3A, %rem3A_70 : i32
        %mul3A_72 = arith.constant 128 : i32
        %mul3A_73 = arith.muli %mul3A_72, %add3A_43 : i32
        %dma_start3A = arith.constant 0 : i32
        %dma_start3A_74 = arith.constant 0 : i32
        %dma_start3A_75 = tpu.memref_slice %run_scoped3A[%rem3A_71, %dma_start3A, %dma_start3A_74] : memref<2x1x128xi32, #tpu.memory_space<vmem>> -> memref<1x1x128xi32, #tpu.memory_space<vmem>>
        %dma_start3A_76 = tpu.memref_squeeze %dma_start3A_75 : memref<1x1x128xi32, #tpu.memory_space<vmem>> -> memref<1x128xi32, #tpu.memory_space<vmem>>
        %dma_start3A_77 = arith.constant 0 : i32
        %dma_start3A_78 = tpu.memref_slice %arg3[%dma_start3A_77, %mul3A_73] : memref<1x5120xi32, #tpu.memory_space<hbm>> -> memref<1x128xi32, #tpu.memory_space<hbm>>
        %dma_start3A_79 = tpu.memref_slice %run_scoped3A_17[%rem3A_71] : memref<2x!tpu.dma_semaphore, #tpu.memory_space<semaphore_mem>> -> memref<1x!tpu.dma_semaphore, #tpu.memory_space<semaphore_mem>>
        %dma_start3A_80 = tpu.memref_squeeze %dma_start3A_79 : memref<1x!tpu.dma_semaphore, #tpu.memory_space<semaphore_mem>> -> memref<!tpu.dma_semaphore, #tpu.memory_space<semaphore_mem>>
        %dma_start3A_81 = arith.constant 0 : i32
        %dma_start3A_82 = arith.constant 0 : i32
        %dma_start3A_83 = tpu.memref_slice %run_scoped3A[%rem3A_71, %dma_start3A_81, %dma_start3A_82] : memref<2x1x128xi32, #tpu.memory_space<vmem>> -> memref<1x1x128xi32, #tpu.memory_space<vmem>>
        %dma_start3A_84 = tpu.memref_squeeze %dma_start3A_83 : memref<1x1x128xi32, #tpu.memory_space<vmem>> -> memref<1x128xi32, #tpu.memory_space<vmem>>
        %dma_start3A_85 = arith.constant 0 : i32
        %dma_start3A_86 = tpu.memref_slice %arg3[%dma_start3A_85, %mul3A_73] : memref<1x5120xi32, #tpu.memory_space<hbm>> -> memref<1x128xi32, #tpu.memory_space<hbm>>
        tpu.enqueue_dma source(%dma_start3A_86 : memref<1x128xi32, #tpu.memory_space<hbm>>) target(%dma_start3A_84 : memref<1x128xi32, #tpu.memory_space<vmem>>) target_semaphore(%dma_start3A_80 : memref<!tpu.dma_semaphore, #tpu.memory_space<semaphore_mem>>)
        %add3A_87 = arith.constant 0 : i32
        %add3A_88 = arith.constant 1 : i32
        %add3A_89 = arith.addi %add3A_87, %add3A_88 : i32
        %select_n3A_90 = arith.constant true
        %select_n3A_91 = arith.constant 0 : i32
        %select_n3A_92 = arith.select %select_n3A_90, %add3A_89, %select_n3A_91 : i32
        %rem3A_93 = arith.constant 0 : i32
        %rem3A_94 = arith.constant 2 : i32
        %rem3A_95 = arith.remui %rem3A_93, %rem3A_94 : i32
        %mul3A_96 = arith.constant 128 : i32
        %mul3A_97 = arith.muli %mul3A_96, %add3A_43 : i32
        %dma_start3A_98 = arith.constant 0 : i32
        %dma_start3A_99 = arith.constant 0 : i32
        %dma_start3A_100 = tpu.memref_slice %run_scoped3A_18[%rem3A_95, %dma_start3A_98, %dma_start3A_99] : memref<2x1x128xi32, #tpu.memory_space<vmem>> -> memref<1x1x128xi32, #tpu.memory_space<vmem>>
        %dma_start3A_101 = tpu.memref_squeeze %dma_start3A_100 : memref<1x1x128xi32, #tpu.memory_space<vmem>> -> memref<1x128xi32, #tpu.memory_space<vmem>>
        %dma_start3A_102 = arith.constant 0 : i32
        %dma_start3A_103 = tpu.memref_slice %arg4[%dma_start3A_102, %mul3A_97] : memref<1x5120xi32, #tpu.memory_space<hbm>> -> memref<1x128xi32, #tpu.memory_space<hbm>>
        %dma_start3A_104 = tpu.memref_slice %run_scoped3A_19[%rem3A_95] : memref<2x!tpu.dma_semaphore, #tpu.memory_space<semaphore_mem>> -> memref<1x!tpu.dma_semaphore, #tpu.memory_space<semaphore_mem>>
        %dma_start3A_105 = tpu.memref_squeeze %dma_start3A_104 : memref<1x!tpu.dma_semaphore, #tpu.memory_space<semaphore_mem>> -> memref<!tpu.dma_semaphore, #tpu.memory_space<semaphore_mem>>
        %dma_start3A_106 = arith.constant 0 : i32
        %dma_start3A_107 = arith.constant 0 : i32
        %dma_start3A_108 = tpu.memref_slice %run_scoped3A_18[%rem3A_95, %dma_start3A_106, %dma_start3A_107] : memref<2x1x128xi32, #tpu.memory_space<vmem>> -> memref<1x1x128xi32, #tpu.memory_space<vmem>>
        %dma_start3A_109 = tpu.memref_squeeze %dma_start3A_108 : memref<1x1x128xi32, #tpu.memory_space<vmem>> -> memref<1x128xi32, #tpu.memory_space<vmem>>
        %dma_start3A_110 = arith.constant 0 : i32
        %dma_start3A_111 = tpu.memref_slice %arg4[%dma_start3A_110, %mul3A_97] : memref<1x5120xi32, #tpu.memory_space<hbm>> -> memref<1x128xi32, #tpu.memory_space<hbm>>
        tpu.enqueue_dma source(%dma_start3A_111 : memref<1x128xi32, #tpu.memory_space<hbm>>) target(%dma_start3A_109 : memref<1x128xi32, #tpu.memory_space<vmem>>) target_semaphore(%dma_start3A_105 : memref<!tpu.dma_semaphore, #tpu.memory_space<semaphore_mem>>)
        %add3A_112 = arith.constant 0 : i32
        %add3A_113 = arith.constant 1 : i32
        %add3A_114 = arith.addi %add3A_112, %add3A_113 : i32
        %select_n3A_115 = arith.constant true
        %select_n3A_116 = arith.constant 0 : i32
        %select_n3A_117 = arith.select %select_n3A_115, %add3A_114, %select_n3A_116 : i32
        %rem3A_118 = arith.constant 0 : i32
        %rem3A_119 = arith.constant 2 : i32
        %rem3A_120 = arith.remui %rem3A_118, %rem3A_119 : i32
        %mul3A_121 = arith.constant 128 : i32
        %mul3A_122 = arith.muli %mul3A_121, %add3A_43 : i32
        %dma_start3A_123 = arith.constant 0 : i32
        %dma_start3A_124 = arith.constant 0 : i32
        %dma_start3A_125 = tpu.memref_slice %run_scoped3A_20[%rem3A_120, %dma_start3A_123, %dma_start3A_124] : memref<2x1x128xi32, #tpu.memory_space<vmem>> -> memref<1x1x128xi32, #tpu.memory_space<vmem>>
        %dma_start3A_126 = tpu.memref_squeeze %dma_start3A_125 : memref<1x1x128xi32, #tpu.memory_space<vmem>> -> memref<1x128xi32, #tpu.memory_space<vmem>>
        %dma_start3A_127 = arith.constant 0 : i32
        %dma_start3A_128 = tpu.memref_slice %arg5[%dma_start3A_127, %mul3A_122] : memref<1x5120xi32, #tpu.memory_space<hbm>> -> memref<1x128xi32, #tpu.memory_space<hbm>>
        %dma_start3A_129 = tpu.memref_slice %run_scoped3A_21[%rem3A_120] : memref<2x!tpu.dma_semaphore, #tpu.memory_space<semaphore_mem>> -> memref<1x!tpu.dma_semaphore, #tpu.memory_space<semaphore_mem>>
        %dma_start3A_130 = tpu.memref_squeeze %dma_start3A_129 : memref<1x!tpu.dma_semaphore, #tpu.memory_space<semaphore_mem>> -> memref<!tpu.dma_semaphore, #tpu.memory_space<semaphore_mem>>
        %dma_start3A_131 = arith.constant 0 : i32
        %dma_start3A_132 = arith.constant 0 : i32
        %dma_start3A_133 = tpu.memref_slice %run_scoped3A_20[%rem3A_120, %dma_start3A_131, %dma_start3A_132] : memref<2x1x128xi32, #tpu.memory_space<vmem>> -> memref<1x1x128xi32, #tpu.memory_space<vmem>>
        %dma_start3A_134 = tpu.memref_squeeze %dma_start3A_133 : memref<1x1x128xi32, #tpu.memory_space<vmem>> -> memref<1x128xi32, #tpu.memory_space<vmem>>
        %dma_start3A_135 = arith.constant 0 : i32
        %dma_start3A_136 = tpu.memref_slice %arg5[%dma_start3A_135, %mul3A_122] : memref<1x5120xi32, #tpu.memory_space<hbm>> -> memref<1x128xi32, #tpu.memory_space<hbm>>
        tpu.enqueue_dma source(%dma_start3A_136 : memref<1x128xi32, #tpu.memory_space<hbm>>) target(%dma_start3A_134 : memref<1x128xi32, #tpu.memory_space<vmem>>) target_semaphore(%dma_start3A_130 : memref<!tpu.dma_semaphore, #tpu.memory_space<semaphore_mem>>)
        %add3A_137 = arith.constant 0 : i32
        %add3A_138 = arith.constant 1 : i32
        %add3A_139 = arith.addi %add3A_137, %add3A_138 : i32
        %select_n3A_140 = arith.constant true
        %select_n3A_141 = arith.constant 0 : i32
        %select_n3A_142 = arith.select %select_n3A_140, %add3A_139, %select_n3A_141 : i32
        %rem3A_143 = arith.constant 0 : i32
        %rem3A_144 = arith.constant 2 : i32
        %rem3A_145 = arith.remui %rem3A_143, %rem3A_144 : i32
        %mul3A_146 = arith.constant 1024 : i32
        %mul3A_147 = arith.muli %mul3A_146, %add3A_43 : i32
        %dma_start3A_148 = arith.constant 0 : i32
        %dma_start3A_149 = arith.constant 0 : i32
        %dma_start3A_150 = tpu.memref_slice %run_scoped3A_22[%rem3A_145, %dma_start3A_148, %dma_start3A_149] : memref<2x1x1024xf32, #tpu.memory_space<vmem>> -> memref<1x1x1024xf32, #tpu.memory_space<vmem>>
        %dma_start3A_151 = tpu.memref_squeeze %dma_start3A_150 : memref<1x1x1024xf32, #tpu.memory_space<vmem>> -> memref<1x1024xf32, #tpu.memory_space<vmem>>
        %dma_start3A_152 = arith.constant 0 : i32
        %dma_start3A_153 = tpu.memref_slice %arg6[%dma_start3A_152, %mul3A_147] : memref<1x40960xf32, #tpu.memory_space<hbm>> -> memref<1x1024xf32, #tpu.memory_space<hbm>>
        %dma_start3A_154 = tpu.memref_slice %run_scoped3A_23[%rem3A_145] : memref<2x!tpu.dma_semaphore, #tpu.memory_space<semaphore_mem>> -> memref<1x!tpu.dma_semaphore, #tpu.memory_space<semaphore_mem>>
        %dma_start3A_155 = tpu.memref_squeeze %dma_start3A_154 : memref<1x!tpu.dma_semaphore, #tpu.memory_space<semaphore_mem>> -> memref<!tpu.dma_semaphore, #tpu.memory_space<semaphore_mem>>
        %dma_start3A_156 = arith.constant 0 : i32
        %dma_start3A_157 = arith.constant 0 : i32
        %dma_start3A_158 = tpu.memref_slice %run_scoped3A_22[%rem3A_145, %dma_start3A_156, %dma_start3A_157] : memref<2x1x1024xf32, #tpu.memory_space<vmem>> -> memref<1x1x1024xf32, #tpu.memory_space<vmem>>
        %dma_start3A_159 = tpu.memref_squeeze %dma_start3A_158 : memref<1x1x1024xf32, #tpu.memory_space<vmem>> -> memref<1x1024xf32, #tpu.memory_space<vmem>>
        %dma_start3A_160 = arith.constant 0 : i32
        %dma_start3A_161 = tpu.memref_slice %arg6[%dma_start3A_160, %mul3A_147] : memref<1x40960xf32, #tpu.memory_space<hbm>> -> memref<1x1024xf32, #tpu.memory_space<hbm>>
        tpu.enqueue_dma source(%dma_start3A_161 : memref<1x1024xf32, #tpu.memory_space<hbm>>) target(%dma_start3A_159 : memref<1x1024xf32, #tpu.memory_space<vmem>>) target_semaphore(%dma_start3A_155 : memref<!tpu.dma_semaphore, #tpu.memory_space<semaphore_mem>>)
        %add3A_162 = arith.constant 0 : i32
        %add3A_163 = arith.constant 1 : i32
        %add3A_164 = arith.addi %add3A_162, %add3A_163 : i32
        %select_n3A_165 = arith.constant true
        %select_n3A_166 = arith.constant 0 : i32
        %select_n3A_167 = arith.select %select_n3A_165, %add3A_164, %select_n3A_166 : i32
        %rem3A_168 = arith.constant 0 : i32
        %rem3A_169 = arith.constant 2 : i32
        %rem3A_170 = arith.remui %rem3A_168, %rem3A_169 : i32
        %mul3A_171 = arith.constant 1024 : i32
        %mul3A_172 = arith.muli %mul3A_171, %add3A_43 : i32
        %dma_start3A_173 = arith.constant 0 : i32
        %dma_start3A_174 = arith.constant 0 : i32
        %dma_start3A_175 = tpu.memref_slice %run_scoped3A_24[%rem3A_170, %dma_start3A_173, %dma_start3A_174] : memref<2x1x1024xf32, #tpu.memory_space<vmem>> -> memref<1x1x1024xf32, #tpu.memory_space<vmem>>
        %dma_start3A_176 = tpu.memref_squeeze %dma_start3A_175 : memref<1x1x1024xf32, #tpu.memory_space<vmem>> -> memref<1x1024xf32, #tpu.memory_space<vmem>>
        %dma_start3A_177 = arith.constant 0 : i32
        %dma_start3A_178 = tpu.memref_slice %arg7[%dma_start3A_177, %mul3A_172] : memref<1x40960xf32, #tpu.memory_space<hbm>> -> memref<1x1024xf32, #tpu.memory_space<hbm>>
        %dma_start3A_179 = tpu.memref_slice %run_scoped3A_25[%rem3A_170] : memref<2x!tpu.dma_semaphore, #tpu.memory_space<semaphore_mem>> -> memref<1x!tpu.dma_semaphore, #tpu.memory_space<semaphore_mem>>
        %dma_start3A_180 = tpu.memref_squeeze %dma_start3A_179 : memref<1x!tpu.dma_semaphore, #tpu.memory_space<semaphore_mem>> -> memref<!tpu.dma_semaphore, #tpu.memory_space<semaphore_mem>>
        %dma_start3A_181 = arith.constant 0 : i32
        %dma_start3A_182 = arith.constant 0 : i32
        %dma_start3A_183 = tpu.memref_slice %run_scoped3A_24[%rem3A_170, %dma_start3A_181, %dma_start3A_182] : memref<2x1x1024xf32, #tpu.memory_space<vmem>> -> memref<1x1x1024xf32, #tpu.memory_space<vmem>>
        %dma_start3A_184 = tpu.memref_squeeze %dma_start3A_183 : memref<1x1x1024xf32, #tpu.memory_space<vmem>> -> memref<1x1024xf32, #tpu.memory_space<vmem>>
        %dma_start3A_185 = arith.constant 0 : i32
        %dma_start3A_186 = tpu.memref_slice %arg7[%dma_start3A_185, %mul3A_172] : memref<1x40960xf32, #tpu.memory_space<hbm>> -> memref<1x1024xf32, #tpu.memory_space<hbm>>
        tpu.enqueue_dma source(%dma_start3A_186 : memref<1x1024xf32, #tpu.memory_space<hbm>>) target(%dma_start3A_184 : memref<1x1024xf32, #tpu.memory_space<vmem>>) target_semaphore(%dma_start3A_180 : memref<!tpu.dma_semaphore, #tpu.memory_space<semaphore_mem>>)
        %add3A_187 = arith.constant 0 : i32
        %add3A_188 = arith.constant 1 : i32
        %add3A_189 = arith.addi %add3A_187, %add3A_188 : i32
        %select_n3A_190 = arith.constant true
        %select_n3A_191 = arith.constant 0 : i32
        %select_n3A_192 = arith.select %select_n3A_190, %add3A_189, %select_n3A_191 : i32
        %rem3A_193 = arith.constant 0 : i32
        %rem3A_194 = arith.constant 2 : i32
        %rem3A_195 = arith.remui %rem3A_193, %rem3A_194 : i32
        %mul3A_196 = arith.constant 1024 : i32
        %mul3A_197 = arith.muli %mul3A_196, %add3A_43 : i32
        %dma_start3A_198 = arith.constant 0 : i32
        %dma_start3A_199 = arith.constant 0 : i32
        %dma_start3A_200 = tpu.memref_slice %run_scoped3A_26[%rem3A_195, %dma_start3A_198, %dma_start3A_199] : memref<2x1x1024xf32, #tpu.memory_space<vmem>> -> memref<1x1x1024xf32, #tpu.memory_space<vmem>>
        %dma_start3A_201 = tpu.memref_squeeze %dma_start3A_200 : memref<1x1x1024xf32, #tpu.memory_space<vmem>> -> memref<1x1024xf32, #tpu.memory_space<vmem>>
        %dma_start3A_202 = arith.constant 0 : i32
        %dma_start3A_203 = tpu.memref_slice %arg8[%dma_start3A_202, %mul3A_197] : memref<1x40960xf32, #tpu.memory_space<hbm>> -> memref<1x1024xf32, #tpu.memory_space<hbm>>
        %dma_start3A_204 = tpu.memref_slice %run_scoped3A_27[%rem3A_195] : memref<2x!tpu.dma_semaphore, #tpu.memory_space<semaphore_mem>> -> memref<1x!tpu.dma_semaphore, #tpu.memory_space<semaphore_mem>>
        %dma_start3A_205 = tpu.memref_squeeze %dma_start3A_204 : memref<1x!tpu.dma_semaphore, #tpu.memory_space<semaphore_mem>> -> memref<!tpu.dma_semaphore, #tpu.memory_space<semaphore_mem>>
        %dma_start3A_206 = arith.constant 0 : i32
        %dma_start3A_207 = arith.constant 0 : i32
        %dma_start3A_208 = tpu.memref_slice %run_scoped3A_26[%rem3A_195, %dma_start3A_206, %dma_start3A_207] : memref<2x1x1024xf32, #tpu.memory_space<vmem>> -> memref<1x1x1024xf32, #tpu.memory_space<vmem>>
        %dma_start3A_209 = tpu.memref_squeeze %dma_start3A_208 : memref<1x1x1024xf32, #tpu.memory_space<vmem>> -> memref<1x1024xf32, #tpu.memory_space<vmem>>
        %dma_start3A_210 = arith.constant 0 : i32
        %dma_start3A_211 = tpu.memref_slice %arg8[%dma_start3A_210, %mul3A_197] : memref<1x40960xf32, #tpu.memory_space<hbm>> -> memref<1x1024xf32, #tpu.memory_space<hbm>>
        tpu.enqueue_dma source(%dma_start3A_211 : memref<1x1024xf32, #tpu.memory_space<hbm>>) target(%dma_start3A_209 : memref<1x1024xf32, #tpu.memory_space<vmem>>) target_semaphore(%dma_start3A_205 : memref<!tpu.dma_semaphore, #tpu.memory_space<semaphore_mem>>)
        %add3A_212 = arith.constant 0 : i32
        %add3A_213 = arith.constant 1 : i32
        %add3A_214 = arith.addi %add3A_212, %add3A_213 : i32
        %select_n3A_215 = arith.constant true
        %select_n3A_216 = arith.constant 0 : i32
        %select_n3A_217 = arith.select %select_n3A_215, %add3A_214, %select_n3A_216 : i32
        %while3A = arith.constant 0 : i32
        %while3A_218 = arith.constant 0 : i32
        %while3A_219 = arith.constant 0 : i32
        %while3A_220 = arith.constant 0 : i32
        %while3A_221 = arith.constant 0 : i32
        %while3A_222 = arith.constant 0 : i32
        %while3A_223 = arith.constant 0 : i32
        %while3A_224 = arith.constant 0 : i32
        %while3A_225 = arith.constant 0 : i32
        %while3A_226 = arith.constant 0 : i32
        %while3A_227 = arith.constant 0 : i32
        %while3A_228 = arith.constant 0 : i32
        %while3A_229 = arith.constant 0 : i32
        %while3A_230 = arith.constant 0 : i32
        %while3A_231 = arith.constant 0 : i32
        %while3A_232 = arith.constant 0 : i32
        "tpu.trace_stop"() : () -> ()
        %while3A_233 = arith.subi %mul3A_16, %while3A : i32
        %while3A_234 = arith.addi %while3A, %while3A_233 : i32
        %while3A_235 = arith.constant 1 : i32
        %while3A_236 = arith.divsi %while3A_233, %while3A_235 : i32
        %while3A_237 = arith.muli %while3A_236, %while3A_235 : i32
        %while3A_238 = arith.addi %while3A, %while3A_237 : i32
        %while3A_239 = arith.constant 1 : i32
        %while3A_240:21 = scf.for %while3A_318 = %while3A to %while3A_238 step %while3A_239 iter_args(%while3A_319 = %select_n3A_92, %while3A_320 = %while3A_218, %while3A_321 = %select_n3A_117, %while3A_322 = %while3A_219, %while3A_323 = %select_n3A_142, %while3A_324 = %while3A_220, %while3A_325 = %select_n3A_167, %while3A_326 = %while3A_221, %while3A_327 = %select_n3A_192, %while3A_328 = %while3A_222, %while3A_329 = %select_n3A_217, %while3A_330 = %while3A_223, %while3A_331 = %while3A_224, %while3A_332 = %while3A_225, %while3A_333 = %while3A_226, %while3A_334 = %while3A_227, %while3A_335 = %while3A_228, %while3A_336 = %while3A_229, %while3A_337 = %while3A_230, %while3A_338 = %while3A_231, %while3A_339 = %while3A_232) -> (i32, i32, i32, i32, i32, i32, i32, i32, i32, i32, i32, i32, i32, i32, i32, i32, i32, i32, i32, i32, i32)  : i32 {
          %mul3A_340 = arith.constant 1 : i32
          %mul3A_341 = arith.muli %mul3A_340, %select_n3A : i32
          %eq3A_342 = arith.constant 0 : i32
          %eq3A_343 = arith.cmpi eq, %while3A_318, %eq3A_342 : i32
          %sub3A_344 = arith.constant 1 : i32
          %sub3A_345 = arith.subi %mul3A_341, %sub3A_344 : i32
          %eq3A_346 = arith.cmpi eq, %while3A_318, %sub3A_345 : i32
          %add3A_347 = arith.addi %while3A_339, %select_n3A_14 : i32
          %sub3A_348 = arith.constant 1 : i32
          %sub3A_349 = arith.subi %while3A_339, %sub3A_348 : i32
          %select_n3A_350 = arith.constant true
          %select_n3A_351 = arith.select %select_n3A_350, %sub3A_349, %while3A_339 : i32
          %eq3A_352 = arith.constant -1 : i32
          %eq3A_353 = arith.cmpi eq, %select_n3A_351, %eq3A_352 : i32
          %sub3A_354 = arith.constant 1 : i32
          %sub3A_355 = arith.subi %select_n3A, %sub3A_354 : i32
          %select_n3A_356 = arith.select %eq3A_353, %sub3A_355, %select_n3A_351 : i32
          %add3A_357 = arith.addi %select_n3A_356, %select_n3A_14 : i32
          %add3A_358 = arith.constant 1 : i32
          %add3A_359 = arith.addi %while3A_339, %add3A_358 : i32
          %select_n3A_360 = arith.constant true
          %select_n3A_361 = arith.select %select_n3A_360, %add3A_359, %while3A_339 : i32
          %eq3A_362 = arith.cmpi eq, %select_n3A_361, %select_n3A : i32
          %select_n3A_363 = arith.constant 0 : i32
          %select_n3A_364 = arith.select %eq3A_362, %select_n3A_363, %select_n3A_361 : i32
          %add3A_365 = arith.addi %select_n3A_364, %select_n3A_14 : i32
          %add3A_366 = arith.constant 1 : i32
          %add3A_367 = arith.addi %select_n3A_364, %add3A_366 : i32
          %select_n3A_368 = arith.constant true
          %select_n3A_369 = arith.select %select_n3A_368, %add3A_367, %select_n3A_364 : i32
          %eq3A_370 = arith.cmpi eq, %select_n3A_369, %select_n3A : i32
          %select_n3A_371 = arith.constant 0 : i32
          %select_n3A_372 = arith.select %eq3A_370, %select_n3A_371, %select_n3A_369 : i32
          %add3A_373 = arith.addi %select_n3A_372, %select_n3A_14 : i32
          %ne3A = arith.cmpi ne, %add3A_347, %add3A_365 : i32
          %or3A = arith.constant false
          %or3A_374 = arith.ori %or3A, %ne3A : i1
          %sub3A_375 = arith.constant 2 : i32
          %sub3A_376 = arith.subi %mul3A_341, %sub3A_375 : i32
          %add3A_377 = arith.constant 1 : i32
          %add3A_378 = arith.addi %sub3A_376, %add3A_377 : i32
          %ge3A = arith.cmpi sge, %while3A_318, %add3A_378 : i32
          %not3A = arith.constant true
          %not3A_379 = arith.xori %ge3A, %not3A : i1
          %and3A = arith.andi %or3A_374, %not3A_379 : i1
          %convert_element_type3A_380 = arith.extui %and3A : i1 to i32
          %cond3A_381 = arith.constant 0 : i32
          %cond3A_382 = arith.cmpi ne, %convert_element_type3A_380, %cond3A_381 : i32
          scf.if %cond3A_382 {
            "tpu.trace_start"() <{level = 10 : i32, message = "ep_copy_in"}> : () -> ()
            %rem3A_913 = arith.constant 2 : i32
            %rem3A_914 = arith.remui %while3A_319, %rem3A_913 : i32
            %mul3A_915 = arith.constant 128 : i32
            %mul3A_916 = arith.muli %mul3A_915, %add3A_365 : i32
            %dma_start3A_917 = arith.constant 0 : i32
            %dma_start3A_918 = arith.constant 0 : i32
            %dma_start3A_919 = tpu.memref_slice %run_scoped3A[%rem3A_914, %dma_start3A_917, %dma_start3A_918] : memref<2x1x128xi32, #tpu.memory_space<vmem>> -> memref<1x1x128xi32, #tpu.memory_space<vmem>>
            %dma_start3A_920 = tpu.memref_squeeze %dma_start3A_919 : memref<1x1x128xi32, #tpu.memory_space<vmem>> -> memref<1x128xi32, #tpu.memory_space<vmem>>
            %dma_start3A_921 = arith.constant 0 : i32
            %dma_start3A_922 = tpu.memref_slice %arg3[%dma_start3A_921, %mul3A_916] : memref<1x5120xi32, #tpu.memory_space<hbm>> -> memref<1x128xi32, #tpu.memory_space<hbm>>
            %dma_start3A_923 = tpu.memref_slice %run_scoped3A_17[%rem3A_914] : memref<2x!tpu.dma_semaphore, #tpu.memory_space<semaphore_mem>> -> memref<1x!tpu.dma_semaphore, #tpu.memory_space<semaphore_mem>>
            %dma_start3A_924 = tpu.memref_squeeze %dma_start3A_923 : memref<1x!tpu.dma_semaphore, #tpu.memory_space<semaphore_mem>> -> memref<!tpu.dma_semaphore, #tpu.memory_space<semaphore_mem>>
            %dma_start3A_925 = arith.constant 0 : i32
            %dma_start3A_926 = arith.constant 0 : i32
            %dma_start3A_927 = tpu.memref_slice %run_scoped3A[%rem3A_914, %dma_start3A_925, %dma_start3A_926] : memref<2x1x128xi32, #tpu.memory_space<vmem>> -> memref<1x1x128xi32, #tpu.memory_space<vmem>>
            %dma_start3A_928 = tpu.memref_squeeze %dma_start3A_927 : memref<1x1x128xi32, #tpu.memory_space<vmem>> -> memref<1x128xi32, #tpu.memory_space<vmem>>
            %dma_start3A_929 = arith.constant 0 : i32
            %dma_start3A_930 = tpu.memref_slice %arg3[%dma_start3A_929, %mul3A_916] : memref<1x5120xi32, #tpu.memory_space<hbm>> -> memref<1x128xi32, #tpu.memory_space<hbm>>
            tpu.enqueue_dma source(%dma_start3A_930 : memref<1x128xi32, #tpu.memory_space<hbm>>) target(%dma_start3A_928 : memref<1x128xi32, #tpu.memory_space<vmem>>) target_semaphore(%dma_start3A_924 : memref<!tpu.dma_semaphore, #tpu.memory_space<semaphore_mem>>)
            "tpu.trace_stop"() : () -> ()
          } else {
          }
          %and3A_383 = arith.constant true
          %and3A_384 = arith.andi %and3A, %and3A_383 : i1
          %add3A_385 = arith.constant 1 : i32
          %add3A_386 = arith.addi %while3A_319, %add3A_385 : i32
          %select_n3A_387 = arith.select %and3A_384, %add3A_386, %while3A_319 : i32
          %ne3A_388 = arith.cmpi ne, %add3A_347, %add3A_365 : i32
          %or3A_389 = arith.constant false
          %or3A_390 = arith.ori %or3A_389, %ne3A_388 : i1
          %sub3A_391 = arith.constant 2 : i32
          %sub3A_392 = arith.subi %mul3A_341, %sub3A_391 : i32
          %add3A_393 = arith.constant 1 : i32
          %add3A_394 = arith.addi %sub3A_392, %add3A_393 : i32
          %ge3A_395 = arith.cmpi sge, %while3A_318, %add3A_394 : i32
          %not3A_396 = arith.constant true
          %not3A_397 = arith.xori %ge3A_395, %not3A_396 : i1
          %and3A_398 = arith.andi %or3A_390, %not3A_397 : i1
          %convert_element_type3A_399 = arith.extui %and3A_398 : i1 to i32
          %cond3A_400 = arith.constant 0 : i32
          %cond3A_401 = arith.cmpi ne, %convert_element_type3A_399, %cond3A_400 : i32
          scf.if %cond3A_401 {
            "tpu.trace_start"() <{level = 10 : i32, message = "ep_copy_in"}> : () -> ()
            %rem3A_913 = arith.constant 2 : i32
            %rem3A_914 = arith.remui %while3A_321, %rem3A_913 : i32
            %mul3A_915 = arith.constant 128 : i32
            %mul3A_916 = arith.muli %mul3A_915, %add3A_365 : i32
            %dma_start3A_917 = arith.constant 0 : i32
            %dma_start3A_918 = arith.constant 0 : i32
            %dma_start3A_919 = tpu.memref_slice %run_scoped3A_18[%rem3A_914, %dma_start3A_917, %dma_start3A_918] : memref<2x1x128xi32, #tpu.memory_space<vmem>> -> memref<1x1x128xi32, #tpu.memory_space<vmem>>
            %dma_start3A_920 = tpu.memref_squeeze %dma_start3A_919 : memref<1x1x128xi32, #tpu.memory_space<vmem>> -> memref<1x128xi32, #tpu.memory_space<vmem>>
            %dma_start3A_921 = arith.constant 0 : i32
            %dma_start3A_922 = tpu.memref_slice %arg4[%dma_start3A_921, %mul3A_916] : memref<1x5120xi32, #tpu.memory_space<hbm>> -> memref<1x128xi32, #tpu.memory_space<hbm>>
            %dma_start3A_923 = tpu.memref_slice %run_scoped3A_19[%rem3A_914] : memref<2x!tpu.dma_semaphore, #tpu.memory_space<semaphore_mem>> -> memref<1x!tpu.dma_semaphore, #tpu.memory_space<semaphore_mem>>
            %dma_start3A_924 = tpu.memref_squeeze %dma_start3A_923 : memref<1x!tpu.dma_semaphore, #tpu.memory_space<semaphore_mem>> -> memref<!tpu.dma_semaphore, #tpu.memory_space<semaphore_mem>>
            %dma_start3A_925 = arith.constant 0 : i32
            %dma_start3A_926 = arith.constant 0 : i32
            %dma_start3A_927 = tpu.memref_slice %run_scoped3A_18[%rem3A_914, %dma_start3A_925, %dma_start3A_926] : memref<2x1x128xi32, #tpu.memory_space<vmem>> -> memref<1x1x128xi32, #tpu.memory_space<vmem>>
            %dma_start3A_928 = tpu.memref_squeeze %dma_start3A_927 : memref<1x1x128xi32, #tpu.memory_space<vmem>> -> memref<1x128xi32, #tpu.memory_space<vmem>>
            %dma_start3A_929 = arith.constant 0 : i32
            %dma_start3A_930 = tpu.memref_slice %arg4[%dma_start3A_929, %mul3A_916] : memref<1x5120xi32, #tpu.memory_space<hbm>> -> memref<1x128xi32, #tpu.memory_space<hbm>>
            tpu.enqueue_dma source(%dma_start3A_930 : memref<1x128xi32, #tpu.memory_space<hbm>>) target(%dma_start3A_928 : memref<1x128xi32, #tpu.memory_space<vmem>>) target_semaphore(%dma_start3A_924 : memref<!tpu.dma_semaphore, #tpu.memory_space<semaphore_mem>>)
            "tpu.trace_stop"() : () -> ()
          } else {
          }
          %and3A_402 = arith.constant true
          %and3A_403 = arith.andi %and3A_398, %and3A_402 : i1
          %add3A_404 = arith.constant 1 : i32
          %add3A_405 = arith.addi %while3A_321, %add3A_404 : i32
          %select_n3A_406 = arith.select %and3A_403, %add3A_405, %while3A_321 : i32
          %ne3A_407 = arith.cmpi ne, %add3A_347, %add3A_365 : i32
          %or3A_408 = arith.constant false
          %or3A_409 = arith.ori %or3A_408, %ne3A_407 : i1
          %sub3A_410 = arith.constant 2 : i32
          %sub3A_411 = arith.subi %mul3A_341, %sub3A_410 : i32
          %add3A_412 = arith.constant 1 : i32
          %add3A_413 = arith.addi %sub3A_411, %add3A_412 : i32
          %ge3A_414 = arith.cmpi sge, %while3A_318, %add3A_413 : i32
          %not3A_415 = arith.constant true
          %not3A_416 = arith.xori %ge3A_414, %not3A_415 : i1
          %and3A_417 = arith.andi %or3A_409, %not3A_416 : i1
          %convert_element_type3A_418 = arith.extui %and3A_417 : i1 to i32
          %cond3A_419 = arith.constant 0 : i32
          %cond3A_420 = arith.cmpi ne, %convert_element_type3A_418, %cond3A_419 : i32
          scf.if %cond3A_420 {
            "tpu.trace_start"() <{level = 10 : i32, message = "ep_copy_in"}> : () -> ()
            %rem3A_913 = arith.constant 2 : i32
            %rem3A_914 = arith.remui %while3A_323, %rem3A_913 : i32
            %mul3A_915 = arith.constant 128 : i32
            %mul3A_916 = arith.muli %mul3A_915, %add3A_365 : i32
            %dma_start3A_917 = arith.constant 0 : i32
            %dma_start3A_918 = arith.constant 0 : i32
            %dma_start3A_919 = tpu.memref_slice %run_scoped3A_20[%rem3A_914, %dma_start3A_917, %dma_start3A_918] : memref<2x1x128xi32, #tpu.memory_space<vmem>> -> memref<1x1x128xi32, #tpu.memory_space<vmem>>
            %dma_start3A_920 = tpu.memref_squeeze %dma_start3A_919 : memref<1x1x128xi32, #tpu.memory_space<vmem>> -> memref<1x128xi32, #tpu.memory_space<vmem>>
            %dma_start3A_921 = arith.constant 0 : i32
            %dma_start3A_922 = tpu.memref_slice %arg5[%dma_start3A_921, %mul3A_916] : memref<1x5120xi32, #tpu.memory_space<hbm>> -> memref<1x128xi32, #tpu.memory_space<hbm>>
            %dma_start3A_923 = tpu.memref_slice %run_scoped3A_21[%rem3A_914] : memref<2x!tpu.dma_semaphore, #tpu.memory_space<semaphore_mem>> -> memref<1x!tpu.dma_semaphore, #tpu.memory_space<semaphore_mem>>
            %dma_start3A_924 = tpu.memref_squeeze %dma_start3A_923 : memref<1x!tpu.dma_semaphore, #tpu.memory_space<semaphore_mem>> -> memref<!tpu.dma_semaphore, #tpu.memory_space<semaphore_mem>>
            %dma_start3A_925 = arith.constant 0 : i32
            %dma_start3A_926 = arith.constant 0 : i32
            %dma_start3A_927 = tpu.memref_slice %run_scoped3A_20[%rem3A_914, %dma_start3A_925, %dma_start3A_926] : memref<2x1x128xi32, #tpu.memory_space<vmem>> -> memref<1x1x128xi32, #tpu.memory_space<vmem>>
            %dma_start3A_928 = tpu.memref_squeeze %dma_start3A_927 : memref<1x1x128xi32, #tpu.memory_space<vmem>> -> memref<1x128xi32, #tpu.memory_space<vmem>>
            %dma_start3A_929 = arith.constant 0 : i32
            %dma_start3A_930 = tpu.memref_slice %arg5[%dma_start3A_929, %mul3A_916] : memref<1x5120xi32, #tpu.memory_space<hbm>> -> memref<1x128xi32, #tpu.memory_space<hbm>>
            tpu.enqueue_dma source(%dma_start3A_930 : memref<1x128xi32, #tpu.memory_space<hbm>>) target(%dma_start3A_928 : memref<1x128xi32, #tpu.memory_space<vmem>>) target_semaphore(%dma_start3A_924 : memref<!tpu.dma_semaphore, #tpu.memory_space<semaphore_mem>>)
            "tpu.trace_stop"() : () -> ()
          } else {
          }
          %and3A_421 = arith.constant true
          %and3A_422 = arith.andi %and3A_417, %and3A_421 : i1
          %add3A_423 = arith.constant 1 : i32
          %add3A_424 = arith.addi %while3A_323, %add3A_423 : i32
          %select_n3A_425 = arith.select %and3A_422, %add3A_424, %while3A_323 : i32
          %ne3A_426 = arith.cmpi ne, %add3A_347, %add3A_365 : i32
          %or3A_427 = arith.constant false
          %or3A_428 = arith.ori %or3A_427, %ne3A_426 : i1
          %sub3A_429 = arith.constant 2 : i32
          %sub3A_430 = arith.subi %mul3A_341, %sub3A_429 : i32
          %add3A_431 = arith.constant 1 : i32
          %add3A_432 = arith.addi %sub3A_430, %add3A_431 : i32
          %ge3A_433 = arith.cmpi sge, %while3A_318, %add3A_432 : i32
          %not3A_434 = arith.constant true
          %not3A_435 = arith.xori %ge3A_433, %not3A_434 : i1
          %and3A_436 = arith.andi %or3A_428, %not3A_435 : i1
          %convert_element_type3A_437 = arith.extui %and3A_436 : i1 to i32
          %cond3A_438 = arith.constant 0 : i32
          %cond3A_439 = arith.cmpi ne, %convert_element_type3A_437, %cond3A_438 : i32
          scf.if %cond3A_439 {
            "tpu.trace_start"() <{level = 10 : i32, message = "ep_copy_in"}> : () -> ()
            %rem3A_913 = arith.constant 2 : i32
            %rem3A_914 = arith.remui %while3A_325, %rem3A_913 : i32
            %mul3A_915 = arith.constant 1024 : i32
            %mul3A_916 = arith.muli %mul3A_915, %add3A_365 : i32
            %dma_start3A_917 = arith.constant 0 : i32
            %dma_start3A_918 = arith.constant 0 : i32
            %dma_start3A_919 = tpu.memref_slice %run_scoped3A_22[%rem3A_914, %dma_start3A_917, %dma_start3A_918] : memref<2x1x1024xf32, #tpu.memory_space<vmem>> -> memref<1x1x1024xf32, #tpu.memory_space<vmem>>
            %dma_start3A_920 = tpu.memref_squeeze %dma_start3A_919 : memref<1x1x1024xf32, #tpu.memory_space<vmem>> -> memref<1x1024xf32, #tpu.memory_space<vmem>>
            %dma_start3A_921 = arith.constant 0 : i32
            %dma_start3A_922 = tpu.memref_slice %arg6[%dma_start3A_921, %mul3A_916] : memref<1x40960xf32, #tpu.memory_space<hbm>> -> memref<1x1024xf32, #tpu.memory_space<hbm>>
            %dma_start3A_923 = tpu.memref_slice %run_scoped3A_23[%rem3A_914] : memref<2x!tpu.dma_semaphore, #tpu.memory_space<semaphore_mem>> -> memref<1x!tpu.dma_semaphore, #tpu.memory_space<semaphore_mem>>
            %dma_start3A_924 = tpu.memref_squeeze %dma_start3A_923 : memref<1x!tpu.dma_semaphore, #tpu.memory_space<semaphore_mem>> -> memref<!tpu.dma_semaphore, #tpu.memory_space<semaphore_mem>>
            %dma_start3A_925 = arith.constant 0 : i32
            %dma_start3A_926 = arith.constant 0 : i32
            %dma_start3A_927 = tpu.memref_slice %run_scoped3A_22[%rem3A_914, %dma_start3A_925, %dma_start3A_926] : memref<2x1x1024xf32, #tpu.memory_space<vmem>> -> memref<1x1x1024xf32, #tpu.memory_space<vmem>>
            %dma_start3A_928 = tpu.memref_squeeze %dma_start3A_927 : memref<1x1x1024xf32, #tpu.memory_space<vmem>> -> memref<1x1024xf32, #tpu.memory_space<vmem>>
            %dma_start3A_929 = arith.constant 0 : i32
            %dma_start3A_930 = tpu.memref_slice %arg6[%dma_start3A_929, %mul3A_916] : memref<1x40960xf32, #tpu.memory_space<hbm>> -> memref<1x1024xf32, #tpu.memory_space<hbm>>
            tpu.enqueue_dma source(%dma_start3A_930 : memref<1x1024xf32, #tpu.memory_space<hbm>>) target(%dma_start3A_928 : memref<1x1024xf32, #tpu.memory_space<vmem>>) target_semaphore(%dma_start3A_924 : memref<!tpu.dma_semaphore, #tpu.memory_space<semaphore_mem>>)
            "tpu.trace_stop"() : () -> ()
          } else {
          }
          %and3A_440 = arith.constant true
          %and3A_441 = arith.andi %and3A_436, %and3A_440 : i1
          %add3A_442 = arith.constant 1 : i32
          %add3A_443 = arith.addi %while3A_325, %add3A_442 : i32
          %select_n3A_444 = arith.select %and3A_441, %add3A_443, %while3A_325 : i32
          %ne3A_445 = arith.cmpi ne, %add3A_347, %add3A_365 : i32
          %or3A_446 = arith.constant false
          %or3A_447 = arith.ori %or3A_446, %ne3A_445 : i1
          %sub3A_448 = arith.constant 2 : i32
          %sub3A_449 = arith.subi %mul3A_341, %sub3A_448 : i32
          %add3A_450 = arith.constant 1 : i32
          %add3A_451 = arith.addi %sub3A_449, %add3A_450 : i32
          %ge3A_452 = arith.cmpi sge, %while3A_318, %add3A_451 : i32
          %not3A_453 = arith.constant true
          %not3A_454 = arith.xori %ge3A_452, %not3A_453 : i1
          %and3A_455 = arith.andi %or3A_447, %not3A_454 : i1
          %convert_element_type3A_456 = arith.extui %and3A_455 : i1 to i32
          %cond3A_457 = arith.constant 0 : i32
          %cond3A_458 = arith.cmpi ne, %convert_element_type3A_456, %cond3A_457 : i32
          scf.if %cond3A_458 {
            "tpu.trace_start"() <{level = 10 : i32, message = "ep_copy_in"}> : () -> ()
            %rem3A_913 = arith.constant 2 : i32
            %rem3A_914 = arith.remui %while3A_327, %rem3A_913 : i32
            %mul3A_915 = arith.constant 1024 : i32
            %mul3A_916 = arith.muli %mul3A_915, %add3A_365 : i32
            %dma_start3A_917 = arith.constant 0 : i32
            %dma_start3A_918 = arith.constant 0 : i32
            %dma_start3A_919 = tpu.memref_slice %run_scoped3A_24[%rem3A_914, %dma_start3A_917, %dma_start3A_918] : memref<2x1x1024xf32, #tpu.memory_space<vmem>> -> memref<1x1x1024xf32, #tpu.memory_space<vmem>>
            %dma_start3A_920 = tpu.memref_squeeze %dma_start3A_919 : memref<1x1x1024xf32, #tpu.memory_space<vmem>> -> memref<1x1024xf32, #tpu.memory_space<vmem>>
            %dma_start3A_921 = arith.constant 0 : i32
            %dma_start3A_922 = tpu.memref_slice %arg7[%dma_start3A_921, %mul3A_916] : memref<1x40960xf32, #tpu.memory_space<hbm>> -> memref<1x1024xf32, #tpu.memory_space<hbm>>
            %dma_start3A_923 = tpu.memref_slice %run_scoped3A_25[%rem3A_914] : memref<2x!tpu.dma_semaphore, #tpu.memory_space<semaphore_mem>> -> memref<1x!tpu.dma_semaphore, #tpu.memory_space<semaphore_mem>>
            %dma_start3A_924 = tpu.memref_squeeze %dma_start3A_923 : memref<1x!tpu.dma_semaphore, #tpu.memory_space<semaphore_mem>> -> memref<!tpu.dma_semaphore, #tpu.memory_space<semaphore_mem>>
            %dma_start3A_925 = arith.constant 0 : i32
            %dma_start3A_926 = arith.constant 0 : i32
            %dma_start3A_927 = tpu.memref_slice %run_scoped3A_24[%rem3A_914, %dma_start3A_925, %dma_start3A_926] : memref<2x1x1024xf32, #tpu.memory_space<vmem>> -> memref<1x1x1024xf32, #tpu.memory_space<vmem>>
            %dma_start3A_928 = tpu.memref_squeeze %dma_start3A_927 : memref<1x1x1024xf32, #tpu.memory_space<vmem>> -> memref<1x1024xf32, #tpu.memory_space<vmem>>
            %dma_start3A_929 = arith.constant 0 : i32
            %dma_start3A_930 = tpu.memref_slice %arg7[%dma_start3A_929, %mul3A_916] : memref<1x40960xf32, #tpu.memory_space<hbm>> -> memref<1x1024xf32, #tpu.memory_space<hbm>>
            tpu.enqueue_dma source(%dma_start3A_930 : memref<1x1024xf32, #tpu.memory_space<hbm>>) target(%dma_start3A_928 : memref<1x1024xf32, #tpu.memory_space<vmem>>) target_semaphore(%dma_start3A_924 : memref<!tpu.dma_semaphore, #tpu.memory_space<semaphore_mem>>)
            "tpu.trace_stop"() : () -> ()
          } else {
          }
          %and3A_459 = arith.constant true
          %and3A_460 = arith.andi %and3A_455, %and3A_459 : i1
          %add3A_461 = arith.constant 1 : i32
          %add3A_462 = arith.addi %while3A_327, %add3A_461 : i32
          %select_n3A_463 = arith.select %and3A_460, %add3A_462, %while3A_327 : i32
          %ne3A_464 = arith.cmpi ne, %add3A_347, %add3A_365 : i32
          %or3A_465 = arith.constant false
          %or3A_466 = arith.ori %or3A_465, %ne3A_464 : i1
          %sub3A_467 = arith.constant 2 : i32
          %sub3A_468 = arith.subi %mul3A_341, %sub3A_467 : i32
          %add3A_469 = arith.constant 1 : i32
          %add3A_470 = arith.addi %sub3A_468, %add3A_469 : i32
          %ge3A_471 = arith.cmpi sge, %while3A_318, %add3A_470 : i32
          %not3A_472 = arith.constant true
          %not3A_473 = arith.xori %ge3A_471, %not3A_472 : i1
          %and3A_474 = arith.andi %or3A_466, %not3A_473 : i1
          %convert_element_type3A_475 = arith.extui %and3A_474 : i1 to i32
          %cond3A_476 = arith.constant 0 : i32
          %cond3A_477 = arith.cmpi ne, %convert_element_type3A_475, %cond3A_476 : i32
          scf.if %cond3A_477 {
            "tpu.trace_start"() <{level = 10 : i32, message = "ep_copy_in"}> : () -> ()
            %rem3A_913 = arith.constant 2 : i32
            %rem3A_914 = arith.remui %while3A_329, %rem3A_913 : i32
            %mul3A_915 = arith.constant 1024 : i32
            %mul3A_916 = arith.muli %mul3A_915, %add3A_365 : i32
            %dma_start3A_917 = arith.constant 0 : i32
            %dma_start3A_918 = arith.constant 0 : i32
            %dma_start3A_919 = tpu.memref_slice %run_scoped3A_26[%rem3A_914, %dma_start3A_917, %dma_start3A_918] : memref<2x1x1024xf32, #tpu.memory_space<vmem>> -> memref<1x1x1024xf32, #tpu.memory_space<vmem>>
            %dma_start3A_920 = tpu.memref_squeeze %dma_start3A_919 : memref<1x1x1024xf32, #tpu.memory_space<vmem>> -> memref<1x1024xf32, #tpu.memory_space<vmem>>
            %dma_start3A_921 = arith.constant 0 : i32
            %dma_start3A_922 = tpu.memref_slice %arg8[%dma_start3A_921, %mul3A_916] : memref<1x40960xf32, #tpu.memory_space<hbm>> -> memref<1x1024xf32, #tpu.memory_space<hbm>>
            %dma_start3A_923 = tpu.memref_slice %run_scoped3A_27[%rem3A_914] : memref<2x!tpu.dma_semaphore, #tpu.memory_space<semaphore_mem>> -> memref<1x!tpu.dma_semaphore, #tpu.memory_space<semaphore_mem>>
            %dma_start3A_924 = tpu.memref_squeeze %dma_start3A_923 : memref<1x!tpu.dma_semaphore, #tpu.memory_space<semaphore_mem>> -> memref<!tpu.dma_semaphore, #tpu.memory_space<semaphore_mem>>
            %dma_start3A_925 = arith.constant 0 : i32
            %dma_start3A_926 = arith.constant 0 : i32
            %dma_start3A_927 = tpu.memref_slice %run_scoped3A_26[%rem3A_914, %dma_start3A_925, %dma_start3A_926] : memref<2x1x1024xf32, #tpu.memory_space<vmem>> -> memref<1x1x1024xf32, #tpu.memory_space<vmem>>
            %dma_start3A_928 = tpu.memref_squeeze %dma_start3A_927 : memref<1x1x1024xf32, #tpu.memory_space<vmem>> -> memref<1x1024xf32, #tpu.memory_space<vmem>>
            %dma_start3A_929 = arith.constant 0 : i32
            %dma_start3A_930 = tpu.memref_slice %arg8[%dma_start3A_929, %mul3A_916] : memref<1x40960xf32, #tpu.memory_space<hbm>> -> memref<1x1024xf32, #tpu.memory_space<hbm>>
            tpu.enqueue_dma source(%dma_start3A_930 : memref<1x1024xf32, #tpu.memory_space<hbm>>) target(%dma_start3A_928 : memref<1x1024xf32, #tpu.memory_space<vmem>>) target_semaphore(%dma_start3A_924 : memref<!tpu.dma_semaphore, #tpu.memory_space<semaphore_mem>>)
            "tpu.trace_stop"() : () -> ()
          } else {
          }
          %and3A_478 = arith.constant true
          %and3A_479 = arith.andi %and3A_474, %and3A_478 : i1
          %add3A_480 = arith.constant 1 : i32
          %add3A_481 = arith.addi %while3A_329, %add3A_480 : i32
          %select_n3A_482 = arith.select %and3A_479, %add3A_481, %while3A_329 : i32
          %ne3A_483 = arith.cmpi ne, %add3A_347, %add3A_365 : i32
          %or3A_484 = arith.constant false
          %or3A_485 = arith.ori %or3A_484, %ne3A_483 : i1
          %or3A_486 = arith.constant false
          %or3A_487 = arith.ori %or3A_485, %or3A_486 : i1
          %sub3A_488 = arith.constant 2 : i32
          %sub3A_489 = arith.subi %mul3A_341, %sub3A_488 : i32
          %add3A_490 = arith.constant 1 : i32
          %add3A_491 = arith.addi %sub3A_489, %add3A_490 : i32
          %ge3A_492 = arith.cmpi sge, %while3A_318, %add3A_491 : i32
          %not3A_493 = arith.constant true
          %not3A_494 = arith.xori %ge3A_492, %not3A_493 : i1
          %and3A_495 = arith.andi %or3A_487, %not3A_494 : i1
          %ne3A_496 = arith.cmpi ne, %add3A_347, %add3A_365 : i32
          %or3A_497 = arith.constant false
          %or3A_498 = arith.ori %or3A_497, %ne3A_496 : i1
          %sub3A_499 = arith.constant 2 : i32
          %sub3A_500 = arith.subi %mul3A_341, %sub3A_499 : i32
          %add3A_501 = arith.constant 1 : i32
          %add3A_502 = arith.addi %sub3A_500, %add3A_501 : i32
          %ge3A_503 = arith.cmpi sge, %while3A_318, %add3A_502 : i32
          %not3A_504 = arith.constant true
          %not3A_505 = arith.xori %ge3A_503, %not3A_504 : i1
          %and3A_506 = arith.andi %or3A_498, %not3A_505 : i1
          %ne3A_507 = arith.cmpi ne, %add3A_347, %add3A_365 : i32
          %or3A_508 = arith.constant false
          %or3A_509 = arith.ori %or3A_508, %ne3A_507 : i1
          %sub3A_510 = arith.constant 2 : i32
          %sub3A_511 = arith.subi %mul3A_341, %sub3A_510 : i32
          %add3A_512 = arith.constant 1 : i32
          %add3A_513 = arith.addi %sub3A_511, %add3A_512 : i32
          %ge3A_514 = arith.cmpi sge, %while3A_318, %add3A_513 : i32
          %not3A_515 = arith.constant true
          %not3A_516 = arith.xori %ge3A_514, %not3A_515 : i1
          %and3A_517 = arith.andi %or3A_509, %not3A_516 : i1
          %ne3A_518 = arith.cmpi ne, %add3A_347, %add3A_365 : i32
          %or3A_519 = arith.constant false
          %or3A_520 = arith.ori %or3A_519, %ne3A_518 : i1
          %sub3A_521 = arith.constant 2 : i32
          %sub3A_522 = arith.subi %mul3A_341, %sub3A_521 : i32
          %add3A_523 = arith.constant 1 : i32
          %add3A_524 = arith.addi %sub3A_522, %add3A_523 : i32
          %ge3A_525 = arith.cmpi sge, %while3A_318, %add3A_524 : i32
          %not3A_526 = arith.constant true
          %not3A_527 = arith.xori %ge3A_525, %not3A_526 : i1
          %and3A_528 = arith.andi %or3A_520, %not3A_527 : i1
          %ne3A_529 = arith.cmpi ne, %add3A_347, %add3A_357 : i32
          %or3A_530 = arith.constant false
          %or3A_531 = arith.ori %or3A_530, %ne3A_529 : i1
          %or3A_532 = arith.ori %or3A_531, %eq3A_343 : i1
          %convert_element_type3A_533 = arith.extui %or3A_532 : i1 to i32
          %cond3A_534 = arith.constant 0 : i32
          %cond3A_535 = arith.cmpi ne, %convert_element_type3A_533, %cond3A_534 : i32
          scf.if %cond3A_535 {
            "tpu.trace_start"() <{level = 10 : i32, message = "ep_wait_in"}> : () -> ()
            %mul3A_913 = arith.constant 128 : i32
            %mul3A_914 = arith.muli %mul3A_913, %add3A_347 : i32
            %rem3A_915 = arith.constant 2 : i32
            %rem3A_916 = arith.remui %while3A_320, %rem3A_915 : i32
            %dma_wait3A = arith.constant 0 : i32
            %dma_wait3A_917 = arith.constant 0 : i32
            %dma_wait3A_918 = tpu.memref_slice %run_scoped3A[%rem3A_916, %dma_wait3A, %dma_wait3A_917] : memref<2x1x128xi32, #tpu.memory_space<vmem>> -> memref<1x1x128xi32, #tpu.memory_space<vmem>>
            %dma_wait3A_919 = tpu.memref_squeeze %dma_wait3A_918 : memref<1x1x128xi32, #tpu.memory_space<vmem>> -> memref<1x128xi32, #tpu.memory_space<vmem>>
            %dma_wait3A_920 = arith.constant 0 : i32
            %dma_wait3A_921 = tpu.memref_slice %arg3[%dma_wait3A_920, %mul3A_914] : memref<1x5120xi32, #tpu.memory_space<hbm>> -> memref<1x128xi32, #tpu.memory_space<hbm>>
            %dma_wait3A_922 = tpu.memref_slice %run_scoped3A_17[%rem3A_916] : memref<2x!tpu.dma_semaphore, #tpu.memory_space<semaphore_mem>> -> memref<1x!tpu.dma_semaphore, #tpu.memory_space<semaphore_mem>>
            %dma_wait3A_923 = tpu.memref_squeeze %dma_wait3A_922 : memref<1x!tpu.dma_semaphore, #tpu.memory_space<semaphore_mem>> -> memref<!tpu.dma_semaphore, #tpu.memory_space<semaphore_mem>>
            %dma_wait3A_924 = arith.constant 0 : i32
            %dma_wait3A_925 = arith.constant 0 : i32
            %dma_wait3A_926 = tpu.memref_slice %run_scoped3A[%rem3A_916, %dma_wait3A_924, %dma_wait3A_925] : memref<2x1x128xi32, #tpu.memory_space<vmem>> -> memref<1x1x128xi32, #tpu.memory_space<vmem>>
            %dma_wait3A_927 = tpu.memref_squeeze %dma_wait3A_926 : memref<1x1x128xi32, #tpu.memory_space<vmem>> -> memref<1x128xi32, #tpu.memory_space<vmem>>
            %dma_wait3A_928 = arith.constant 0 : i32
            %dma_wait3A_929 = tpu.memref_slice %arg3[%dma_wait3A_928, %mul3A_914] : memref<1x5120xi32, #tpu.memory_space<hbm>> -> memref<1x128xi32, #tpu.memory_space<hbm>>
            tpu.wait_dma2 semaphore(%dma_wait3A_923 : memref<!tpu.dma_semaphore, #tpu.memory_space<semaphore_mem>>) src(%dma_wait3A_929 : memref<1x128xi32, #tpu.memory_space<hbm>>) dst(%dma_wait3A_927 : memref<1x128xi32, #tpu.memory_space<vmem>>)
            "tpu.trace_stop"() : () -> ()
          } else {
          }
          %ne3A_536 = arith.cmpi ne, %add3A_347, %add3A_357 : i32
          %or3A_537 = arith.constant false
          %or3A_538 = arith.ori %or3A_537, %ne3A_536 : i1
          %or3A_539 = arith.ori %or3A_538, %eq3A_343 : i1
          %convert_element_type3A_540 = arith.extui %or3A_539 : i1 to i32
          %cond3A_541 = arith.constant 0 : i32
          %cond3A_542 = arith.cmpi ne, %convert_element_type3A_540, %cond3A_541 : i32
          scf.if %cond3A_542 {
            "tpu.trace_start"() <{level = 10 : i32, message = "ep_wait_in"}> : () -> ()
            %mul3A_913 = arith.constant 128 : i32
            %mul3A_914 = arith.muli %mul3A_913, %add3A_347 : i32
            %rem3A_915 = arith.constant 2 : i32
            %rem3A_916 = arith.remui %while3A_322, %rem3A_915 : i32
            %dma_wait3A = arith.constant 0 : i32
            %dma_wait3A_917 = arith.constant 0 : i32
            %dma_wait3A_918 = tpu.memref_slice %run_scoped3A_18[%rem3A_916, %dma_wait3A, %dma_wait3A_917] : memref<2x1x128xi32, #tpu.memory_space<vmem>> -> memref<1x1x128xi32, #tpu.memory_space<vmem>>
            %dma_wait3A_919 = tpu.memref_squeeze %dma_wait3A_918 : memref<1x1x128xi32, #tpu.memory_space<vmem>> -> memref<1x128xi32, #tpu.memory_space<vmem>>
            %dma_wait3A_920 = arith.constant 0 : i32
            %dma_wait3A_921 = tpu.memref_slice %arg4[%dma_wait3A_920, %mul3A_914] : memref<1x5120xi32, #tpu.memory_space<hbm>> -> memref<1x128xi32, #tpu.memory_space<hbm>>
            %dma_wait3A_922 = tpu.memref_slice %run_scoped3A_19[%rem3A_916] : memref<2x!tpu.dma_semaphore, #tpu.memory_space<semaphore_mem>> -> memref<1x!tpu.dma_semaphore, #tpu.memory_space<semaphore_mem>>
            %dma_wait3A_923 = tpu.memref_squeeze %dma_wait3A_922 : memref<1x!tpu.dma_semaphore, #tpu.memory_space<semaphore_mem>> -> memref<!tpu.dma_semaphore, #tpu.memory_space<semaphore_mem>>
            %dma_wait3A_924 = arith.constant 0 : i32
            %dma_wait3A_925 = arith.constant 0 : i32
            %dma_wait3A_926 = tpu.memref_slice %run_scoped3A_18[%rem3A_916, %dma_wait3A_924, %dma_wait3A_925] : memref<2x1x128xi32, #tpu.memory_space<vmem>> -> memref<1x1x128xi32, #tpu.memory_space<vmem>>
            %dma_wait3A_927 = tpu.memref_squeeze %dma_wait3A_926 : memref<1x1x128xi32, #tpu.memory_space<vmem>> -> memref<1x128xi32, #tpu.memory_space<vmem>>
            %dma_wait3A_928 = arith.constant 0 : i32
            %dma_wait3A_929 = tpu.memref_slice %arg4[%dma_wait3A_928, %mul3A_914] : memref<1x5120xi32, #tpu.memory_space<hbm>> -> memref<1x128xi32, #tpu.memory_space<hbm>>
            tpu.wait_dma2 semaphore(%dma_wait3A_923 : memref<!tpu.dma_semaphore, #tpu.memory_space<semaphore_mem>>) src(%dma_wait3A_929 : memref<1x128xi32, #tpu.memory_space<hbm>>) dst(%dma_wait3A_927 : memref<1x128xi32, #tpu.memory_space<vmem>>)
            "tpu.trace_stop"() : () -> ()
          } else {
          }
          %ne3A_543 = arith.cmpi ne, %add3A_347, %add3A_357 : i32
          %or3A_544 = arith.constant false
          %or3A_545 = arith.ori %or3A_544, %ne3A_543 : i1
          %or3A_546 = arith.ori %or3A_545, %eq3A_343 : i1
          %convert_element_type3A_547 = arith.extui %or3A_546 : i1 to i32
          %cond3A_548 = arith.constant 0 : i32
          %cond3A_549 = arith.cmpi ne, %convert_element_type3A_547, %cond3A_548 : i32
          scf.if %cond3A_549 {
            "tpu.trace_start"() <{level = 10 : i32, message = "ep_wait_in"}> : () -> ()
            %mul3A_913 = arith.constant 128 : i32
            %mul3A_914 = arith.muli %mul3A_913, %add3A_347 : i32
            %rem3A_915 = arith.constant 2 : i32
            %rem3A_916 = arith.remui %while3A_324, %rem3A_915 : i32
            %dma_wait3A = arith.constant 0 : i32
            %dma_wait3A_917 = arith.constant 0 : i32
            %dma_wait3A_918 = tpu.memref_slice %run_scoped3A_20[%rem3A_916, %dma_wait3A, %dma_wait3A_917] : memref<2x1x128xi32, #tpu.memory_space<vmem>> -> memref<1x1x128xi32, #tpu.memory_space<vmem>>
            %dma_wait3A_919 = tpu.memref_squeeze %dma_wait3A_918 : memref<1x1x128xi32, #tpu.memory_space<vmem>> -> memref<1x128xi32, #tpu.memory_space<vmem>>
            %dma_wait3A_920 = arith.constant 0 : i32
            %dma_wait3A_921 = tpu.memref_slice %arg5[%dma_wait3A_920, %mul3A_914] : memref<1x5120xi32, #tpu.memory_space<hbm>> -> memref<1x128xi32, #tpu.memory_space<hbm>>
            %dma_wait3A_922 = tpu.memref_slice %run_scoped3A_21[%rem3A_916] : memref<2x!tpu.dma_semaphore, #tpu.memory_space<semaphore_mem>> -> memref<1x!tpu.dma_semaphore, #tpu.memory_space<semaphore_mem>>
            %dma_wait3A_923 = tpu.memref_squeeze %dma_wait3A_922 : memref<1x!tpu.dma_semaphore, #tpu.memory_space<semaphore_mem>> -> memref<!tpu.dma_semaphore, #tpu.memory_space<semaphore_mem>>
            %dma_wait3A_924 = arith.constant 0 : i32
            %dma_wait3A_925 = arith.constant 0 : i32
            %dma_wait3A_926 = tpu.memref_slice %run_scoped3A_20[%rem3A_916, %dma_wait3A_924, %dma_wait3A_925] : memref<2x1x128xi32, #tpu.memory_space<vmem>> -> memref<1x1x128xi32, #tpu.memory_space<vmem>>
            %dma_wait3A_927 = tpu.memref_squeeze %dma_wait3A_926 : memref<1x1x128xi32, #tpu.memory_space<vmem>> -> memref<1x128xi32, #tpu.memory_space<vmem>>
            %dma_wait3A_928 = arith.constant 0 : i32
            %dma_wait3A_929 = tpu.memref_slice %arg5[%dma_wait3A_928, %mul3A_914] : memref<1x5120xi32, #tpu.memory_space<hbm>> -> memref<1x128xi32, #tpu.memory_space<hbm>>
            tpu.wait_dma2 semaphore(%dma_wait3A_923 : memref<!tpu.dma_semaphore, #tpu.memory_space<semaphore_mem>>) src(%dma_wait3A_929 : memref<1x128xi32, #tpu.memory_space<hbm>>) dst(%dma_wait3A_927 : memref<1x128xi32, #tpu.memory_space<vmem>>)
            "tpu.trace_stop"() : () -> ()
          } else {
          }
          %ne3A_550 = arith.cmpi ne, %add3A_347, %add3A_357 : i32
          %or3A_551 = arith.constant false
          %or3A_552 = arith.ori %or3A_551, %ne3A_550 : i1
          %or3A_553 = arith.ori %or3A_552, %eq3A_343 : i1
          %convert_element_type3A_554 = arith.extui %or3A_553 : i1 to i32
          %cond3A_555 = arith.constant 0 : i32
          %cond3A_556 = arith.cmpi ne, %convert_element_type3A_554, %cond3A_555 : i32
          scf.if %cond3A_556 {
            "tpu.trace_start"() <{level = 10 : i32, message = "ep_wait_in"}> : () -> ()
            %mul3A_913 = arith.constant 1024 : i32
            %mul3A_914 = arith.muli %mul3A_913, %add3A_347 : i32
            %rem3A_915 = arith.constant 2 : i32
            %rem3A_916 = arith.remui %while3A_326, %rem3A_915 : i32
            %dma_wait3A = arith.constant 0 : i32
            %dma_wait3A_917 = arith.constant 0 : i32
            %dma_wait3A_918 = tpu.memref_slice %run_scoped3A_22[%rem3A_916, %dma_wait3A, %dma_wait3A_917] : memref<2x1x1024xf32, #tpu.memory_space<vmem>> -> memref<1x1x1024xf32, #tpu.memory_space<vmem>>
            %dma_wait3A_919 = tpu.memref_squeeze %dma_wait3A_918 : memref<1x1x1024xf32, #tpu.memory_space<vmem>> -> memref<1x1024xf32, #tpu.memory_space<vmem>>
            %dma_wait3A_920 = arith.constant 0 : i32
            %dma_wait3A_921 = tpu.memref_slice %arg6[%dma_wait3A_920, %mul3A_914] : memref<1x40960xf32, #tpu.memory_space<hbm>> -> memref<1x1024xf32, #tpu.memory_space<hbm>>
            %dma_wait3A_922 = tpu.memref_slice %run_scoped3A_23[%rem3A_916] : memref<2x!tpu.dma_semaphore, #tpu.memory_space<semaphore_mem>> -> memref<1x!tpu.dma_semaphore, #tpu.memory_space<semaphore_mem>>
            %dma_wait3A_923 = tpu.memref_squeeze %dma_wait3A_922 : memref<1x!tpu.dma_semaphore, #tpu.memory_space<semaphore_mem>> -> memref<!tpu.dma_semaphore, #tpu.memory_space<semaphore_mem>>
            %dma_wait3A_924 = arith.constant 0 : i32
            %dma_wait3A_925 = arith.constant 0 : i32
            %dma_wait3A_926 = tpu.memref_slice %run_scoped3A_22[%rem3A_916, %dma_wait3A_924, %dma_wait3A_925] : memref<2x1x1024xf32, #tpu.memory_space<vmem>> -> memref<1x1x1024xf32, #tpu.memory_space<vmem>>
            %dma_wait3A_927 = tpu.memref_squeeze %dma_wait3A_926 : memref<1x1x1024xf32, #tpu.memory_space<vmem>> -> memref<1x1024xf32, #tpu.memory_space<vmem>>
            %dma_wait3A_928 = arith.constant 0 : i32
            %dma_wait3A_929 = tpu.memref_slice %arg6[%dma_wait3A_928, %mul3A_914] : memref<1x40960xf32, #tpu.memory_space<hbm>> -> memref<1x1024xf32, #tpu.memory_space<hbm>>
            tpu.wait_dma2 semaphore(%dma_wait3A_923 : memref<!tpu.dma_semaphore, #tpu.memory_space<semaphore_mem>>) src(%dma_wait3A_929 : memref<1x1024xf32, #tpu.memory_space<hbm>>) dst(%dma_wait3A_927 : memref<1x1024xf32, #tpu.memory_space<vmem>>)
            "tpu.trace_stop"() : () -> ()
          } else {
          }
          %ne3A_557 = arith.cmpi ne, %add3A_347, %add3A_357 : i32
          %or3A_558 = arith.constant false
          %or3A_559 = arith.ori %or3A_558, %ne3A_557 : i1
          %or3A_560 = arith.ori %or3A_559, %eq3A_343 : i1
          %convert_element_type3A_561 = arith.extui %or3A_560 : i1 to i32
          %cond3A_562 = arith.constant 0 : i32
          %cond3A_563 = arith.cmpi ne, %convert_element_type3A_561, %cond3A_562 : i32
          scf.if %cond3A_563 {
            "tpu.trace_start"() <{level = 10 : i32, message = "ep_wait_in"}> : () -> ()
            %mul3A_913 = arith.constant 1024 : i32
            %mul3A_914 = arith.muli %mul3A_913, %add3A_347 : i32
            %rem3A_915 = arith.constant 2 : i32
            %rem3A_916 = arith.remui %while3A_328, %rem3A_915 : i32
            %dma_wait3A = arith.constant 0 : i32
            %dma_wait3A_917 = arith.constant 0 : i32
            %dma_wait3A_918 = tpu.memref_slice %run_scoped3A_24[%rem3A_916, %dma_wait3A, %dma_wait3A_917] : memref<2x1x1024xf32, #tpu.memory_space<vmem>> -> memref<1x1x1024xf32, #tpu.memory_space<vmem>>
            %dma_wait3A_919 = tpu.memref_squeeze %dma_wait3A_918 : memref<1x1x1024xf32, #tpu.memory_space<vmem>> -> memref<1x1024xf32, #tpu.memory_space<vmem>>
            %dma_wait3A_920 = arith.constant 0 : i32
            %dma_wait3A_921 = tpu.memref_slice %arg7[%dma_wait3A_920, %mul3A_914] : memref<1x40960xf32, #tpu.memory_space<hbm>> -> memref<1x1024xf32, #tpu.memory_space<hbm>>
            %dma_wait3A_922 = tpu.memref_slice %run_scoped3A_25[%rem3A_916] : memref<2x!tpu.dma_semaphore, #tpu.memory_space<semaphore_mem>> -> memref<1x!tpu.dma_semaphore, #tpu.memory_space<semaphore_mem>>
            %dma_wait3A_923 = tpu.memref_squeeze %dma_wait3A_922 : memref<1x!tpu.dma_semaphore, #tpu.memory_space<semaphore_mem>> -> memref<!tpu.dma_semaphore, #tpu.memory_space<semaphore_mem>>
            %dma_wait3A_924 = arith.constant 0 : i32
            %dma_wait3A_925 = arith.constant 0 : i32
            %dma_wait3A_926 = tpu.memref_slice %run_scoped3A_24[%rem3A_916, %dma_wait3A_924, %dma_wait3A_925] : memref<2x1x1024xf32, #tpu.memory_space<vmem>> -> memref<1x1x1024xf32, #tpu.memory_space<vmem>>
            %dma_wait3A_927 = tpu.memref_squeeze %dma_wait3A_926 : memref<1x1x1024xf32, #tpu.memory_space<vmem>> -> memref<1x1024xf32, #tpu.memory_space<vmem>>
            %dma_wait3A_928 = arith.constant 0 : i32
            %dma_wait3A_929 = tpu.memref_slice %arg7[%dma_wait3A_928, %mul3A_914] : memref<1x40960xf32, #tpu.memory_space<hbm>> -> memref<1x1024xf32, #tpu.memory_space<hbm>>
            tpu.wait_dma2 semaphore(%dma_wait3A_923 : memref<!tpu.dma_semaphore, #tpu.memory_space<semaphore_mem>>) src(%dma_wait3A_929 : memref<1x1024xf32, #tpu.memory_space<hbm>>) dst(%dma_wait3A_927 : memref<1x1024xf32, #tpu.memory_space<vmem>>)
            "tpu.trace_stop"() : () -> ()
          } else {
          }
          %ne3A_564 = arith.cmpi ne, %add3A_347, %add3A_357 : i32
          %or3A_565 = arith.constant false
          %or3A_566 = arith.ori %or3A_565, %ne3A_564 : i1
          %or3A_567 = arith.ori %or3A_566, %eq3A_343 : i1
          %convert_element_type3A_568 = arith.extui %or3A_567 : i1 to i32
          %cond3A_569 = arith.constant 0 : i32
          %cond3A_570 = arith.cmpi ne, %convert_element_type3A_568, %cond3A_569 : i32
          scf.if %cond3A_570 {
            "tpu.trace_start"() <{level = 10 : i32, message = "ep_wait_in"}> : () -> ()
            %mul3A_913 = arith.constant 1024 : i32
            %mul3A_914 = arith.muli %mul3A_913, %add3A_347 : i32
            %rem3A_915 = arith.constant 2 : i32
            %rem3A_916 = arith.remui %while3A_330, %rem3A_915 : i32
            %dma_wait3A = arith.constant 0 : i32
            %dma_wait3A_917 = arith.constant 0 : i32
            %dma_wait3A_918 = tpu.memref_slice %run_scoped3A_26[%rem3A_916, %dma_wait3A, %dma_wait3A_917] : memref<2x1x1024xf32, #tpu.memory_space<vmem>> -> memref<1x1x1024xf32, #tpu.memory_space<vmem>>
            %dma_wait3A_919 = tpu.memref_squeeze %dma_wait3A_918 : memref<1x1x1024xf32, #tpu.memory_space<vmem>> -> memref<1x1024xf32, #tpu.memory_space<vmem>>
            %dma_wait3A_920 = arith.constant 0 : i32
            %dma_wait3A_921 = tpu.memref_slice %arg8[%dma_wait3A_920, %mul3A_914] : memref<1x40960xf32, #tpu.memory_space<hbm>> -> memref<1x1024xf32, #tpu.memory_space<hbm>>
            %dma_wait3A_922 = tpu.memref_slice %run_scoped3A_27[%rem3A_916] : memref<2x!tpu.dma_semaphore, #tpu.memory_space<semaphore_mem>> -> memref<1x!tpu.dma_semaphore, #tpu.memory_space<semaphore_mem>>
            %dma_wait3A_923 = tpu.memref_squeeze %dma_wait3A_922 : memref<1x!tpu.dma_semaphore, #tpu.memory_space<semaphore_mem>> -> memref<!tpu.dma_semaphore, #tpu.memory_space<semaphore_mem>>
            %dma_wait3A_924 = arith.constant 0 : i32
            %dma_wait3A_925 = arith.constant 0 : i32
            %dma_wait3A_926 = tpu.memref_slice %run_scoped3A_26[%rem3A_916, %dma_wait3A_924, %dma_wait3A_925] : memref<2x1x1024xf32, #tpu.memory_space<vmem>> -> memref<1x1x1024xf32, #tpu.memory_space<vmem>>
            %dma_wait3A_927 = tpu.memref_squeeze %dma_wait3A_926 : memref<1x1x1024xf32, #tpu.memory_space<vmem>> -> memref<1x1024xf32, #tpu.memory_space<vmem>>
            %dma_wait3A_928 = arith.constant 0 : i32
            %dma_wait3A_929 = tpu.memref_slice %arg8[%dma_wait3A_928, %mul3A_914] : memref<1x40960xf32, #tpu.memory_space<hbm>> -> memref<1x1024xf32, #tpu.memory_space<hbm>>
            tpu.wait_dma2 semaphore(%dma_wait3A_923 : memref<!tpu.dma_semaphore, #tpu.memory_space<semaphore_mem>>) src(%dma_wait3A_929 : memref<1x1024xf32, #tpu.memory_space<hbm>>) dst(%dma_wait3A_927 : memref<1x1024xf32, #tpu.memory_space<vmem>>)
            "tpu.trace_stop"() : () -> ()
          } else {
          }
          %ne3A_571 = arith.cmpi ne, %add3A_347, %add3A_357 : i32
          %or3A_572 = arith.constant false
          %or3A_573 = arith.ori %or3A_572, %ne3A_571 : i1
          %or3A_574 = arith.constant false
          %or3A_575 = arith.ori %or3A_573, %or3A_574 : i1
          %or3A_576 = arith.ori %or3A_575, %eq3A_343 : i1
          %convert_element_type3A_577 = arith.extui %or3A_576 : i1 to i32
          %cond3A_578 = arith.constant 0 : i32
          %cond3A_579 = arith.cmpi ne, %convert_element_type3A_577, %cond3A_578 : i32
          scf.if %cond3A_579 {
          } else {
          }
          %ne3A_580 = arith.cmpi ne, %add3A_347, %add3A_357 : i32
          %or3A_581 = arith.constant false
          %or3A_582 = arith.ori %or3A_581, %ne3A_580 : i1
          %or3A_583 = arith.ori %or3A_582, %eq3A_343 : i1
          %convert_element_type3A_584 = arith.extui %or3A_583 : i1 to i32
          %cond3A_585 = arith.constant 0 : i32
          %cond3A_586 = arith.cmpi ne, %convert_element_type3A_584, %cond3A_585 : i32
          scf.if %cond3A_586 {
          } else {
          }
          %ne3A_587 = arith.cmpi ne, %add3A_347, %add3A_357 : i32
          %or3A_588 = arith.constant false
          %or3A_589 = arith.ori %or3A_588, %ne3A_587 : i1
          %or3A_590 = arith.ori %or3A_589, %eq3A_343 : i1
          %convert_element_type3A_591 = arith.extui %or3A_590 : i1 to i32
          %cond3A_592 = arith.constant 0 : i32
          %cond3A_593 = arith.cmpi ne, %convert_element_type3A_591, %cond3A_592 : i32
          scf.if %cond3A_593 {
          } else {
          }
          %ne3A_594 = arith.cmpi ne, %add3A_347, %add3A_357 : i32
          %or3A_595 = arith.constant false
          %or3A_596 = arith.ori %or3A_595, %ne3A_594 : i1
          %or3A_597 = arith.ori %or3A_596, %eq3A_343 : i1
          %convert_element_type3A_598 = arith.extui %or3A_597 : i1 to i32
          %cond3A_599 = arith.constant 0 : i32
          %cond3A_600 = arith.cmpi ne, %convert_element_type3A_598, %cond3A_599 : i32
          scf.if %cond3A_600 {
          } else {
          }
          %rem3A_601 = arith.constant 2 : i32
          %rem3A_602 = arith.remui %while3A_320, %rem3A_601 : i32
          %rem3A_603 = arith.constant 2 : i32
          %rem3A_604 = arith.remui %while3A_322, %rem3A_603 : i32
          %rem3A_605 = arith.constant 2 : i32
          %rem3A_606 = arith.remui %while3A_324, %rem3A_605 : i32
          %rem3A_607 = arith.constant 2 : i32
          %rem3A_608 = arith.remui %while3A_326, %rem3A_607 : i32
          %rem3A_609 = arith.constant 2 : i32
          %rem3A_610 = arith.remui %while3A_328, %rem3A_609 : i32
          %rem3A_611 = arith.constant 2 : i32
          %rem3A_612 = arith.remui %while3A_330, %rem3A_611 : i32
          %rem3A_613 = arith.constant 2 : i32
          %rem3A_614 = arith.remui %while3A_331, %rem3A_613 : i32
          %rem3A_615 = arith.constant 2 : i32
          %rem3A_616 = arith.remui %while3A_333, %rem3A_615 : i32
          %rem3A_617 = arith.constant 2 : i32
          %rem3A_618 = arith.remui %while3A_335, %rem3A_617 : i32
          %rem3A_619 = arith.constant 2 : i32
          %rem3A_620 = arith.remui %while3A_337, %rem3A_619 : i32
          %run_scoped3A_621 = arith.constant 0 : i32
          "tpu.trace_start"() <{level = 10 : i32, message = "ep_run_kernel"}> : () -> ()
          "tpu.region"() ({
            %run_scoped3A_913 = tpu.sem_alloc : memref<!tpu.dma_semaphore, #tpu.memory_space<semaphore_mem>>
            %dma_start3A_914 = arith.constant 0 : i32
            %dma_start3A_915 = arith.constant 0 : i32
            %dma_start3A_916 = tpu.memref_slice %run_scoped3A[%rem3A_602, %dma_start3A_914, %dma_start3A_915] : memref<2x1x128xi32, #tpu.memory_space<vmem>> -> memref<1x1x128xi32, #tpu.memory_space<vmem>>
            %dma_start3A_917 = tpu.memref_squeeze %dma_start3A_916 : memref<1x1x128xi32, #tpu.memory_space<vmem>> -> memref<1x128xi32, #tpu.memory_space<vmem>>
            %dma_start3A_918 = arith.constant 0 : i32
            %dma_start3A_919 = tpu.memref_slice %dma_start3A_917[%run_scoped3A_621, %dma_start3A_918] : memref<1x128xi32, #tpu.memory_space<vmem>> -> memref<1x128xi32, #tpu.memory_space<vmem>>
            %dma_start3A_920 = tpu.memref_squeeze %dma_start3A_919 : memref<1x128xi32, #tpu.memory_space<vmem>> -> memref<128xi32, #tpu.memory_space<vmem>>
            %dma_start3A_921 = arith.constant 0 : i32
            %dma_start3A_922 = arith.constant 0 : i32
            %dma_start3A_923 = tpu.memref_slice %arg2[%dma_start3A_921, %dma_start3A_922] : memref<2500x16xf32, #tpu.memory_space<hbm>> -> memref<2500x16xf32, #tpu.memory_space<hbm>>
            tpu.enqueue_indirect_dma source(%dma_start3A_923 : memref<2500x16xf32, #tpu.memory_space<hbm>>) target(%arg13 : memref<128x16xf32, #tpu.memory_space<vmem>>) offsets(%dma_start3A_920 : memref<128xi32, #tpu.memory_space<vmem>>) semaphore(%run_scoped3A_913 : memref<!tpu.dma_semaphore, #tpu.memory_space<semaphore_mem>>)
            %dma_wait3A = arith.constant 0 : i32
            %dma_wait3A_924 = arith.constant 0 : i32
            %dma_wait3A_925 = tpu.memref_slice %run_scoped3A[%rem3A_602, %dma_wait3A, %dma_wait3A_924] : memref<2x1x128xi32, #tpu.memory_space<vmem>> -> memref<1x1x128xi32, #tpu.memory_space<vmem>>
            %dma_wait3A_926 = tpu.memref_squeeze %dma_wait3A_925 : memref<1x1x128xi32, #tpu.memory_space<vmem>> -> memref<1x128xi32, #tpu.memory_space<vmem>>
            %dma_wait3A_927 = arith.constant 0 : i32
            %dma_wait3A_928 = tpu.memref_slice %dma_wait3A_926[%run_scoped3A_621, %dma_wait3A_927] : memref<1x128xi32, #tpu.memory_space<vmem>> -> memref<1x128xi32, #tpu.memory_space<vmem>>
            %dma_wait3A_929 = tpu.memref_squeeze %dma_wait3A_928 : memref<1x128xi32, #tpu.memory_space<vmem>> -> memref<128xi32, #tpu.memory_space<vmem>>
            %dma_wait3A_930 = arith.constant 0 : i32
            %dma_wait3A_931 = arith.constant 0 : i32
            %dma_wait3A_932 = tpu.memref_slice %arg2[%dma_wait3A_930, %dma_wait3A_931] : memref<2500x16xf32, #tpu.memory_space<hbm>> -> memref<2500x16xf32, #tpu.memory_space<hbm>>
            tpu.wait_indirect_dma semaphore(%run_scoped3A_913 : memref<!tpu.dma_semaphore, #tpu.memory_space<semaphore_mem>>) src(%dma_wait3A_932 : memref<2500x16xf32, #tpu.memory_space<hbm>>) dst(%arg13 : memref<128x16xf32, #tpu.memory_space<vmem>>)
            tpu.yield
          }) : () -> ()
          %run_scoped3A_622 = arith.constant 0 : i32
          "tpu.region"() ({
            %run_scoped3A_913 = tpu.sem_alloc : memref<!tpu.dma_semaphore, #tpu.memory_space<semaphore_mem>>
            %dma_start3A_914 = arith.constant 0 : i32
            %dma_start3A_915 = arith.constant 0 : i32
            %dma_start3A_916 = tpu.memref_slice %run_scoped3A_18[%rem3A_604, %dma_start3A_914, %dma_start3A_915] : memref<2x1x128xi32, #tpu.memory_space<vmem>> -> memref<1x1x128xi32, #tpu.memory_space<vmem>>
            %dma_start3A_917 = tpu.memref_squeeze %dma_start3A_916 : memref<1x1x128xi32, #tpu.memory_space<vmem>> -> memref<1x128xi32, #tpu.memory_space<vmem>>
            %dma_start3A_918 = arith.constant 0 : i32
            %dma_start3A_919 = tpu.memref_slice %dma_start3A_917[%run_scoped3A_622, %dma_start3A_918] : memref<1x128xi32, #tpu.memory_space<vmem>> -> memref<1x128xi32, #tpu.memory_space<vmem>>
            %dma_start3A_920 = tpu.memref_squeeze %dma_start3A_919 : memref<1x128xi32, #tpu.memory_space<vmem>> -> memref<128xi32, #tpu.memory_space<vmem>>
            %dma_start3A_921 = arith.constant 0 : i32
            %dma_start3A_922 = arith.constant 0 : i32
            %dma_start3A_923 = tpu.memref_slice %arg2[%dma_start3A_921, %dma_start3A_922] : memref<2500x16xf32, #tpu.memory_space<hbm>> -> memref<2500x16xf32, #tpu.memory_space<hbm>>
            tpu.enqueue_indirect_dma source(%dma_start3A_923 : memref<2500x16xf32, #tpu.memory_space<hbm>>) target(%arg14 : memref<128x16xf32, #tpu.memory_space<vmem>>) offsets(%dma_start3A_920 : memref<128xi32, #tpu.memory_space<vmem>>) semaphore(%run_scoped3A_913 : memref<!tpu.dma_semaphore, #tpu.memory_space<semaphore_mem>>)
            %dma_wait3A = arith.constant 0 : i32
            %dma_wait3A_924 = arith.constant 0 : i32
            %dma_wait3A_925 = tpu.memref_slice %run_scoped3A_18[%rem3A_604, %dma_wait3A, %dma_wait3A_924] : memref<2x1x128xi32, #tpu.memory_space<vmem>> -> memref<1x1x128xi32, #tpu.memory_space<vmem>>
            %dma_wait3A_926 = tpu.memref_squeeze %dma_wait3A_925 : memref<1x1x128xi32, #tpu.memory_space<vmem>> -> memref<1x128xi32, #tpu.memory_space<vmem>>
            %dma_wait3A_927 = arith.constant 0 : i32
            %dma_wait3A_928 = tpu.memref_slice %dma_wait3A_926[%run_scoped3A_622, %dma_wait3A_927] : memref<1x128xi32, #tpu.memory_space<vmem>> -> memref<1x128xi32, #tpu.memory_space<vmem>>
            %dma_wait3A_929 = tpu.memref_squeeze %dma_wait3A_928 : memref<1x128xi32, #tpu.memory_space<vmem>> -> memref<128xi32, #tpu.memory_space<vmem>>
            %dma_wait3A_930 = arith.constant 0 : i32
            %dma_wait3A_931 = arith.constant 0 : i32
            %dma_wait3A_932 = tpu.memref_slice %arg2[%dma_wait3A_930, %dma_wait3A_931] : memref<2500x16xf32, #tpu.memory_space<hbm>> -> memref<2500x16xf32, #tpu.memory_space<hbm>>
            tpu.wait_indirect_dma semaphore(%run_scoped3A_913 : memref<!tpu.dma_semaphore, #tpu.memory_space<semaphore_mem>>) src(%dma_wait3A_932 : memref<2500x16xf32, #tpu.memory_space<hbm>>) dst(%arg14 : memref<128x16xf32, #tpu.memory_space<vmem>>)
            tpu.yield
          }) : () -> ()
          %run_scoped3A_623 = arith.constant 0 : i32
          "tpu.region"() ({
            %run_scoped3A_913 = tpu.sem_alloc : memref<!tpu.dma_semaphore, #tpu.memory_space<semaphore_mem>>
            %dma_start3A_914 = arith.constant 0 : i32
            %dma_start3A_915 = arith.constant 0 : i32
            %dma_start3A_916 = tpu.memref_slice %run_scoped3A_20[%rem3A_606, %dma_start3A_914, %dma_start3A_915] : memref<2x1x128xi32, #tpu.memory_space<vmem>> -> memref<1x1x128xi32, #tpu.memory_space<vmem>>
            %dma_start3A_917 = tpu.memref_squeeze %dma_start3A_916 : memref<1x1x128xi32, #tpu.memory_space<vmem>> -> memref<1x128xi32, #tpu.memory_space<vmem>>
            %dma_start3A_918 = arith.constant 0 : i32
            %dma_start3A_919 = tpu.memref_slice %dma_start3A_917[%run_scoped3A_623, %dma_start3A_918] : memref<1x128xi32, #tpu.memory_space<vmem>> -> memref<1x128xi32, #tpu.memory_space<vmem>>
            %dma_start3A_920 = tpu.memref_squeeze %dma_start3A_919 : memref<1x128xi32, #tpu.memory_space<vmem>> -> memref<128xi32, #tpu.memory_space<vmem>>
            %dma_start3A_921 = arith.constant 0 : i32
            %dma_start3A_922 = arith.constant 0 : i32
            %dma_start3A_923 = tpu.memref_slice %arg2[%dma_start3A_921, %dma_start3A_922] : memref<2500x16xf32, #tpu.memory_space<hbm>> -> memref<2500x16xf32, #tpu.memory_space<hbm>>
            tpu.enqueue_indirect_dma source(%dma_start3A_923 : memref<2500x16xf32, #tpu.memory_space<hbm>>) target(%arg15 : memref<128x16xf32, #tpu.memory_space<vmem>>) offsets(%dma_start3A_920 : memref<128xi32, #tpu.memory_space<vmem>>) semaphore(%run_scoped3A_913 : memref<!tpu.dma_semaphore, #tpu.memory_space<semaphore_mem>>)
            %dma_wait3A = arith.constant 0 : i32
            %dma_wait3A_924 = arith.constant 0 : i32
            %dma_wait3A_925 = tpu.memref_slice %run_scoped3A_20[%rem3A_606, %dma_wait3A, %dma_wait3A_924] : memref<2x1x128xi32, #tpu.memory_space<vmem>> -> memref<1x1x128xi32, #tpu.memory_space<vmem>>
            %dma_wait3A_926 = tpu.memref_squeeze %dma_wait3A_925 : memref<1x1x128xi32, #tpu.memory_space<vmem>> -> memref<1x128xi32, #tpu.memory_space<vmem>>
            %dma_wait3A_927 = arith.constant 0 : i32
            %dma_wait3A_928 = tpu.memref_slice %dma_wait3A_926[%run_scoped3A_623, %dma_wait3A_927] : memref<1x128xi32, #tpu.memory_space<vmem>> -> memref<1x128xi32, #tpu.memory_space<vmem>>
            %dma_wait3A_929 = tpu.memref_squeeze %dma_wait3A_928 : memref<1x128xi32, #tpu.memory_space<vmem>> -> memref<128xi32, #tpu.memory_space<vmem>>
            %dma_wait3A_930 = arith.constant 0 : i32
            %dma_wait3A_931 = arith.constant 0 : i32
            %dma_wait3A_932 = tpu.memref_slice %arg2[%dma_wait3A_930, %dma_wait3A_931] : memref<2500x16xf32, #tpu.memory_space<hbm>> -> memref<2500x16xf32, #tpu.memory_space<hbm>>
            tpu.wait_indirect_dma semaphore(%run_scoped3A_913 : memref<!tpu.dma_semaphore, #tpu.memory_space<semaphore_mem>>) src(%dma_wait3A_932 : memref<2500x16xf32, #tpu.memory_space<hbm>>) dst(%arg15 : memref<128x16xf32, #tpu.memory_space<vmem>>)
            tpu.yield
          }) : () -> ()
          %scan3A = arith.constant 0 : i32
          %scan3A_624 = arith.constant 128 : i32
          %scan3A_625 = arith.addi %scan3A, %scan3A_624 : i32
          %scan3A_626 = arith.constant 1 : i32
          scf.for %scan3A_913 = %scan3A to %scan3A_625 step %scan3A_626  : i32 {
            %mul3A_914 = arith.constant 1 : i32
            %mul3A_915 = arith.muli %scan3A_913, %mul3A_914 : i32
            %add3A_916 = arith.constant 0 : i32
            %add3A_917 = arith.addi %add3A_916, %mul3A_915 : i32
            %get3A = arith.index_cast %add3A_917 : i32 to index
            %get3A_918 = arith.constant 0 : index
            %get3A_919 = tpu.vector_load %arg13[%get3A, %get3A_918] {strides = array<i32>} : memref<128x16xf32, #tpu.memory_space<vmem>>, vector<16xf32>,
            %get3A_920 = arith.index_cast %add3A_917 : i32 to index
            %get3A_921 = arith.constant 0 : index
            %get3A_922 = tpu.vector_load %arg14[%get3A_920, %get3A_921] {strides = array<i32>} : memref<128x16xf32, #tpu.memory_space<vmem>>, vector<16xf32>,
            %add3A_923 = arith.addf %get3A_919, %get3A_922 : vector<16xf32>
            %get3A_924 = arith.index_cast %add3A_917 : i32 to index
            %get3A_925 = arith.constant 0 : index
            %get3A_926 = tpu.vector_load %arg15[%get3A_924, %get3A_925] {strides = array<i32>} : memref<128x16xf32, #tpu.memory_space<vmem>>, vector<16xf32>,
            %add3A_927 = arith.addf %add3A_923, %get3A_926 : vector<16xf32>
            %mul3A_928 = arith.constant 0.333333343 : f32
            %mul3A_929 = vector.broadcast %mul3A_928 : f32 to vector<16xf32>
            %mul3A_930 = arith.mulf %add3A_927, %mul3A_929 : vector<16xf32>
            %swap3A = arith.constant 0 : i32
            %swap3A_931 = arith.constant 0 : i32
            %swap3A_932 = tpu.memref_slice %run_scoped3A_28[%rem3A_614, %swap3A, %swap3A_931] : memref<2x128x16xf32, #tpu.memory_space<vmem>> -> memref<1x128x16xf32, #tpu.memory_space<vmem>>
            %swap3A_933 = tpu.memref_squeeze %swap3A_932 : memref<1x128x16xf32, #tpu.memory_space<vmem>> -> memref<128x16xf32, #tpu.memory_space<vmem>>
            %swap3A_934 = arith.index_cast %add3A_917 : i32 to index
            %swap3A_935 = arith.constant 0 : index
            %swap3A_936 = tpu.vector_load %swap3A_933[%swap3A_934, %swap3A_935] {strides = array<i32>} : memref<128x16xf32, #tpu.memory_space<vmem>>, vector<16xf32>,
            tpu.vector_store %swap3A_933[%swap3A_934, %swap3A_935], %mul3A_930 {strides = array<i32>} : memref<128x16xf32, #tpu.memory_space<vmem>>, vector<16xf32>,
          }
          %scan3A_627 = arith.constant 128 : i32
          %iota3A = tpu.iota {dimensions = array<i32: 0>} : vector<16xi32>
          %shift_right_logical3A = arith.constant 3 : i32
          %shift_right_logical3A_628 = vector.broadcast %shift_right_logical3A : i32 to vector<16xi32>
          %shift_right_logical3A_629 = arith.shrui %iota3A, %shift_right_logical3A_628 : vector<16xi32>
          %broadcast_in_dim3A = arith.constant 0 : i32
          %broadcast_in_dim3A_630 = vector.broadcast %broadcast_in_dim3A : i32 to vector<16xi32>
          %scan3A_631 = arith.constant 0 : i32
          %scan3A_632 = arith.constant 64 : i32
          %scan3A_633 = arith.addi %scan3A_631, %scan3A_632 : i32
          %scan3A_634 = arith.constant 1 : i32
          scf.for %scan3A_913 = %scan3A_631 to %scan3A_633 step %scan3A_634  : i32 {
            %mul3A_914 = arith.constant 1 : i32
            %mul3A_915 = arith.muli %scan3A_913, %mul3A_914 : i32
            %add3A_916 = arith.constant 0 : i32
            %add3A_917 = arith.addi %add3A_916, %mul3A_915 : i32
            %mul3A_918 = arith.constant 16 : i32
            %mul3A_919 = arith.muli %add3A_917, %mul3A_918 : i32
            %mul3A_920 = arith.constant 2 : i32
            %mul3A_921 = arith.muli %add3A_917, %mul3A_920 : i32
            %add3A_922 = vector.broadcast %mul3A_921 : i32 to vector<16xi32>
            %add3A_923 = arith.addi %shift_right_logical3A_629, %add3A_922 : vector<16xi32>
            %get3A = arith.constant 0 : i32
            %get3A_924 = arith.constant 0 : i32
            %get3A_925 = arith.constant 0 : i32
            %get3A_926 = tpu.memref_slice %run_scoped3A_22[%rem3A_608, %get3A_924, %get3A_925] : memref<2x1x1024xf32, #tpu.memory_space<vmem>> -> memref<1x1x1024xf32, #tpu.memory_space<vmem>>
            %get3A_927 = tpu.memref_squeeze %get3A_926 : memref<1x1x1024xf32, #tpu.memory_space<vmem>> -> memref<1x1024xf32, #tpu.memory_space<vmem>>
            %get3A_928 = arith.index_cast %get3A : i32 to index
            %get3A_929 = arith.index_cast %mul3A_919 : i32 to index
            %get3A_930 = tpu.vector_load %get3A_927[%get3A_928, %get3A_929] {strides = array<i32>} : memref<1x1024xf32, #tpu.memory_space<vmem>>, vector<16xf32>,
            %get3A_931 = arith.constant 0 : i32
            %get3A_932 = arith.constant 0 : i32
            %get3A_933 = arith.constant 0 : i32
            %get3A_934 = tpu.memref_slice %run_scoped3A_24[%rem3A_610, %get3A_932, %get3A_933] : memref<2x1x1024xf32, #tpu.memory_space<vmem>> -> memref<1x1x1024xf32, #tpu.memory_space<vmem>>
            %get3A_935 = tpu.memref_squeeze %get3A_934 : memref<1x1x1024xf32, #tpu.memory_space<vmem>> -> memref<1x1024xf32, #tpu.memory_space<vmem>>
            %get3A_936 = arith.index_cast %get3A_931 : i32 to index
            %get3A_937 = arith.index_cast %mul3A_919 : i32 to index
            %get3A_938 = tpu.vector_load %get3A_935[%get3A_936, %get3A_937] {strides = array<i32>} : memref<1x1024xf32, #tpu.memory_space<vmem>>, vector<16xf32>,
            %get3A_939 = arith.constant 0 : i32
            %get3A_940 = arith.constant 0 : i32
            %get3A_941 = arith.constant 0 : i32
            %get3A_942 = tpu.memref_slice %run_scoped3A_26[%rem3A_612, %get3A_940, %get3A_941] : memref<2x1x1024xf32, #tpu.memory_space<vmem>> -> memref<1x1x1024xf32, #tpu.memory_space<vmem>>
            %get3A_943 = tpu.memref_squeeze %get3A_942 : memref<1x1x1024xf32, #tpu.memory_space<vmem>> -> memref<1x1024xf32, #tpu.memory_space<vmem>>
            %get3A_944 = arith.index_cast %get3A_939 : i32 to index
            %get3A_945 = arith.index_cast %mul3A_919 : i32 to index
            %get3A_946 = tpu.vector_load %get3A_943[%get3A_944, %get3A_945] {strides = array<i32>} : memref<1x1024xf32, #tpu.memory_space<vmem>>, vector<16xf32>,
            %add3A_947 = arith.constant 1 : i32
            %add3A_948 = vector.broadcast %add3A_947 : i32 to vector<16xi32>
            %add3A_949 = arith.addi %broadcast_in_dim3A_630, %add3A_948 : vector<16xi32>
            %add3A_950 = arith.constant 2 : i32
            %add3A_951 = vector.broadcast %add3A_950 : i32 to vector<16xi32>
            %add3A_952 = arith.addi %broadcast_in_dim3A_630, %add3A_951 : vector<16xi32>
            %gather3A = tpu.vector_load_idx %arg13[%add3A_923, %broadcast_in_dim3A_630] : memref<128x16xf32, #tpu.memory_space<vmem>>[vector<16xi32>, vector<16xi32>], vector<16xf32>,
            %mul3A_953 = arith.mulf %get3A_930, %gather3A : vector<16xf32>
            %gather3A_954 = tpu.vector_load_idx %arg14[%add3A_923, %broadcast_in_dim3A_630] : memref<128x16xf32, #tpu.memory_space<vmem>>[vector<16xi32>, vector<16xi32>], vector<16xf32>,
            %mul3A_955 = arith.mulf %get3A_938, %gather3A_954 : vector<16xf32>
            %add3A_956 = arith.addf %mul3A_953, %mul3A_955 : vector<16xf32>
            %gather3A_957 = tpu.vector_load_idx %arg15[%add3A_923, %broadcast_in_dim3A_630] : memref<128x16xf32, #tpu.memory_space<vmem>>[vector<16xi32>, vector<16xi32>], vector<16xf32>,
            %mul3A_958 = arith.mulf %get3A_946, %gather3A_957 : vector<16xf32>
            %add3A_959 = arith.addf %add3A_956, %mul3A_958 : vector<16xf32>
            %swap3A = arith.constant 0 : i32
            %swap3A_960 = arith.constant 0 : i32
            %swap3A_961 = arith.constant 0 : i32
            %swap3A_962 = tpu.memref_slice %run_scoped3A_30[%rem3A_616, %swap3A_960, %swap3A_961] : memref<2x1x1024xf32, #tpu.memory_space<vmem>> -> memref<1x1x1024xf32, #tpu.memory_space<vmem>>
            %swap3A_963 = tpu.memref_squeeze %swap3A_962 : memref<1x1x1024xf32, #tpu.memory_space<vmem>> -> memref<1x1024xf32, #tpu.memory_space<vmem>>
            %swap3A_964 = arith.index_cast %swap3A : i32 to index
            %swap3A_965 = arith.index_cast %mul3A_919 : i32 to index
            %swap3A_966 = tpu.vector_load %swap3A_963[%swap3A_964, %swap3A_965] {strides = array<i32>} : memref<1x1024xf32, #tpu.memory_space<vmem>>, vector<16xf32>,
            tpu.vector_store %swap3A_963[%swap3A_964, %swap3A_965], %add3A_959 {strides = array<i32>} : memref<1x1024xf32, #tpu.memory_space<vmem>>, vector<16xf32>,
            %gather3A_967 = tpu.vector_load_idx %arg13[%add3A_923, %add3A_949] : memref<128x16xf32, #tpu.memory_space<vmem>>[vector<16xi32>, vector<16xi32>], vector<16xf32>,
            %mul3A_968 = arith.mulf %get3A_930, %gather3A_967 : vector<16xf32>
            %gather3A_969 = tpu.vector_load_idx %arg14[%add3A_923, %add3A_949] : memref<128x16xf32, #tpu.memory_space<vmem>>[vector<16xi32>, vector<16xi32>], vector<16xf32>,
            %mul3A_970 = arith.mulf %get3A_938, %gather3A_969 : vector<16xf32>
            %add3A_971 = arith.addf %mul3A_968, %mul3A_970 : vector<16xf32>
            %gather3A_972 = tpu.vector_load_idx %arg15[%add3A_923, %add3A_949] : memref<128x16xf32, #tpu.memory_space<vmem>>[vector<16xi32>, vector<16xi32>], vector<16xf32>,
            %mul3A_973 = arith.mulf %get3A_946, %gather3A_972 : vector<16xf32>
            %add3A_974 = arith.addf %add3A_971, %mul3A_973 : vector<16xf32>
            %swap3A_975 = arith.constant 0 : i32
            %swap3A_976 = arith.constant 0 : i32
            %swap3A_977 = arith.constant 0 : i32
            %swap3A_978 = tpu.memref_slice %run_scoped3A_32[%rem3A_618, %swap3A_976, %swap3A_977] : memref<2x1x1024xf32, #tpu.memory_space<vmem>> -> memref<1x1x1024xf32, #tpu.memory_space<vmem>>
            %swap3A_979 = tpu.memref_squeeze %swap3A_978 : memref<1x1x1024xf32, #tpu.memory_space<vmem>> -> memref<1x1024xf32, #tpu.memory_space<vmem>>
            %swap3A_980 = arith.index_cast %swap3A_975 : i32 to index
            %swap3A_981 = arith.index_cast %mul3A_919 : i32 to index
            %swap3A_982 = tpu.vector_load %swap3A_979[%swap3A_980, %swap3A_981] {strides = array<i32>} : memref<1x1024xf32, #tpu.memory_space<vmem>>, vector<16xf32>,
            tpu.vector_store %swap3A_979[%swap3A_980, %swap3A_981], %add3A_974 {strides = array<i32>} : memref<1x1024xf32, #tpu.memory_space<vmem>>, vector<16xf32>,
            %gather3A_983 = tpu.vector_load_idx %arg13[%add3A_923, %add3A_952] : memref<128x16xf32, #tpu.memory_space<vmem>>[vector<16xi32>, vector<16xi32>], vector<16xf32>,
            %mul3A_984 = arith.mulf %get3A_930, %gather3A_983 : vector<16xf32>
            %gather3A_985 = tpu.vector_load_idx %arg14[%add3A_923, %add3A_952] : memref<128x16xf32, #tpu.memory_space<vmem>>[vector<16xi32>, vector<16xi32>], vector<16xf32>,
            %mul3A_986 = arith.mulf %get3A_938, %gather3A_985 : vector<16xf32>
            %add3A_987 = arith.addf %mul3A_984, %mul3A_986 : vector<16xf32>
            %gather3A_988 = tpu.vector_load_idx %arg15[%add3A_923, %add3A_952] : memref<128x16xf32, #tpu.memory_space<vmem>>[vector<16xi32>, vector<16xi32>], vector<16xf32>,
            %mul3A_989 = arith.mulf %get3A_946, %gather3A_988 : vector<16xf32>
            %add3A_990 = arith.addf %add3A_987, %mul3A_989 : vector<16xf32>
            %swap3A_991 = arith.constant 0 : i32
            %swap3A_992 = arith.constant 0 : i32
            %swap3A_993 = arith.constant 0 : i32
            %swap3A_994 = tpu.memref_slice %run_scoped3A_34[%rem3A_620, %swap3A_992, %swap3A_993] : memref<2x1x1024xf32, #tpu.memory_space<vmem>> -> memref<1x1x1024xf32, #tpu.memory_space<vmem>>
            %swap3A_995 = tpu.memref_squeeze %swap3A_994 : memref<1x1x1024xf32, #tpu.memory_space<vmem>> -> memref<1x1024xf32, #tpu.memory_space<vmem>>
            %swap3A_996 = arith.index_cast %swap3A_991 : i32 to index
            %swap3A_997 = arith.index_cast %mul3A_919 : i32 to index
            %swap3A_998 = tpu.vector_load %swap3A_995[%swap3A_996, %swap3A_997] {strides = array<i32>} : memref<1x1024xf32, #tpu.memory_space<vmem>>, vector<16xf32>,
            tpu.vector_store %swap3A_995[%swap3A_996, %swap3A_997], %add3A_990 {strides = array<i32>} : memref<1x1024xf32, #tpu.memory_space<vmem>>, vector<16xf32>,
          }
          %scan3A_635 = arith.constant 64 : i32
          "tpu.trace_stop"() : () -> ()
          %ne3A_636 = arith.cmpi ne, %add3A_347, %add3A_365 : i32
          %or3A_637 = arith.constant false
          %or3A_638 = arith.ori %or3A_637, %ne3A_636 : i1
          %or3A_639 = arith.ori %or3A_638, %eq3A_346 : i1
          %convert_element_type3A_640 = arith.extui %or3A_639 : i1 to i32
          %cond3A_641 = arith.constant 0 : i32
          %cond3A_642 = arith.cmpi ne, %convert_element_type3A_640, %cond3A_641 : i32
          scf.if %cond3A_642 {
          } else {
          }
          %and3A_643 = arith.constant false
          %and3A_644 = arith.andi %or3A_639, %and3A_643 : i1
          %ne3A_645 = arith.cmpi ne, %add3A_347, %add3A_365 : i32
          %or3A_646 = arith.constant false
          %or3A_647 = arith.ori %or3A_646, %ne3A_645 : i1
          %or3A_648 = arith.ori %or3A_647, %eq3A_346 : i1
          %convert_element_type3A_649 = arith.extui %or3A_648 : i1 to i32
          %cond3A_650 = arith.constant 0 : i32
          %cond3A_651 = arith.cmpi ne, %convert_element_type3A_649, %cond3A_650 : i32
          scf.if %cond3A_651 {
          } else {
          }
          %and3A_652 = arith.constant false
          %and3A_653 = arith.andi %or3A_648, %and3A_652 : i1
          %ne3A_654 = arith.cmpi ne, %add3A_347, %add3A_365 : i32
          %or3A_655 = arith.constant false
          %or3A_656 = arith.ori %or3A_655, %ne3A_654 : i1
          %or3A_657 = arith.ori %or3A_656, %eq3A_346 : i1
          %convert_element_type3A_658 = arith.extui %or3A_657 : i1 to i32
          %cond3A_659 = arith.constant 0 : i32
          %cond3A_660 = arith.cmpi ne, %convert_element_type3A_658, %cond3A_659 : i32
          scf.if %cond3A_660 {
          } else {
          }
          %and3A_661 = arith.constant false
          %and3A_662 = arith.andi %or3A_657, %and3A_661 : i1
          %ne3A_663 = arith.cmpi ne, %add3A_347, %add3A_365 : i32
          %or3A_664 = arith.constant false
          %or3A_665 = arith.ori %or3A_664, %ne3A_663 : i1
          %or3A_666 = arith.ori %or3A_665, %eq3A_346 : i1
          %convert_element_type3A_667 = arith.extui %or3A_666 : i1 to i32
          %cond3A_668 = arith.constant 0 : i32
          %cond3A_669 = arith.cmpi ne, %convert_element_type3A_667, %cond3A_668 : i32
          scf.if %cond3A_669 {
          } else {
          }
          %and3A_670 = arith.constant false
          %and3A_671 = arith.andi %or3A_666, %and3A_670 : i1
          %ne3A_672 = arith.cmpi ne, %add3A_347, %add3A_365 : i32
          %or3A_673 = arith.constant false
          %or3A_674 = arith.ori %or3A_673, %ne3A_672 : i1
          %or3A_675 = arith.ori %or3A_674, %eq3A_346 : i1
          %convert_element_type3A_676 = arith.extui %or3A_675 : i1 to i32
          %cond3A_677 = arith.constant 0 : i32
          %cond3A_678 = arith.cmpi ne, %convert_element_type3A_676, %cond3A_677 : i32
          scf.if %cond3A_678 {
          } else {
          }
          %and3A_679 = arith.constant false
          %and3A_680 = arith.andi %or3A_675, %and3A_679 : i1
          %ne3A_681 = arith.cmpi ne, %add3A_347, %add3A_365 : i32
          %or3A_682 = arith.constant false
          %or3A_683 = arith.ori %or3A_682, %ne3A_681 : i1
          %or3A_684 = arith.ori %or3A_683, %eq3A_346 : i1
          %convert_element_type3A_685 = arith.extui %or3A_684 : i1 to i32
          %cond3A_686 = arith.constant 0 : i32
          %cond3A_687 = arith.cmpi ne, %convert_element_type3A_685, %cond3A_686 : i32
          scf.if %cond3A_687 {
          } else {
          }
          %and3A_688 = arith.constant false
          %and3A_689 = arith.andi %or3A_684, %and3A_688 : i1
          %ne3A_690 = arith.cmpi ne, %add3A_347, %add3A_365 : i32
          %or3A_691 = arith.constant false
          %or3A_692 = arith.ori %or3A_691, %ne3A_690 : i1
          %or3A_693 = arith.constant false
          %or3A_694 = arith.ori %or3A_692, %or3A_693 : i1
          %or3A_695 = arith.ori %or3A_694, %eq3A_346 : i1
          %convert_element_type3A_696 = arith.extui %or3A_695 : i1 to i32
          %cond3A_697 = arith.constant 0 : i32
          %cond3A_698 = arith.cmpi ne, %convert_element_type3A_696, %cond3A_697 : i32
          scf.if %cond3A_698 {
            "tpu.trace_start"() <{level = 10 : i32, message = "ep_copy_out"}> : () -> ()
            %rem3A_913 = arith.constant 2 : i32
            %rem3A_914 = arith.remui %while3A_331, %rem3A_913 : i32
            %mul3A_915 = arith.constant 128 : i32
            %mul3A_916 = arith.muli %mul3A_915, %add3A_347 : i32
            %dma_start3A_917 = arith.constant 0 : i32
            %dma_start3A_918 = arith.constant 0 : i32
            %dma_start3A_919 = tpu.memref_slice %run_scoped3A_28[%rem3A_914, %dma_start3A_917, %dma_start3A_918] : memref<2x128x16xf32, #tpu.memory_space<vmem>> -> memref<1x128x16xf32, #tpu.memory_space<vmem>>
            %dma_start3A_920 = tpu.memref_squeeze %dma_start3A_919 : memref<1x128x16xf32, #tpu.memory_space<vmem>> -> memref<128x16xf32, #tpu.memory_space<vmem>>
            %dma_start3A_921 = arith.constant 0 : i32
            %dma_start3A_922 = tpu.memref_slice %arg9[%mul3A_916, %dma_start3A_921] : memref<5120x16xf32, #tpu.memory_space<hbm>> -> memref<128x16xf32, #tpu.memory_space<hbm>>
            %dma_start3A_923 = tpu.memref_slice %run_scoped3A_29[%rem3A_914] : memref<2x!tpu.dma_semaphore, #tpu.memory_space<semaphore_mem>> -> memref<1x!tpu.dma_semaphore, #tpu.memory_space<semaphore_mem>>
            %dma_start3A_924 = tpu.memref_squeeze %dma_start3A_923 : memref<1x!tpu.dma_semaphore, #tpu.memory_space<semaphore_mem>> -> memref<!tpu.dma_semaphore, #tpu.memory_space<semaphore_mem>>
            %dma_start3A_925 = arith.constant 0 : i32
            %dma_start3A_926 = tpu.memref_slice %arg9[%mul3A_916, %dma_start3A_925] : memref<5120x16xf32, #tpu.memory_space<hbm>> -> memref<128x16xf32, #tpu.memory_space<hbm>>
            %dma_start3A_927 = arith.constant 0 : i32
            %dma_start3A_928 = arith.constant 0 : i32
            %dma_start3A_929 = tpu.memref_slice %run_scoped3A_28[%rem3A_914, %dma_start3A_927, %dma_start3A_928] : memref<2x128x16xf32, #tpu.memory_space<vmem>> -> memref<1x128x16xf32, #tpu.memory_space<vmem>>
            %dma_start3A_930 = tpu.memref_squeeze %dma_start3A_929 : memref<1x128x16xf32, #tpu.memory_space<vmem>> -> memref<128x16xf32, #tpu.memory_space<vmem>>
            tpu.enqueue_dma source(%dma_start3A_930 : memref<128x16xf32, #tpu.memory_space<vmem>>) target(%dma_start3A_926 : memref<128x16xf32, #tpu.memory_space<hbm>>) target_semaphore(%dma_start3A_924 : memref<!tpu.dma_semaphore, #tpu.memory_space<semaphore_mem>>)
            "tpu.trace_stop"() : () -> ()
          } else {
          }
          %and3A_699 = arith.constant true
          %and3A_700 = arith.andi %or3A_695, %and3A_699 : i1
          %add3A_701 = arith.constant 1 : i32
          %add3A_702 = arith.addi %while3A_331, %add3A_701 : i32
          %select_n3A_703 = arith.select %and3A_700, %add3A_702, %while3A_331 : i32
          %ne3A_704 = arith.cmpi ne, %add3A_347, %add3A_365 : i32
          %or3A_705 = arith.constant false
          %or3A_706 = arith.ori %or3A_705, %ne3A_704 : i1
          %or3A_707 = arith.ori %or3A_706, %eq3A_346 : i1
          %convert_element_type3A_708 = arith.extui %or3A_707 : i1 to i32
          %cond3A_709 = arith.constant 0 : i32
          %cond3A_710 = arith.cmpi ne, %convert_element_type3A_708, %cond3A_709 : i32
          scf.if %cond3A_710 {
            "tpu.trace_start"() <{level = 10 : i32, message = "ep_copy_out"}> : () -> ()
            %rem3A_913 = arith.constant 2 : i32
            %rem3A_914 = arith.remui %while3A_333, %rem3A_913 : i32
            %mul3A_915 = arith.constant 1024 : i32
            %mul3A_916 = arith.muli %mul3A_915, %add3A_347 : i32
            %dma_start3A_917 = arith.constant 0 : i32
            %dma_start3A_918 = arith.constant 0 : i32
            %dma_start3A_919 = tpu.memref_slice %run_scoped3A_30[%rem3A_914, %dma_start3A_917, %dma_start3A_918] : memref<2x1x1024xf32, #tpu.memory_space<vmem>> -> memref<1x1x1024xf32, #tpu.memory_space<vmem>>
            %dma_start3A_920 = tpu.memref_squeeze %dma_start3A_919 : memref<1x1x1024xf32, #tpu.memory_space<vmem>> -> memref<1x1024xf32, #tpu.memory_space<vmem>>
            %dma_start3A_921 = arith.constant 0 : i32
            %dma_start3A_922 = tpu.memref_slice %arg10[%dma_start3A_921, %mul3A_916] : memref<1x40960xf32, #tpu.memory_space<hbm>> -> memref<1x1024xf32, #tpu.memory_space<hbm>>
            %dma_start3A_923 = tpu.memref_slice %run_scoped3A_31[%rem3A_914] : memref<2x!tpu.dma_semaphore, #tpu.memory_space<semaphore_mem>> -> memref<1x!tpu.dma_semaphore, #tpu.memory_space<semaphore_mem>>
            %dma_start3A_924 = tpu.memref_squeeze %dma_start3A_923 : memref<1x!tpu.dma_semaphore, #tpu.memory_space<semaphore_mem>> -> memref<!tpu.dma_semaphore, #tpu.memory_space<semaphore_mem>>
            %dma_start3A_925 = arith.constant 0 : i32
            %dma_start3A_926 = tpu.memref_slice %arg10[%dma_start3A_925, %mul3A_916] : memref<1x40960xf32, #tpu.memory_space<hbm>> -> memref<1x1024xf32, #tpu.memory_space<hbm>>
            %dma_start3A_927 = arith.constant 0 : i32
            %dma_start3A_928 = arith.constant 0 : i32
            %dma_start3A_929 = tpu.memref_slice %run_scoped3A_30[%rem3A_914, %dma_start3A_927, %dma_start3A_928] : memref<2x1x1024xf32, #tpu.memory_space<vmem>> -> memref<1x1x1024xf32, #tpu.memory_space<vmem>>
            %dma_start3A_930 = tpu.memref_squeeze %dma_start3A_929 : memref<1x1x1024xf32, #tpu.memory_space<vmem>> -> memref<1x1024xf32, #tpu.memory_space<vmem>>
            tpu.enqueue_dma source(%dma_start3A_930 : memref<1x1024xf32, #tpu.memory_space<vmem>>) target(%dma_start3A_926 : memref<1x1024xf32, #tpu.memory_space<hbm>>) target_semaphore(%dma_start3A_924 : memref<!tpu.dma_semaphore, #tpu.memory_space<semaphore_mem>>)
            "tpu.trace_stop"() : () -> ()
          } else {
          }
          %and3A_711 = arith.constant true
          %and3A_712 = arith.andi %or3A_707, %and3A_711 : i1
          %add3A_713 = arith.constant 1 : i32
          %add3A_714 = arith.addi %while3A_333, %add3A_713 : i32
          %select_n3A_715 = arith.select %and3A_712, %add3A_714, %while3A_333 : i32
          %ne3A_716 = arith.cmpi ne, %add3A_347, %add3A_365 : i32
          %or3A_717 = arith.constant false
          %or3A_718 = arith.ori %or3A_717, %ne3A_716 : i1
          %or3A_719 = arith.ori %or3A_718, %eq3A_346 : i1
          %convert_element_type3A_720 = arith.extui %or3A_719 : i1 to i32
          %cond3A_721 = arith.constant 0 : i32
          %cond3A_722 = arith.cmpi ne, %convert_element_type3A_720, %cond3A_721 : i32
          scf.if %cond3A_722 {
            "tpu.trace_start"() <{level = 10 : i32, message = "ep_copy_out"}> : () -> ()
            %rem3A_913 = arith.constant 2 : i32
            %rem3A_914 = arith.remui %while3A_335, %rem3A_913 : i32
            %mul3A_915 = arith.constant 1024 : i32
            %mul3A_916 = arith.muli %mul3A_915, %add3A_347 : i32
            %dma_start3A_917 = arith.constant 0 : i32
            %dma_start3A_918 = arith.constant 0 : i32
            %dma_start3A_919 = tpu.memref_slice %run_scoped3A_32[%rem3A_914, %dma_start3A_917, %dma_start3A_918] : memref<2x1x1024xf32, #tpu.memory_space<vmem>> -> memref<1x1x1024xf32, #tpu.memory_space<vmem>>
            %dma_start3A_920 = tpu.memref_squeeze %dma_start3A_919 : memref<1x1x1024xf32, #tpu.memory_space<vmem>> -> memref<1x1024xf32, #tpu.memory_space<vmem>>
            %dma_start3A_921 = arith.constant 0 : i32
            %dma_start3A_922 = tpu.memref_slice %arg11[%dma_start3A_921, %mul3A_916] : memref<1x40960xf32, #tpu.memory_space<hbm>> -> memref<1x1024xf32, #tpu.memory_space<hbm>>
            %dma_start3A_923 = tpu.memref_slice %run_scoped3A_33[%rem3A_914] : memref<2x!tpu.dma_semaphore, #tpu.memory_space<semaphore_mem>> -> memref<1x!tpu.dma_semaphore, #tpu.memory_space<semaphore_mem>>
            %dma_start3A_924 = tpu.memref_squeeze %dma_start3A_923 : memref<1x!tpu.dma_semaphore, #tpu.memory_space<semaphore_mem>> -> memref<!tpu.dma_semaphore, #tpu.memory_space<semaphore_mem>>
            %dma_start3A_925 = arith.constant 0 : i32
            %dma_start3A_926 = tpu.memref_slice %arg11[%dma_start3A_925, %mul3A_916] : memref<1x40960xf32, #tpu.memory_space<hbm>> -> memref<1x1024xf32, #tpu.memory_space<hbm>>
            %dma_start3A_927 = arith.constant 0 : i32
            %dma_start3A_928 = arith.constant 0 : i32
            %dma_start3A_929 = tpu.memref_slice %run_scoped3A_32[%rem3A_914, %dma_start3A_927, %dma_start3A_928] : memref<2x1x1024xf32, #tpu.memory_space<vmem>> -> memref<1x1x1024xf32, #tpu.memory_space<vmem>>
            %dma_start3A_930 = tpu.memref_squeeze %dma_start3A_929 : memref<1x1x1024xf32, #tpu.memory_space<vmem>> -> memref<1x1024xf32, #tpu.memory_space<vmem>>
            tpu.enqueue_dma source(%dma_start3A_930 : memref<1x1024xf32, #tpu.memory_space<vmem>>) target(%dma_start3A_926 : memref<1x1024xf32, #tpu.memory_space<hbm>>) target_semaphore(%dma_start3A_924 : memref<!tpu.dma_semaphore, #tpu.memory_space<semaphore_mem>>)
            "tpu.trace_stop"() : () -> ()
          } else {
          }
          %and3A_723 = arith.constant true
          %and3A_724 = arith.andi %or3A_719, %and3A_723 : i1
          %add3A_725 = arith.constant 1 : i32
          %add3A_726 = arith.addi %while3A_335, %add3A_725 : i32
          %select_n3A_727 = arith.select %and3A_724, %add3A_726, %while3A_335 : i32
          %ne3A_728 = arith.cmpi ne, %add3A_347, %add3A_365 : i32
          %or3A_729 = arith.constant false
          %or3A_730 = arith.ori %or3A_729, %ne3A_728 : i1
          %or3A_731 = arith.ori %or3A_730, %eq3A_346 : i1
          %convert_element_type3A_732 = arith.extui %or3A_731 : i1 to i32
          %cond3A_733 = arith.constant 0 : i32
          %cond3A_734 = arith.cmpi ne, %convert_element_type3A_732, %cond3A_733 : i32
          scf.if %cond3A_734 {
            "tpu.trace_start"() <{level = 10 : i32, message = "ep_copy_out"}> : () -> ()
            %rem3A_913 = arith.constant 2 : i32
            %rem3A_914 = arith.remui %while3A_337, %rem3A_913 : i32
            %mul3A_915 = arith.constant 1024 : i32
            %mul3A_916 = arith.muli %mul3A_915, %add3A_347 : i32
            %dma_start3A_917 = arith.constant 0 : i32
            %dma_start3A_918 = arith.constant 0 : i32
            %dma_start3A_919 = tpu.memref_slice %run_scoped3A_34[%rem3A_914, %dma_start3A_917, %dma_start3A_918] : memref<2x1x1024xf32, #tpu.memory_space<vmem>> -> memref<1x1x1024xf32, #tpu.memory_space<vmem>>
            %dma_start3A_920 = tpu.memref_squeeze %dma_start3A_919 : memref<1x1x1024xf32, #tpu.memory_space<vmem>> -> memref<1x1024xf32, #tpu.memory_space<vmem>>
            %dma_start3A_921 = arith.constant 0 : i32
            %dma_start3A_922 = tpu.memref_slice %arg12[%dma_start3A_921, %mul3A_916] : memref<1x40960xf32, #tpu.memory_space<hbm>> -> memref<1x1024xf32, #tpu.memory_space<hbm>>
            %dma_start3A_923 = tpu.memref_slice %run_scoped3A_35[%rem3A_914] : memref<2x!tpu.dma_semaphore, #tpu.memory_space<semaphore_mem>> -> memref<1x!tpu.dma_semaphore, #tpu.memory_space<semaphore_mem>>
            %dma_start3A_924 = tpu.memref_squeeze %dma_start3A_923 : memref<1x!tpu.dma_semaphore, #tpu.memory_space<semaphore_mem>> -> memref<!tpu.dma_semaphore, #tpu.memory_space<semaphore_mem>>
            %dma_start3A_925 = arith.constant 0 : i32
            %dma_start3A_926 = tpu.memref_slice %arg12[%dma_start3A_925, %mul3A_916] : memref<1x40960xf32, #tpu.memory_space<hbm>> -> memref<1x1024xf32, #tpu.memory_space<hbm>>
            %dma_start3A_927 = arith.constant 0 : i32
            %dma_start3A_928 = arith.constant 0 : i32
            %dma_start3A_929 = tpu.memref_slice %run_scoped3A_34[%rem3A_914, %dma_start3A_927, %dma_start3A_928] : memref<2x1x1024xf32, #tpu.memory_space<vmem>> -> memref<1x1x1024xf32, #tpu.memory_space<vmem>>
            %dma_start3A_930 = tpu.memref_squeeze %dma_start3A_929 : memref<1x1x1024xf32, #tpu.memory_space<vmem>> -> memref<1x1024xf32, #tpu.memory_space<vmem>>
            tpu.enqueue_dma source(%dma_start3A_930 : memref<1x1024xf32, #tpu.memory_space<vmem>>) target(%dma_start3A_926 : memref<1x1024xf32, #tpu.memory_space<hbm>>) target_semaphore(%dma_start3A_924 : memref<!tpu.dma_semaphore, #tpu.memory_space<semaphore_mem>>)
            "tpu.trace_stop"() : () -> ()
          } else {
          }
          %and3A_735 = arith.constant true
          %and3A_736 = arith.andi %or3A_731, %and3A_735 : i1
          %add3A_737 = arith.constant 1 : i32
          %add3A_738 = arith.addi %while3A_337, %add3A_737 : i32
          %select_n3A_739 = arith.select %and3A_736, %add3A_738, %while3A_337 : i32
          %ne3A_740 = arith.cmpi ne, %add3A_347, %add3A_357 : i32
          %or3A_741 = arith.constant false
          %or3A_742 = arith.ori %or3A_741, %ne3A_740 : i1
          %not3A_743 = arith.constant true
          %not3A_744 = arith.xori %eq3A_343, %not3A_743 : i1
          %and3A_745 = arith.andi %or3A_742, %not3A_744 : i1
          %convert_element_type3A_746 = arith.extui %and3A_745 : i1 to i32
          %cond3A_747 = arith.constant 0 : i32
          %cond3A_748 = arith.cmpi ne, %convert_element_type3A_746, %cond3A_747 : i32
          scf.if %cond3A_748 {
          } else {
          }
          %and3A_749 = arith.constant false
          %and3A_750 = arith.andi %and3A_745, %and3A_749 : i1
          %ne3A_751 = arith.cmpi ne, %add3A_347, %add3A_357 : i32
          %or3A_752 = arith.constant false
          %or3A_753 = arith.ori %or3A_752, %ne3A_751 : i1
          %not3A_754 = arith.constant true
          %not3A_755 = arith.xori %eq3A_343, %not3A_754 : i1
          %and3A_756 = arith.andi %or3A_753, %not3A_755 : i1
          %convert_element_type3A_757 = arith.extui %and3A_756 : i1 to i32
          %cond3A_758 = arith.constant 0 : i32
          %cond3A_759 = arith.cmpi ne, %convert_element_type3A_757, %cond3A_758 : i32
          scf.if %cond3A_759 {
          } else {
          }
          %and3A_760 = arith.constant false
          %and3A_761 = arith.andi %and3A_756, %and3A_760 : i1
          %ne3A_762 = arith.cmpi ne, %add3A_347, %add3A_357 : i32
          %or3A_763 = arith.constant false
          %or3A_764 = arith.ori %or3A_763, %ne3A_762 : i1
          %not3A_765 = arith.constant true
          %not3A_766 = arith.xori %eq3A_343, %not3A_765 : i1
          %and3A_767 = arith.andi %or3A_764, %not3A_766 : i1
          %convert_element_type3A_768 = arith.extui %and3A_767 : i1 to i32
          %cond3A_769 = arith.constant 0 : i32
          %cond3A_770 = arith.cmpi ne, %convert_element_type3A_768, %cond3A_769 : i32
          scf.if %cond3A_770 {
          } else {
          }
          %and3A_771 = arith.constant false
          %and3A_772 = arith.andi %and3A_767, %and3A_771 : i1
          %ne3A_773 = arith.cmpi ne, %add3A_347, %add3A_357 : i32
          %or3A_774 = arith.constant false
          %or3A_775 = arith.ori %or3A_774, %ne3A_773 : i1
          %not3A_776 = arith.constant true
          %not3A_777 = arith.xori %eq3A_343, %not3A_776 : i1
          %and3A_778 = arith.andi %or3A_775, %not3A_777 : i1
          %convert_element_type3A_779 = arith.extui %and3A_778 : i1 to i32
          %cond3A_780 = arith.constant 0 : i32
          %cond3A_781 = arith.cmpi ne, %convert_element_type3A_779, %cond3A_780 : i32
          scf.if %cond3A_781 {
          } else {
          }
          %and3A_782 = arith.constant false
          %and3A_783 = arith.andi %and3A_778, %and3A_782 : i1
          %ne3A_784 = arith.cmpi ne, %add3A_347, %add3A_357 : i32
          %or3A_785 = arith.constant false
          %or3A_786 = arith.ori %or3A_785, %ne3A_784 : i1
          %not3A_787 = arith.constant true
          %not3A_788 = arith.xori %eq3A_343, %not3A_787 : i1
          %and3A_789 = arith.andi %or3A_786, %not3A_788 : i1
          %convert_element_type3A_790 = arith.extui %and3A_789 : i1 to i32
          %cond3A_791 = arith.constant 0 : i32
          %cond3A_792 = arith.cmpi ne, %convert_element_type3A_790, %cond3A_791 : i32
          scf.if %cond3A_792 {
          } else {
          }
          %and3A_793 = arith.constant false
          %and3A_794 = arith.andi %and3A_789, %and3A_793 : i1
          %ne3A_795 = arith.cmpi ne, %add3A_347, %add3A_357 : i32
          %or3A_796 = arith.constant false
          %or3A_797 = arith.ori %or3A_796, %ne3A_795 : i1
          %not3A_798 = arith.constant true
          %not3A_799 = arith.xori %eq3A_343, %not3A_798 : i1
          %and3A_800 = arith.andi %or3A_797, %not3A_799 : i1
          %convert_element_type3A_801 = arith.extui %and3A_800 : i1 to i32
          %cond3A_802 = arith.constant 0 : i32
          %cond3A_803 = arith.cmpi ne, %convert_element_type3A_801, %cond3A_802 : i32
          scf.if %cond3A_803 {
          } else {
          }
          %and3A_804 = arith.constant false
          %and3A_805 = arith.andi %and3A_800, %and3A_804 : i1
          %ne3A_806 = arith.cmpi ne, %add3A_347, %add3A_357 : i32
          %or3A_807 = arith.constant false
          %or3A_808 = arith.ori %or3A_807, %ne3A_806 : i1
          %or3A_809 = arith.constant false
          %or3A_810 = arith.ori %or3A_808, %or3A_809 : i1
          %not3A_811 = arith.constant true
          %not3A_812 = arith.xori %eq3A_343, %not3A_811 : i1
          %and3A_813 = arith.andi %or3A_810, %not3A_812 : i1
          %convert_element_type3A_814 = arith.extui %and3A_813 : i1 to i32
          %cond3A_815 = arith.constant 0 : i32
          %cond3A_816 = arith.cmpi ne, %convert_element_type3A_814, %cond3A_815 : i32
          scf.if %cond3A_816 {
            "tpu.trace_start"() <{level = 10 : i32, message = "ep_wait_out"}> : () -> ()
            %rem3A_913 = arith.constant 2 : i32
            %rem3A_914 = arith.remui %while3A_332, %rem3A_913 : i32
            %mul3A_915 = arith.constant 128 : i32
            %mul3A_916 = arith.muli %mul3A_915, %add3A_357 : i32
            %dma_wait3A = arith.constant 0 : i32
            %dma_wait3A_917 = arith.constant 0 : i32
            %dma_wait3A_918 = tpu.memref_slice %run_scoped3A_28[%rem3A_914, %dma_wait3A, %dma_wait3A_917] : memref<2x128x16xf32, #tpu.memory_space<vmem>> -> memref<1x128x16xf32, #tpu.memory_space<vmem>>
            %dma_wait3A_919 = tpu.memref_squeeze %dma_wait3A_918 : memref<1x128x16xf32, #tpu.memory_space<vmem>> -> memref<128x16xf32, #tpu.memory_space<vmem>>
            %dma_wait3A_920 = arith.constant 0 : i32
            %dma_wait3A_921 = tpu.memref_slice %arg9[%mul3A_916, %dma_wait3A_920] : memref<5120x16xf32, #tpu.memory_space<hbm>> -> memref<128x16xf32, #tpu.memory_space<hbm>>
            %dma_wait3A_922 = tpu.memref_slice %run_scoped3A_29[%rem3A_914] : memref<2x!tpu.dma_semaphore, #tpu.memory_space<semaphore_mem>> -> memref<1x!tpu.dma_semaphore, #tpu.memory_space<semaphore_mem>>
            %dma_wait3A_923 = tpu.memref_squeeze %dma_wait3A_922 : memref<1x!tpu.dma_semaphore, #tpu.memory_space<semaphore_mem>> -> memref<!tpu.dma_semaphore, #tpu.memory_space<semaphore_mem>>
            %dma_wait3A_924 = arith.constant 0 : i32
            %dma_wait3A_925 = tpu.memref_slice %arg9[%mul3A_916, %dma_wait3A_924] : memref<5120x16xf32, #tpu.memory_space<hbm>> -> memref<128x16xf32, #tpu.memory_space<hbm>>
            %dma_wait3A_926 = arith.constant 0 : i32
            %dma_wait3A_927 = arith.constant 0 : i32
            %dma_wait3A_928 = tpu.memref_slice %run_scoped3A_28[%rem3A_914, %dma_wait3A_926, %dma_wait3A_927] : memref<2x128x16xf32, #tpu.memory_space<vmem>> -> memref<1x128x16xf32, #tpu.memory_space<vmem>>
            %dma_wait3A_929 = tpu.memref_squeeze %dma_wait3A_928 : memref<1x128x16xf32, #tpu.memory_space<vmem>> -> memref<128x16xf32, #tpu.memory_space<vmem>>
            tpu.wait_dma2 semaphore(%dma_wait3A_923 : memref<!tpu.dma_semaphore, #tpu.memory_space<semaphore_mem>>) src(%dma_wait3A_929 : memref<128x16xf32, #tpu.memory_space<vmem>>) dst(%dma_wait3A_925 : memref<128x16xf32, #tpu.memory_space<hbm>>)
            "tpu.trace_stop"() : () -> ()
          } else {
          }
          %and3A_817 = arith.constant true
          %and3A_818 = arith.andi %and3A_813, %and3A_817 : i1
          %add3A_819 = arith.constant 1 : i32
          %add3A_820 = arith.addi %while3A_332, %add3A_819 : i32
          %select_n3A_821 = arith.select %and3A_818, %add3A_820, %while3A_332 : i32
          %ne3A_822 = arith.cmpi ne, %add3A_347, %add3A_357 : i32
          %or3A_823 = arith.constant false
          %or3A_824 = arith.ori %or3A_823, %ne3A_822 : i1
          %not3A_825 = arith.constant true
          %not3A_826 = arith.xori %eq3A_343, %not3A_825 : i1
          %and3A_827 = arith.andi %or3A_824, %not3A_826 : i1
          %convert_element_type3A_828 = arith.extui %and3A_827 : i1 to i32
          %cond3A_829 = arith.constant 0 : i32
          %cond3A_830 = arith.cmpi ne, %convert_element_type3A_828, %cond3A_829 : i32
          scf.if %cond3A_830 {
            "tpu.trace_start"() <{level = 10 : i32, message = "ep_wait_out"}> : () -> ()
            %rem3A_913 = arith.constant 2 : i32
            %rem3A_914 = arith.remui %while3A_334, %rem3A_913 : i32
            %mul3A_915 = arith.constant 1024 : i32
            %mul3A_916 = arith.muli %mul3A_915, %add3A_357 : i32
            %dma_wait3A = arith.constant 0 : i32
            %dma_wait3A_917 = arith.constant 0 : i32
            %dma_wait3A_918 = tpu.memref_slice %run_scoped3A_30[%rem3A_914, %dma_wait3A, %dma_wait3A_917] : memref<2x1x1024xf32, #tpu.memory_space<vmem>> -> memref<1x1x1024xf32, #tpu.memory_space<vmem>>
            %dma_wait3A_919 = tpu.memref_squeeze %dma_wait3A_918 : memref<1x1x1024xf32, #tpu.memory_space<vmem>> -> memref<1x1024xf32, #tpu.memory_space<vmem>>
            %dma_wait3A_920 = arith.constant 0 : i32
            %dma_wait3A_921 = tpu.memref_slice %arg10[%dma_wait3A_920, %mul3A_916] : memref<1x40960xf32, #tpu.memory_space<hbm>> -> memref<1x1024xf32, #tpu.memory_space<hbm>>
            %dma_wait3A_922 = tpu.memref_slice %run_scoped3A_31[%rem3A_914] : memref<2x!tpu.dma_semaphore, #tpu.memory_space<semaphore_mem>> -> memref<1x!tpu.dma_semaphore, #tpu.memory_space<semaphore_mem>>
            %dma_wait3A_923 = tpu.memref_squeeze %dma_wait3A_922 : memref<1x!tpu.dma_semaphore, #tpu.memory_space<semaphore_mem>> -> memref<!tpu.dma_semaphore, #tpu.memory_space<semaphore_mem>>
            %dma_wait3A_924 = arith.constant 0 : i32
            %dma_wait3A_925 = tpu.memref_slice %arg10[%dma_wait3A_924, %mul3A_916] : memref<1x40960xf32, #tpu.memory_space<hbm>> -> memref<1x1024xf32, #tpu.memory_space<hbm>>
            %dma_wait3A_926 = arith.constant 0 : i32
            %dma_wait3A_927 = arith.constant 0 : i32
            %dma_wait3A_928 = tpu.memref_slice %run_scoped3A_30[%rem3A_914, %dma_wait3A_926, %dma_wait3A_927] : memref<2x1x1024xf32, #tpu.memory_space<vmem>> -> memref<1x1x1024xf32, #tpu.memory_space<vmem>>
            %dma_wait3A_929 = tpu.memref_squeeze %dma_wait3A_928 : memref<1x1x1024xf32, #tpu.memory_space<vmem>> -> memref<1x1024xf32, #tpu.memory_space<vmem>>
            tpu.wait_dma2 semaphore(%dma_wait3A_923 : memref<!tpu.dma_semaphore, #tpu.memory_space<semaphore_mem>>) src(%dma_wait3A_929 : memref<1x1024xf32, #tpu.memory_space<vmem>>) dst(%dma_wait3A_925 : memref<1x1024xf32, #tpu.memory_space<hbm>>)
            "tpu.trace_stop"() : () -> ()
          } else {
          }
          %and3A_831 = arith.constant true
          %and3A_832 = arith.andi %and3A_827, %and3A_831 : i1
          %add3A_833 = arith.constant 1 : i32
          %add3A_834 = arith.addi %while3A_334, %add3A_833 : i32
          %select_n3A_835 = arith.select %and3A_832, %add3A_834, %while3A_334 : i32
          %ne3A_836 = arith.cmpi ne, %add3A_347, %add3A_357 : i32
          %or3A_837 = arith.constant false
          %or3A_838 = arith.ori %or3A_837, %ne3A_836 : i1
          %not3A_839 = arith.constant true
          %not3A_840 = arith.xori %eq3A_343, %not3A_839 : i1
          %and3A_841 = arith.andi %or3A_838, %not3A_840 : i1
          %convert_element_type3A_842 = arith.extui %and3A_841 : i1 to i32
          %cond3A_843 = arith.constant 0 : i32
          %cond3A_844 = arith.cmpi ne, %convert_element_type3A_842, %cond3A_843 : i32
          scf.if %cond3A_844 {
            "tpu.trace_start"() <{level = 10 : i32, message = "ep_wait_out"}> : () -> ()
            %rem3A_913 = arith.constant 2 : i32
            %rem3A_914 = arith.remui %while3A_336, %rem3A_913 : i32
            %mul3A_915 = arith.constant 1024 : i32
            %mul3A_916 = arith.muli %mul3A_915, %add3A_357 : i32
            %dma_wait3A = arith.constant 0 : i32
            %dma_wait3A_917 = arith.constant 0 : i32
            %dma_wait3A_918 = tpu.memref_slice %run_scoped3A_32[%rem3A_914, %dma_wait3A, %dma_wait3A_917] : memref<2x1x1024xf32, #tpu.memory_space<vmem>> -> memref<1x1x1024xf32, #tpu.memory_space<vmem>>
            %dma_wait3A_919 = tpu.memref_squeeze %dma_wait3A_918 : memref<1x1x1024xf32, #tpu.memory_space<vmem>> -> memref<1x1024xf32, #tpu.memory_space<vmem>>
            %dma_wait3A_920 = arith.constant 0 : i32
            %dma_wait3A_921 = tpu.memref_slice %arg11[%dma_wait3A_920, %mul3A_916] : memref<1x40960xf32, #tpu.memory_space<hbm>> -> memref<1x1024xf32, #tpu.memory_space<hbm>>
            %dma_wait3A_922 = tpu.memref_slice %run_scoped3A_33[%rem3A_914] : memref<2x!tpu.dma_semaphore, #tpu.memory_space<semaphore_mem>> -> memref<1x!tpu.dma_semaphore, #tpu.memory_space<semaphore_mem>>
            %dma_wait3A_923 = tpu.memref_squeeze %dma_wait3A_922 : memref<1x!tpu.dma_semaphore, #tpu.memory_space<semaphore_mem>> -> memref<!tpu.dma_semaphore, #tpu.memory_space<semaphore_mem>>
            %dma_wait3A_924 = arith.constant 0 : i32
            %dma_wait3A_925 = tpu.memref_slice %arg11[%dma_wait3A_924, %mul3A_916] : memref<1x40960xf32, #tpu.memory_space<hbm>> -> memref<1x1024xf32, #tpu.memory_space<hbm>>
            %dma_wait3A_926 = arith.constant 0 : i32
            %dma_wait3A_927 = arith.constant 0 : i32
            %dma_wait3A_928 = tpu.memref_slice %run_scoped3A_32[%rem3A_914, %dma_wait3A_926, %dma_wait3A_927] : memref<2x1x1024xf32, #tpu.memory_space<vmem>> -> memref<1x1x1024xf32, #tpu.memory_space<vmem>>
            %dma_wait3A_929 = tpu.memref_squeeze %dma_wait3A_928 : memref<1x1x1024xf32, #tpu.memory_space<vmem>> -> memref<1x1024xf32, #tpu.memory_space<vmem>>
            tpu.wait_dma2 semaphore(%dma_wait3A_923 : memref<!tpu.dma_semaphore, #tpu.memory_space<semaphore_mem>>) src(%dma_wait3A_929 : memref<1x1024xf32, #tpu.memory_space<vmem>>) dst(%dma_wait3A_925 : memref<1x1024xf32, #tpu.memory_space<hbm>>)
            "tpu.trace_stop"() : () -> ()
          } else {
          }
          %and3A_845 = arith.constant true
          %and3A_846 = arith.andi %and3A_841, %and3A_845 : i1
          %add3A_847 = arith.constant 1 : i32
          %add3A_848 = arith.addi %while3A_336, %add3A_847 : i32
          %select_n3A_849 = arith.select %and3A_846, %add3A_848, %while3A_336 : i32
          %ne3A_850 = arith.cmpi ne, %add3A_347, %add3A_357 : i32
          %or3A_851 = arith.constant false
          %or3A_852 = arith.ori %or3A_851, %ne3A_850 : i1
          %not3A_853 = arith.constant true
          %not3A_854 = arith.xori %eq3A_343, %not3A_853 : i1
          %and3A_855 = arith.andi %or3A_852, %not3A_854 : i1
          %convert_element_type3A_856 = arith.extui %and3A_855 : i1 to i32
          %cond3A_857 = arith.constant 0 : i32
          %cond3A_858 = arith.cmpi ne, %convert_element_type3A_856, %cond3A_857 : i32
          scf.if %cond3A_858 {
            "tpu.trace_start"() <{level = 10 : i32, message = "ep_wait_out"}> : () -> ()
            %rem3A_913 = arith.constant 2 : i32
            %rem3A_914 = arith.remui %while3A_338, %rem3A_913 : i32
            %mul3A_915 = arith.constant 1024 : i32
            %mul3A_916 = arith.muli %mul3A_915, %add3A_357 : i32
            %dma_wait3A = arith.constant 0 : i32
            %dma_wait3A_917 = arith.constant 0 : i32
            %dma_wait3A_918 = tpu.memref_slice %run_scoped3A_34[%rem3A_914, %dma_wait3A, %dma_wait3A_917] : memref<2x1x1024xf32, #tpu.memory_space<vmem>> -> memref<1x1x1024xf32, #tpu.memory_space<vmem>>
            %dma_wait3A_919 = tpu.memref_squeeze %dma_wait3A_918 : memref<1x1x1024xf32, #tpu.memory_space<vmem>> -> memref<1x1024xf32, #tpu.memory_space<vmem>>
            %dma_wait3A_920 = arith.constant 0 : i32
            %dma_wait3A_921 = tpu.memref_slice %arg12[%dma_wait3A_920, %mul3A_916] : memref<1x40960xf32, #tpu.memory_space<hbm>> -> memref<1x1024xf32, #tpu.memory_space<hbm>>
            %dma_wait3A_922 = tpu.memref_slice %run_scoped3A_35[%rem3A_914] : memref<2x!tpu.dma_semaphore, #tpu.memory_space<semaphore_mem>> -> memref<1x!tpu.dma_semaphore, #tpu.memory_space<semaphore_mem>>
            %dma_wait3A_923 = tpu.memref_squeeze %dma_wait3A_922 : memref<1x!tpu.dma_semaphore, #tpu.memory_space<semaphore_mem>> -> memref<!tpu.dma_semaphore, #tpu.memory_space<semaphore_mem>>
            %dma_wait3A_924 = arith.constant 0 : i32
            %dma_wait3A_925 = tpu.memref_slice %arg12[%dma_wait3A_924, %mul3A_916] : memref<1x40960xf32, #tpu.memory_space<hbm>> -> memref<1x1024xf32, #tpu.memory_space<hbm>>
            %dma_wait3A_926 = arith.constant 0 : i32
            %dma_wait3A_927 = arith.constant 0 : i32
            %dma_wait3A_928 = tpu.memref_slice %run_scoped3A_34[%rem3A_914, %dma_wait3A_926, %dma_wait3A_927] : memref<2x1x1024xf32, #tpu.memory_space<vmem>> -> memref<1x1x1024xf32, #tpu.memory_space<vmem>>
            %dma_wait3A_929 = tpu.memref_squeeze %dma_wait3A_928 : memref<1x1x1024xf32, #tpu.memory_space<vmem>> -> memref<1x1024xf32, #tpu.memory_space<vmem>>
            tpu.wait_dma2 semaphore(%dma_wait3A_923 : memref<!tpu.dma_semaphore, #tpu.memory_space<semaphore_mem>>) src(%dma_wait3A_929 : memref<1x1024xf32, #tpu.memory_space<vmem>>) dst(%dma_wait3A_925 : memref<1x1024xf32, #tpu.memory_space<hbm>>)
            "tpu.trace_stop"() : () -> ()
          } else {
          }
          %and3A_859 = arith.constant true
          %and3A_860 = arith.andi %and3A_855, %and3A_859 : i1
          %add3A_861 = arith.constant 1 : i32
          %add3A_862 = arith.addi %while3A_338, %add3A_861 : i32
          %select_n3A_863 = arith.select %and3A_860, %add3A_862, %while3A_338 : i32
          %ne3A_864 = arith.cmpi ne, %add3A_347, %add3A_365 : i32
          %or3A_865 = arith.constant false
          %or3A_866 = arith.ori %or3A_865, %ne3A_864 : i1
          %or3A_867 = arith.ori %or3A_866, %eq3A_346 : i1
          %add3A_868 = arith.constant 1 : i32
          %add3A_869 = arith.addi %while3A_320, %add3A_868 : i32
          %select_n3A_870 = arith.select %or3A_867, %add3A_869, %while3A_320 : i32
          %ne3A_871 = arith.cmpi ne, %add3A_347, %add3A_365 : i32
          %or3A_872 = arith.constant false
          %or3A_873 = arith.ori %or3A_872, %ne3A_871 : i1
          %or3A_874 = arith.ori %or3A_873, %eq3A_346 : i1
          %add3A_875 = arith.constant 1 : i32
          %add3A_876 = arith.addi %while3A_322, %add3A_875 : i32
          %select_n3A_877 = arith.select %or3A_874, %add3A_876, %while3A_322 : i32
          %ne3A_878 = arith.cmpi ne, %add3A_347, %add3A_365 : i32
          %or3A_879 = arith.constant false
          %or3A_880 = arith.ori %or3A_879, %ne3A_878 : i1
          %or3A_881 = arith.ori %or3A_880, %eq3A_346 : i1
          %add3A_882 = arith.constant 1 : i32
          %add3A_883 = arith.addi %while3A_324, %add3A_882 : i32
          %select_n3A_884 = arith.select %or3A_881, %add3A_883, %while3A_324 : i32
          %ne3A_885 = arith.cmpi ne, %add3A_347, %add3A_365 : i32
          %or3A_886 = arith.constant false
          %or3A_887 = arith.ori %or3A_886, %ne3A_885 : i1
          %or3A_888 = arith.ori %or3A_887, %eq3A_346 : i1
          %add3A_889 = arith.constant 1 : i32
          %add3A_890 = arith.addi %while3A_326, %add3A_889 : i32
          %select_n3A_891 = arith.select %or3A_888, %add3A_890, %while3A_326 : i32
          %ne3A_892 = arith.cmpi ne, %add3A_347, %add3A_365 : i32
          %or3A_893 = arith.constant false
          %or3A_894 = arith.ori %or3A_893, %ne3A_892 : i1
          %or3A_895 = arith.ori %or3A_894, %eq3A_346 : i1
          %add3A_896 = arith.constant 1 : i32
          %add3A_897 = arith.addi %while3A_328, %add3A_896 : i32
          %select_n3A_898 = arith.select %or3A_895, %add3A_897, %while3A_328 : i32
          %ne3A_899 = arith.cmpi ne, %add3A_347, %add3A_365 : i32
          %or3A_900 = arith.constant false
          %or3A_901 = arith.ori %or3A_900, %ne3A_899 : i1
          %or3A_902 = arith.ori %or3A_901, %eq3A_346 : i1
          %add3A_903 = arith.constant 1 : i32
          %add3A_904 = arith.addi %while3A_330, %add3A_903 : i32
          %select_n3A_905 = arith.select %or3A_902, %add3A_904, %while3A_330 : i32
          %add3A_906 = arith.constant 1 : i32
          %add3A_907 = arith.addi %while3A_339, %add3A_906 : i32
          %select_n3A_908 = arith.constant true
          %select_n3A_909 = arith.select %select_n3A_908, %add3A_907, %while3A_339 : i32
          %eq3A_910 = arith.cmpi eq, %select_n3A_909, %select_n3A : i32
          %select_n3A_911 = arith.constant 0 : i32
          %select_n3A_912 = arith.select %eq3A_910, %select_n3A_911, %select_n3A_909 : i32
          scf.yield %select_n3A_387, %select_n3A_870, %select_n3A_406, %select_n3A_877, %select_n3A_425, %select_n3A_884, %select_n3A_444, %select_n3A_891, %select_n3A_463, %select_n3A_898, %select_n3A_482, %select_n3A_905, %select_n3A_703, %select_n3A_821, %select_n3A_715, %select_n3A_835, %select_n3A_727, %select_n3A_849, %select_n3A_739, %select_n3A_863, %select_n3A_912 : i32, i32, i32, i32, i32, i32, i32, i32, i32, i32, i32, i32, i32, i32, i32, i32, i32, i32, i32, i32, i32
        }
        %while3A_241 = arith.constant 1 : i32
        %while3A_242:21 = scf.for %while3A_318 = %while3A_238 to %while3A_234 step %while3A_241 iter_args(%while3A_319 = %while3A_240#0, %while3A_320 = %while3A_240#1, %while3A_321 = %while3A_240#2, %while3A_322 = %while3A_240#3, %while3A_323 = %while3A_240#4, %while3A_324 = %while3A_240#5, %while3A_325 = %while3A_240#6, %while3A_326 = %while3A_240#7, %while3A_327 = %while3A_240#8, %while3A_328 = %while3A_240#9, %while3A_329 = %while3A_240#10, %while3A_330 = %while3A_240#11, %while3A_331 = %while3A_240#12, %while3A_332 = %while3A_240#13, %while3A_333 = %while3A_240#14, %while3A_334 = %while3A_240#15, %while3A_335 = %while3A_240#16, %while3A_336 = %while3A_240#17, %while3A_337 = %while3A_240#18, %while3A_338 = %while3A_240#19, %while3A_339 = %while3A_240#20) -> (i32, i32, i32, i32, i32, i32, i32, i32, i32, i32, i32, i32, i32, i32, i32, i32, i32, i32, i32, i32, i32)  : i32 {
          %mul3A_340 = arith.constant 1 : i32
          %mul3A_341 = arith.muli %mul3A_340, %select_n3A : i32
          %eq3A_342 = arith.constant 0 : i32
          %eq3A_343 = arith.cmpi eq, %while3A_318, %eq3A_342 : i32
          %sub3A_344 = arith.constant 1 : i32
          %sub3A_345 = arith.subi %mul3A_341, %sub3A_344 : i32
          %eq3A_346 = arith.cmpi eq, %while3A_318, %sub3A_345 : i32
          %add3A_347 = arith.addi %while3A_339, %select_n3A_14 : i32
          %sub3A_348 = arith.constant 1 : i32
          %sub3A_349 = arith.subi %while3A_339, %sub3A_348 : i32
          %select_n3A_350 = arith.constant true
          %select_n3A_351 = arith.select %select_n3A_350, %sub3A_349, %while3A_339 : i32
          %eq3A_352 = arith.constant -1 : i32
          %eq3A_353 = arith.cmpi eq, %select_n3A_351, %eq3A_352 : i32
          %sub3A_354 = arith.constant 1 : i32
          %sub3A_355 = arith.subi %select_n3A, %sub3A_354 : i32
          %select_n3A_356 = arith.select %eq3A_353, %sub3A_355, %select_n3A_351 : i32
          %add3A_357 = arith.addi %select_n3A_356, %select_n3A_14 : i32
          %add3A_358 = arith.constant 1 : i32
          %add3A_359 = arith.addi %while3A_339, %add3A_358 : i32
          %select_n3A_360 = arith.constant true
          %select_n3A_361 = arith.select %select_n3A_360, %add3A_359, %while3A_339 : i32
          %eq3A_362 = arith.cmpi eq, %select_n3A_361, %select_n3A : i32
          %select_n3A_363 = arith.constant 0 : i32
          %select_n3A_364 = arith.select %eq3A_362, %select_n3A_363, %select_n3A_361 : i32
          %add3A_365 = arith.addi %select_n3A_364, %select_n3A_14 : i32
          %add3A_366 = arith.constant 1 : i32
          %add3A_367 = arith.addi %select_n3A_364, %add3A_366 : i32
          %select_n3A_368 = arith.constant true
          %select_n3A_369 = arith.select %select_n3A_368, %add3A_367, %select_n3A_364 : i32
          %eq3A_370 = arith.cmpi eq, %select_n3A_369, %select_n3A : i32
          %select_n3A_371 = arith.constant 0 : i32
          %select_n3A_372 = arith.select %eq3A_370, %select_n3A_371, %select_n3A_369 : i32
          %add3A_373 = arith.addi %select_n3A_372, %select_n3A_14 : i32
          %ne3A = arith.cmpi ne, %add3A_347, %add3A_365 : i32
          %or3A = arith.constant false
          %or3A_374 = arith.ori %or3A, %ne3A : i1
          %sub3A_375 = arith.constant 2 : i32
          %sub3A_376 = arith.subi %mul3A_341, %sub3A_375 : i32
          %add3A_377 = arith.constant 1 : i32
          %add3A_378 = arith.addi %sub3A_376, %add3A_377 : i32
          %ge3A = arith.cmpi sge, %while3A_318, %add3A_378 : i32
          %not3A = arith.constant true
          %not3A_379 = arith.xori %ge3A, %not3A : i1
          %and3A = arith.andi %or3A_374, %not3A_379 : i1
          %convert_element_type3A_380 = arith.extui %and3A : i1 to i32
          %cond3A_381 = arith.constant 0 : i32
          %cond3A_382 = arith.cmpi ne, %convert_element_type3A_380, %cond3A_381 : i32
          scf.if %cond3A_382 {
            "tpu.trace_start"() <{level = 10 : i32, message = "ep_copy_in"}> : () -> ()
            %rem3A_913 = arith.constant 2 : i32
            %rem3A_914 = arith.remui %while3A_319, %rem3A_913 : i32
            %mul3A_915 = arith.constant 128 : i32
            %mul3A_916 = arith.muli %mul3A_915, %add3A_365 : i32
            %dma_start3A_917 = arith.constant 0 : i32
            %dma_start3A_918 = arith.constant 0 : i32
            %dma_start3A_919 = tpu.memref_slice %run_scoped3A[%rem3A_914, %dma_start3A_917, %dma_start3A_918] : memref<2x1x128xi32, #tpu.memory_space<vmem>> -> memref<1x1x128xi32, #tpu.memory_space<vmem>>
            %dma_start3A_920 = tpu.memref_squeeze %dma_start3A_919 : memref<1x1x128xi32, #tpu.memory_space<vmem>> -> memref<1x128xi32, #tpu.memory_space<vmem>>
            %dma_start3A_921 = arith.constant 0 : i32
            %dma_start3A_922 = tpu.memref_slice %arg3[%dma_start3A_921, %mul3A_916] : memref<1x5120xi32, #tpu.memory_space<hbm>> -> memref<1x128xi32, #tpu.memory_space<hbm>>
            %dma_start3A_923 = tpu.memref_slice %run_scoped3A_17[%rem3A_914] : memref<2x!tpu.dma_semaphore, #tpu.memory_space<semaphore_mem>> -> memref<1x!tpu.dma_semaphore, #tpu.memory_space<semaphore_mem>>
            %dma_start3A_924 = tpu.memref_squeeze %dma_start3A_923 : memref<1x!tpu.dma_semaphore, #tpu.memory_space<semaphore_mem>> -> memref<!tpu.dma_semaphore, #tpu.memory_space<semaphore_mem>>
            %dma_start3A_925 = arith.constant 0 : i32
            %dma_start3A_926 = arith.constant 0 : i32
            %dma_start3A_927 = tpu.memref_slice %run_scoped3A[%rem3A_914, %dma_start3A_925, %dma_start3A_926] : memref<2x1x128xi32, #tpu.memory_space<vmem>> -> memref<1x1x128xi32, #tpu.memory_space<vmem>>
            %dma_start3A_928 = tpu.memref_squeeze %dma_start3A_927 : memref<1x1x128xi32, #tpu.memory_space<vmem>> -> memref<1x128xi32, #tpu.memory_space<vmem>>
            %dma_start3A_929 = arith.constant 0 : i32
            %dma_start3A_930 = tpu.memref_slice %arg3[%dma_start3A_929, %mul3A_916] : memref<1x5120xi32, #tpu.memory_space<hbm>> -> memref<1x128xi32, #tpu.memory_space<hbm>>
            tpu.enqueue_dma source(%dma_start3A_930 : memref<1x128xi32, #tpu.memory_space<hbm>>) target(%dma_start3A_928 : memref<1x128xi32, #tpu.memory_space<vmem>>) target_semaphore(%dma_start3A_924 : memref<!tpu.dma_semaphore, #tpu.memory_space<semaphore_mem>>)
            "tpu.trace_stop"() : () -> ()
          } else {
          }
          %and3A_383 = arith.constant true
          %and3A_384 = arith.andi %and3A, %and3A_383 : i1
          %add3A_385 = arith.constant 1 : i32
          %add3A_386 = arith.addi %while3A_319, %add3A_385 : i32
          %select_n3A_387 = arith.select %and3A_384, %add3A_386, %while3A_319 : i32
          %ne3A_388 = arith.cmpi ne, %add3A_347, %add3A_365 : i32
          %or3A_389 = arith.constant false
          %or3A_390 = arith.ori %or3A_389, %ne3A_388 : i1
          %sub3A_391 = arith.constant 2 : i32
          %sub3A_392 = arith.subi %mul3A_341, %sub3A_391 : i32
          %add3A_393 = arith.constant 1 : i32
          %add3A_394 = arith.addi %sub3A_392, %add3A_393 : i32
          %ge3A_395 = arith.cmpi sge, %while3A_318, %add3A_394 : i32
          %not3A_396 = arith.constant true
          %not3A_397 = arith.xori %ge3A_395, %not3A_396 : i1
          %and3A_398 = arith.andi %or3A_390, %not3A_397 : i1
          %convert_element_type3A_399 = arith.extui %and3A_398 : i1 to i32
          %cond3A_400 = arith.constant 0 : i32
          %cond3A_401 = arith.cmpi ne, %convert_element_type3A_399, %cond3A_400 : i32
          scf.if %cond3A_401 {
            "tpu.trace_start"() <{level = 10 : i32, message = "ep_copy_in"}> : () -> ()
            %rem3A_913 = arith.constant 2 : i32
            %rem3A_914 = arith.remui %while3A_321, %rem3A_913 : i32
            %mul3A_915 = arith.constant 128 : i32
            %mul3A_916 = arith.muli %mul3A_915, %add3A_365 : i32
            %dma_start3A_917 = arith.constant 0 : i32
            %dma_start3A_918 = arith.constant 0 : i32
            %dma_start3A_919 = tpu.memref_slice %run_scoped3A_18[%rem3A_914, %dma_start3A_917, %dma_start3A_918] : memref<2x1x128xi32, #tpu.memory_space<vmem>> -> memref<1x1x128xi32, #tpu.memory_space<vmem>>
            %dma_start3A_920 = tpu.memref_squeeze %dma_start3A_919 : memref<1x1x128xi32, #tpu.memory_space<vmem>> -> memref<1x128xi32, #tpu.memory_space<vmem>>
            %dma_start3A_921 = arith.constant 0 : i32
            %dma_start3A_922 = tpu.memref_slice %arg4[%dma_start3A_921, %mul3A_916] : memref<1x5120xi32, #tpu.memory_space<hbm>> -> memref<1x128xi32, #tpu.memory_space<hbm>>
            %dma_start3A_923 = tpu.memref_slice %run_scoped3A_19[%rem3A_914] : memref<2x!tpu.dma_semaphore, #tpu.memory_space<semaphore_mem>> -> memref<1x!tpu.dma_semaphore, #tpu.memory_space<semaphore_mem>>
            %dma_start3A_924 = tpu.memref_squeeze %dma_start3A_923 : memref<1x!tpu.dma_semaphore, #tpu.memory_space<semaphore_mem>> -> memref<!tpu.dma_semaphore, #tpu.memory_space<semaphore_mem>>
            %dma_start3A_925 = arith.constant 0 : i32
            %dma_start3A_926 = arith.constant 0 : i32
            %dma_start3A_927 = tpu.memref_slice %run_scoped3A_18[%rem3A_914, %dma_start3A_925, %dma_start3A_926] : memref<2x1x128xi32, #tpu.memory_space<vmem>> -> memref<1x1x128xi32, #tpu.memory_space<vmem>>
            %dma_start3A_928 = tpu.memref_squeeze %dma_start3A_927 : memref<1x1x128xi32, #tpu.memory_space<vmem>> -> memref<1x128xi32, #tpu.memory_space<vmem>>
            %dma_start3A_929 = arith.constant 0 : i32
            %dma_start3A_930 = tpu.memref_slice %arg4[%dma_start3A_929, %mul3A_916] : memref<1x5120xi32, #tpu.memory_space<hbm>> -> memref<1x128xi32, #tpu.memory_space<hbm>>
            tpu.enqueue_dma source(%dma_start3A_930 : memref<1x128xi32, #tpu.memory_space<hbm>>) target(%dma_start3A_928 : memref<1x128xi32, #tpu.memory_space<vmem>>) target_semaphore(%dma_start3A_924 : memref<!tpu.dma_semaphore, #tpu.memory_space<semaphore_mem>>)
            "tpu.trace_stop"() : () -> ()
          } else {
          }
          %and3A_402 = arith.constant true
          %and3A_403 = arith.andi %and3A_398, %and3A_402 : i1
          %add3A_404 = arith.constant 1 : i32
          %add3A_405 = arith.addi %while3A_321, %add3A_404 : i32
          %select_n3A_406 = arith.select %and3A_403, %add3A_405, %while3A_321 : i32
          %ne3A_407 = arith.cmpi ne, %add3A_347, %add3A_365 : i32
          %or3A_408 = arith.constant false
          %or3A_409 = arith.ori %or3A_408, %ne3A_407 : i1
          %sub3A_410 = arith.constant 2 : i32
          %sub3A_411 = arith.subi %mul3A_341, %sub3A_410 : i32
          %add3A_412 = arith.constant 1 : i32
          %add3A_413 = arith.addi %sub3A_411, %add3A_412 : i32
          %ge3A_414 = arith.cmpi sge, %while3A_318, %add3A_413 : i32
          %not3A_415 = arith.constant true
          %not3A_416 = arith.xori %ge3A_414, %not3A_415 : i1
          %and3A_417 = arith.andi %or3A_409, %not3A_416 : i1
          %convert_element_type3A_418 = arith.extui %and3A_417 : i1 to i32
          %cond3A_419 = arith.constant 0 : i32
          %cond3A_420 = arith.cmpi ne, %convert_element_type3A_418, %cond3A_419 : i32
          scf.if %cond3A_420 {
            "tpu.trace_start"() <{level = 10 : i32, message = "ep_copy_in"}> : () -> ()
            %rem3A_913 = arith.constant 2 : i32
            %rem3A_914 = arith.remui %while3A_323, %rem3A_913 : i32
            %mul3A_915 = arith.constant 128 : i32
            %mul3A_916 = arith.muli %mul3A_915, %add3A_365 : i32
            %dma_start3A_917 = arith.constant 0 : i32
            %dma_start3A_918 = arith.constant 0 : i32
            %dma_start3A_919 = tpu.memref_slice %run_scoped3A_20[%rem3A_914, %dma_start3A_917, %dma_start3A_918] : memref<2x1x128xi32, #tpu.memory_space<vmem>> -> memref<1x1x128xi32, #tpu.memory_space<vmem>>
            %dma_start3A_920 = tpu.memref_squeeze %dma_start3A_919 : memref<1x1x128xi32, #tpu.memory_space<vmem>> -> memref<1x128xi32, #tpu.memory_space<vmem>>
            %dma_start3A_921 = arith.constant 0 : i32
            %dma_start3A_922 = tpu.memref_slice %arg5[%dma_start3A_921, %mul3A_916] : memref<1x5120xi32, #tpu.memory_space<hbm>> -> memref<1x128xi32, #tpu.memory_space<hbm>>
            %dma_start3A_923 = tpu.memref_slice %run_scoped3A_21[%rem3A_914] : memref<2x!tpu.dma_semaphore, #tpu.memory_space<semaphore_mem>> -> memref<1x!tpu.dma_semaphore, #tpu.memory_space<semaphore_mem>>
            %dma_start3A_924 = tpu.memref_squeeze %dma_start3A_923 : memref<1x!tpu.dma_semaphore, #tpu.memory_space<semaphore_mem>> -> memref<!tpu.dma_semaphore, #tpu.memory_space<semaphore_mem>>
            %dma_start3A_925 = arith.constant 0 : i32
            %dma_start3A_926 = arith.constant 0 : i32
            %dma_start3A_927 = tpu.memref_slice %run_scoped3A_20[%rem3A_914, %dma_start3A_925, %dma_start3A_926] : memref<2x1x128xi32, #tpu.memory_space<vmem>> -> memref<1x1x128xi32, #tpu.memory_space<vmem>>
            %dma_start3A_928 = tpu.memref_squeeze %dma_start3A_927 : memref<1x1x128xi32, #tpu.memory_space<vmem>> -> memref<1x128xi32, #tpu.memory_space<vmem>>
            %dma_start3A_929 = arith.constant 0 : i32
            %dma_start3A_930 = tpu.memref_slice %arg5[%dma_start3A_929, %mul3A_916] : memref<1x5120xi32, #tpu.memory_space<hbm>> -> memref<1x128xi32, #tpu.memory_space<hbm>>
            tpu.enqueue_dma source(%dma_start3A_930 : memref<1x128xi32, #tpu.memory_space<hbm>>) target(%dma_start3A_928 : memref<1x128xi32, #tpu.memory_space<vmem>>) target_semaphore(%dma_start3A_924 : memref<!tpu.dma_semaphore, #tpu.memory_space<semaphore_mem>>)
            "tpu.trace_stop"() : () -> ()
          } else {
          }
          %and3A_421 = arith.constant true
          %and3A_422 = arith.andi %and3A_417, %and3A_421 : i1
          %add3A_423 = arith.constant 1 : i32
          %add3A_424 = arith.addi %while3A_323, %add3A_423 : i32
          %select_n3A_425 = arith.select %and3A_422, %add3A_424, %while3A_323 : i32
          %ne3A_426 = arith.cmpi ne, %add3A_347, %add3A_365 : i32
          %or3A_427 = arith.constant false
          %or3A_428 = arith.ori %or3A_427, %ne3A_426 : i1
          %sub3A_429 = arith.constant 2 : i32
          %sub3A_430 = arith.subi %mul3A_341, %sub3A_429 : i32
          %add3A_431 = arith.constant 1 : i32
          %add3A_432 = arith.addi %sub3A_430, %add3A_431 : i32
          %ge3A_433 = arith.cmpi sge, %while3A_318, %add3A_432 : i32
          %not3A_434 = arith.constant true
          %not3A_435 = arith.xori %ge3A_433, %not3A_434 : i1
          %and3A_436 = arith.andi %or3A_428, %not3A_435 : i1
          %convert_element_type3A_437 = arith.extui %and3A_436 : i1 to i32
          %cond3A_438 = arith.constant 0 : i32
          %cond3A_439 = arith.cmpi ne, %convert_element_type3A_437, %cond3A_438 : i32
          scf.if %cond3A_439 {
            "tpu.trace_start"() <{level = 10 : i32, message = "ep_copy_in"}> : () -> ()
            %rem3A_913 = arith.constant 2 : i32
            %rem3A_914 = arith.remui %while3A_325, %rem3A_913 : i32
            %mul3A_915 = arith.constant 1024 : i32
            %mul3A_916 = arith.muli %mul3A_915, %add3A_365 : i32
            %dma_start3A_917 = arith.constant 0 : i32
            %dma_start3A_918 = arith.constant 0 : i32
            %dma_start3A_919 = tpu.memref_slice %run_scoped3A_22[%rem3A_914, %dma_start3A_917, %dma_start3A_918] : memref<2x1x1024xf32, #tpu.memory_space<vmem>> -> memref<1x1x1024xf32, #tpu.memory_space<vmem>>
            %dma_start3A_920 = tpu.memref_squeeze %dma_start3A_919 : memref<1x1x1024xf32, #tpu.memory_space<vmem>> -> memref<1x1024xf32, #tpu.memory_space<vmem>>
            %dma_start3A_921 = arith.constant 0 : i32
            %dma_start3A_922 = tpu.memref_slice %arg6[%dma_start3A_921, %mul3A_916] : memref<1x40960xf32, #tpu.memory_space<hbm>> -> memref<1x1024xf32, #tpu.memory_space<hbm>>
            %dma_start3A_923 = tpu.memref_slice %run_scoped3A_23[%rem3A_914] : memref<2x!tpu.dma_semaphore, #tpu.memory_space<semaphore_mem>> -> memref<1x!tpu.dma_semaphore, #tpu.memory_space<semaphore_mem>>
            %dma_start3A_924 = tpu.memref_squeeze %dma_start3A_923 : memref<1x!tpu.dma_semaphore, #tpu.memory_space<semaphore_mem>> -> memref<!tpu.dma_semaphore, #tpu.memory_space<semaphore_mem>>
            %dma_start3A_925 = arith.constant 0 : i32
            %dma_start3A_926 = arith.constant 0 : i32
            %dma_start3A_927 = tpu.memref_slice %run_scoped3A_22[%rem3A_914, %dma_start3A_925, %dma_start3A_926] : memref<2x1x1024xf32, #tpu.memory_space<vmem>> -> memref<1x1x1024xf32, #tpu.memory_space<vmem>>
            %dma_start3A_928 = tpu.memref_squeeze %dma_start3A_927 : memref<1x1x1024xf32, #tpu.memory_space<vmem>> -> memref<1x1024xf32, #tpu.memory_space<vmem>>
            %dma_start3A_929 = arith.constant 0 : i32
            %dma_start3A_930 = tpu.memref_slice %arg6[%dma_start3A_929, %mul3A_916] : memref<1x40960xf32, #tpu.memory_space<hbm>> -> memref<1x1024xf32, #tpu.memory_space<hbm>>
            tpu.enqueue_dma source(%dma_start3A_930 : memref<1x1024xf32, #tpu.memory_space<hbm>>) target(%dma_start3A_928 : memref<1x1024xf32, #tpu.memory_space<vmem>>) target_semaphore(%dma_start3A_924 : memref<!tpu.dma_semaphore, #tpu.memory_space<semaphore_mem>>)
            "tpu.trace_stop"() : () -> ()
          } else {
          }
          %and3A_440 = arith.constant true
          %and3A_441 = arith.andi %and3A_436, %and3A_440 : i1
          %add3A_442 = arith.constant 1 : i32
          %add3A_443 = arith.addi %while3A_325, %add3A_442 : i32
          %select_n3A_444 = arith.select %and3A_441, %add3A_443, %while3A_325 : i32
          %ne3A_445 = arith.cmpi ne, %add3A_347, %add3A_365 : i32
          %or3A_446 = arith.constant false
          %or3A_447 = arith.ori %or3A_446, %ne3A_445 : i1
          %sub3A_448 = arith.constant 2 : i32
          %sub3A_449 = arith.subi %mul3A_341, %sub3A_448 : i32
          %add3A_450 = arith.constant 1 : i32
          %add3A_451 = arith.addi %sub3A_449, %add3A_450 : i32
          %ge3A_452 = arith.cmpi sge, %while3A_318, %add3A_451 : i32
          %not3A_453 = arith.constant true
          %not3A_454 = arith.xori %ge3A_452, %not3A_453 : i1
          %and3A_455 = arith.andi %or3A_447, %not3A_454 : i1
          %convert_element_type3A_456 = arith.extui %and3A_455 : i1 to i32
          %cond3A_457 = arith.constant 0 : i32
          %cond3A_458 = arith.cmpi ne, %convert_element_type3A_456, %cond3A_457 : i32
          scf.if %cond3A_458 {
            "tpu.trace_start"() <{level = 10 : i32, message = "ep_copy_in"}> : () -> ()
            %rem3A_913 = arith.constant 2 : i32
            %rem3A_914 = arith.remui %while3A_327, %rem3A_913 : i32
            %mul3A_915 = arith.constant 1024 : i32
            %mul3A_916 = arith.muli %mul3A_915, %add3A_365 : i32
            %dma_start3A_917 = arith.constant 0 : i32
            %dma_start3A_918 = arith.constant 0 : i32
            %dma_start3A_919 = tpu.memref_slice %run_scoped3A_24[%rem3A_914, %dma_start3A_917, %dma_start3A_918] : memref<2x1x1024xf32, #tpu.memory_space<vmem>> -> memref<1x1x1024xf32, #tpu.memory_space<vmem>>
            %dma_start3A_920 = tpu.memref_squeeze %dma_start3A_919 : memref<1x1x1024xf32, #tpu.memory_space<vmem>> -> memref<1x1024xf32, #tpu.memory_space<vmem>>
            %dma_start3A_921 = arith.constant 0 : i32
            %dma_start3A_922 = tpu.memref_slice %arg7[%dma_start3A_921, %mul3A_916] : memref<1x40960xf32, #tpu.memory_space<hbm>> -> memref<1x1024xf32, #tpu.memory_space<hbm>>
            %dma_start3A_923 = tpu.memref_slice %run_scoped3A_25[%rem3A_914] : memref<2x!tpu.dma_semaphore, #tpu.memory_space<semaphore_mem>> -> memref<1x!tpu.dma_semaphore, #tpu.memory_space<semaphore_mem>>
            %dma_start3A_924 = tpu.memref_squeeze %dma_start3A_923 : memref<1x!tpu.dma_semaphore, #tpu.memory_space<semaphore_mem>> -> memref<!tpu.dma_semaphore, #tpu.memory_space<semaphore_mem>>
            %dma_start3A_925 = arith.constant 0 : i32
            %dma_start3A_926 = arith.constant 0 : i32
            %dma_start3A_927 = tpu.memref_slice %run_scoped3A_24[%rem3A_914, %dma_start3A_925, %dma_start3A_926] : memref<2x1x1024xf32, #tpu.memory_space<vmem>> -> memref<1x1x1024xf32, #tpu.memory_space<vmem>>
            %dma_start3A_928 = tpu.memref_squeeze %dma_start3A_927 : memref<1x1x1024xf32, #tpu.memory_space<vmem>> -> memref<1x1024xf32, #tpu.memory_space<vmem>>
            %dma_start3A_929 = arith.constant 0 : i32
            %dma_start3A_930 = tpu.memref_slice %arg7[%dma_start3A_929, %mul3A_916] : memref<1x40960xf32, #tpu.memory_space<hbm>> -> memref<1x1024xf32, #tpu.memory_space<hbm>>
            tpu.enqueue_dma source(%dma_start3A_930 : memref<1x1024xf32, #tpu.memory_space<hbm>>) target(%dma_start3A_928 : memref<1x1024xf32, #tpu.memory_space<vmem>>) target_semaphore(%dma_start3A_924 : memref<!tpu.dma_semaphore, #tpu.memory_space<semaphore_mem>>)
            "tpu.trace_stop"() : () -> ()
          } else {
          }
          %and3A_459 = arith.constant true
          %and3A_460 = arith.andi %and3A_455, %and3A_459 : i1
          %add3A_461 = arith.constant 1 : i32
          %add3A_462 = arith.addi %while3A_327, %add3A_461 : i32
          %select_n3A_463 = arith.select %and3A_460, %add3A_462, %while3A_327 : i32
          %ne3A_464 = arith.cmpi ne, %add3A_347, %add3A_365 : i32
          %or3A_465 = arith.constant false
          %or3A_466 = arith.ori %or3A_465, %ne3A_464 : i1
          %sub3A_467 = arith.constant 2 : i32
          %sub3A_468 = arith.subi %mul3A_341, %sub3A_467 : i32
          %add3A_469 = arith.constant 1 : i32
          %add3A_470 = arith.addi %sub3A_468, %add3A_469 : i32
          %ge3A_471 = arith.cmpi sge, %while3A_318, %add3A_470 : i32
          %not3A_472 = arith.constant true
          %not3A_473 = arith.xori %ge3A_471, %not3A_472 : i1
          %and3A_474 = arith.andi %or3A_466, %not3A_473 : i1
          %convert_element_type3A_475 = arith.extui %and3A_474 : i1 to i32
          %cond3A_476 = arith.constant 0 : i32
          %cond3A_477 = arith.cmpi ne, %convert_element_type3A_475, %cond3A_476 : i32
          scf.if %cond3A_477 {
            "tpu.trace_start"() <{level = 10 : i32, message = "ep_copy_in"}> : () -> ()
            %rem3A_913 = arith.constant 2 : i32
            %rem3A_914 = arith.remui %while3A_329, %rem3A_913 : i32
            %mul3A_915 = arith.constant 1024 : i32
            %mul3A_916 = arith.muli %mul3A_915, %add3A_365 : i32
            %dma_start3A_917 = arith.constant 0 : i32
            %dma_start3A_918 = arith.constant 0 : i32
            %dma_start3A_919 = tpu.memref_slice %run_scoped3A_26[%rem3A_914, %dma_start3A_917, %dma_start3A_918] : memref<2x1x1024xf32, #tpu.memory_space<vmem>> -> memref<1x1x1024xf32, #tpu.memory_space<vmem>>
            %dma_start3A_920 = tpu.memref_squeeze %dma_start3A_919 : memref<1x1x1024xf32, #tpu.memory_space<vmem>> -> memref<1x1024xf32, #tpu.memory_space<vmem>>
            %dma_start3A_921 = arith.constant 0 : i32
            %dma_start3A_922 = tpu.memref_slice %arg8[%dma_start3A_921, %mul3A_916] : memref<1x40960xf32, #tpu.memory_space<hbm>> -> memref<1x1024xf32, #tpu.memory_space<hbm>>
            %dma_start3A_923 = tpu.memref_slice %run_scoped3A_27[%rem3A_914] : memref<2x!tpu.dma_semaphore, #tpu.memory_space<semaphore_mem>> -> memref<1x!tpu.dma_semaphore, #tpu.memory_space<semaphore_mem>>
            %dma_start3A_924 = tpu.memref_squeeze %dma_start3A_923 : memref<1x!tpu.dma_semaphore, #tpu.memory_space<semaphore_mem>> -> memref<!tpu.dma_semaphore, #tpu.memory_space<semaphore_mem>>
            %dma_start3A_925 = arith.constant 0 : i32
            %dma_start3A_926 = arith.constant 0 : i32
            %dma_start3A_927 = tpu.memref_slice %run_scoped3A_26[%rem3A_914, %dma_start3A_925, %dma_start3A_926] : memref<2x1x1024xf32, #tpu.memory_space<vmem>> -> memref<1x1x1024xf32, #tpu.memory_space<vmem>>
            %dma_start3A_928 = tpu.memref_squeeze %dma_start3A_927 : memref<1x1x1024xf32, #tpu.memory_space<vmem>> -> memref<1x1024xf32, #tpu.memory_space<vmem>>
            %dma_start3A_929 = arith.constant 0 : i32
            %dma_start3A_930 = tpu.memref_slice %arg8[%dma_start3A_929, %mul3A_916] : memref<1x40960xf32, #tpu.memory_space<hbm>> -> memref<1x1024xf32, #tpu.memory_space<hbm>>
            tpu.enqueue_dma source(%dma_start3A_930 : memref<1x1024xf32, #tpu.memory_space<hbm>>) target(%dma_start3A_928 : memref<1x1024xf32, #tpu.memory_space<vmem>>) target_semaphore(%dma_start3A_924 : memref<!tpu.dma_semaphore, #tpu.memory_space<semaphore_mem>>)
            "tpu.trace_stop"() : () -> ()
          } else {
          }
          %and3A_478 = arith.constant true
          %and3A_479 = arith.andi %and3A_474, %and3A_478 : i1
          %add3A_480 = arith.constant 1 : i32
          %add3A_481 = arith.addi %while3A_329, %add3A_480 : i32
          %select_n3A_482 = arith.select %and3A_479, %add3A_481, %while3A_329 : i32
          %ne3A_483 = arith.cmpi ne, %add3A_347, %add3A_365 : i32
          %or3A_484 = arith.constant false
          %or3A_485 = arith.ori %or3A_484, %ne3A_483 : i1
          %or3A_486 = arith.constant false
          %or3A_487 = arith.ori %or3A_485, %or3A_486 : i1
          %sub3A_488 = arith.constant 2 : i32
          %sub3A_489 = arith.subi %mul3A_341, %sub3A_488 : i32
          %add3A_490 = arith.constant 1 : i32
          %add3A_491 = arith.addi %sub3A_489, %add3A_490 : i32
          %ge3A_492 = arith.cmpi sge, %while3A_318, %add3A_491 : i32
          %not3A_493 = arith.constant true
          %not3A_494 = arith.xori %ge3A_492, %not3A_493 : i1
          %and3A_495 = arith.andi %or3A_487, %not3A_494 : i1
          %ne3A_496 = arith.cmpi ne, %add3A_347, %add3A_365 : i32
          %or3A_497 = arith.constant false
          %or3A_498 = arith.ori %or3A_497, %ne3A_496 : i1
          %sub3A_499 = arith.constant 2 : i32
          %sub3A_500 = arith.subi %mul3A_341, %sub3A_499 : i32
          %add3A_501 = arith.constant 1 : i32
          %add3A_502 = arith.addi %sub3A_500, %add3A_501 : i32
          %ge3A_503 = arith.cmpi sge, %while3A_318, %add3A_502 : i32
          %not3A_504 = arith.constant true
          %not3A_505 = arith.xori %ge3A_503, %not3A_504 : i1
          %and3A_506 = arith.andi %or3A_498, %not3A_505 : i1
          %ne3A_507 = arith.cmpi ne, %add3A_347, %add3A_365 : i32
          %or3A_508 = arith.constant false
          %or3A_509 = arith.ori %or3A_508, %ne3A_507 : i1
          %sub3A_510 = arith.constant 2 : i32
          %sub3A_511 = arith.subi %mul3A_341, %sub3A_510 : i32
          %add3A_512 = arith.constant 1 : i32
          %add3A_513 = arith.addi %sub3A_511, %add3A_512 : i32
          %ge3A_514 = arith.cmpi sge, %while3A_318, %add3A_513 : i32
          %not3A_515 = arith.constant true
          %not3A_516 = arith.xori %ge3A_514, %not3A_515 : i1
          %and3A_517 = arith.andi %or3A_509, %not3A_516 : i1
          %ne3A_518 = arith.cmpi ne, %add3A_347, %add3A_365 : i32
          %or3A_519 = arith.constant false
          %or3A_520 = arith.ori %or3A_519, %ne3A_518 : i1
          %sub3A_521 = arith.constant 2 : i32
          %sub3A_522 = arith.subi %mul3A_341, %sub3A_521 : i32
          %add3A_523 = arith.constant 1 : i32
          %add3A_524 = arith.addi %sub3A_522, %add3A_523 : i32
          %ge3A_525 = arith.cmpi sge, %while3A_318, %add3A_524 : i32
          %not3A_526 = arith.constant true
          %not3A_527 = arith.xori %ge3A_525, %not3A_526 : i1
          %and3A_528 = arith.andi %or3A_520, %not3A_527 : i1
          %ne3A_529 = arith.cmpi ne, %add3A_347, %add3A_357 : i32
          %or3A_530 = arith.constant false
          %or3A_531 = arith.ori %or3A_530, %ne3A_529 : i1
          %or3A_532 = arith.ori %or3A_531, %eq3A_343 : i1
          %convert_element_type3A_533 = arith.extui %or3A_532 : i1 to i32
          %cond3A_534 = arith.constant 0 : i32
          %cond3A_535 = arith.cmpi ne, %convert_element_type3A_533, %cond3A_534 : i32
          scf.if %cond3A_535 {
            "tpu.trace_start"() <{level = 10 : i32, message = "ep_wait_in"}> : () -> ()
            %mul3A_913 = arith.constant 128 : i32
            %mul3A_914 = arith.muli %mul3A_913, %add3A_347 : i32
            %rem3A_915 = arith.constant 2 : i32
            %rem3A_916 = arith.remui %while3A_320, %rem3A_915 : i32
            %dma_wait3A = arith.constant 0 : i32
            %dma_wait3A_917 = arith.constant 0 : i32
            %dma_wait3A_918 = tpu.memref_slice %run_scoped3A[%rem3A_916, %dma_wait3A, %dma_wait3A_917] : memref<2x1x128xi32, #tpu.memory_space<vmem>> -> memref<1x1x128xi32, #tpu.memory_space<vmem>>
            %dma_wait3A_919 = tpu.memref_squeeze %dma_wait3A_918 : memref<1x1x128xi32, #tpu.memory_space<vmem>> -> memref<1x128xi32, #tpu.memory_space<vmem>>
            %dma_wait3A_920 = arith.constant 0 : i32
            %dma_wait3A_921 = tpu.memref_slice %arg3[%dma_wait3A_920, %mul3A_914] : memref<1x5120xi32, #tpu.memory_space<hbm>> -> memref<1x128xi32, #tpu.memory_space<hbm>>
            %dma_wait3A_922 = tpu.memref_slice %run_scoped3A_17[%rem3A_916] : memref<2x!tpu.dma_semaphore, #tpu.memory_space<semaphore_mem>> -> memref<1x!tpu.dma_semaphore, #tpu.memory_space<semaphore_mem>>
            %dma_wait3A_923 = tpu.memref_squeeze %dma_wait3A_922 : memref<1x!tpu.dma_semaphore, #tpu.memory_space<semaphore_mem>> -> memref<!tpu.dma_semaphore, #tpu.memory_space<semaphore_mem>>
            %dma_wait3A_924 = arith.constant 0 : i32
            %dma_wait3A_925 = arith.constant 0 : i32
            %dma_wait3A_926 = tpu.memref_slice %run_scoped3A[%rem3A_916, %dma_wait3A_924, %dma_wait3A_925] : memref<2x1x128xi32, #tpu.memory_space<vmem>> -> memref<1x1x128xi32, #tpu.memory_space<vmem>>
            %dma_wait3A_927 = tpu.memref_squeeze %dma_wait3A_926 : memref<1x1x128xi32, #tpu.memory_space<vmem>> -> memref<1x128xi32, #tpu.memory_space<vmem>>
            %dma_wait3A_928 = arith.constant 0 : i32
            %dma_wait3A_929 = tpu.memref_slice %arg3[%dma_wait3A_928, %mul3A_914] : memref<1x5120xi32, #tpu.memory_space<hbm>> -> memref<1x128xi32, #tpu.memory_space<hbm>>
            tpu.wait_dma2 semaphore(%dma_wait3A_923 : memref<!tpu.dma_semaphore, #tpu.memory_space<semaphore_mem>>) src(%dma_wait3A_929 : memref<1x128xi32, #tpu.memory_space<hbm>>) dst(%dma_wait3A_927 : memref<1x128xi32, #tpu.memory_space<vmem>>)
            "tpu.trace_stop"() : () -> ()
          } else {
          }
          %ne3A_536 = arith.cmpi ne, %add3A_347, %add3A_357 : i32
          %or3A_537 = arith.constant false
          %or3A_538 = arith.ori %or3A_537, %ne3A_536 : i1
          %or3A_539 = arith.ori %or3A_538, %eq3A_343 : i1
          %convert_element_type3A_540 = arith.extui %or3A_539 : i1 to i32
          %cond3A_541 = arith.constant 0 : i32
          %cond3A_542 = arith.cmpi ne, %convert_element_type3A_540, %cond3A_541 : i32
          scf.if %cond3A_542 {
            "tpu.trace_start"() <{level = 10 : i32, message = "ep_wait_in"}> : () -> ()
            %mul3A_913 = arith.constant 128 : i32
            %mul3A_914 = arith.muli %mul3A_913, %add3A_347 : i32
            %rem3A_915 = arith.constant 2 : i32
            %rem3A_916 = arith.remui %while3A_322, %rem3A_915 : i32
            %dma_wait3A = arith.constant 0 : i32
            %dma_wait3A_917 = arith.constant 0 : i32
            %dma_wait3A_918 = tpu.memref_slice %run_scoped3A_18[%rem3A_916, %dma_wait3A, %dma_wait3A_917] : memref<2x1x128xi32, #tpu.memory_space<vmem>> -> memref<1x1x128xi32, #tpu.memory_space<vmem>>
            %dma_wait3A_919 = tpu.memref_squeeze %dma_wait3A_918 : memref<1x1x128xi32, #tpu.memory_space<vmem>> -> memref<1x128xi32, #tpu.memory_space<vmem>>
            %dma_wait3A_920 = arith.constant 0 : i32
            %dma_wait3A_921 = tpu.memref_slice %arg4[%dma_wait3A_920, %mul3A_914] : memref<1x5120xi32, #tpu.memory_space<hbm>> -> memref<1x128xi32, #tpu.memory_space<hbm>>
            %dma_wait3A_922 = tpu.memref_slice %run_scoped3A_19[%rem3A_916] : memref<2x!tpu.dma_semaphore, #tpu.memory_space<semaphore_mem>> -> memref<1x!tpu.dma_semaphore, #tpu.memory_space<semaphore_mem>>
            %dma_wait3A_923 = tpu.memref_squeeze %dma_wait3A_922 : memref<1x!tpu.dma_semaphore, #tpu.memory_space<semaphore_mem>> -> memref<!tpu.dma_semaphore, #tpu.memory_space<semaphore_mem>>
            %dma_wait3A_924 = arith.constant 0 : i32
            %dma_wait3A_925 = arith.constant 0 : i32
            %dma_wait3A_926 = tpu.memref_slice %run_scoped3A_18[%rem3A_916, %dma_wait3A_924, %dma_wait3A_925] : memref<2x1x128xi32, #tpu.memory_space<vmem>> -> memref<1x1x128xi32, #tpu.memory_space<vmem>>
            %dma_wait3A_927 = tpu.memref_squeeze %dma_wait3A_926 : memref<1x1x128xi32, #tpu.memory_space<vmem>> -> memref<1x128xi32, #tpu.memory_space<vmem>>
            %dma_wait3A_928 = arith.constant 0 : i32
            %dma_wait3A_929 = tpu.memref_slice %arg4[%dma_wait3A_928, %mul3A_914] : memref<1x5120xi32, #tpu.memory_space<hbm>> -> memref<1x128xi32, #tpu.memory_space<hbm>>
            tpu.wait_dma2 semaphore(%dma_wait3A_923 : memref<!tpu.dma_semaphore, #tpu.memory_space<semaphore_mem>>) src(%dma_wait3A_929 : memref<1x128xi32, #tpu.memory_space<hbm>>) dst(%dma_wait3A_927 : memref<1x128xi32, #tpu.memory_space<vmem>>)
            "tpu.trace_stop"() : () -> ()
          } else {
          }
          %ne3A_543 = arith.cmpi ne, %add3A_347, %add3A_357 : i32
          %or3A_544 = arith.constant false
          %or3A_545 = arith.ori %or3A_544, %ne3A_543 : i1
          %or3A_546 = arith.ori %or3A_545, %eq3A_343 : i1
          %convert_element_type3A_547 = arith.extui %or3A_546 : i1 to i32
          %cond3A_548 = arith.constant 0 : i32
          %cond3A_549 = arith.cmpi ne, %convert_element_type3A_547, %cond3A_548 : i32
          scf.if %cond3A_549 {
            "tpu.trace_start"() <{level = 10 : i32, message = "ep_wait_in"}> : () -> ()
            %mul3A_913 = arith.constant 128 : i32
            %mul3A_914 = arith.muli %mul3A_913, %add3A_347 : i32
            %rem3A_915 = arith.constant 2 : i32
            %rem3A_916 = arith.remui %while3A_324, %rem3A_915 : i32
            %dma_wait3A = arith.constant 0 : i32
            %dma_wait3A_917 = arith.constant 0 : i32
            %dma_wait3A_918 = tpu.memref_slice %run_scoped3A_20[%rem3A_916, %dma_wait3A, %dma_wait3A_917] : memref<2x1x128xi32, #tpu.memory_space<vmem>> -> memref<1x1x128xi32, #tpu.memory_space<vmem>>
            %dma_wait3A_919 = tpu.memref_squeeze %dma_wait3A_918 : memref<1x1x128xi32, #tpu.memory_space<vmem>> -> memref<1x128xi32, #tpu.memory_space<vmem>>
            %dma_wait3A_920 = arith.constant 0 : i32
            %dma_wait3A_921 = tpu.memref_slice %arg5[%dma_wait3A_920, %mul3A_914] : memref<1x5120xi32, #tpu.memory_space<hbm>> -> memref<1x128xi32, #tpu.memory_space<hbm>>
            %dma_wait3A_922 = tpu.memref_slice %run_scoped3A_21[%rem3A_916] : memref<2x!tpu.dma_semaphore, #tpu.memory_space<semaphore_mem>> -> memref<1x!tpu.dma_semaphore, #tpu.memory_space<semaphore_mem>>
            %dma_wait3A_923 = tpu.memref_squeeze %dma_wait3A_922 : memref<1x!tpu.dma_semaphore, #tpu.memory_space<semaphore_mem>> -> memref<!tpu.dma_semaphore, #tpu.memory_space<semaphore_mem>>
            %dma_wait3A_924 = arith.constant 0 : i32
            %dma_wait3A_925 = arith.constant 0 : i32
            %dma_wait3A_926 = tpu.memref_slice %run_scoped3A_20[%rem3A_916, %dma_wait3A_924, %dma_wait3A_925] : memref<2x1x128xi32, #tpu.memory_space<vmem>> -> memref<1x1x128xi32, #tpu.memory_space<vmem>>
            %dma_wait3A_927 = tpu.memref_squeeze %dma_wait3A_926 : memref<1x1x128xi32, #tpu.memory_space<vmem>> -> memref<1x128xi32, #tpu.memory_space<vmem>>
            %dma_wait3A_928 = arith.constant 0 : i32
            %dma_wait3A_929 = tpu.memref_slice %arg5[%dma_wait3A_928, %mul3A_914] : memref<1x5120xi32, #tpu.memory_space<hbm>> -> memref<1x128xi32, #tpu.memory_space<hbm>>
            tpu.wait_dma2 semaphore(%dma_wait3A_923 : memref<!tpu.dma_semaphore, #tpu.memory_space<semaphore_mem>>) src(%dma_wait3A_929 : memref<1x128xi32, #tpu.memory_space<hbm>>) dst(%dma_wait3A_927 : memref<1x128xi32, #tpu.memory_space<vmem>>)
            "tpu.trace_stop"() : () -> ()
          } else {
          }
          %ne3A_550 = arith.cmpi ne, %add3A_347, %add3A_357 : i32
          %or3A_551 = arith.constant false
          %or3A_552 = arith.ori %or3A_551, %ne3A_550 : i1
          %or3A_553 = arith.ori %or3A_552, %eq3A_343 : i1
          %convert_element_type3A_554 = arith.extui %or3A_553 : i1 to i32
          %cond3A_555 = arith.constant 0 : i32
          %cond3A_556 = arith.cmpi ne, %convert_element_type3A_554, %cond3A_555 : i32
          scf.if %cond3A_556 {
            "tpu.trace_start"() <{level = 10 : i32, message = "ep_wait_in"}> : () -> ()
            %mul3A_913 = arith.constant 1024 : i32
            %mul3A_914 = arith.muli %mul3A_913, %add3A_347 : i32
            %rem3A_915 = arith.constant 2 : i32
            %rem3A_916 = arith.remui %while3A_326, %rem3A_915 : i32
            %dma_wait3A = arith.constant 0 : i32
            %dma_wait3A_917 = arith.constant 0 : i32
            %dma_wait3A_918 = tpu.memref_slice %run_scoped3A_22[%rem3A_916, %dma_wait3A, %dma_wait3A_917] : memref<2x1x1024xf32, #tpu.memory_space<vmem>> -> memref<1x1x1024xf32, #tpu.memory_space<vmem>>
            %dma_wait3A_919 = tpu.memref_squeeze %dma_wait3A_918 : memref<1x1x1024xf32, #tpu.memory_space<vmem>> -> memref<1x1024xf32, #tpu.memory_space<vmem>>
            %dma_wait3A_920 = arith.constant 0 : i32
            %dma_wait3A_921 = tpu.memref_slice %arg6[%dma_wait3A_920, %mul3A_914] : memref<1x40960xf32, #tpu.memory_space<hbm>> -> memref<1x1024xf32, #tpu.memory_space<hbm>>
            %dma_wait3A_922 = tpu.memref_slice %run_scoped3A_23[%rem3A_916] : memref<2x!tpu.dma_semaphore, #tpu.memory_space<semaphore_mem>> -> memref<1x!tpu.dma_semaphore, #tpu.memory_space<semaphore_mem>>
            %dma_wait3A_923 = tpu.memref_squeeze %dma_wait3A_922 : memref<1x!tpu.dma_semaphore, #tpu.memory_space<semaphore_mem>> -> memref<!tpu.dma_semaphore, #tpu.memory_space<semaphore_mem>>
            %dma_wait3A_924 = arith.constant 0 : i32
            %dma_wait3A_925 = arith.constant 0 : i32
            %dma_wait3A_926 = tpu.memref_slice %run_scoped3A_22[%rem3A_916, %dma_wait3A_924, %dma_wait3A_925] : memref<2x1x1024xf32, #tpu.memory_space<vmem>> -> memref<1x1x1024xf32, #tpu.memory_space<vmem>>
            %dma_wait3A_927 = tpu.memref_squeeze %dma_wait3A_926 : memref<1x1x1024xf32, #tpu.memory_space<vmem>> -> memref<1x1024xf32, #tpu.memory_space<vmem>>
            %dma_wait3A_928 = arith.constant 0 : i32
            %dma_wait3A_929 = tpu.memref_slice %arg6[%dma_wait3A_928, %mul3A_914] : memref<1x40960xf32, #tpu.memory_space<hbm>> -> memref<1x1024xf32, #tpu.memory_space<hbm>>
            tpu.wait_dma2 semaphore(%dma_wait3A_923 : memref<!tpu.dma_semaphore, #tpu.memory_space<semaphore_mem>>) src(%dma_wait3A_929 : memref<1x1024xf32, #tpu.memory_space<hbm>>) dst(%dma_wait3A_927 : memref<1x1024xf32, #tpu.memory_space<vmem>>)
            "tpu.trace_stop"() : () -> ()
          } else {
          }
          %ne3A_557 = arith.cmpi ne, %add3A_347, %add3A_357 : i32
          %or3A_558 = arith.constant false
          %or3A_559 = arith.ori %or3A_558, %ne3A_557 : i1
          %or3A_560 = arith.ori %or3A_559, %eq3A_343 : i1
          %convert_element_type3A_561 = arith.extui %or3A_560 : i1 to i32
          %cond3A_562 = arith.constant 0 : i32
          %cond3A_563 = arith.cmpi ne, %convert_element_type3A_561, %cond3A_562 : i32
          scf.if %cond3A_563 {
            "tpu.trace_start"() <{level = 10 : i32, message = "ep_wait_in"}> : () -> ()
            %mul3A_913 = arith.constant 1024 : i32
            %mul3A_914 = arith.muli %mul3A_913, %add3A_347 : i32
            %rem3A_915 = arith.constant 2 : i32
            %rem3A_916 = arith.remui %while3A_328, %rem3A_915 : i32
            %dma_wait3A = arith.constant 0 : i32
            %dma_wait3A_917 = arith.constant 0 : i32
            %dma_wait3A_918 = tpu.memref_slice %run_scoped3A_24[%rem3A_916, %dma_wait3A, %dma_wait3A_917] : memref<2x1x1024xf32, #tpu.memory_space<vmem>> -> memref<1x1x1024xf32, #tpu.memory_space<vmem>>
            %dma_wait3A_919 = tpu.memref_squeeze %dma_wait3A_918 : memref<1x1x1024xf32, #tpu.memory_space<vmem>> -> memref<1x1024xf32, #tpu.memory_space<vmem>>
            %dma_wait3A_920 = arith.constant 0 : i32
            %dma_wait3A_921 = tpu.memref_slice %arg7[%dma_wait3A_920, %mul3A_914] : memref<1x40960xf32, #tpu.memory_space<hbm>> -> memref<1x1024xf32, #tpu.memory_space<hbm>>
            %dma_wait3A_922 = tpu.memref_slice %run_scoped3A_25[%rem3A_916] : memref<2x!tpu.dma_semaphore, #tpu.memory_space<semaphore_mem>> -> memref<1x!tpu.dma_semaphore, #tpu.memory_space<semaphore_mem>>
            %dma_wait3A_923 = tpu.memref_squeeze %dma_wait3A_922 : memref<1x!tpu.dma_semaphore, #tpu.memory_space<semaphore_mem>> -> memref<!tpu.dma_semaphore, #tpu.memory_space<semaphore_mem>>
            %dma_wait3A_924 = arith.constant 0 : i32
            %dma_wait3A_925 = arith.constant 0 : i32
            %dma_wait3A_926 = tpu.memref_slice %run_scoped3A_24[%rem3A_916, %dma_wait3A_924, %dma_wait3A_925] : memref<2x1x1024xf32, #tpu.memory_space<vmem>> -> memref<1x1x1024xf32, #tpu.memory_space<vmem>>
            %dma_wait3A_927 = tpu.memref_squeeze %dma_wait3A_926 : memref<1x1x1024xf32, #tpu.memory_space<vmem>> -> memref<1x1024xf32, #tpu.memory_space<vmem>>
            %dma_wait3A_928 = arith.constant 0 : i32
            %dma_wait3A_929 = tpu.memref_slice %arg7[%dma_wait3A_928, %mul3A_914] : memref<1x40960xf32, #tpu.memory_space<hbm>> -> memref<1x1024xf32, #tpu.memory_space<hbm>>
            tpu.wait_dma2 semaphore(%dma_wait3A_923 : memref<!tpu.dma_semaphore, #tpu.memory_space<semaphore_mem>>) src(%dma_wait3A_929 : memref<1x1024xf32, #tpu.memory_space<hbm>>) dst(%dma_wait3A_927 : memref<1x1024xf32, #tpu.memory_space<vmem>>)
            "tpu.trace_stop"() : () -> ()
          } else {
          }
          %ne3A_564 = arith.cmpi ne, %add3A_347, %add3A_357 : i32
          %or3A_565 = arith.constant false
          %or3A_566 = arith.ori %or3A_565, %ne3A_564 : i1
          %or3A_567 = arith.ori %or3A_566, %eq3A_343 : i1
          %convert_element_type3A_568 = arith.extui %or3A_567 : i1 to i32
          %cond3A_569 = arith.constant 0 : i32
          %cond3A_570 = arith.cmpi ne, %convert_element_type3A_568, %cond3A_569 : i32
          scf.if %cond3A_570 {
            "tpu.trace_start"() <{level = 10 : i32, message = "ep_wait_in"}> : () -> ()
            %mul3A_913 = arith.constant 1024 : i32
            %mul3A_914 = arith.muli %mul3A_913, %add3A_347 : i32
            %rem3A_915 = arith.constant 2 : i32
            %rem3A_916 = arith.remui %while3A_330, %rem3A_915 : i32
            %dma_wait3A = arith.constant 0 : i32
            %dma_wait3A_917 = arith.constant 0 : i32
            %dma_wait3A_918 = tpu.memref_slice %run_scoped3A_26[%rem3A_916, %dma_wait3A, %dma_wait3A_917] : memref<2x1x1024xf32, #tpu.memory_space<vmem>> -> memref<1x1x1024xf32, #tpu.memory_space<vmem>>
            %dma_wait3A_919 = tpu.memref_squeeze %dma_wait3A_918 : memref<1x1x1024xf32, #tpu.memory_space<vmem>> -> memref<1x1024xf32, #tpu.memory_space<vmem>>
            %dma_wait3A_920 = arith.constant 0 : i32
            %dma_wait3A_921 = tpu.memref_slice %arg8[%dma_wait3A_920, %mul3A_914] : memref<1x40960xf32, #tpu.memory_space<hbm>> -> memref<1x1024xf32, #tpu.memory_space<hbm>>
            %dma_wait3A_922 = tpu.memref_slice %run_scoped3A_27[%rem3A_916] : memref<2x!tpu.dma_semaphore, #tpu.memory_space<semaphore_mem>> -> memref<1x!tpu.dma_semaphore, #tpu.memory_space<semaphore_mem>>
            %dma_wait3A_923 = tpu.memref_squeeze %dma_wait3A_922 : memref<1x!tpu.dma_semaphore, #tpu.memory_space<semaphore_mem>> -> memref<!tpu.dma_semaphore, #tpu.memory_space<semaphore_mem>>
            %dma_wait3A_924 = arith.constant 0 : i32
            %dma_wait3A_925 = arith.constant 0 : i32
            %dma_wait3A_926 = tpu.memref_slice %run_scoped3A_26[%rem3A_916, %dma_wait3A_924, %dma_wait3A_925] : memref<2x1x1024xf32, #tpu.memory_space<vmem>> -> memref<1x1x1024xf32, #tpu.memory_space<vmem>>
            %dma_wait3A_927 = tpu.memref_squeeze %dma_wait3A_926 : memref<1x1x1024xf32, #tpu.memory_space<vmem>> -> memref<1x1024xf32, #tpu.memory_space<vmem>>
            %dma_wait3A_928 = arith.constant 0 : i32
            %dma_wait3A_929 = tpu.memref_slice %arg8[%dma_wait3A_928, %mul3A_914] : memref<1x40960xf32, #tpu.memory_space<hbm>> -> memref<1x1024xf32, #tpu.memory_space<hbm>>
            tpu.wait_dma2 semaphore(%dma_wait3A_923 : memref<!tpu.dma_semaphore, #tpu.memory_space<semaphore_mem>>) src(%dma_wait3A_929 : memref<1x1024xf32, #tpu.memory_space<hbm>>) dst(%dma_wait3A_927 : memref<1x1024xf32, #tpu.memory_space<vmem>>)
            "tpu.trace_stop"() : () -> ()
          } else {
          }
          %ne3A_571 = arith.cmpi ne, %add3A_347, %add3A_357 : i32
          %or3A_572 = arith.constant false
          %or3A_573 = arith.ori %or3A_572, %ne3A_571 : i1
          %or3A_574 = arith.constant false
          %or3A_575 = arith.ori %or3A_573, %or3A_574 : i1
          %or3A_576 = arith.ori %or3A_575, %eq3A_343 : i1
          %convert_element_type3A_577 = arith.extui %or3A_576 : i1 to i32
          %cond3A_578 = arith.constant 0 : i32
          %cond3A_579 = arith.cmpi ne, %convert_element_type3A_577, %cond3A_578 : i32
          scf.if %cond3A_579 {
          } else {
          }
          %ne3A_580 = arith.cmpi ne, %add3A_347, %add3A_357 : i32
          %or3A_581 = arith.constant false
          %or3A_582 = arith.ori %or3A_581, %ne3A_580 : i1
          %or3A_583 = arith.ori %or3A_582, %eq3A_343 : i1
          %convert_element_type3A_584 = arith.extui %or3A_583 : i1 to i32
          %cond3A_585 = arith.constant 0 : i32
          %cond3A_586 = arith.cmpi ne, %convert_element_type3A_584, %cond3A_585 : i32
          scf.if %cond3A_586 {
          } else {
          }
          %ne3A_587 = arith.cmpi ne, %add3A_347, %add3A_357 : i32
          %or3A_588 = arith.constant false
          %or3A_589 = arith.ori %or3A_588, %ne3A_587 : i1
          %or3A_590 = arith.ori %or3A_589, %eq3A_343 : i1
          %convert_element_type3A_591 = arith.extui %or3A_590 : i1 to i32
          %cond3A_592 = arith.constant 0 : i32
          %cond3A_593 = arith.cmpi ne, %convert_element_type3A_591, %cond3A_592 : i32
          scf.if %cond3A_593 {
          } else {
          }
          %ne3A_594 = arith.cmpi ne, %add3A_347, %add3A_357 : i32
          %or3A_595 = arith.constant false
          %or3A_596 = arith.ori %or3A_595, %ne3A_594 : i1
          %or3A_597 = arith.ori %or3A_596, %eq3A_343 : i1
          %convert_element_type3A_598 = arith.extui %or3A_597 : i1 to i32
          %cond3A_599 = arith.constant 0 : i32
          %cond3A_600 = arith.cmpi ne, %convert_element_type3A_598, %cond3A_599 : i32
          scf.if %cond3A_600 {
          } else {
          }
          %rem3A_601 = arith.constant 2 : i32
          %rem3A_602 = arith.remui %while3A_320, %rem3A_601 : i32
          %rem3A_603 = arith.constant 2 : i32
          %rem3A_604 = arith.remui %while3A_322, %rem3A_603 : i32
          %rem3A_605 = arith.constant 2 : i32
          %rem3A_606 = arith.remui %while3A_324, %rem3A_605 : i32
          %rem3A_607 = arith.constant 2 : i32
          %rem3A_608 = arith.remui %while3A_326, %rem3A_607 : i32
          %rem3A_609 = arith.constant 2 : i32
          %rem3A_610 = arith.remui %while3A_328, %rem3A_609 : i32
          %rem3A_611 = arith.constant 2 : i32
          %rem3A_612 = arith.remui %while3A_330, %rem3A_611 : i32
          %rem3A_613 = arith.constant 2 : i32
          %rem3A_614 = arith.remui %while3A_331, %rem3A_613 : i32
          %rem3A_615 = arith.constant 2 : i32
          %rem3A_616 = arith.remui %while3A_333, %rem3A_615 : i32
          %rem3A_617 = arith.constant 2 : i32
          %rem3A_618 = arith.remui %while3A_335, %rem3A_617 : i32
          %rem3A_619 = arith.constant 2 : i32
          %rem3A_620 = arith.remui %while3A_337, %rem3A_619 : i32
          %run_scoped3A_621 = arith.constant 0 : i32
          "tpu.trace_start"() <{level = 10 : i32, message = "ep_run_kernel"}> : () -> ()
          "tpu.region"() ({
            %run_scoped3A_913 = tpu.sem_alloc : memref<!tpu.dma_semaphore, #tpu.memory_space<semaphore_mem>>
            %dma_start3A_914 = arith.constant 0 : i32
            %dma_start3A_915 = arith.constant 0 : i32
            %dma_start3A_916 = tpu.memref_slice %run_scoped3A[%rem3A_602, %dma_start3A_914, %dma_start3A_915] : memref<2x1x128xi32, #tpu.memory_space<vmem>> -> memref<1x1x128xi32, #tpu.memory_space<vmem>>
            %dma_start3A_917 = tpu.memref_squeeze %dma_start3A_916 : memref<1x1x128xi32, #tpu.memory_space<vmem>> -> memref<1x128xi32, #tpu.memory_space<vmem>>
            %dma_start3A_918 = arith.constant 0 : i32
            %dma_start3A_919 = tpu.memref_slice %dma_start3A_917[%run_scoped3A_621, %dma_start3A_918] : memref<1x128xi32, #tpu.memory_space<vmem>> -> memref<1x128xi32, #tpu.memory_space<vmem>>
            %dma_start3A_920 = tpu.memref_squeeze %dma_start3A_919 : memref<1x128xi32, #tpu.memory_space<vmem>> -> memref<128xi32, #tpu.memory_space<vmem>>
            %dma_start3A_921 = arith.constant 0 : i32
            %dma_start3A_922 = arith.constant 0 : i32
            %dma_start3A_923 = tpu.memref_slice %arg2[%dma_start3A_921, %dma_start3A_922] : memref<2500x16xf32, #tpu.memory_space<hbm>> -> memref<2500x16xf32, #tpu.memory_space<hbm>>
            tpu.enqueue_indirect_dma source(%dma_start3A_923 : memref<2500x16xf32, #tpu.memory_space<hbm>>) target(%arg13 : memref<128x16xf32, #tpu.memory_space<vmem>>) offsets(%dma_start3A_920 : memref<128xi32, #tpu.memory_space<vmem>>) semaphore(%run_scoped3A_913 : memref<!tpu.dma_semaphore, #tpu.memory_space<semaphore_mem>>)
            %dma_wait3A = arith.constant 0 : i32
            %dma_wait3A_924 = arith.constant 0 : i32
            %dma_wait3A_925 = tpu.memref_slice %run_scoped3A[%rem3A_602, %dma_wait3A, %dma_wait3A_924] : memref<2x1x128xi32, #tpu.memory_space<vmem>> -> memref<1x1x128xi32, #tpu.memory_space<vmem>>
            %dma_wait3A_926 = tpu.memref_squeeze %dma_wait3A_925 : memref<1x1x128xi32, #tpu.memory_space<vmem>> -> memref<1x128xi32, #tpu.memory_space<vmem>>
            %dma_wait3A_927 = arith.constant 0 : i32
            %dma_wait3A_928 = tpu.memref_slice %dma_wait3A_926[%run_scoped3A_621, %dma_wait3A_927] : memref<1x128xi32, #tpu.memory_space<vmem>> -> memref<1x128xi32, #tpu.memory_space<vmem>>
            %dma_wait3A_929 = tpu.memref_squeeze %dma_wait3A_928 : memref<1x128xi32, #tpu.memory_space<vmem>> -> memref<128xi32, #tpu.memory_space<vmem>>
            %dma_wait3A_930 = arith.constant 0 : i32
            %dma_wait3A_931 = arith.constant 0 : i32
            %dma_wait3A_932 = tpu.memref_slice %arg2[%dma_wait3A_930, %dma_wait3A_931] : memref<2500x16xf32, #tpu.memory_space<hbm>> -> memref<2500x16xf32, #tpu.memory_space<hbm>>
            tpu.wait_indirect_dma semaphore(%run_scoped3A_913 : memref<!tpu.dma_semaphore, #tpu.memory_space<semaphore_mem>>) src(%dma_wait3A_932 : memref<2500x16xf32, #tpu.memory_space<hbm>>) dst(%arg13 : memref<128x16xf32, #tpu.memory_space<vmem>>)
            tpu.yield
          }) : () -> ()
          %run_scoped3A_622 = arith.constant 0 : i32
          "tpu.region"() ({
            %run_scoped3A_913 = tpu.sem_alloc : memref<!tpu.dma_semaphore, #tpu.memory_space<semaphore_mem>>
            %dma_start3A_914 = arith.constant 0 : i32
            %dma_start3A_915 = arith.constant 0 : i32
            %dma_start3A_916 = tpu.memref_slice %run_scoped3A_18[%rem3A_604, %dma_start3A_914, %dma_start3A_915] : memref<2x1x128xi32, #tpu.memory_space<vmem>> -> memref<1x1x128xi32, #tpu.memory_space<vmem>>
            %dma_start3A_917 = tpu.memref_squeeze %dma_start3A_916 : memref<1x1x128xi32, #tpu.memory_space<vmem>> -> memref<1x128xi32, #tpu.memory_space<vmem>>
            %dma_start3A_918 = arith.constant 0 : i32
            %dma_start3A_919 = tpu.memref_slice %dma_start3A_917[%run_scoped3A_622, %dma_start3A_918] : memref<1x128xi32, #tpu.memory_space<vmem>> -> memref<1x128xi32, #tpu.memory_space<vmem>>
            %dma_start3A_920 = tpu.memref_squeeze %dma_start3A_919 : memref<1x128xi32, #tpu.memory_space<vmem>> -> memref<128xi32, #tpu.memory_space<vmem>>
            %dma_start3A_921 = arith.constant 0 : i32
            %dma_start3A_922 = arith.constant 0 : i32
            %dma_start3A_923 = tpu.memref_slice %arg2[%dma_start3A_921, %dma_start3A_922] : memref<2500x16xf32, #tpu.memory_space<hbm>> -> memref<2500x16xf32, #tpu.memory_space<hbm>>
            tpu.enqueue_indirect_dma source(%dma_start3A_923 : memref<2500x16xf32, #tpu.memory_space<hbm>>) target(%arg14 : memref<128x16xf32, #tpu.memory_space<vmem>>) offsets(%dma_start3A_920 : memref<128xi32, #tpu.memory_space<vmem>>) semaphore(%run_scoped3A_913 : memref<!tpu.dma_semaphore, #tpu.memory_space<semaphore_mem>>)
            %dma_wait3A = arith.constant 0 : i32
            %dma_wait3A_924 = arith.constant 0 : i32
            %dma_wait3A_925 = tpu.memref_slice %run_scoped3A_18[%rem3A_604, %dma_wait3A, %dma_wait3A_924] : memref<2x1x128xi32, #tpu.memory_space<vmem>> -> memref<1x1x128xi32, #tpu.memory_space<vmem>>
            %dma_wait3A_926 = tpu.memref_squeeze %dma_wait3A_925 : memref<1x1x128xi32, #tpu.memory_space<vmem>> -> memref<1x128xi32, #tpu.memory_space<vmem>>
            %dma_wait3A_927 = arith.constant 0 : i32
            %dma_wait3A_928 = tpu.memref_slice %dma_wait3A_926[%run_scoped3A_622, %dma_wait3A_927] : memref<1x128xi32, #tpu.memory_space<vmem>> -> memref<1x128xi32, #tpu.memory_space<vmem>>
            %dma_wait3A_929 = tpu.memref_squeeze %dma_wait3A_928 : memref<1x128xi32, #tpu.memory_space<vmem>> -> memref<128xi32, #tpu.memory_space<vmem>>
            %dma_wait3A_930 = arith.constant 0 : i32
            %dma_wait3A_931 = arith.constant 0 : i32
            %dma_wait3A_932 = tpu.memref_slice %arg2[%dma_wait3A_930, %dma_wait3A_931] : memref<2500x16xf32, #tpu.memory_space<hbm>> -> memref<2500x16xf32, #tpu.memory_space<hbm>>
            tpu.wait_indirect_dma semaphore(%run_scoped3A_913 : memref<!tpu.dma_semaphore, #tpu.memory_space<semaphore_mem>>) src(%dma_wait3A_932 : memref<2500x16xf32, #tpu.memory_space<hbm>>) dst(%arg14 : memref<128x16xf32, #tpu.memory_space<vmem>>)
            tpu.yield
          }) : () -> ()
          %run_scoped3A_623 = arith.constant 0 : i32
          "tpu.region"() ({
            %run_scoped3A_913 = tpu.sem_alloc : memref<!tpu.dma_semaphore, #tpu.memory_space<semaphore_mem>>
            %dma_start3A_914 = arith.constant 0 : i32
            %dma_start3A_915 = arith.constant 0 : i32
            %dma_start3A_916 = tpu.memref_slice %run_scoped3A_20[%rem3A_606, %dma_start3A_914, %dma_start3A_915] : memref<2x1x128xi32, #tpu.memory_space<vmem>> -> memref<1x1x128xi32, #tpu.memory_space<vmem>>
            %dma_start3A_917 = tpu.memref_squeeze %dma_start3A_916 : memref<1x1x128xi32, #tpu.memory_space<vmem>> -> memref<1x128xi32, #tpu.memory_space<vmem>>
            %dma_start3A_918 = arith.constant 0 : i32
            %dma_start3A_919 = tpu.memref_slice %dma_start3A_917[%run_scoped3A_623, %dma_start3A_918] : memref<1x128xi32, #tpu.memory_space<vmem>> -> memref<1x128xi32, #tpu.memory_space<vmem>>
            %dma_start3A_920 = tpu.memref_squeeze %dma_start3A_919 : memref<1x128xi32, #tpu.memory_space<vmem>> -> memref<128xi32, #tpu.memory_space<vmem>>
            %dma_start3A_921 = arith.constant 0 : i32
            %dma_start3A_922 = arith.constant 0 : i32
            %dma_start3A_923 = tpu.memref_slice %arg2[%dma_start3A_921, %dma_start3A_922] : memref<2500x16xf32, #tpu.memory_space<hbm>> -> memref<2500x16xf32, #tpu.memory_space<hbm>>
            tpu.enqueue_indirect_dma source(%dma_start3A_923 : memref<2500x16xf32, #tpu.memory_space<hbm>>) target(%arg15 : memref<128x16xf32, #tpu.memory_space<vmem>>) offsets(%dma_start3A_920 : memref<128xi32, #tpu.memory_space<vmem>>) semaphore(%run_scoped3A_913 : memref<!tpu.dma_semaphore, #tpu.memory_space<semaphore_mem>>)
            %dma_wait3A = arith.constant 0 : i32
            %dma_wait3A_924 = arith.constant 0 : i32
            %dma_wait3A_925 = tpu.memref_slice %run_scoped3A_20[%rem3A_606, %dma_wait3A, %dma_wait3A_924] : memref<2x1x128xi32, #tpu.memory_space<vmem>> -> memref<1x1x128xi32, #tpu.memory_space<vmem>>
            %dma_wait3A_926 = tpu.memref_squeeze %dma_wait3A_925 : memref<1x1x128xi32, #tpu.memory_space<vmem>> -> memref<1x128xi32, #tpu.memory_space<vmem>>
            %dma_wait3A_927 = arith.constant 0 : i32
            %dma_wait3A_928 = tpu.memref_slice %dma_wait3A_926[%run_scoped3A_623, %dma_wait3A_927] : memref<1x128xi32, #tpu.memory_space<vmem>> -> memref<1x128xi32, #tpu.memory_space<vmem>>
            %dma_wait3A_929 = tpu.memref_squeeze %dma_wait3A_928 : memref<1x128xi32, #tpu.memory_space<vmem>> -> memref<128xi32, #tpu.memory_space<vmem>>
            %dma_wait3A_930 = arith.constant 0 : i32
            %dma_wait3A_931 = arith.constant 0 : i32
            %dma_wait3A_932 = tpu.memref_slice %arg2[%dma_wait3A_930, %dma_wait3A_931] : memref<2500x16xf32, #tpu.memory_space<hbm>> -> memref<2500x16xf32, #tpu.memory_space<hbm>>
            tpu.wait_indirect_dma semaphore(%run_scoped3A_913 : memref<!tpu.dma_semaphore, #tpu.memory_space<semaphore_mem>>) src(%dma_wait3A_932 : memref<2500x16xf32, #tpu.memory_space<hbm>>) dst(%arg15 : memref<128x16xf32, #tpu.memory_space<vmem>>)
            tpu.yield
          }) : () -> ()
          %scan3A = arith.constant 0 : i32
          %scan3A_624 = arith.constant 128 : i32
          %scan3A_625 = arith.addi %scan3A, %scan3A_624 : i32
          %scan3A_626 = arith.constant 1 : i32
          scf.for %scan3A_913 = %scan3A to %scan3A_625 step %scan3A_626  : i32 {
            %mul3A_914 = arith.constant 1 : i32
            %mul3A_915 = arith.muli %scan3A_913, %mul3A_914 : i32
            %add3A_916 = arith.constant 0 : i32
            %add3A_917 = arith.addi %add3A_916, %mul3A_915 : i32
            %get3A = arith.index_cast %add3A_917 : i32 to index
            %get3A_918 = arith.constant 0 : index
            %get3A_919 = tpu.vector_load %arg13[%get3A, %get3A_918] {strides = array<i32>} : memref<128x16xf32, #tpu.memory_space<vmem>>, vector<16xf32>,
            %get3A_920 = arith.index_cast %add3A_917 : i32 to index
            %get3A_921 = arith.constant 0 : index
            %get3A_922 = tpu.vector_load %arg14[%get3A_920, %get3A_921] {strides = array<i32>} : memref<128x16xf32, #tpu.memory_space<vmem>>, vector<16xf32>,
            %add3A_923 = arith.addf %get3A_919, %get3A_922 : vector<16xf32>
            %get3A_924 = arith.index_cast %add3A_917 : i32 to index
            %get3A_925 = arith.constant 0 : index
            %get3A_926 = tpu.vector_load %arg15[%get3A_924, %get3A_925] {strides = array<i32>} : memref<128x16xf32, #tpu.memory_space<vmem>>, vector<16xf32>,
            %add3A_927 = arith.addf %add3A_923, %get3A_926 : vector<16xf32>
            %mul3A_928 = arith.constant 0.333333343 : f32
            %mul3A_929 = vector.broadcast %mul3A_928 : f32 to vector<16xf32>
            %mul3A_930 = arith.mulf %add3A_927, %mul3A_929 : vector<16xf32>
            %swap3A = arith.constant 0 : i32
            %swap3A_931 = arith.constant 0 : i32
            %swap3A_932 = tpu.memref_slice %run_scoped3A_28[%rem3A_614, %swap3A, %swap3A_931] : memref<2x128x16xf32, #tpu.memory_space<vmem>> -> memref<1x128x16xf32, #tpu.memory_space<vmem>>
            %swap3A_933 = tpu.memref_squeeze %swap3A_932 : memref<1x128x16xf32, #tpu.memory_space<vmem>> -> memref<128x16xf32, #tpu.memory_space<vmem>>
            %swap3A_934 = arith.index_cast %add3A_917 : i32 to index
            %swap3A_935 = arith.constant 0 : index
            %swap3A_936 = tpu.vector_load %swap3A_933[%swap3A_934, %swap3A_935] {strides = array<i32>} : memref<128x16xf32, #tpu.memory_space<vmem>>, vector<16xf32>,
            tpu.vector_store %swap3A_933[%swap3A_934, %swap3A_935], %mul3A_930 {strides = array<i32>} : memref<128x16xf32, #tpu.memory_space<vmem>>, vector<16xf32>,
          }
          %scan3A_627 = arith.constant 128 : i32
          %iota3A = tpu.iota {dimensions = array<i32: 0>} : vector<16xi32>
          %shift_right_logical3A = arith.constant 3 : i32
          %shift_right_logical3A_628 = vector.broadcast %shift_right_logical3A : i32 to vector<16xi32>
          %shift_right_logical3A_629 = arith.shrui %iota3A, %shift_right_logical3A_628 : vector<16xi32>
          %broadcast_in_dim3A = arith.constant 0 : i32
          %broadcast_in_dim3A_630 = vector.broadcast %broadcast_in_dim3A : i32 to vector<16xi32>
          %scan3A_631 = arith.constant 0 : i32
          %scan3A_632 = arith.constant 64 : i32
          %scan3A_633 = arith.addi %scan3A_631, %scan3A_632 : i32
          %scan3A_634 = arith.constant 1 : i32
          scf.for %scan3A_913 = %scan3A_631 to %scan3A_633 step %scan3A_634  : i32 {
            %mul3A_914 = arith.constant 1 : i32
            %mul3A_915 = arith.muli %scan3A_913, %mul3A_914 : i32
            %add3A_916 = arith.constant 0 : i32
            %add3A_917 = arith.addi %add3A_916, %mul3A_915 : i32
            %mul3A_918 = arith.constant 16 : i32
            %mul3A_919 = arith.muli %add3A_917, %mul3A_918 : i32
            %mul3A_920 = arith.constant 2 : i32
            %mul3A_921 = arith.muli %add3A_917, %mul3A_920 : i32
            %add3A_922 = vector.broadcast %mul3A_921 : i32 to vector<16xi32>
            %add3A_923 = arith.addi %shift_right_logical3A_629, %add3A_922 : vector<16xi32>
            %get3A = arith.constant 0 : i32
            %get3A_924 = arith.constant 0 : i32
            %get3A_925 = arith.constant 0 : i32
            %get3A_926 = tpu.memref_slice %run_scoped3A_22[%rem3A_608, %get3A_924, %get3A_925] : memref<2x1x1024xf32, #tpu.memory_space<vmem>> -> memref<1x1x1024xf32, #tpu.memory_space<vmem>>
            %get3A_927 = tpu.memref_squeeze %get3A_926 : memref<1x1x1024xf32, #tpu.memory_space<vmem>> -> memref<1x1024xf32, #tpu.memory_space<vmem>>
            %get3A_928 = arith.index_cast %get3A : i32 to index
            %get3A_929 = arith.index_cast %mul3A_919 : i32 to index
            %get3A_930 = tpu.vector_load %get3A_927[%get3A_928, %get3A_929] {strides = array<i32>} : memref<1x1024xf32, #tpu.memory_space<vmem>>, vector<16xf32>,
            %get3A_931 = arith.constant 0 : i32
            %get3A_932 = arith.constant 0 : i32
            %get3A_933 = arith.constant 0 : i32
            %get3A_934 = tpu.memref_slice %run_scoped3A_24[%rem3A_610, %get3A_932, %get3A_933] : memref<2x1x1024xf32, #tpu.memory_space<vmem>> -> memref<1x1x1024xf32, #tpu.memory_space<vmem>>
            %get3A_935 = tpu.memref_squeeze %get3A_934 : memref<1x1x1024xf32, #tpu.memory_space<vmem>> -> memref<1x1024xf32, #tpu.memory_space<vmem>>
            %get3A_936 = arith.index_cast %get3A_931 : i32 to index
            %get3A_937 = arith.index_cast %mul3A_919 : i32 to index
            %get3A_938 = tpu.vector_load %get3A_935[%get3A_936, %get3A_937] {strides = array<i32>} : memref<1x1024xf32, #tpu.memory_space<vmem>>, vector<16xf32>,
            %get3A_939 = arith.constant 0 : i32
            %get3A_940 = arith.constant 0 : i32
            %get3A_941 = arith.constant 0 : i32
            %get3A_942 = tpu.memref_slice %run_scoped3A_26[%rem3A_612, %get3A_940, %get3A_941] : memref<2x1x1024xf32, #tpu.memory_space<vmem>> -> memref<1x1x1024xf32, #tpu.memory_space<vmem>>
            %get3A_943 = tpu.memref_squeeze %get3A_942 : memref<1x1x1024xf32, #tpu.memory_space<vmem>> -> memref<1x1024xf32, #tpu.memory_space<vmem>>
            %get3A_944 = arith.index_cast %get3A_939 : i32 to index
            %get3A_945 = arith.index_cast %mul3A_919 : i32 to index
            %get3A_946 = tpu.vector_load %get3A_943[%get3A_944, %get3A_945] {strides = array<i32>} : memref<1x1024xf32, #tpu.memory_space<vmem>>, vector<16xf32>,
            %add3A_947 = arith.constant 1 : i32
            %add3A_948 = vector.broadcast %add3A_947 : i32 to vector<16xi32>
            %add3A_949 = arith.addi %broadcast_in_dim3A_630, %add3A_948 : vector<16xi32>
            %add3A_950 = arith.constant 2 : i32
            %add3A_951 = vector.broadcast %add3A_950 : i32 to vector<16xi32>
            %add3A_952 = arith.addi %broadcast_in_dim3A_630, %add3A_951 : vector<16xi32>
            %gather3A = tpu.vector_load_idx %arg13[%add3A_923, %broadcast_in_dim3A_630] : memref<128x16xf32, #tpu.memory_space<vmem>>[vector<16xi32>, vector<16xi32>], vector<16xf32>,
            %mul3A_953 = arith.mulf %get3A_930, %gather3A : vector<16xf32>
            %gather3A_954 = tpu.vector_load_idx %arg14[%add3A_923, %broadcast_in_dim3A_630] : memref<128x16xf32, #tpu.memory_space<vmem>>[vector<16xi32>, vector<16xi32>], vector<16xf32>,
            %mul3A_955 = arith.mulf %get3A_938, %gather3A_954 : vector<16xf32>
            %add3A_956 = arith.addf %mul3A_953, %mul3A_955 : vector<16xf32>
            %gather3A_957 = tpu.vector_load_idx %arg15[%add3A_923, %broadcast_in_dim3A_630] : memref<128x16xf32, #tpu.memory_space<vmem>>[vector<16xi32>, vector<16xi32>], vector<16xf32>,
            %mul3A_958 = arith.mulf %get3A_946, %gather3A_957 : vector<16xf32>
            %add3A_959 = arith.addf %add3A_956, %mul3A_958 : vector<16xf32>
            %swap3A = arith.constant 0 : i32
            %swap3A_960 = arith.constant 0 : i32
            %swap3A_961 = arith.constant 0 : i32
            %swap3A_962 = tpu.memref_slice %run_scoped3A_30[%rem3A_616, %swap3A_960, %swap3A_961] : memref<2x1x1024xf32, #tpu.memory_space<vmem>> -> memref<1x1x1024xf32, #tpu.memory_space<vmem>>
            %swap3A_963 = tpu.memref_squeeze %swap3A_962 : memref<1x1x1024xf32, #tpu.memory_space<vmem>> -> memref<1x1024xf32, #tpu.memory_space<vmem>>
            %swap3A_964 = arith.index_cast %swap3A : i32 to index
            %swap3A_965 = arith.index_cast %mul3A_919 : i32 to index
            %swap3A_966 = tpu.vector_load %swap3A_963[%swap3A_964, %swap3A_965] {strides = array<i32>} : memref<1x1024xf32, #tpu.memory_space<vmem>>, vector<16xf32>,
            tpu.vector_store %swap3A_963[%swap3A_964, %swap3A_965], %add3A_959 {strides = array<i32>} : memref<1x1024xf32, #tpu.memory_space<vmem>>, vector<16xf32>,
            %gather3A_967 = tpu.vector_load_idx %arg13[%add3A_923, %add3A_949] : memref<128x16xf32, #tpu.memory_space<vmem>>[vector<16xi32>, vector<16xi32>], vector<16xf32>,
            %mul3A_968 = arith.mulf %get3A_930, %gather3A_967 : vector<16xf32>
            %gather3A_969 = tpu.vector_load_idx %arg14[%add3A_923, %add3A_949] : memref<128x16xf32, #tpu.memory_space<vmem>>[vector<16xi32>, vector<16xi32>], vector<16xf32>,
            %mul3A_970 = arith.mulf %get3A_938, %gather3A_969 : vector<16xf32>
            %add3A_971 = arith.addf %mul3A_968, %mul3A_970 : vector<16xf32>
            %gather3A_972 = tpu.vector_load_idx %arg15[%add3A_923, %add3A_949] : memref<128x16xf32, #tpu.memory_space<vmem>>[vector<16xi32>, vector<16xi32>], vector<16xf32>,
            %mul3A_973 = arith.mulf %get3A_946, %gather3A_972 : vector<16xf32>
            %add3A_974 = arith.addf %add3A_971, %mul3A_973 : vector<16xf32>
            %swap3A_975 = arith.constant 0 : i32
            %swap3A_976 = arith.constant 0 : i32
            %swap3A_977 = arith.constant 0 : i32
            %swap3A_978 = tpu.memref_slice %run_scoped3A_32[%rem3A_618, %swap3A_976, %swap3A_977] : memref<2x1x1024xf32, #tpu.memory_space<vmem>> -> memref<1x1x1024xf32, #tpu.memory_space<vmem>>
            %swap3A_979 = tpu.memref_squeeze %swap3A_978 : memref<1x1x1024xf32, #tpu.memory_space<vmem>> -> memref<1x1024xf32, #tpu.memory_space<vmem>>
            %swap3A_980 = arith.index_cast %swap3A_975 : i32 to index
            %swap3A_981 = arith.index_cast %mul3A_919 : i32 to index
            %swap3A_982 = tpu.vector_load %swap3A_979[%swap3A_980, %swap3A_981] {strides = array<i32>} : memref<1x1024xf32, #tpu.memory_space<vmem>>, vector<16xf32>,
            tpu.vector_store %swap3A_979[%swap3A_980, %swap3A_981], %add3A_974 {strides = array<i32>} : memref<1x1024xf32, #tpu.memory_space<vmem>>, vector<16xf32>,
            %gather3A_983 = tpu.vector_load_idx %arg13[%add3A_923, %add3A_952] : memref<128x16xf32, #tpu.memory_space<vmem>>[vector<16xi32>, vector<16xi32>], vector<16xf32>,
            %mul3A_984 = arith.mulf %get3A_930, %gather3A_983 : vector<16xf32>
            %gather3A_985 = tpu.vector_load_idx %arg14[%add3A_923, %add3A_952] : memref<128x16xf32, #tpu.memory_space<vmem>>[vector<16xi32>, vector<16xi32>], vector<16xf32>,
            %mul3A_986 = arith.mulf %get3A_938, %gather3A_985 : vector<16xf32>
            %add3A_987 = arith.addf %mul3A_984, %mul3A_986 : vector<16xf32>
            %gather3A_988 = tpu.vector_load_idx %arg15[%add3A_923, %add3A_952] : memref<128x16xf32, #tpu.memory_space<vmem>>[vector<16xi32>, vector<16xi32>], vector<16xf32>,
            %mul3A_989 = arith.mulf %get3A_946, %gather3A_988 : vector<16xf32>
            %add3A_990 = arith.addf %add3A_987, %mul3A_989 : vector<16xf32>
            %swap3A_991 = arith.constant 0 : i32
            %swap3A_992 = arith.constant 0 : i32
            %swap3A_993 = arith.constant 0 : i32
            %swap3A_994 = tpu.memref_slice %run_scoped3A_34[%rem3A_620, %swap3A_992, %swap3A_993] : memref<2x1x1024xf32, #tpu.memory_space<vmem>> -> memref<1x1x1024xf32, #tpu.memory_space<vmem>>
            %swap3A_995 = tpu.memref_squeeze %swap3A_994 : memref<1x1x1024xf32, #tpu.memory_space<vmem>> -> memref<1x1024xf32, #tpu.memory_space<vmem>>
            %swap3A_996 = arith.index_cast %swap3A_991 : i32 to index
            %swap3A_997 = arith.index_cast %mul3A_919 : i32 to index
            %swap3A_998 = tpu.vector_load %swap3A_995[%swap3A_996, %swap3A_997] {strides = array<i32>} : memref<1x1024xf32, #tpu.memory_space<vmem>>, vector<16xf32>,
            tpu.vector_store %swap3A_995[%swap3A_996, %swap3A_997], %add3A_990 {strides = array<i32>} : memref<1x1024xf32, #tpu.memory_space<vmem>>, vector<16xf32>,
          }
          %scan3A_635 = arith.constant 64 : i32
          "tpu.trace_stop"() : () -> ()
          %ne3A_636 = arith.cmpi ne, %add3A_347, %add3A_365 : i32
          %or3A_637 = arith.constant false
          %or3A_638 = arith.ori %or3A_637, %ne3A_636 : i1
          %or3A_639 = arith.ori %or3A_638, %eq3A_346 : i1
          %convert_element_type3A_640 = arith.extui %or3A_639 : i1 to i32
          %cond3A_641 = arith.constant 0 : i32
          %cond3A_642 = arith.cmpi ne, %convert_element_type3A_640, %cond3A_641 : i32
          scf.if %cond3A_642 {
          } else {
          }
          %and3A_643 = arith.constant false
          %and3A_644 = arith.andi %or3A_639, %and3A_643 : i1
          %ne3A_645 = arith.cmpi ne, %add3A_347, %add3A_365 : i32
          %or3A_646 = arith.constant false
          %or3A_647 = arith.ori %or3A_646, %ne3A_645 : i1
          %or3A_648 = arith.ori %or3A_647, %eq3A_346 : i1
          %convert_element_type3A_649 = arith.extui %or3A_648 : i1 to i32
          %cond3A_650 = arith.constant 0 : i32
          %cond3A_651 = arith.cmpi ne, %convert_element_type3A_649, %cond3A_650 : i32
          scf.if %cond3A_651 {
          } else {
          }
          %and3A_652 = arith.constant false
          %and3A_653 = arith.andi %or3A_648, %and3A_652 : i1
          %ne3A_654 = arith.cmpi ne, %add3A_347, %add3A_365 : i32
          %or3A_655 = arith.constant false
          %or3A_656 = arith.ori %or3A_655, %ne3A_654 : i1
          %or3A_657 = arith.ori %or3A_656, %eq3A_346 : i1
          %convert_element_type3A_658 = arith.extui %or3A_657 : i1 to i32
          %cond3A_659 = arith.constant 0 : i32
          %cond3A_660 = arith.cmpi ne, %convert_element_type3A_658, %cond3A_659 : i32
          scf.if %cond3A_660 {
          } else {
          }
          %and3A_661 = arith.constant false
          %and3A_662 = arith.andi %or3A_657, %and3A_661 : i1
          %ne3A_663 = arith.cmpi ne, %add3A_347, %add3A_365 : i32
          %or3A_664 = arith.constant false
          %or3A_665 = arith.ori %or3A_664, %ne3A_663 : i1
          %or3A_666 = arith.ori %or3A_665, %eq3A_346 : i1
          %convert_element_type3A_667 = arith.extui %or3A_666 : i1 to i32
          %cond3A_668 = arith.constant 0 : i32
          %cond3A_669 = arith.cmpi ne, %convert_element_type3A_667, %cond3A_668 : i32
          scf.if %cond3A_669 {
          } else {
          }
          %and3A_670 = arith.constant false
          %and3A_671 = arith.andi %or3A_666, %and3A_670 : i1
          %ne3A_672 = arith.cmpi ne, %add3A_347, %add3A_365 : i32
          %or3A_673 = arith.constant false
          %or3A_674 = arith.ori %or3A_673, %ne3A_672 : i1
          %or3A_675 = arith.ori %or3A_674, %eq3A_346 : i1
          %convert_element_type3A_676 = arith.extui %or3A_675 : i1 to i32
          %cond3A_677 = arith.constant 0 : i32
          %cond3A_678 = arith.cmpi ne, %convert_element_type3A_676, %cond3A_677 : i32
          scf.if %cond3A_678 {
          } else {
          }
          %and3A_679 = arith.constant false
          %and3A_680 = arith.andi %or3A_675, %and3A_679 : i1
          %ne3A_681 = arith.cmpi ne, %add3A_347, %add3A_365 : i32
          %or3A_682 = arith.constant false
          %or3A_683 = arith.ori %or3A_682, %ne3A_681 : i1
          %or3A_684 = arith.ori %or3A_683, %eq3A_346 : i1
          %convert_element_type3A_685 = arith.extui %or3A_684 : i1 to i32
          %cond3A_686 = arith.constant 0 : i32
          %cond3A_687 = arith.cmpi ne, %convert_element_type3A_685, %cond3A_686 : i32
          scf.if %cond3A_687 {
          } else {
          }
          %and3A_688 = arith.constant false
          %and3A_689 = arith.andi %or3A_684, %and3A_688 : i1
          %ne3A_690 = arith.cmpi ne, %add3A_347, %add3A_365 : i32
          %or3A_691 = arith.constant false
          %or3A_692 = arith.ori %or3A_691, %ne3A_690 : i1
          %or3A_693 = arith.constant false
          %or3A_694 = arith.ori %or3A_692, %or3A_693 : i1
          %or3A_695 = arith.ori %or3A_694, %eq3A_346 : i1
          %convert_element_type3A_696 = arith.extui %or3A_695 : i1 to i32
          %cond3A_697 = arith.constant 0 : i32
          %cond3A_698 = arith.cmpi ne, %convert_element_type3A_696, %cond3A_697 : i32
          scf.if %cond3A_698 {
            "tpu.trace_start"() <{level = 10 : i32, message = "ep_copy_out"}> : () -> ()
            %rem3A_913 = arith.constant 2 : i32
            %rem3A_914 = arith.remui %while3A_331, %rem3A_913 : i32
            %mul3A_915 = arith.constant 128 : i32
            %mul3A_916 = arith.muli %mul3A_915, %add3A_347 : i32
            %dma_start3A_917 = arith.constant 0 : i32
            %dma_start3A_918 = arith.constant 0 : i32
            %dma_start3A_919 = tpu.memref_slice %run_scoped3A_28[%rem3A_914, %dma_start3A_917, %dma_start3A_918] : memref<2x128x16xf32, #tpu.memory_space<vmem>> -> memref<1x128x16xf32, #tpu.memory_space<vmem>>
            %dma_start3A_920 = tpu.memref_squeeze %dma_start3A_919 : memref<1x128x16xf32, #tpu.memory_space<vmem>> -> memref<128x16xf32, #tpu.memory_space<vmem>>
            %dma_start3A_921 = arith.constant 0 : i32
            %dma_start3A_922 = tpu.memref_slice %arg9[%mul3A_916, %dma_start3A_921] : memref<5120x16xf32, #tpu.memory_space<hbm>> -> memref<128x16xf32, #tpu.memory_space<hbm>>
            %dma_start3A_923 = tpu.memref_slice %run_scoped3A_29[%rem3A_914] : memref<2x!tpu.dma_semaphore, #tpu.memory_space<semaphore_mem>> -> memref<1x!tpu.dma_semaphore, #tpu.memory_space<semaphore_mem>>
            %dma_start3A_924 = tpu.memref_squeeze %dma_start3A_923 : memref<1x!tpu.dma_semaphore, #tpu.memory_space<semaphore_mem>> -> memref<!tpu.dma_semaphore, #tpu.memory_space<semaphore_mem>>
            %dma_start3A_925 = arith.constant 0 : i32
            %dma_start3A_926 = tpu.memref_slice %arg9[%mul3A_916, %dma_start3A_925] : memref<5120x16xf32, #tpu.memory_space<hbm>> -> memref<128x16xf32, #tpu.memory_space<hbm>>
            %dma_start3A_927 = arith.constant 0 : i32
            %dma_start3A_928 = arith.constant 0 : i32
            %dma_start3A_929 = tpu.memref_slice %run_scoped3A_28[%rem3A_914, %dma_start3A_927, %dma_start3A_928] : memref<2x128x16xf32, #tpu.memory_space<vmem>> -> memref<1x128x16xf32, #tpu.memory_space<vmem>>
            %dma_start3A_930 = tpu.memref_squeeze %dma_start3A_929 : memref<1x128x16xf32, #tpu.memory_space<vmem>> -> memref<128x16xf32, #tpu.memory_space<vmem>>
            tpu.enqueue_dma source(%dma_start3A_930 : memref<128x16xf32, #tpu.memory_space<vmem>>) target(%dma_start3A_926 : memref<128x16xf32, #tpu.memory_space<hbm>>) target_semaphore(%dma_start3A_924 : memref<!tpu.dma_semaphore, #tpu.memory_space<semaphore_mem>>)
            "tpu.trace_stop"() : () -> ()
          } else {
          }
          %and3A_699 = arith.constant true
          %and3A_700 = arith.andi %or3A_695, %and3A_699 : i1
          %add3A_701 = arith.constant 1 : i32
          %add3A_702 = arith.addi %while3A_331, %add3A_701 : i32
          %select_n3A_703 = arith.select %and3A_700, %add3A_702, %while3A_331 : i32
          %ne3A_704 = arith.cmpi ne, %add3A_347, %add3A_365 : i32
          %or3A_705 = arith.constant false
          %or3A_706 = arith.ori %or3A_705, %ne3A_704 : i1
          %or3A_707 = arith.ori %or3A_706, %eq3A_346 : i1
          %convert_element_type3A_708 = arith.extui %or3A_707 : i1 to i32
          %cond3A_709 = arith.constant 0 : i32
          %cond3A_710 = arith.cmpi ne, %convert_element_type3A_708, %cond3A_709 : i32
          scf.if %cond3A_710 {
            "tpu.trace_start"() <{level = 10 : i32, message = "ep_copy_out"}> : () -> ()
            %rem3A_913 = arith.constant 2 : i32
            %rem3A_914 = arith.remui %while3A_333, %rem3A_913 : i32
            %mul3A_915 = arith.constant 1024 : i32
            %mul3A_916 = arith.muli %mul3A_915, %add3A_347 : i32
            %dma_start3A_917 = arith.constant 0 : i32
            %dma_start3A_918 = arith.constant 0 : i32
            %dma_start3A_919 = tpu.memref_slice %run_scoped3A_30[%rem3A_914, %dma_start3A_917, %dma_start3A_918] : memref<2x1x1024xf32, #tpu.memory_space<vmem>> -> memref<1x1x1024xf32, #tpu.memory_space<vmem>>
            %dma_start3A_920 = tpu.memref_squeeze %dma_start3A_919 : memref<1x1x1024xf32, #tpu.memory_space<vmem>> -> memref<1x1024xf32, #tpu.memory_space<vmem>>
            %dma_start3A_921 = arith.constant 0 : i32
            %dma_start3A_922 = tpu.memref_slice %arg10[%dma_start3A_921, %mul3A_916] : memref<1x40960xf32, #tpu.memory_space<hbm>> -> memref<1x1024xf32, #tpu.memory_space<hbm>>
            %dma_start3A_923 = tpu.memref_slice %run_scoped3A_31[%rem3A_914] : memref<2x!tpu.dma_semaphore, #tpu.memory_space<semaphore_mem>> -> memref<1x!tpu.dma_semaphore, #tpu.memory_space<semaphore_mem>>
            %dma_start3A_924 = tpu.memref_squeeze %dma_start3A_923 : memref<1x!tpu.dma_semaphore, #tpu.memory_space<semaphore_mem>> -> memref<!tpu.dma_semaphore, #tpu.memory_space<semaphore_mem>>
            %dma_start3A_925 = arith.constant 0 : i32
            %dma_start3A_926 = tpu.memref_slice %arg10[%dma_start3A_925, %mul3A_916] : memref<1x40960xf32, #tpu.memory_space<hbm>> -> memref<1x1024xf32, #tpu.memory_space<hbm>>
            %dma_start3A_927 = arith.constant 0 : i32
            %dma_start3A_928 = arith.constant 0 : i32
            %dma_start3A_929 = tpu.memref_slice %run_scoped3A_30[%rem3A_914, %dma_start3A_927, %dma_start3A_928] : memref<2x1x1024xf32, #tpu.memory_space<vmem>> -> memref<1x1x1024xf32, #tpu.memory_space<vmem>>
            %dma_start3A_930 = tpu.memref_squeeze %dma_start3A_929 : memref<1x1x1024xf32, #tpu.memory_space<vmem>> -> memref<1x1024xf32, #tpu.memory_space<vmem>>
            tpu.enqueue_dma source(%dma_start3A_930 : memref<1x1024xf32, #tpu.memory_space<vmem>>) target(%dma_start3A_926 : memref<1x1024xf32, #tpu.memory_space<hbm>>) target_semaphore(%dma_start3A_924 : memref<!tpu.dma_semaphore, #tpu.memory_space<semaphore_mem>>)
            "tpu.trace_stop"() : () -> ()
          } else {
          }
          %and3A_711 = arith.constant true
          %and3A_712 = arith.andi %or3A_707, %and3A_711 : i1
          %add3A_713 = arith.constant 1 : i32
          %add3A_714 = arith.addi %while3A_333, %add3A_713 : i32
          %select_n3A_715 = arith.select %and3A_712, %add3A_714, %while3A_333 : i32
          %ne3A_716 = arith.cmpi ne, %add3A_347, %add3A_365 : i32
          %or3A_717 = arith.constant false
          %or3A_718 = arith.ori %or3A_717, %ne3A_716 : i1
          %or3A_719 = arith.ori %or3A_718, %eq3A_346 : i1
          %convert_element_type3A_720 = arith.extui %or3A_719 : i1 to i32
          %cond3A_721 = arith.constant 0 : i32
          %cond3A_722 = arith.cmpi ne, %convert_element_type3A_720, %cond3A_721 : i32
          scf.if %cond3A_722 {
            "tpu.trace_start"() <{level = 10 : i32, message = "ep_copy_out"}> : () -> ()
            %rem3A_913 = arith.constant 2 : i32
            %rem3A_914 = arith.remui %while3A_335, %rem3A_913 : i32
            %mul3A_915 = arith.constant 1024 : i32
            %mul3A_916 = arith.muli %mul3A_915, %add3A_347 : i32
            %dma_start3A_917 = arith.constant 0 : i32
            %dma_start3A_918 = arith.constant 0 : i32
            %dma_start3A_919 = tpu.memref_slice %run_scoped3A_32[%rem3A_914, %dma_start3A_917, %dma_start3A_918] : memref<2x1x1024xf32, #tpu.memory_space<vmem>> -> memref<1x1x1024xf32, #tpu.memory_space<vmem>>
            %dma_start3A_920 = tpu.memref_squeeze %dma_start3A_919 : memref<1x1x1024xf32, #tpu.memory_space<vmem>> -> memref<1x1024xf32, #tpu.memory_space<vmem>>
            %dma_start3A_921 = arith.constant 0 : i32
            %dma_start3A_922 = tpu.memref_slice %arg11[%dma_start3A_921, %mul3A_916] : memref<1x40960xf32, #tpu.memory_space<hbm>> -> memref<1x1024xf32, #tpu.memory_space<hbm>>
            %dma_start3A_923 = tpu.memref_slice %run_scoped3A_33[%rem3A_914] : memref<2x!tpu.dma_semaphore, #tpu.memory_space<semaphore_mem>> -> memref<1x!tpu.dma_semaphore, #tpu.memory_space<semaphore_mem>>
            %dma_start3A_924 = tpu.memref_squeeze %dma_start3A_923 : memref<1x!tpu.dma_semaphore, #tpu.memory_space<semaphore_mem>> -> memref<!tpu.dma_semaphore, #tpu.memory_space<semaphore_mem>>
            %dma_start3A_925 = arith.constant 0 : i32
            %dma_start3A_926 = tpu.memref_slice %arg11[%dma_start3A_925, %mul3A_916] : memref<1x40960xf32, #tpu.memory_space<hbm>> -> memref<1x1024xf32, #tpu.memory_space<hbm>>
            %dma_start3A_927 = arith.constant 0 : i32
            %dma_start3A_928 = arith.constant 0 : i32
            %dma_start3A_929 = tpu.memref_slice %run_scoped3A_32[%rem3A_914, %dma_start3A_927, %dma_start3A_928] : memref<2x1x1024xf32, #tpu.memory_space<vmem>> -> memref<1x1x1024xf32, #tpu.memory_space<vmem>>
            %dma_start3A_930 = tpu.memref_squeeze %dma_start3A_929 : memref<1x1x1024xf32, #tpu.memory_space<vmem>> -> memref<1x1024xf32, #tpu.memory_space<vmem>>
            tpu.enqueue_dma source(%dma_start3A_930 : memref<1x1024xf32, #tpu.memory_space<vmem>>) target(%dma_start3A_926 : memref<1x1024xf32, #tpu.memory_space<hbm>>) target_semaphore(%dma_start3A_924 : memref<!tpu.dma_semaphore, #tpu.memory_space<semaphore_mem>>)
            "tpu.trace_stop"() : () -> ()
          } else {
          }
          %and3A_723 = arith.constant true
          %and3A_724 = arith.andi %or3A_719, %and3A_723 : i1
          %add3A_725 = arith.constant 1 : i32
          %add3A_726 = arith.addi %while3A_335, %add3A_725 : i32
          %select_n3A_727 = arith.select %and3A_724, %add3A_726, %while3A_335 : i32
          %ne3A_728 = arith.cmpi ne, %add3A_347, %add3A_365 : i32
          %or3A_729 = arith.constant false
          %or3A_730 = arith.ori %or3A_729, %ne3A_728 : i1
          %or3A_731 = arith.ori %or3A_730, %eq3A_346 : i1
          %convert_element_type3A_732 = arith.extui %or3A_731 : i1 to i32
          %cond3A_733 = arith.constant 0 : i32
          %cond3A_734 = arith.cmpi ne, %convert_element_type3A_732, %cond3A_733 : i32
          scf.if %cond3A_734 {
            "tpu.trace_start"() <{level = 10 : i32, message = "ep_copy_out"}> : () -> ()
            %rem3A_913 = arith.constant 2 : i32
            %rem3A_914 = arith.remui %while3A_337, %rem3A_913 : i32
            %mul3A_915 = arith.constant 1024 : i32
            %mul3A_916 = arith.muli %mul3A_915, %add3A_347 : i32
            %dma_start3A_917 = arith.constant 0 : i32
            %dma_start3A_918 = arith.constant 0 : i32
            %dma_start3A_919 = tpu.memref_slice %run_scoped3A_34[%rem3A_914, %dma_start3A_917, %dma_start3A_918] : memref<2x1x1024xf32, #tpu.memory_space<vmem>> -> memref<1x1x1024xf32, #tpu.memory_space<vmem>>
            %dma_start3A_920 = tpu.memref_squeeze %dma_start3A_919 : memref<1x1x1024xf32, #tpu.memory_space<vmem>> -> memref<1x1024xf32, #tpu.memory_space<vmem>>
            %dma_start3A_921 = arith.constant 0 : i32
            %dma_start3A_922 = tpu.memref_slice %arg12[%dma_start3A_921, %mul3A_916] : memref<1x40960xf32, #tpu.memory_space<hbm>> -> memref<1x1024xf32, #tpu.memory_space<hbm>>
            %dma_start3A_923 = tpu.memref_slice %run_scoped3A_35[%rem3A_914] : memref<2x!tpu.dma_semaphore, #tpu.memory_space<semaphore_mem>> -> memref<1x!tpu.dma_semaphore, #tpu.memory_space<semaphore_mem>>
            %dma_start3A_924 = tpu.memref_squeeze %dma_start3A_923 : memref<1x!tpu.dma_semaphore, #tpu.memory_space<semaphore_mem>> -> memref<!tpu.dma_semaphore, #tpu.memory_space<semaphore_mem>>
            %dma_start3A_925 = arith.constant 0 : i32
            %dma_start3A_926 = tpu.memref_slice %arg12[%dma_start3A_925, %mul3A_916] : memref<1x40960xf32, #tpu.memory_space<hbm>> -> memref<1x1024xf32, #tpu.memory_space<hbm>>
            %dma_start3A_927 = arith.constant 0 : i32
            %dma_start3A_928 = arith.constant 0 : i32
            %dma_start3A_929 = tpu.memref_slice %run_scoped3A_34[%rem3A_914, %dma_start3A_927, %dma_start3A_928] : memref<2x1x1024xf32, #tpu.memory_space<vmem>> -> memref<1x1x1024xf32, #tpu.memory_space<vmem>>
            %dma_start3A_930 = tpu.memref_squeeze %dma_start3A_929 : memref<1x1x1024xf32, #tpu.memory_space<vmem>> -> memref<1x1024xf32, #tpu.memory_space<vmem>>
            tpu.enqueue_dma source(%dma_start3A_930 : memref<1x1024xf32, #tpu.memory_space<vmem>>) target(%dma_start3A_926 : memref<1x1024xf32, #tpu.memory_space<hbm>>) target_semaphore(%dma_start3A_924 : memref<!tpu.dma_semaphore, #tpu.memory_space<semaphore_mem>>)
            "tpu.trace_stop"() : () -> ()
          } else {
          }
          %and3A_735 = arith.constant true
          %and3A_736 = arith.andi %or3A_731, %and3A_735 : i1
          %add3A_737 = arith.constant 1 : i32
          %add3A_738 = arith.addi %while3A_337, %add3A_737 : i32
          %select_n3A_739 = arith.select %and3A_736, %add3A_738, %while3A_337 : i32
          %ne3A_740 = arith.cmpi ne, %add3A_347, %add3A_357 : i32
          %or3A_741 = arith.constant false
          %or3A_742 = arith.ori %or3A_741, %ne3A_740 : i1
          %not3A_743 = arith.constant true
          %not3A_744 = arith.xori %eq3A_343, %not3A_743 : i1
          %and3A_745 = arith.andi %or3A_742, %not3A_744 : i1
          %convert_element_type3A_746 = arith.extui %and3A_745 : i1 to i32
          %cond3A_747 = arith.constant 0 : i32
          %cond3A_748 = arith.cmpi ne, %convert_element_type3A_746, %cond3A_747 : i32
          scf.if %cond3A_748 {
          } else {
          }
          %and3A_749 = arith.constant false
          %and3A_750 = arith.andi %and3A_745, %and3A_749 : i1
          %ne3A_751 = arith.cmpi ne, %add3A_347, %add3A_357 : i32
          %or3A_752 = arith.constant false
          %or3A_753 = arith.ori %or3A_752, %ne3A_751 : i1
          %not3A_754 = arith.constant true
          %not3A_755 = arith.xori %eq3A_343, %not3A_754 : i1
          %and3A_756 = arith.andi %or3A_753, %not3A_755 : i1
          %convert_element_type3A_757 = arith.extui %and3A_756 : i1 to i32
          %cond3A_758 = arith.constant 0 : i32
          %cond3A_759 = arith.cmpi ne, %convert_element_type3A_757, %cond3A_758 : i32
          scf.if %cond3A_759 {
          } else {
          }
          %and3A_760 = arith.constant false
          %and3A_761 = arith.andi %and3A_756, %and3A_760 : i1
          %ne3A_762 = arith.cmpi ne, %add3A_347, %add3A_357 : i32
          %or3A_763 = arith.constant false
          %or3A_764 = arith.ori %or3A_763, %ne3A_762 : i1
          %not3A_765 = arith.constant true
          %not3A_766 = arith.xori %eq3A_343, %not3A_765 : i1
          %and3A_767 = arith.andi %or3A_764, %not3A_766 : i1
          %convert_element_type3A_768 = arith.extui %and3A_767 : i1 to i32
          %cond3A_769 = arith.constant 0 : i32
          %cond3A_770 = arith.cmpi ne, %convert_element_type3A_768, %cond3A_769 : i32
          scf.if %cond3A_770 {
          } else {
          }
          %and3A_771 = arith.constant false
          %and3A_772 = arith.andi %and3A_767, %and3A_771 : i1
          %ne3A_773 = arith.cmpi ne, %add3A_347, %add3A_357 : i32
          %or3A_774 = arith.constant false
          %or3A_775 = arith.ori %or3A_774, %ne3A_773 : i1
          %not3A_776 = arith.constant true
          %not3A_777 = arith.xori %eq3A_343, %not3A_776 : i1
          %and3A_778 = arith.andi %or3A_775, %not3A_777 : i1
          %convert_element_type3A_779 = arith.extui %and3A_778 : i1 to i32
          %cond3A_780 = arith.constant 0 : i32
          %cond3A_781 = arith.cmpi ne, %convert_element_type3A_779, %cond3A_780 : i32
          scf.if %cond3A_781 {
          } else {
          }
          %and3A_782 = arith.constant false
          %and3A_783 = arith.andi %and3A_778, %and3A_782 : i1
          %ne3A_784 = arith.cmpi ne, %add3A_347, %add3A_357 : i32
          %or3A_785 = arith.constant false
          %or3A_786 = arith.ori %or3A_785, %ne3A_784 : i1
          %not3A_787 = arith.constant true
          %not3A_788 = arith.xori %eq3A_343, %not3A_787 : i1
          %and3A_789 = arith.andi %or3A_786, %not3A_788 : i1
          %convert_element_type3A_790 = arith.extui %and3A_789 : i1 to i32
          %cond3A_791 = arith.constant 0 : i32
          %cond3A_792 = arith.cmpi ne, %convert_element_type3A_790, %cond3A_791 : i32
          scf.if %cond3A_792 {
          } else {
          }
          %and3A_793 = arith.constant false
          %and3A_794 = arith.andi %and3A_789, %and3A_793 : i1
          %ne3A_795 = arith.cmpi ne, %add3A_347, %add3A_357 : i32
          %or3A_796 = arith.constant false
          %or3A_797 = arith.ori %or3A_796, %ne3A_795 : i1
          %not3A_798 = arith.constant true
          %not3A_799 = arith.xori %eq3A_343, %not3A_798 : i1
          %and3A_800 = arith.andi %or3A_797, %not3A_799 : i1
          %convert_element_type3A_801 = arith.extui %and3A_800 : i1 to i32
          %cond3A_802 = arith.constant 0 : i32
          %cond3A_803 = arith.cmpi ne, %convert_element_type3A_801, %cond3A_802 : i32
          scf.if %cond3A_803 {
          } else {
          }
          %and3A_804 = arith.constant false
          %and3A_805 = arith.andi %and3A_800, %and3A_804 : i1
          %ne3A_806 = arith.cmpi ne, %add3A_347, %add3A_357 : i32
          %or3A_807 = arith.constant false
          %or3A_808 = arith.ori %or3A_807, %ne3A_806 : i1
          %or3A_809 = arith.constant false
          %or3A_810 = arith.ori %or3A_808, %or3A_809 : i1
          %not3A_811 = arith.constant true
          %not3A_812 = arith.xori %eq3A_343, %not3A_811 : i1
          %and3A_813 = arith.andi %or3A_810, %not3A_812 : i1
          %convert_element_type3A_814 = arith.extui %and3A_813 : i1 to i32
          %cond3A_815 = arith.constant 0 : i32
          %cond3A_816 = arith.cmpi ne, %convert_element_type3A_814, %cond3A_815 : i32
          scf.if %cond3A_816 {
            "tpu.trace_start"() <{level = 10 : i32, message = "ep_wait_out"}> : () -> ()
            %rem3A_913 = arith.constant 2 : i32
            %rem3A_914 = arith.remui %while3A_332, %rem3A_913 : i32
            %mul3A_915 = arith.constant 128 : i32
            %mul3A_916 = arith.muli %mul3A_915, %add3A_357 : i32
            %dma_wait3A = arith.constant 0 : i32
            %dma_wait3A_917 = arith.constant 0 : i32
            %dma_wait3A_918 = tpu.memref_slice %run_scoped3A_28[%rem3A_914, %dma_wait3A, %dma_wait3A_917] : memref<2x128x16xf32, #tpu.memory_space<vmem>> -> memref<1x128x16xf32, #tpu.memory_space<vmem>>
            %dma_wait3A_919 = tpu.memref_squeeze %dma_wait3A_918 : memref<1x128x16xf32, #tpu.memory_space<vmem>> -> memref<128x16xf32, #tpu.memory_space<vmem>>
            %dma_wait3A_920 = arith.constant 0 : i32
            %dma_wait3A_921 = tpu.memref_slice %arg9[%mul3A_916, %dma_wait3A_920] : memref<5120x16xf32, #tpu.memory_space<hbm>> -> memref<128x16xf32, #tpu.memory_space<hbm>>
            %dma_wait3A_922 = tpu.memref_slice %run_scoped3A_29[%rem3A_914] : memref<2x!tpu.dma_semaphore, #tpu.memory_space<semaphore_mem>> -> memref<1x!tpu.dma_semaphore, #tpu.memory_space<semaphore_mem>>
            %dma_wait3A_923 = tpu.memref_squeeze %dma_wait3A_922 : memref<1x!tpu.dma_semaphore, #tpu.memory_space<semaphore_mem>> -> memref<!tpu.dma_semaphore, #tpu.memory_space<semaphore_mem>>
            %dma_wait3A_924 = arith.constant 0 : i32
            %dma_wait3A_925 = tpu.memref_slice %arg9[%mul3A_916, %dma_wait3A_924] : memref<5120x16xf32, #tpu.memory_space<hbm>> -> memref<128x16xf32, #tpu.memory_space<hbm>>
            %dma_wait3A_926 = arith.constant 0 : i32
            %dma_wait3A_927 = arith.constant 0 : i32
            %dma_wait3A_928 = tpu.memref_slice %run_scoped3A_28[%rem3A_914, %dma_wait3A_926, %dma_wait3A_927] : memref<2x128x16xf32, #tpu.memory_space<vmem>> -> memref<1x128x16xf32, #tpu.memory_space<vmem>>
            %dma_wait3A_929 = tpu.memref_squeeze %dma_wait3A_928 : memref<1x128x16xf32, #tpu.memory_space<vmem>> -> memref<128x16xf32, #tpu.memory_space<vmem>>
            tpu.wait_dma2 semaphore(%dma_wait3A_923 : memref<!tpu.dma_semaphore, #tpu.memory_space<semaphore_mem>>) src(%dma_wait3A_929 : memref<128x16xf32, #tpu.memory_space<vmem>>) dst(%dma_wait3A_925 : memref<128x16xf32, #tpu.memory_space<hbm>>)
            "tpu.trace_stop"() : () -> ()
          } else {
          }
          %and3A_817 = arith.constant true
          %and3A_818 = arith.andi %and3A_813, %and3A_817 : i1
          %add3A_819 = arith.constant 1 : i32
          %add3A_820 = arith.addi %while3A_332, %add3A_819 : i32
          %select_n3A_821 = arith.select %and3A_818, %add3A_820, %while3A_332 : i32
          %ne3A_822 = arith.cmpi ne, %add3A_347, %add3A_357 : i32
          %or3A_823 = arith.constant false
          %or3A_824 = arith.ori %or3A_823, %ne3A_822 : i1
          %not3A_825 = arith.constant true
          %not3A_826 = arith.xori %eq3A_343, %not3A_825 : i1
          %and3A_827 = arith.andi %or3A_824, %not3A_826 : i1
          %convert_element_type3A_828 = arith.extui %and3A_827 : i1 to i32
          %cond3A_829 = arith.constant 0 : i32
          %cond3A_830 = arith.cmpi ne, %convert_element_type3A_828, %cond3A_829 : i32
          scf.if %cond3A_830 {
            "tpu.trace_start"() <{level = 10 : i32, message = "ep_wait_out"}> : () -> ()
            %rem3A_913 = arith.constant 2 : i32
            %rem3A_914 = arith.remui %while3A_334, %rem3A_913 : i32
            %mul3A_915 = arith.constant 1024 : i32
            %mul3A_916 = arith.muli %mul3A_915, %add3A_357 : i32
            %dma_wait3A = arith.constant 0 : i32
            %dma_wait3A_917 = arith.constant 0 : i32
            %dma_wait3A_918 = tpu.memref_slice %run_scoped3A_30[%rem3A_914, %dma_wait3A, %dma_wait3A_917] : memref<2x1x1024xf32, #tpu.memory_space<vmem>> -> memref<1x1x1024xf32, #tpu.memory_space<vmem>>
            %dma_wait3A_919 = tpu.memref_squeeze %dma_wait3A_918 : memref<1x1x1024xf32, #tpu.memory_space<vmem>> -> memref<1x1024xf32, #tpu.memory_space<vmem>>
            %dma_wait3A_920 = arith.constant 0 : i32
            %dma_wait3A_921 = tpu.memref_slice %arg10[%dma_wait3A_920, %mul3A_916] : memref<1x40960xf32, #tpu.memory_space<hbm>> -> memref<1x1024xf32, #tpu.memory_space<hbm>>
            %dma_wait3A_922 = tpu.memref_slice %run_scoped3A_31[%rem3A_914] : memref<2x!tpu.dma_semaphore, #tpu.memory_space<semaphore_mem>> -> memref<1x!tpu.dma_semaphore, #tpu.memory_space<semaphore_mem>>
            %dma_wait3A_923 = tpu.memref_squeeze %dma_wait3A_922 : memref<1x!tpu.dma_semaphore, #tpu.memory_space<semaphore_mem>> -> memref<!tpu.dma_semaphore, #tpu.memory_space<semaphore_mem>>
            %dma_wait3A_924 = arith.constant 0 : i32
            %dma_wait3A_925 = tpu.memref_slice %arg10[%dma_wait3A_924, %mul3A_916] : memref<1x40960xf32, #tpu.memory_space<hbm>> -> memref<1x1024xf32, #tpu.memory_space<hbm>>
            %dma_wait3A_926 = arith.constant 0 : i32
            %dma_wait3A_927 = arith.constant 0 : i32
            %dma_wait3A_928 = tpu.memref_slice %run_scoped3A_30[%rem3A_914, %dma_wait3A_926, %dma_wait3A_927] : memref<2x1x1024xf32, #tpu.memory_space<vmem>> -> memref<1x1x1024xf32, #tpu.memory_space<vmem>>
            %dma_wait3A_929 = tpu.memref_squeeze %dma_wait3A_928 : memref<1x1x1024xf32, #tpu.memory_space<vmem>> -> memref<1x1024xf32, #tpu.memory_space<vmem>>
            tpu.wait_dma2 semaphore(%dma_wait3A_923 : memref<!tpu.dma_semaphore, #tpu.memory_space<semaphore_mem>>) src(%dma_wait3A_929 : memref<1x1024xf32, #tpu.memory_space<vmem>>) dst(%dma_wait3A_925 : memref<1x1024xf32, #tpu.memory_space<hbm>>)
            "tpu.trace_stop"() : () -> ()
          } else {
          }
          %and3A_831 = arith.constant true
          %and3A_832 = arith.andi %and3A_827, %and3A_831 : i1
          %add3A_833 = arith.constant 1 : i32
          %add3A_834 = arith.addi %while3A_334, %add3A_833 : i32
          %select_n3A_835 = arith.select %and3A_832, %add3A_834, %while3A_334 : i32
          %ne3A_836 = arith.cmpi ne, %add3A_347, %add3A_357 : i32
          %or3A_837 = arith.constant false
          %or3A_838 = arith.ori %or3A_837, %ne3A_836 : i1
          %not3A_839 = arith.constant true
          %not3A_840 = arith.xori %eq3A_343, %not3A_839 : i1
          %and3A_841 = arith.andi %or3A_838, %not3A_840 : i1
          %convert_element_type3A_842 = arith.extui %and3A_841 : i1 to i32
          %cond3A_843 = arith.constant 0 : i32
          %cond3A_844 = arith.cmpi ne, %convert_element_type3A_842, %cond3A_843 : i32
          scf.if %cond3A_844 {
            "tpu.trace_start"() <{level = 10 : i32, message = "ep_wait_out"}> : () -> ()
            %rem3A_913 = arith.constant 2 : i32
            %rem3A_914 = arith.remui %while3A_336, %rem3A_913 : i32
            %mul3A_915 = arith.constant 1024 : i32
            %mul3A_916 = arith.muli %mul3A_915, %add3A_357 : i32
            %dma_wait3A = arith.constant 0 : i32
            %dma_wait3A_917 = arith.constant 0 : i32
            %dma_wait3A_918 = tpu.memref_slice %run_scoped3A_32[%rem3A_914, %dma_wait3A, %dma_wait3A_917] : memref<2x1x1024xf32, #tpu.memory_space<vmem>> -> memref<1x1x1024xf32, #tpu.memory_space<vmem>>
            %dma_wait3A_919 = tpu.memref_squeeze %dma_wait3A_918 : memref<1x1x1024xf32, #tpu.memory_space<vmem>> -> memref<1x1024xf32, #tpu.memory_space<vmem>>
            %dma_wait3A_920 = arith.constant 0 : i32
            %dma_wait3A_921 = tpu.memref_slice %arg11[%dma_wait3A_920, %mul3A_916] : memref<1x40960xf32, #tpu.memory_space<hbm>> -> memref<1x1024xf32, #tpu.memory_space<hbm>>
            %dma_wait3A_922 = tpu.memref_slice %run_scoped3A_33[%rem3A_914] : memref<2x!tpu.dma_semaphore, #tpu.memory_space<semaphore_mem>> -> memref<1x!tpu.dma_semaphore, #tpu.memory_space<semaphore_mem>>
            %dma_wait3A_923 = tpu.memref_squeeze %dma_wait3A_922 : memref<1x!tpu.dma_semaphore, #tpu.memory_space<semaphore_mem>> -> memref<!tpu.dma_semaphore, #tpu.memory_space<semaphore_mem>>
            %dma_wait3A_924 = arith.constant 0 : i32
            %dma_wait3A_925 = tpu.memref_slice %arg11[%dma_wait3A_924, %mul3A_916] : memref<1x40960xf32, #tpu.memory_space<hbm>> -> memref<1x1024xf32, #tpu.memory_space<hbm>>
            %dma_wait3A_926 = arith.constant 0 : i32
            %dma_wait3A_927 = arith.constant 0 : i32
            %dma_wait3A_928 = tpu.memref_slice %run_scoped3A_32[%rem3A_914, %dma_wait3A_926, %dma_wait3A_927] : memref<2x1x1024xf32, #tpu.memory_space<vmem>> -> memref<1x1x1024xf32, #tpu.memory_space<vmem>>
            %dma_wait3A_929 = tpu.memref_squeeze %dma_wait3A_928 : memref<1x1x1024xf32, #tpu.memory_space<vmem>> -> memref<1x1024xf32, #tpu.memory_space<vmem>>
            tpu.wait_dma2 semaphore(%dma_wait3A_923 : memref<!tpu.dma_semaphore, #tpu.memory_space<semaphore_mem>>) src(%dma_wait3A_929 : memref<1x1024xf32, #tpu.memory_space<vmem>>) dst(%dma_wait3A_925 : memref<1x1024xf32, #tpu.memory_space<hbm>>)
            "tpu.trace_stop"() : () -> ()
          } else {
          }
          %and3A_845 = arith.constant true
          %and3A_846 = arith.andi %and3A_841, %and3A_845 : i1
          %add3A_847 = arith.constant 1 : i32
          %add3A_848 = arith.addi %while3A_336, %add3A_847 : i32
          %select_n3A_849 = arith.select %and3A_846, %add3A_848, %while3A_336 : i32
          %ne3A_850 = arith.cmpi ne, %add3A_347, %add3A_357 : i32
          %or3A_851 = arith.constant false
          %or3A_852 = arith.ori %or3A_851, %ne3A_850 : i1
          %not3A_853 = arith.constant true
          %not3A_854 = arith.xori %eq3A_343, %not3A_853 : i1
          %and3A_855 = arith.andi %or3A_852, %not3A_854 : i1
          %convert_element_type3A_856 = arith.extui %and3A_855 : i1 to i32
          %cond3A_857 = arith.constant 0 : i32
          %cond3A_858 = arith.cmpi ne, %convert_element_type3A_856, %cond3A_857 : i32
          scf.if %cond3A_858 {
            "tpu.trace_start"() <{level = 10 : i32, message = "ep_wait_out"}> : () -> ()
            %rem3A_913 = arith.constant 2 : i32
            %rem3A_914 = arith.remui %while3A_338, %rem3A_913 : i32
            %mul3A_915 = arith.constant 1024 : i32
            %mul3A_916 = arith.muli %mul3A_915, %add3A_357 : i32
            %dma_wait3A = arith.constant 0 : i32
            %dma_wait3A_917 = arith.constant 0 : i32
            %dma_wait3A_918 = tpu.memref_slice %run_scoped3A_34[%rem3A_914, %dma_wait3A, %dma_wait3A_917] : memref<2x1x1024xf32, #tpu.memory_space<vmem>> -> memref<1x1x1024xf32, #tpu.memory_space<vmem>>
            %dma_wait3A_919 = tpu.memref_squeeze %dma_wait3A_918 : memref<1x1x1024xf32, #tpu.memory_space<vmem>> -> memref<1x1024xf32, #tpu.memory_space<vmem>>
            %dma_wait3A_920 = arith.constant 0 : i32
            %dma_wait3A_921 = tpu.memref_slice %arg12[%dma_wait3A_920, %mul3A_916] : memref<1x40960xf32, #tpu.memory_space<hbm>> -> memref<1x1024xf32, #tpu.memory_space<hbm>>
            %dma_wait3A_922 = tpu.memref_slice %run_scoped3A_35[%rem3A_914] : memref<2x!tpu.dma_semaphore, #tpu.memory_space<semaphore_mem>> -> memref<1x!tpu.dma_semaphore, #tpu.memory_space<semaphore_mem>>
            %dma_wait3A_923 = tpu.memref_squeeze %dma_wait3A_922 : memref<1x!tpu.dma_semaphore, #tpu.memory_space<semaphore_mem>> -> memref<!tpu.dma_semaphore, #tpu.memory_space<semaphore_mem>>
            %dma_wait3A_924 = arith.constant 0 : i32
            %dma_wait3A_925 = tpu.memref_slice %arg12[%dma_wait3A_924, %mul3A_916] : memref<1x40960xf32, #tpu.memory_space<hbm>> -> memref<1x1024xf32, #tpu.memory_space<hbm>>
            %dma_wait3A_926 = arith.constant 0 : i32
            %dma_wait3A_927 = arith.constant 0 : i32
            %dma_wait3A_928 = tpu.memref_slice %run_scoped3A_34[%rem3A_914, %dma_wait3A_926, %dma_wait3A_927] : memref<2x1x1024xf32, #tpu.memory_space<vmem>> -> memref<1x1x1024xf32, #tpu.memory_space<vmem>>
            %dma_wait3A_929 = tpu.memref_squeeze %dma_wait3A_928 : memref<1x1x1024xf32, #tpu.memory_space<vmem>> -> memref<1x1024xf32, #tpu.memory_space<vmem>>
            tpu.wait_dma2 semaphore(%dma_wait3A_923 : memref<!tpu.dma_semaphore, #tpu.memory_space<semaphore_mem>>) src(%dma_wait3A_929 : memref<1x1024xf32, #tpu.memory_space<vmem>>) dst(%dma_wait3A_925 : memref<1x1024xf32, #tpu.memory_space<hbm>>)
            "tpu.trace_stop"() : () -> ()
          } else {
          }
          %and3A_859 = arith.constant true
          %and3A_860 = arith.andi %and3A_855, %and3A_859 : i1
          %add3A_861 = arith.constant 1 : i32
          %add3A_862 = arith.addi %while3A_338, %add3A_861 : i32
          %select_n3A_863 = arith.select %and3A_860, %add3A_862, %while3A_338 : i32
          %ne3A_864 = arith.cmpi ne, %add3A_347, %add3A_365 : i32
          %or3A_865 = arith.constant false
          %or3A_866 = arith.ori %or3A_865, %ne3A_864 : i1
          %or3A_867 = arith.ori %or3A_866, %eq3A_346 : i1
          %add3A_868 = arith.constant 1 : i32
          %add3A_869 = arith.addi %while3A_320, %add3A_868 : i32
          %select_n3A_870 = arith.select %or3A_867, %add3A_869, %while3A_320 : i32
          %ne3A_871 = arith.cmpi ne, %add3A_347, %add3A_365 : i32
          %or3A_872 = arith.constant false
          %or3A_873 = arith.ori %or3A_872, %ne3A_871 : i1
          %or3A_874 = arith.ori %or3A_873, %eq3A_346 : i1
          %add3A_875 = arith.constant 1 : i32
          %add3A_876 = arith.addi %while3A_322, %add3A_875 : i32
          %select_n3A_877 = arith.select %or3A_874, %add3A_876, %while3A_322 : i32
          %ne3A_878 = arith.cmpi ne, %add3A_347, %add3A_365 : i32
          %or3A_879 = arith.constant false
          %or3A_880 = arith.ori %or3A_879, %ne3A_878 : i1
          %or3A_881 = arith.ori %or3A_880, %eq3A_346 : i1
          %add3A_882 = arith.constant 1 : i32
          %add3A_883 = arith.addi %while3A_324, %add3A_882 : i32
          %select_n3A_884 = arith.select %or3A_881, %add3A_883, %while3A_324 : i32
          %ne3A_885 = arith.cmpi ne, %add3A_347, %add3A_365 : i32
          %or3A_886 = arith.constant false
          %or3A_887 = arith.ori %or3A_886, %ne3A_885 : i1
          %or3A_888 = arith.ori %or3A_887, %eq3A_346 : i1
          %add3A_889 = arith.constant 1 : i32
          %add3A_890 = arith.addi %while3A_326, %add3A_889 : i32
          %select_n3A_891 = arith.select %or3A_888, %add3A_890, %while3A_326 : i32
          %ne3A_892 = arith.cmpi ne, %add3A_347, %add3A_365 : i32
          %or3A_893 = arith.constant false
          %or3A_894 = arith.ori %or3A_893, %ne3A_892 : i1
          %or3A_895 = arith.ori %or3A_894, %eq3A_346 : i1
          %add3A_896 = arith.constant 1 : i32
          %add3A_897 = arith.addi %while3A_328, %add3A_896 : i32
          %select_n3A_898 = arith.select %or3A_895, %add3A_897, %while3A_328 : i32
          %ne3A_899 = arith.cmpi ne, %add3A_347, %add3A_365 : i32
          %or3A_900 = arith.constant false
          %or3A_901 = arith.ori %or3A_900, %ne3A_899 : i1
          %or3A_902 = arith.ori %or3A_901, %eq3A_346 : i1
          %add3A_903 = arith.constant 1 : i32
          %add3A_904 = arith.addi %while3A_330, %add3A_903 : i32
          %select_n3A_905 = arith.select %or3A_902, %add3A_904, %while3A_330 : i32
          %add3A_906 = arith.constant 1 : i32
          %add3A_907 = arith.addi %while3A_339, %add3A_906 : i32
          %select_n3A_908 = arith.constant true
          %select_n3A_909 = arith.select %select_n3A_908, %add3A_907, %while3A_339 : i32
          %eq3A_910 = arith.cmpi eq, %select_n3A_909, %select_n3A : i32
          %select_n3A_911 = arith.constant 0 : i32
          %select_n3A_912 = arith.select %eq3A_910, %select_n3A_911, %select_n3A_909 : i32
          scf.yield %select_n3A_387, %select_n3A_870, %select_n3A_406, %select_n3A_877, %select_n3A_425, %select_n3A_884, %select_n3A_444, %select_n3A_891, %select_n3A_463, %select_n3A_898, %select_n3A_482, %select_n3A_905, %select_n3A_703, %select_n3A_821, %select_n3A_715, %select_n3A_835, %select_n3A_727, %select_n3A_849, %select_n3A_739, %select_n3A_863, %select_n3A_912 : i32, i32, i32, i32, i32, i32, i32, i32, i32, i32, i32, i32, i32, i32, i32, i32, i32, i32, i32, i32, i32
        }
        %sub3A_243 = arith.constant 1 : i32
        %sub3A_244 = arith.subi %while3A_242#20, %sub3A_243 : i32
        %select_n3A_245 = arith.constant true
        %select_n3A_246 = arith.select %select_n3A_245, %sub3A_244, %while3A_242#20 : i32
        %eq3A_247 = arith.constant -1 : i32
        %eq3A_248 = arith.cmpi eq, %select_n3A_246, %eq3A_247 : i32
        %sub3A_249 = arith.constant 1 : i32
        %sub3A_250 = arith.subi %select_n3A, %sub3A_249 : i32
        %select_n3A_251 = arith.select %eq3A_248, %sub3A_250, %select_n3A_246 : i32
        %sub3A_252 = arith.constant 1 : i32
        %sub3A_253 = arith.subi %mul3A_16, %sub3A_252 : i32
        %mul3A_254 = arith.constant 1 : i32
        %mul3A_255 = arith.muli %mul3A_254, %select_n3A : i32
        %eq3A_256 = arith.constant 0 : i32
        %eq3A_257 = arith.cmpi eq, %sub3A_253, %eq3A_256 : i32
        %sub3A_258 = arith.constant 1 : i32
        %sub3A_259 = arith.subi %mul3A_255, %sub3A_258 : i32
        %eq3A_260 = arith.cmpi eq, %sub3A_253, %sub3A_259 : i32
        %add3A_261 = arith.addi %select_n3A_251, %select_n3A_14 : i32
        %sub3A_262 = arith.constant 1 : i32
        %sub3A_263 = arith.subi %select_n3A_251, %sub3A_262 : i32
        %select_n3A_264 = arith.constant true
        %select_n3A_265 = arith.select %select_n3A_264, %sub3A_263, %select_n3A_251 : i32
        %eq3A_266 = arith.constant -1 : i32
        %eq3A_267 = arith.cmpi eq, %select_n3A_265, %eq3A_266 : i32
        %sub3A_268 = arith.constant 1 : i32
        %sub3A_269 = arith.subi %select_n3A, %sub3A_268 : i32
        %select_n3A_270 = arith.select %eq3A_267, %sub3A_269, %select_n3A_265 : i32
        %add3A_271 = arith.addi %select_n3A_270, %select_n3A_14 : i32
        %add3A_272 = arith.constant 1 : i32
        %add3A_273 = arith.addi %select_n3A_251, %add3A_272 : i32
        %select_n3A_274 = arith.constant true
        %select_n3A_275 = arith.select %select_n3A_274, %add3A_273, %select_n3A_251 : i32
        %eq3A_276 = arith.cmpi eq, %select_n3A_275, %select_n3A : i32
        %select_n3A_277 = arith.constant 0 : i32
        %select_n3A_278 = arith.select %eq3A_276, %select_n3A_277, %select_n3A_275 : i32
        %add3A_279 = arith.addi %select_n3A_278, %select_n3A_14 : i32
        %add3A_280 = arith.constant 1 : i32
        %add3A_281 = arith.addi %select_n3A_278, %add3A_280 : i32
        %select_n3A_282 = arith.constant true
        %select_n3A_283 = arith.select %select_n3A_282, %add3A_281, %select_n3A_278 : i32
        %eq3A_284 = arith.cmpi eq, %select_n3A_283, %select_n3A : i32
        %select_n3A_285 = arith.constant 0 : i32
        %select_n3A_286 = arith.select %eq3A_284, %select_n3A_285, %select_n3A_283 : i32
        %add3A_287 = arith.addi %select_n3A_286, %select_n3A_14 : i32
        %convert_element_type3A_288 = arith.extui %eq3A_260 : i1 to i32
        %cond3A_289 = arith.constant 0 : i32
        %cond3A_290 = arith.cmpi ne, %convert_element_type3A_288, %cond3A_289 : i32
        scf.if %cond3A_290 {
        } else {
        }
        %convert_element_type3A_291 = arith.extui %eq3A_260 : i1 to i32
        %cond3A_292 = arith.constant 0 : i32
        %cond3A_293 = arith.cmpi ne, %convert_element_type3A_291, %cond3A_292 : i32
        scf.if %cond3A_293 {
        } else {
        }
        %convert_element_type3A_294 = arith.extui %eq3A_260 : i1 to i32
        %cond3A_295 = arith.constant 0 : i32
        %cond3A_296 = arith.cmpi ne, %convert_element_type3A_294, %cond3A_295 : i32
        scf.if %cond3A_296 {
        } else {
        }
        %convert_element_type3A_297 = arith.extui %eq3A_260 : i1 to i32
        %cond3A_298 = arith.constant 0 : i32
        %cond3A_299 = arith.cmpi ne, %convert_element_type3A_297, %cond3A_298 : i32
        scf.if %cond3A_299 {
        } else {
        }
        %convert_element_type3A_300 = arith.extui %eq3A_260 : i1 to i32
        %cond3A_301 = arith.constant 0 : i32
        %cond3A_302 = arith.cmpi ne, %convert_element_type3A_300, %cond3A_301 : i32
        scf.if %cond3A_302 {
        } else {
        }
        %convert_element_type3A_303 = arith.extui %eq3A_260 : i1 to i32
        %cond3A_304 = arith.constant 0 : i32
        %cond3A_305 = arith.cmpi ne, %convert_element_type3A_303, %cond3A_304 : i32
        scf.if %cond3A_305 {
        } else {
        }
        %convert_element_type3A_306 = arith.extui %eq3A_260 : i1 to i32
        %cond3A_307 = arith.constant 0 : i32
        %cond3A_308 = arith.cmpi ne, %convert_element_type3A_306, %cond3A_307 : i32
        scf.if %cond3A_308 {
          "tpu.trace_start"() <{level = 10 : i32, message = "ep_finalize"}> : () -> ()
          %rem3A_318 = arith.constant 2 : i32
          %rem3A_319 = arith.remui %while3A_242#13, %rem3A_318 : i32
          %mul3A_320 = arith.constant 128 : i32
          %mul3A_321 = arith.muli %mul3A_320, %add3A_261 : i32
          %dma_wait3A = arith.constant 0 : i32
          %dma_wait3A_322 = arith.constant 0 : i32
          %dma_wait3A_323 = tpu.memref_slice %run_scoped3A_28[%rem3A_319, %dma_wait3A, %dma_wait3A_322] : memref<2x128x16xf32, #tpu.memory_space<vmem>> -> memref<1x128x16xf32, #tpu.memory_space<vmem>>
          %dma_wait3A_324 = tpu.memref_squeeze %dma_wait3A_323 : memref<1x128x16xf32, #tpu.memory_space<vmem>> -> memref<128x16xf32, #tpu.memory_space<vmem>>
          %dma_wait3A_325 = arith.constant 0 : i32
          %dma_wait3A_326 = tpu.memref_slice %arg9[%mul3A_321, %dma_wait3A_325] : memref<5120x16xf32, #tpu.memory_space<hbm>> -> memref<128x16xf32, #tpu.memory_space<hbm>>
          %dma_wait3A_327 = tpu.memref_slice %run_scoped3A_29[%rem3A_319] : memref<2x!tpu.dma_semaphore, #tpu.memory_space<semaphore_mem>> -> memref<1x!tpu.dma_semaphore, #tpu.memory_space<semaphore_mem>>
          %dma_wait3A_328 = tpu.memref_squeeze %dma_wait3A_327 : memref<1x!tpu.dma_semaphore, #tpu.memory_space<semaphore_mem>> -> memref<!tpu.dma_semaphore, #tpu.memory_space<semaphore_mem>>
          %dma_wait3A_329 = arith.constant 0 : i32
          %dma_wait3A_330 = tpu.memref_slice %arg9[%mul3A_321, %dma_wait3A_329] : memref<5120x16xf32, #tpu.memory_space<hbm>> -> memref<128x16xf32, #tpu.memory_space<hbm>>
          %dma_wait3A_331 = arith.constant 0 : i32
          %dma_wait3A_332 = arith.constant 0 : i32
          %dma_wait3A_333 = tpu.memref_slice %run_scoped3A_28[%rem3A_319, %dma_wait3A_331, %dma_wait3A_332] : memref<2x128x16xf32, #tpu.memory_space<vmem>> -> memref<1x128x16xf32, #tpu.memory_space<vmem>>
          %dma_wait3A_334 = tpu.memref_squeeze %dma_wait3A_333 : memref<1x128x16xf32, #tpu.memory_space<vmem>> -> memref<128x16xf32, #tpu.memory_space<vmem>>
          tpu.wait_dma2 semaphore(%dma_wait3A_328 : memref<!tpu.dma_semaphore, #tpu.memory_space<semaphore_mem>>) src(%dma_wait3A_334 : memref<128x16xf32, #tpu.memory_space<vmem>>) dst(%dma_wait3A_330 : memref<128x16xf32, #tpu.memory_space<hbm>>)
          "tpu.trace_stop"() : () -> ()
        } else {
        }
        %convert_element_type3A_309 = arith.extui %eq3A_260 : i1 to i32
        %cond3A_310 = arith.constant 0 : i32
        %cond3A_311 = arith.cmpi ne, %convert_element_type3A_309, %cond3A_310 : i32
        scf.if %cond3A_311 {
          "tpu.trace_start"() <{level = 10 : i32, message = "ep_finalize"}> : () -> ()
          %rem3A_318 = arith.constant 2 : i32
          %rem3A_319 = arith.remui %while3A_242#15, %rem3A_318 : i32
          %mul3A_320 = arith.constant 1024 : i32
          %mul3A_321 = arith.muli %mul3A_320, %add3A_261 : i32
          %dma_wait3A = arith.constant 0 : i32
          %dma_wait3A_322 = arith.constant 0 : i32
          %dma_wait3A_323 = tpu.memref_slice %run_scoped3A_30[%rem3A_319, %dma_wait3A, %dma_wait3A_322] : memref<2x1x1024xf32, #tpu.memory_space<vmem>> -> memref<1x1x1024xf32, #tpu.memory_space<vmem>>
          %dma_wait3A_324 = tpu.memref_squeeze %dma_wait3A_323 : memref<1x1x1024xf32, #tpu.memory_space<vmem>> -> memref<1x1024xf32, #tpu.memory_space<vmem>>
          %dma_wait3A_325 = arith.constant 0 : i32
          %dma_wait3A_326 = tpu.memref_slice %arg10[%dma_wait3A_325, %mul3A_321] : memref<1x40960xf32, #tpu.memory_space<hbm>> -> memref<1x1024xf32, #tpu.memory_space<hbm>>
          %dma_wait3A_327 = tpu.memref_slice %run_scoped3A_31[%rem3A_319] : memref<2x!tpu.dma_semaphore, #tpu.memory_space<semaphore_mem>> -> memref<1x!tpu.dma_semaphore, #tpu.memory_space<semaphore_mem>>
          %dma_wait3A_328 = tpu.memref_squeeze %dma_wait3A_327 : memref<1x!tpu.dma_semaphore, #tpu.memory_space<semaphore_mem>> -> memref<!tpu.dma_semaphore, #tpu.memory_space<semaphore_mem>>
          %dma_wait3A_329 = arith.constant 0 : i32
          %dma_wait3A_330 = tpu.memref_slice %arg10[%dma_wait3A_329, %mul3A_321] : memref<1x40960xf32, #tpu.memory_space<hbm>> -> memref<1x1024xf32, #tpu.memory_space<hbm>>
          %dma_wait3A_331 = arith.constant 0 : i32
          %dma_wait3A_332 = arith.constant 0 : i32
          %dma_wait3A_333 = tpu.memref_slice %run_scoped3A_30[%rem3A_319, %dma_wait3A_331, %dma_wait3A_332] : memref<2x1x1024xf32, #tpu.memory_space<vmem>> -> memref<1x1x1024xf32, #tpu.memory_space<vmem>>
          %dma_wait3A_334 = tpu.memref_squeeze %dma_wait3A_333 : memref<1x1x1024xf32, #tpu.memory_space<vmem>> -> memref<1x1024xf32, #tpu.memory_space<vmem>>
          tpu.wait_dma2 semaphore(%dma_wait3A_328 : memref<!tpu.dma_semaphore, #tpu.memory_space<semaphore_mem>>) src(%dma_wait3A_334 : memref<1x1024xf32, #tpu.memory_space<vmem>>) dst(%dma_wait3A_330 : memref<1x1024xf32, #tpu.memory_space<hbm>>)
          "tpu.trace_stop"() : () -> ()
        } else {
        }
        %convert_element_type3A_312 = arith.extui %eq3A_260 : i1 to i32
        %cond3A_313 = arith.constant 0 : i32
        %cond3A_314 = arith.cmpi ne, %convert_element_type3A_312, %cond3A_313 : i32
        scf.if %cond3A_314 {
          "tpu.trace_start"() <{level = 10 : i32, message = "ep_finalize"}> : () -> ()
          %rem3A_318 = arith.constant 2 : i32
          %rem3A_319 = arith.remui %while3A_242#17, %rem3A_318 : i32
          %mul3A_320 = arith.constant 1024 : i32
          %mul3A_321 = arith.muli %mul3A_320, %add3A_261 : i32
          %dma_wait3A = arith.constant 0 : i32
          %dma_wait3A_322 = arith.constant 0 : i32
          %dma_wait3A_323 = tpu.memref_slice %run_scoped3A_32[%rem3A_319, %dma_wait3A, %dma_wait3A_322] : memref<2x1x1024xf32, #tpu.memory_space<vmem>> -> memref<1x1x1024xf32, #tpu.memory_space<vmem>>
          %dma_wait3A_324 = tpu.memref_squeeze %dma_wait3A_323 : memref<1x1x1024xf32, #tpu.memory_space<vmem>> -> memref<1x1024xf32, #tpu.memory_space<vmem>>
          %dma_wait3A_325 = arith.constant 0 : i32
          %dma_wait3A_326 = tpu.memref_slice %arg11[%dma_wait3A_325, %mul3A_321] : memref<1x40960xf32, #tpu.memory_space<hbm>> -> memref<1x1024xf32, #tpu.memory_space<hbm>>
          %dma_wait3A_327 = tpu.memref_slice %run_scoped3A_33[%rem3A_319] : memref<2x!tpu.dma_semaphore, #tpu.memory_space<semaphore_mem>> -> memref<1x!tpu.dma_semaphore, #tpu.memory_space<semaphore_mem>>
          %dma_wait3A_328 = tpu.memref_squeeze %dma_wait3A_327 : memref<1x!tpu.dma_semaphore, #tpu.memory_space<semaphore_mem>> -> memref<!tpu.dma_semaphore, #tpu.memory_space<semaphore_mem>>
          %dma_wait3A_329 = arith.constant 0 : i32
          %dma_wait3A_330 = tpu.memref_slice %arg11[%dma_wait3A_329, %mul3A_321] : memref<1x40960xf32, #tpu.memory_space<hbm>> -> memref<1x1024xf32, #tpu.memory_space<hbm>>
          %dma_wait3A_331 = arith.constant 0 : i32
          %dma_wait3A_332 = arith.constant 0 : i32
          %dma_wait3A_333 = tpu.memref_slice %run_scoped3A_32[%rem3A_319, %dma_wait3A_331, %dma_wait3A_332] : memref<2x1x1024xf32, #tpu.memory_space<vmem>> -> memref<1x1x1024xf32, #tpu.memory_space<vmem>>
          %dma_wait3A_334 = tpu.memref_squeeze %dma_wait3A_333 : memref<1x1x1024xf32, #tpu.memory_space<vmem>> -> memref<1x1024xf32, #tpu.memory_space<vmem>>
          tpu.wait_dma2 semaphore(%dma_wait3A_328 : memref<!tpu.dma_semaphore, #tpu.memory_space<semaphore_mem>>) src(%dma_wait3A_334 : memref<1x1024xf32, #tpu.memory_space<vmem>>) dst(%dma_wait3A_330 : memref<1x1024xf32, #tpu.memory_space<hbm>>)
          "tpu.trace_stop"() : () -> ()
        } else {
        }
        %convert_element_type3A_315 = arith.extui %eq3A_260 : i1 to i32
        %cond3A_316 = arith.constant 0 : i32
        %cond3A_317 = arith.cmpi ne, %convert_element_type3A_315, %cond3A_316 : i32
        scf.if %cond3A_317 {
          "tpu.trace_start"() <{level = 10 : i32, message = "ep_finalize"}> : () -> ()
          %rem3A_318 = arith.constant 2 : i32
          %rem3A_319 = arith.remui %while3A_242#19, %rem3A_318 : i32
          %mul3A_320 = arith.constant 1024 : i32
          %mul3A_321 = arith.muli %mul3A_320, %add3A_261 : i32
          %dma_wait3A = arith.constant 0 : i32
          %dma_wait3A_322 = arith.constant 0 : i32
          %dma_wait3A_323 = tpu.memref_slice %run_scoped3A_34[%rem3A_319, %dma_wait3A, %dma_wait3A_322] : memref<2x1x1024xf32, #tpu.memory_space<vmem>> -> memref<1x1x1024xf32, #tpu.memory_space<vmem>>
          %dma_wait3A_324 = tpu.memref_squeeze %dma_wait3A_323 : memref<1x1x1024xf32, #tpu.memory_space<vmem>> -> memref<1x1024xf32, #tpu.memory_space<vmem>>
          %dma_wait3A_325 = arith.constant 0 : i32
          %dma_wait3A_326 = tpu.memref_slice %arg12[%dma_wait3A_325, %mul3A_321] : memref<1x40960xf32, #tpu.memory_space<hbm>> -> memref<1x1024xf32, #tpu.memory_space<hbm>>
          %dma_wait3A_327 = tpu.memref_slice %run_scoped3A_35[%rem3A_319] : memref<2x!tpu.dma_semaphore, #tpu.memory_space<semaphore_mem>> -> memref<1x!tpu.dma_semaphore, #tpu.memory_space<semaphore_mem>>
          %dma_wait3A_328 = tpu.memref_squeeze %dma_wait3A_327 : memref<1x!tpu.dma_semaphore, #tpu.memory_space<semaphore_mem>> -> memref<!tpu.dma_semaphore, #tpu.memory_space<semaphore_mem>>
          %dma_wait3A_329 = arith.constant 0 : i32
          %dma_wait3A_330 = tpu.memref_slice %arg12[%dma_wait3A_329, %mul3A_321] : memref<1x40960xf32, #tpu.memory_space<hbm>> -> memref<1x1024xf32, #tpu.memory_space<hbm>>
          %dma_wait3A_331 = arith.constant 0 : i32
          %dma_wait3A_332 = arith.constant 0 : i32
          %dma_wait3A_333 = tpu.memref_slice %run_scoped3A_34[%rem3A_319, %dma_wait3A_331, %dma_wait3A_332] : memref<2x1x1024xf32, #tpu.memory_space<vmem>> -> memref<1x1x1024xf32, #tpu.memory_space<vmem>>
          %dma_wait3A_334 = tpu.memref_squeeze %dma_wait3A_333 : memref<1x1x1024xf32, #tpu.memory_space<vmem>> -> memref<1x1024xf32, #tpu.memory_space<vmem>>
          tpu.wait_dma2 semaphore(%dma_wait3A_328 : memref<!tpu.dma_semaphore, #tpu.memory_space<semaphore_mem>>) src(%dma_wait3A_334 : memref<1x1024xf32, #tpu.memory_space<vmem>>) dst(%dma_wait3A_330 : memref<1x1024xf32, #tpu.memory_space<hbm>>)
          "tpu.trace_stop"() : () -> ()
        } else {
        }
      } else {
      }
      tpu.yield
    }) : () -> ()
    return
  }
}

#map = affine_map<(d0, d1) -> (0, 0)>
module attributes {stable_mosaic.version = 14 : i64} {
  func.func @sc_kernel(%arg0: i32, %arg1: i32, %arg2: memref<10000x16xf32, #tpu.memory_space<hbm>>, %arg3: memref<1x10240xi32, #tpu.memory_space<hbm>>, %arg4: memref<1x10240xi32, #tpu.memory_space<hbm>>, %arg5: memref<1x10240xi32, #tpu.memory_space<hbm>>, %arg6: memref<10240x16xf32, #tpu.memory_space<hbm>>, %arg7: memref<128x16xf32, #tpu.memory_space<vmem>>, %arg8: memref<128x16xf32, #tpu.memory_space<vmem>>, %arg9: memref<128x16xf32, #tpu.memory_space<vmem>>) attributes {dimension_semantics = [#tpu.dimension_semantics<core_parallel>, #tpu.dimension_semantics<subcore_parallel>], iteration_bounds = array<i64: 2, 16>, scalar_prefetch = 0 : i64, scratch_operands = 3 : i64, tpu.core_type = #tpu.core_type<sc_vector_subcore>, window_params = [{transform_indices = #map}, {transform_indices = #map}, {transform_indices = #map}, {transform_indices = #map}, {transform_indices = #map}]} {
    %mul3A = arith.constant 1 : i32
    %mul3A_0 = arith.muli %arg1, %mul3A : i32
    %add3A = arith.constant 0 : i32
    %add3A_1 = arith.addi %add3A, %mul3A_0 : i32
    %mul3A_2 = arith.constant 16 : i32
    %mul3A_3 = arith.muli %arg0, %mul3A_2 : i32
    %add3A_4 = arith.addi %add3A_1, %mul3A_3 : i32
    %lt3A = arith.constant 16 : i32
    %lt3A_5 = arith.cmpi slt, %add3A_4, %lt3A : i32
    %jit3A = arith.constant 3 : i32
    %jit3A_6 = arith.constant 2 : i32
    %select_n3A = arith.select %lt3A_5, %jit3A, %jit3A_6 : i32
    %lt3A_7 = arith.constant 16 : i32
    %lt3A_8 = arith.cmpi slt, %add3A_4, %lt3A_7 : i32
    %mul3A_9 = arith.muli %add3A_4, %select_n3A : i32
    %mul3A_10 = arith.constant 2 : i32
    %mul3A_11 = arith.muli %add3A_4, %mul3A_10 : i32
    %add3A_12 = arith.constant 16 : i32
    %add3A_13 = arith.addi %mul3A_11, %add3A_12 : i32
    %select_n3A_14 = arith.select %lt3A_8, %mul3A_9, %add3A_13 : i32
    %mul3A_15 = arith.constant 1 : i32
    %mul3A_16 = arith.muli %mul3A_15, %select_n3A : i32
    "tpu.region"() ({
      %run_scoped3A = memref.alloca() : memref<2x1x128xi32, #tpu.memory_space<vmem>>
      %run_scoped3A_17 = tpu.sem_alloc : memref<2x!tpu.dma_semaphore, #tpu.memory_space<semaphore_mem>>
      %run_scoped3A_18 = memref.alloca() : memref<2x1x128xi32, #tpu.memory_space<vmem>>
      %run_scoped3A_19 = tpu.sem_alloc : memref<2x!tpu.dma_semaphore, #tpu.memory_space<semaphore_mem>>
      %run_scoped3A_20 = memref.alloca() : memref<2x1x128xi32, #tpu.memory_space<vmem>>
      %run_scoped3A_21 = tpu.sem_alloc : memref<2x!tpu.dma_semaphore, #tpu.memory_space<semaphore_mem>>
      %run_scoped3A_22 = memref.alloca() : memref<2x128x16xf32, #tpu.memory_space<vmem>>
      %run_scoped3A_23 = tpu.sem_alloc : memref<2x!tpu.dma_semaphore, #tpu.memory_space<semaphore_mem>>
      %gt3A = arith.constant 0 : i32
      %gt3A_24 = arith.cmpi sgt, %mul3A_16, %gt3A : i32
      %convert_element_type3A = arith.extui %gt3A_24 : i1 to i32
      %cond3A = arith.constant 0 : i32
      %cond3A_25 = arith.cmpi ne, %convert_element_type3A, %cond3A : i32
      scf.if %cond3A_25 {
        %mul3A_26 = arith.constant 1 : i32
        %mul3A_27 = arith.muli %mul3A_26, %select_n3A : i32
        %sub3A = arith.constant 1 : i32
        %sub3A_28 = arith.subi %mul3A_27, %sub3A : i32
        %eq3A = arith.constant 0 : i32
        %eq3A_29 = arith.cmpi eq, %sub3A_28, %eq3A : i32
        %add3A_30 = arith.constant 0 : i32
        %add3A_31 = arith.addi %add3A_30, %select_n3A_14 : i32
        %select_n3A_32 = arith.constant true
        %select_n3A_33 = arith.constant 0 : i32
        %select_n3A_34 = arith.constant -1 : i32
        %select_n3A_35 = arith.select %select_n3A_32, %select_n3A_34, %select_n3A_33 : i32
        %eq3A_36 = arith.constant -1 : i32
        %eq3A_37 = arith.cmpi eq, %select_n3A_35, %eq3A_36 : i32
        %sub3A_38 = arith.constant 1 : i32
        %sub3A_39 = arith.subi %select_n3A, %sub3A_38 : i32
        %select_n3A_40 = arith.select %eq3A_37, %sub3A_39, %select_n3A_35 : i32
        %add3A_41 = arith.addi %select_n3A_40, %select_n3A_14 : i32
        %select_n3A_42 = arith.constant true
        %select_n3A_43 = arith.constant 0 : i32
        %select_n3A_44 = arith.constant 1 : i32
        %select_n3A_45 = arith.select %select_n3A_42, %select_n3A_44, %select_n3A_43 : i32
        %eq3A_46 = arith.cmpi eq, %select_n3A_45, %select_n3A : i32
        %select_n3A_47 = arith.constant 0 : i32
        %select_n3A_48 = arith.select %eq3A_46, %select_n3A_47, %select_n3A_45 : i32
        %add3A_49 = arith.addi %select_n3A_48, %select_n3A_14 : i32
        %add3A_50 = arith.constant 1 : i32
        %add3A_51 = arith.addi %select_n3A_48, %add3A_50 : i32
        %select_n3A_52 = arith.constant true
        %select_n3A_53 = arith.select %select_n3A_52, %add3A_51, %select_n3A_48 : i32
        %eq3A_54 = arith.cmpi eq, %select_n3A_53, %select_n3A : i32
        %select_n3A_55 = arith.constant 0 : i32
        %select_n3A_56 = arith.select %eq3A_54, %select_n3A_55, %select_n3A_53 : i32
        %add3A_57 = arith.addi %select_n3A_56, %select_n3A_14 : i32
        "tpu.trace_start"() <{level = 10 : i32, message = "ep_initialize_0"}> : () -> ()
        %rem3A = arith.constant 0 : i32
        %rem3A_58 = arith.constant 2 : i32
        %rem3A_59 = arith.remui %rem3A, %rem3A_58 : i32
        %mul3A_60 = arith.constant 128 : i32
        %mul3A_61 = arith.muli %mul3A_60, %add3A_31 : i32
        %dma_start3A = arith.constant 0 : i32
        %dma_start3A_62 = arith.constant 0 : i32
        %dma_start3A_63 = tpu.memref_slice %run_scoped3A[%rem3A_59, %dma_start3A, %dma_start3A_62] : memref<2x1x128xi32, #tpu.memory_space<vmem>> -> memref<1x1x128xi32, #tpu.memory_space<vmem>>
        %dma_start3A_64 = tpu.memref_squeeze %dma_start3A_63 : memref<1x1x128xi32, #tpu.memory_space<vmem>> -> memref<1x128xi32, #tpu.memory_space<vmem>>
        %dma_start3A_65 = arith.constant 0 : i32
        %dma_start3A_66 = tpu.memref_slice %arg3[%dma_start3A_65, %mul3A_61] : memref<1x10240xi32, #tpu.memory_space<hbm>> -> memref<1x128xi32, #tpu.memory_space<hbm>>
        %dma_start3A_67 = tpu.memref_slice %run_scoped3A_17[%rem3A_59] : memref<2x!tpu.dma_semaphore, #tpu.memory_space<semaphore_mem>> -> memref<1x!tpu.dma_semaphore, #tpu.memory_space<semaphore_mem>>
        %dma_start3A_68 = tpu.memref_squeeze %dma_start3A_67 : memref<1x!tpu.dma_semaphore, #tpu.memory_space<semaphore_mem>> -> memref<!tpu.dma_semaphore, #tpu.memory_space<semaphore_mem>>
        %dma_start3A_69 = arith.constant 0 : i32
        %dma_start3A_70 = arith.constant 0 : i32
        %dma_start3A_71 = tpu.memref_slice %run_scoped3A[%rem3A_59, %dma_start3A_69, %dma_start3A_70] : memref<2x1x128xi32, #tpu.memory_space<vmem>> -> memref<1x1x128xi32, #tpu.memory_space<vmem>>
        %dma_start3A_72 = tpu.memref_squeeze %dma_start3A_71 : memref<1x1x128xi32, #tpu.memory_space<vmem>> -> memref<1x128xi32, #tpu.memory_space<vmem>>
        %dma_start3A_73 = arith.constant 0 : i32
        %dma_start3A_74 = tpu.memref_slice %arg3[%dma_start3A_73, %mul3A_61] : memref<1x10240xi32, #tpu.memory_space<hbm>> -> memref<1x128xi32, #tpu.memory_space<hbm>>
        tpu.enqueue_dma source(%dma_start3A_74 : memref<1x128xi32, #tpu.memory_space<hbm>>) target(%dma_start3A_72 : memref<1x128xi32, #tpu.memory_space<vmem>>) target_semaphore(%dma_start3A_68 : memref<!tpu.dma_semaphore, #tpu.memory_space<semaphore_mem>>)
        %add3A_75 = arith.constant 0 : i32
        %add3A_76 = arith.constant 1 : i32
        %add3A_77 = arith.addi %add3A_75, %add3A_76 : i32
        %select_n3A_78 = arith.constant true
        %select_n3A_79 = arith.constant 0 : i32
        %select_n3A_80 = arith.select %select_n3A_78, %add3A_77, %select_n3A_79 : i32
        %rem3A_81 = arith.constant 0 : i32
        %rem3A_82 = arith.constant 2 : i32
        %rem3A_83 = arith.remui %rem3A_81, %rem3A_82 : i32
        %mul3A_84 = arith.constant 128 : i32
        %mul3A_85 = arith.muli %mul3A_84, %add3A_31 : i32
        %dma_start3A_86 = arith.constant 0 : i32
        %dma_start3A_87 = arith.constant 0 : i32
        %dma_start3A_88 = tpu.memref_slice %run_scoped3A_18[%rem3A_83, %dma_start3A_86, %dma_start3A_87] : memref<2x1x128xi32, #tpu.memory_space<vmem>> -> memref<1x1x128xi32, #tpu.memory_space<vmem>>
        %dma_start3A_89 = tpu.memref_squeeze %dma_start3A_88 : memref<1x1x128xi32, #tpu.memory_space<vmem>> -> memref<1x128xi32, #tpu.memory_space<vmem>>
        %dma_start3A_90 = arith.constant 0 : i32
        %dma_start3A_91 = tpu.memref_slice %arg4[%dma_start3A_90, %mul3A_85] : memref<1x10240xi32, #tpu.memory_space<hbm>> -> memref<1x128xi32, #tpu.memory_space<hbm>>
        %dma_start3A_92 = tpu.memref_slice %run_scoped3A_19[%rem3A_83] : memref<2x!tpu.dma_semaphore, #tpu.memory_space<semaphore_mem>> -> memref<1x!tpu.dma_semaphore, #tpu.memory_space<semaphore_mem>>
        %dma_start3A_93 = tpu.memref_squeeze %dma_start3A_92 : memref<1x!tpu.dma_semaphore, #tpu.memory_space<semaphore_mem>> -> memref<!tpu.dma_semaphore, #tpu.memory_space<semaphore_mem>>
        %dma_start3A_94 = arith.constant 0 : i32
        %dma_start3A_95 = arith.constant 0 : i32
        %dma_start3A_96 = tpu.memref_slice %run_scoped3A_18[%rem3A_83, %dma_start3A_94, %dma_start3A_95] : memref<2x1x128xi32, #tpu.memory_space<vmem>> -> memref<1x1x128xi32, #tpu.memory_space<vmem>>
        %dma_start3A_97 = tpu.memref_squeeze %dma_start3A_96 : memref<1x1x128xi32, #tpu.memory_space<vmem>> -> memref<1x128xi32, #tpu.memory_space<vmem>>
        %dma_start3A_98 = arith.constant 0 : i32
        %dma_start3A_99 = tpu.memref_slice %arg4[%dma_start3A_98, %mul3A_85] : memref<1x10240xi32, #tpu.memory_space<hbm>> -> memref<1x128xi32, #tpu.memory_space<hbm>>
        tpu.enqueue_dma source(%dma_start3A_99 : memref<1x128xi32, #tpu.memory_space<hbm>>) target(%dma_start3A_97 : memref<1x128xi32, #tpu.memory_space<vmem>>) target_semaphore(%dma_start3A_93 : memref<!tpu.dma_semaphore, #tpu.memory_space<semaphore_mem>>)
        %add3A_100 = arith.constant 0 : i32
        %add3A_101 = arith.constant 1 : i32
        %add3A_102 = arith.addi %add3A_100, %add3A_101 : i32
        %select_n3A_103 = arith.constant true
        %select_n3A_104 = arith.constant 0 : i32
        %select_n3A_105 = arith.select %select_n3A_103, %add3A_102, %select_n3A_104 : i32
        %rem3A_106 = arith.constant 0 : i32
        %rem3A_107 = arith.constant 2 : i32
        %rem3A_108 = arith.remui %rem3A_106, %rem3A_107 : i32
        %mul3A_109 = arith.constant 128 : i32
        %mul3A_110 = arith.muli %mul3A_109, %add3A_31 : i32
        %dma_start3A_111 = arith.constant 0 : i32
        %dma_start3A_112 = arith.constant 0 : i32
        %dma_start3A_113 = tpu.memref_slice %run_scoped3A_20[%rem3A_108, %dma_start3A_111, %dma_start3A_112] : memref<2x1x128xi32, #tpu.memory_space<vmem>> -> memref<1x1x128xi32, #tpu.memory_space<vmem>>
        %dma_start3A_114 = tpu.memref_squeeze %dma_start3A_113 : memref<1x1x128xi32, #tpu.memory_space<vmem>> -> memref<1x128xi32, #tpu.memory_space<vmem>>
        %dma_start3A_115 = arith.constant 0 : i32
        %dma_start3A_116 = tpu.memref_slice %arg5[%dma_start3A_115, %mul3A_110] : memref<1x10240xi32, #tpu.memory_space<hbm>> -> memref<1x128xi32, #tpu.memory_space<hbm>>
        %dma_start3A_117 = tpu.memref_slice %run_scoped3A_21[%rem3A_108] : memref<2x!tpu.dma_semaphore, #tpu.memory_space<semaphore_mem>> -> memref<1x!tpu.dma_semaphore, #tpu.memory_space<semaphore_mem>>
        %dma_start3A_118 = tpu.memref_squeeze %dma_start3A_117 : memref<1x!tpu.dma_semaphore, #tpu.memory_space<semaphore_mem>> -> memref<!tpu.dma_semaphore, #tpu.memory_space<semaphore_mem>>
        %dma_start3A_119 = arith.constant 0 : i32
        %dma_start3A_120 = arith.constant 0 : i32
        %dma_start3A_121 = tpu.memref_slice %run_scoped3A_20[%rem3A_108, %dma_start3A_119, %dma_start3A_120] : memref<2x1x128xi32, #tpu.memory_space<vmem>> -> memref<1x1x128xi32, #tpu.memory_space<vmem>>
        %dma_start3A_122 = tpu.memref_squeeze %dma_start3A_121 : memref<1x1x128xi32, #tpu.memory_space<vmem>> -> memref<1x128xi32, #tpu.memory_space<vmem>>
        %dma_start3A_123 = arith.constant 0 : i32
        %dma_start3A_124 = tpu.memref_slice %arg5[%dma_start3A_123, %mul3A_110] : memref<1x10240xi32, #tpu.memory_space<hbm>> -> memref<1x128xi32, #tpu.memory_space<hbm>>
        tpu.enqueue_dma source(%dma_start3A_124 : memref<1x128xi32, #tpu.memory_space<hbm>>) target(%dma_start3A_122 : memref<1x128xi32, #tpu.memory_space<vmem>>) target_semaphore(%dma_start3A_118 : memref<!tpu.dma_semaphore, #tpu.memory_space<semaphore_mem>>)
        %add3A_125 = arith.constant 0 : i32
        %add3A_126 = arith.constant 1 : i32
        %add3A_127 = arith.addi %add3A_125, %add3A_126 : i32
        %select_n3A_128 = arith.constant true
        %select_n3A_129 = arith.constant 0 : i32
        %select_n3A_130 = arith.select %select_n3A_128, %add3A_127, %select_n3A_129 : i32
        %while3A = arith.constant 0 : i32
        %while3A_131 = arith.constant 0 : i32
        %while3A_132 = arith.constant 0 : i32
        %while3A_133 = arith.constant 0 : i32
        %while3A_134 = arith.constant 0 : i32
        %while3A_135 = arith.constant 0 : i32
        %while3A_136 = arith.constant 0 : i32
        "tpu.trace_stop"() : () -> ()
        %while3A_137 = arith.subi %mul3A_16, %while3A : i32
        %while3A_138 = arith.addi %while3A, %while3A_137 : i32
        %while3A_139 = arith.constant 1 : i32
        %while3A_140 = arith.divsi %while3A_137, %while3A_139 : i32
        %while3A_141 = arith.muli %while3A_140, %while3A_139 : i32
        %while3A_142 = arith.addi %while3A, %while3A_141 : i32
        %while3A_143 = arith.constant 1 : i32
        %while3A_144:9 = scf.for %while3A_204 = %while3A to %while3A_142 step %while3A_143 iter_args(%while3A_205 = %select_n3A_80, %while3A_206 = %while3A_131, %while3A_207 = %select_n3A_105, %while3A_208 = %while3A_132, %while3A_209 = %select_n3A_130, %while3A_210 = %while3A_133, %while3A_211 = %while3A_134, %while3A_212 = %while3A_135, %while3A_213 = %while3A_136) -> (i32, i32, i32, i32, i32, i32, i32, i32, i32)  : i32 {
          %mul3A_214 = arith.constant 1 : i32
          %mul3A_215 = arith.muli %mul3A_214, %select_n3A : i32
          %eq3A_216 = arith.constant 0 : i32
          %eq3A_217 = arith.cmpi eq, %while3A_204, %eq3A_216 : i32
          %sub3A_218 = arith.constant 1 : i32
          %sub3A_219 = arith.subi %mul3A_215, %sub3A_218 : i32
          %eq3A_220 = arith.cmpi eq, %while3A_204, %sub3A_219 : i32
          %add3A_221 = arith.addi %while3A_213, %select_n3A_14 : i32
          %sub3A_222 = arith.constant 1 : i32
          %sub3A_223 = arith.subi %while3A_213, %sub3A_222 : i32
          %select_n3A_224 = arith.constant true
          %select_n3A_225 = arith.select %select_n3A_224, %sub3A_223, %while3A_213 : i32
          %eq3A_226 = arith.constant -1 : i32
          %eq3A_227 = arith.cmpi eq, %select_n3A_225, %eq3A_226 : i32
          %sub3A_228 = arith.constant 1 : i32
          %sub3A_229 = arith.subi %select_n3A, %sub3A_228 : i32
          %select_n3A_230 = arith.select %eq3A_227, %sub3A_229, %select_n3A_225 : i32
          %add3A_231 = arith.addi %select_n3A_230, %select_n3A_14 : i32
          %add3A_232 = arith.constant 1 : i32
          %add3A_233 = arith.addi %while3A_213, %add3A_232 : i32
          %select_n3A_234 = arith.constant true
          %select_n3A_235 = arith.select %select_n3A_234, %add3A_233, %while3A_213 : i32
          %eq3A_236 = arith.cmpi eq, %select_n3A_235, %select_n3A : i32
          %select_n3A_237 = arith.constant 0 : i32
          %select_n3A_238 = arith.select %eq3A_236, %select_n3A_237, %select_n3A_235 : i32
          %add3A_239 = arith.addi %select_n3A_238, %select_n3A_14 : i32
          %add3A_240 = arith.constant 1 : i32
          %add3A_241 = arith.addi %select_n3A_238, %add3A_240 : i32
          %select_n3A_242 = arith.constant true
          %select_n3A_243 = arith.select %select_n3A_242, %add3A_241, %select_n3A_238 : i32
          %eq3A_244 = arith.cmpi eq, %select_n3A_243, %select_n3A : i32
          %select_n3A_245 = arith.constant 0 : i32
          %select_n3A_246 = arith.select %eq3A_244, %select_n3A_245, %select_n3A_243 : i32
          %add3A_247 = arith.addi %select_n3A_246, %select_n3A_14 : i32
          %ne3A = arith.cmpi ne, %add3A_221, %add3A_239 : i32
          %or3A = arith.constant false
          %or3A_248 = arith.ori %or3A, %ne3A : i1
          %sub3A_249 = arith.constant 2 : i32
          %sub3A_250 = arith.subi %mul3A_215, %sub3A_249 : i32
          %add3A_251 = arith.constant 1 : i32
          %add3A_252 = arith.addi %sub3A_250, %add3A_251 : i32
          %ge3A = arith.cmpi sge, %while3A_204, %add3A_252 : i32
          %not3A = arith.constant true
          %not3A_253 = arith.xori %ge3A, %not3A : i1
          %and3A = arith.andi %or3A_248, %not3A_253 : i1
          %convert_element_type3A_254 = arith.extui %and3A : i1 to i32
          %cond3A_255 = arith.constant 0 : i32
          %cond3A_256 = arith.cmpi ne, %convert_element_type3A_254, %cond3A_255 : i32
          scf.if %cond3A_256 {
            "tpu.trace_start"() <{level = 10 : i32, message = "ep_copy_in"}> : () -> ()
            %rem3A_476 = arith.constant 2 : i32
            %rem3A_477 = arith.remui %while3A_205, %rem3A_476 : i32
            %mul3A_478 = arith.constant 128 : i32
            %mul3A_479 = arith.muli %mul3A_478, %add3A_239 : i32
            %dma_start3A_480 = arith.constant 0 : i32
            %dma_start3A_481 = arith.constant 0 : i32
            %dma_start3A_482 = tpu.memref_slice %run_scoped3A[%rem3A_477, %dma_start3A_480, %dma_start3A_481] : memref<2x1x128xi32, #tpu.memory_space<vmem>> -> memref<1x1x128xi32, #tpu.memory_space<vmem>>
            %dma_start3A_483 = tpu.memref_squeeze %dma_start3A_482 : memref<1x1x128xi32, #tpu.memory_space<vmem>> -> memref<1x128xi32, #tpu.memory_space<vmem>>
            %dma_start3A_484 = arith.constant 0 : i32
            %dma_start3A_485 = tpu.memref_slice %arg3[%dma_start3A_484, %mul3A_479] : memref<1x10240xi32, #tpu.memory_space<hbm>> -> memref<1x128xi32, #tpu.memory_space<hbm>>
            %dma_start3A_486 = tpu.memref_slice %run_scoped3A_17[%rem3A_477] : memref<2x!tpu.dma_semaphore, #tpu.memory_space<semaphore_mem>> -> memref<1x!tpu.dma_semaphore, #tpu.memory_space<semaphore_mem>>
            %dma_start3A_487 = tpu.memref_squeeze %dma_start3A_486 : memref<1x!tpu.dma_semaphore, #tpu.memory_space<semaphore_mem>> -> memref<!tpu.dma_semaphore, #tpu.memory_space<semaphore_mem>>
            %dma_start3A_488 = arith.constant 0 : i32
            %dma_start3A_489 = arith.constant 0 : i32
            %dma_start3A_490 = tpu.memref_slice %run_scoped3A[%rem3A_477, %dma_start3A_488, %dma_start3A_489] : memref<2x1x128xi32, #tpu.memory_space<vmem>> -> memref<1x1x128xi32, #tpu.memory_space<vmem>>
            %dma_start3A_491 = tpu.memref_squeeze %dma_start3A_490 : memref<1x1x128xi32, #tpu.memory_space<vmem>> -> memref<1x128xi32, #tpu.memory_space<vmem>>
            %dma_start3A_492 = arith.constant 0 : i32
            %dma_start3A_493 = tpu.memref_slice %arg3[%dma_start3A_492, %mul3A_479] : memref<1x10240xi32, #tpu.memory_space<hbm>> -> memref<1x128xi32, #tpu.memory_space<hbm>>
            tpu.enqueue_dma source(%dma_start3A_493 : memref<1x128xi32, #tpu.memory_space<hbm>>) target(%dma_start3A_491 : memref<1x128xi32, #tpu.memory_space<vmem>>) target_semaphore(%dma_start3A_487 : memref<!tpu.dma_semaphore, #tpu.memory_space<semaphore_mem>>)
            "tpu.trace_stop"() : () -> ()
          } else {
          }
          %and3A_257 = arith.constant true
          %and3A_258 = arith.andi %and3A, %and3A_257 : i1
          %add3A_259 = arith.constant 1 : i32
          %add3A_260 = arith.addi %while3A_205, %add3A_259 : i32
          %select_n3A_261 = arith.select %and3A_258, %add3A_260, %while3A_205 : i32
          %ne3A_262 = arith.cmpi ne, %add3A_221, %add3A_239 : i32
          %or3A_263 = arith.constant false
          %or3A_264 = arith.ori %or3A_263, %ne3A_262 : i1
          %sub3A_265 = arith.constant 2 : i32
          %sub3A_266 = arith.subi %mul3A_215, %sub3A_265 : i32
          %add3A_267 = arith.constant 1 : i32
          %add3A_268 = arith.addi %sub3A_266, %add3A_267 : i32
          %ge3A_269 = arith.cmpi sge, %while3A_204, %add3A_268 : i32
          %not3A_270 = arith.constant true
          %not3A_271 = arith.xori %ge3A_269, %not3A_270 : i1
          %and3A_272 = arith.andi %or3A_264, %not3A_271 : i1
          %convert_element_type3A_273 = arith.extui %and3A_272 : i1 to i32
          %cond3A_274 = arith.constant 0 : i32
          %cond3A_275 = arith.cmpi ne, %convert_element_type3A_273, %cond3A_274 : i32
          scf.if %cond3A_275 {
            "tpu.trace_start"() <{level = 10 : i32, message = "ep_copy_in"}> : () -> ()
            %rem3A_476 = arith.constant 2 : i32
            %rem3A_477 = arith.remui %while3A_207, %rem3A_476 : i32
            %mul3A_478 = arith.constant 128 : i32
            %mul3A_479 = arith.muli %mul3A_478, %add3A_239 : i32
            %dma_start3A_480 = arith.constant 0 : i32
            %dma_start3A_481 = arith.constant 0 : i32
            %dma_start3A_482 = tpu.memref_slice %run_scoped3A_18[%rem3A_477, %dma_start3A_480, %dma_start3A_481] : memref<2x1x128xi32, #tpu.memory_space<vmem>> -> memref<1x1x128xi32, #tpu.memory_space<vmem>>
            %dma_start3A_483 = tpu.memref_squeeze %dma_start3A_482 : memref<1x1x128xi32, #tpu.memory_space<vmem>> -> memref<1x128xi32, #tpu.memory_space<vmem>>
            %dma_start3A_484 = arith.constant 0 : i32
            %dma_start3A_485 = tpu.memref_slice %arg4[%dma_start3A_484, %mul3A_479] : memref<1x10240xi32, #tpu.memory_space<hbm>> -> memref<1x128xi32, #tpu.memory_space<hbm>>
            %dma_start3A_486 = tpu.memref_slice %run_scoped3A_19[%rem3A_477] : memref<2x!tpu.dma_semaphore, #tpu.memory_space<semaphore_mem>> -> memref<1x!tpu.dma_semaphore, #tpu.memory_space<semaphore_mem>>
            %dma_start3A_487 = tpu.memref_squeeze %dma_start3A_486 : memref<1x!tpu.dma_semaphore, #tpu.memory_space<semaphore_mem>> -> memref<!tpu.dma_semaphore, #tpu.memory_space<semaphore_mem>>
            %dma_start3A_488 = arith.constant 0 : i32
            %dma_start3A_489 = arith.constant 0 : i32
            %dma_start3A_490 = tpu.memref_slice %run_scoped3A_18[%rem3A_477, %dma_start3A_488, %dma_start3A_489] : memref<2x1x128xi32, #tpu.memory_space<vmem>> -> memref<1x1x128xi32, #tpu.memory_space<vmem>>
            %dma_start3A_491 = tpu.memref_squeeze %dma_start3A_490 : memref<1x1x128xi32, #tpu.memory_space<vmem>> -> memref<1x128xi32, #tpu.memory_space<vmem>>
            %dma_start3A_492 = arith.constant 0 : i32
            %dma_start3A_493 = tpu.memref_slice %arg4[%dma_start3A_492, %mul3A_479] : memref<1x10240xi32, #tpu.memory_space<hbm>> -> memref<1x128xi32, #tpu.memory_space<hbm>>
            tpu.enqueue_dma source(%dma_start3A_493 : memref<1x128xi32, #tpu.memory_space<hbm>>) target(%dma_start3A_491 : memref<1x128xi32, #tpu.memory_space<vmem>>) target_semaphore(%dma_start3A_487 : memref<!tpu.dma_semaphore, #tpu.memory_space<semaphore_mem>>)
            "tpu.trace_stop"() : () -> ()
          } else {
          }
          %and3A_276 = arith.constant true
          %and3A_277 = arith.andi %and3A_272, %and3A_276 : i1
          %add3A_278 = arith.constant 1 : i32
          %add3A_279 = arith.addi %while3A_207, %add3A_278 : i32
          %select_n3A_280 = arith.select %and3A_277, %add3A_279, %while3A_207 : i32
          %ne3A_281 = arith.cmpi ne, %add3A_221, %add3A_239 : i32
          %or3A_282 = arith.constant false
          %or3A_283 = arith.ori %or3A_282, %ne3A_281 : i1
          %sub3A_284 = arith.constant 2 : i32
          %sub3A_285 = arith.subi %mul3A_215, %sub3A_284 : i32
          %add3A_286 = arith.constant 1 : i32
          %add3A_287 = arith.addi %sub3A_285, %add3A_286 : i32
          %ge3A_288 = arith.cmpi sge, %while3A_204, %add3A_287 : i32
          %not3A_289 = arith.constant true
          %not3A_290 = arith.xori %ge3A_288, %not3A_289 : i1
          %and3A_291 = arith.andi %or3A_283, %not3A_290 : i1
          %convert_element_type3A_292 = arith.extui %and3A_291 : i1 to i32
          %cond3A_293 = arith.constant 0 : i32
          %cond3A_294 = arith.cmpi ne, %convert_element_type3A_292, %cond3A_293 : i32
          scf.if %cond3A_294 {
            "tpu.trace_start"() <{level = 10 : i32, message = "ep_copy_in"}> : () -> ()
            %rem3A_476 = arith.constant 2 : i32
            %rem3A_477 = arith.remui %while3A_209, %rem3A_476 : i32
            %mul3A_478 = arith.constant 128 : i32
            %mul3A_479 = arith.muli %mul3A_478, %add3A_239 : i32
            %dma_start3A_480 = arith.constant 0 : i32
            %dma_start3A_481 = arith.constant 0 : i32
            %dma_start3A_482 = tpu.memref_slice %run_scoped3A_20[%rem3A_477, %dma_start3A_480, %dma_start3A_481] : memref<2x1x128xi32, #tpu.memory_space<vmem>> -> memref<1x1x128xi32, #tpu.memory_space<vmem>>
            %dma_start3A_483 = tpu.memref_squeeze %dma_start3A_482 : memref<1x1x128xi32, #tpu.memory_space<vmem>> -> memref<1x128xi32, #tpu.memory_space<vmem>>
            %dma_start3A_484 = arith.constant 0 : i32
            %dma_start3A_485 = tpu.memref_slice %arg5[%dma_start3A_484, %mul3A_479] : memref<1x10240xi32, #tpu.memory_space<hbm>> -> memref<1x128xi32, #tpu.memory_space<hbm>>
            %dma_start3A_486 = tpu.memref_slice %run_scoped3A_21[%rem3A_477] : memref<2x!tpu.dma_semaphore, #tpu.memory_space<semaphore_mem>> -> memref<1x!tpu.dma_semaphore, #tpu.memory_space<semaphore_mem>>
            %dma_start3A_487 = tpu.memref_squeeze %dma_start3A_486 : memref<1x!tpu.dma_semaphore, #tpu.memory_space<semaphore_mem>> -> memref<!tpu.dma_semaphore, #tpu.memory_space<semaphore_mem>>
            %dma_start3A_488 = arith.constant 0 : i32
            %dma_start3A_489 = arith.constant 0 : i32
            %dma_start3A_490 = tpu.memref_slice %run_scoped3A_20[%rem3A_477, %dma_start3A_488, %dma_start3A_489] : memref<2x1x128xi32, #tpu.memory_space<vmem>> -> memref<1x1x128xi32, #tpu.memory_space<vmem>>
            %dma_start3A_491 = tpu.memref_squeeze %dma_start3A_490 : memref<1x1x128xi32, #tpu.memory_space<vmem>> -> memref<1x128xi32, #tpu.memory_space<vmem>>
            %dma_start3A_492 = arith.constant 0 : i32
            %dma_start3A_493 = tpu.memref_slice %arg5[%dma_start3A_492, %mul3A_479] : memref<1x10240xi32, #tpu.memory_space<hbm>> -> memref<1x128xi32, #tpu.memory_space<hbm>>
            tpu.enqueue_dma source(%dma_start3A_493 : memref<1x128xi32, #tpu.memory_space<hbm>>) target(%dma_start3A_491 : memref<1x128xi32, #tpu.memory_space<vmem>>) target_semaphore(%dma_start3A_487 : memref<!tpu.dma_semaphore, #tpu.memory_space<semaphore_mem>>)
            "tpu.trace_stop"() : () -> ()
          } else {
          }
          %and3A_295 = arith.constant true
          %and3A_296 = arith.andi %and3A_291, %and3A_295 : i1
          %add3A_297 = arith.constant 1 : i32
          %add3A_298 = arith.addi %while3A_209, %add3A_297 : i32
          %select_n3A_299 = arith.select %and3A_296, %add3A_298, %while3A_209 : i32
          %ne3A_300 = arith.cmpi ne, %add3A_221, %add3A_239 : i32
          %or3A_301 = arith.constant false
          %or3A_302 = arith.ori %or3A_301, %ne3A_300 : i1
          %or3A_303 = arith.constant false
          %or3A_304 = arith.ori %or3A_302, %or3A_303 : i1
          %sub3A_305 = arith.constant 2 : i32
          %sub3A_306 = arith.subi %mul3A_215, %sub3A_305 : i32
          %add3A_307 = arith.constant 1 : i32
          %add3A_308 = arith.addi %sub3A_306, %add3A_307 : i32
          %ge3A_309 = arith.cmpi sge, %while3A_204, %add3A_308 : i32
          %not3A_310 = arith.constant true
          %not3A_311 = arith.xori %ge3A_309, %not3A_310 : i1
          %and3A_312 = arith.andi %or3A_304, %not3A_311 : i1
          %ne3A_313 = arith.cmpi ne, %add3A_221, %add3A_231 : i32
          %or3A_314 = arith.constant false
          %or3A_315 = arith.ori %or3A_314, %ne3A_313 : i1
          %or3A_316 = arith.ori %or3A_315, %eq3A_217 : i1
          %convert_element_type3A_317 = arith.extui %or3A_316 : i1 to i32
          %cond3A_318 = arith.constant 0 : i32
          %cond3A_319 = arith.cmpi ne, %convert_element_type3A_317, %cond3A_318 : i32
          scf.if %cond3A_319 {
            "tpu.trace_start"() <{level = 10 : i32, message = "ep_wait_in"}> : () -> ()
            %mul3A_476 = arith.constant 128 : i32
            %mul3A_477 = arith.muli %mul3A_476, %add3A_221 : i32
            %rem3A_478 = arith.constant 2 : i32
            %rem3A_479 = arith.remui %while3A_206, %rem3A_478 : i32
            %dma_wait3A = arith.constant 0 : i32
            %dma_wait3A_480 = arith.constant 0 : i32
            %dma_wait3A_481 = tpu.memref_slice %run_scoped3A[%rem3A_479, %dma_wait3A, %dma_wait3A_480] : memref<2x1x128xi32, #tpu.memory_space<vmem>> -> memref<1x1x128xi32, #tpu.memory_space<vmem>>
            %dma_wait3A_482 = tpu.memref_squeeze %dma_wait3A_481 : memref<1x1x128xi32, #tpu.memory_space<vmem>> -> memref<1x128xi32, #tpu.memory_space<vmem>>
            %dma_wait3A_483 = arith.constant 0 : i32
            %dma_wait3A_484 = tpu.memref_slice %arg3[%dma_wait3A_483, %mul3A_477] : memref<1x10240xi32, #tpu.memory_space<hbm>> -> memref<1x128xi32, #tpu.memory_space<hbm>>
            %dma_wait3A_485 = tpu.memref_slice %run_scoped3A_17[%rem3A_479] : memref<2x!tpu.dma_semaphore, #tpu.memory_space<semaphore_mem>> -> memref<1x!tpu.dma_semaphore, #tpu.memory_space<semaphore_mem>>
            %dma_wait3A_486 = tpu.memref_squeeze %dma_wait3A_485 : memref<1x!tpu.dma_semaphore, #tpu.memory_space<semaphore_mem>> -> memref<!tpu.dma_semaphore, #tpu.memory_space<semaphore_mem>>
            %dma_wait3A_487 = arith.constant 0 : i32
            %dma_wait3A_488 = arith.constant 0 : i32
            %dma_wait3A_489 = tpu.memref_slice %run_scoped3A[%rem3A_479, %dma_wait3A_487, %dma_wait3A_488] : memref<2x1x128xi32, #tpu.memory_space<vmem>> -> memref<1x1x128xi32, #tpu.memory_space<vmem>>
            %dma_wait3A_490 = tpu.memref_squeeze %dma_wait3A_489 : memref<1x1x128xi32, #tpu.memory_space<vmem>> -> memref<1x128xi32, #tpu.memory_space<vmem>>
            %dma_wait3A_491 = arith.constant 0 : i32
            %dma_wait3A_492 = tpu.memref_slice %arg3[%dma_wait3A_491, %mul3A_477] : memref<1x10240xi32, #tpu.memory_space<hbm>> -> memref<1x128xi32, #tpu.memory_space<hbm>>
            tpu.wait_dma2 semaphore(%dma_wait3A_486 : memref<!tpu.dma_semaphore, #tpu.memory_space<semaphore_mem>>) src(%dma_wait3A_492 : memref<1x128xi32, #tpu.memory_space<hbm>>) dst(%dma_wait3A_490 : memref<1x128xi32, #tpu.memory_space<vmem>>)
            "tpu.trace_stop"() : () -> ()
          } else {
          }
          %ne3A_320 = arith.cmpi ne, %add3A_221, %add3A_231 : i32
          %or3A_321 = arith.constant false
          %or3A_322 = arith.ori %or3A_321, %ne3A_320 : i1
          %or3A_323 = arith.ori %or3A_322, %eq3A_217 : i1
          %convert_element_type3A_324 = arith.extui %or3A_323 : i1 to i32
          %cond3A_325 = arith.constant 0 : i32
          %cond3A_326 = arith.cmpi ne, %convert_element_type3A_324, %cond3A_325 : i32
          scf.if %cond3A_326 {
            "tpu.trace_start"() <{level = 10 : i32, message = "ep_wait_in"}> : () -> ()
            %mul3A_476 = arith.constant 128 : i32
            %mul3A_477 = arith.muli %mul3A_476, %add3A_221 : i32
            %rem3A_478 = arith.constant 2 : i32
            %rem3A_479 = arith.remui %while3A_208, %rem3A_478 : i32
            %dma_wait3A = arith.constant 0 : i32
            %dma_wait3A_480 = arith.constant 0 : i32
            %dma_wait3A_481 = tpu.memref_slice %run_scoped3A_18[%rem3A_479, %dma_wait3A, %dma_wait3A_480] : memref<2x1x128xi32, #tpu.memory_space<vmem>> -> memref<1x1x128xi32, #tpu.memory_space<vmem>>
            %dma_wait3A_482 = tpu.memref_squeeze %dma_wait3A_481 : memref<1x1x128xi32, #tpu.memory_space<vmem>> -> memref<1x128xi32, #tpu.memory_space<vmem>>
            %dma_wait3A_483 = arith.constant 0 : i32
            %dma_wait3A_484 = tpu.memref_slice %arg4[%dma_wait3A_483, %mul3A_477] : memref<1x10240xi32, #tpu.memory_space<hbm>> -> memref<1x128xi32, #tpu.memory_space<hbm>>
            %dma_wait3A_485 = tpu.memref_slice %run_scoped3A_19[%rem3A_479] : memref<2x!tpu.dma_semaphore, #tpu.memory_space<semaphore_mem>> -> memref<1x!tpu.dma_semaphore, #tpu.memory_space<semaphore_mem>>
            %dma_wait3A_486 = tpu.memref_squeeze %dma_wait3A_485 : memref<1x!tpu.dma_semaphore, #tpu.memory_space<semaphore_mem>> -> memref<!tpu.dma_semaphore, #tpu.memory_space<semaphore_mem>>
            %dma_wait3A_487 = arith.constant 0 : i32
            %dma_wait3A_488 = arith.constant 0 : i32
            %dma_wait3A_489 = tpu.memref_slice %run_scoped3A_18[%rem3A_479, %dma_wait3A_487, %dma_wait3A_488] : memref<2x1x128xi32, #tpu.memory_space<vmem>> -> memref<1x1x128xi32, #tpu.memory_space<vmem>>
            %dma_wait3A_490 = tpu.memref_squeeze %dma_wait3A_489 : memref<1x1x128xi32, #tpu.memory_space<vmem>> -> memref<1x128xi32, #tpu.memory_space<vmem>>
            %dma_wait3A_491 = arith.constant 0 : i32
            %dma_wait3A_492 = tpu.memref_slice %arg4[%dma_wait3A_491, %mul3A_477] : memref<1x10240xi32, #tpu.memory_space<hbm>> -> memref<1x128xi32, #tpu.memory_space<hbm>>
            tpu.wait_dma2 semaphore(%dma_wait3A_486 : memref<!tpu.dma_semaphore, #tpu.memory_space<semaphore_mem>>) src(%dma_wait3A_492 : memref<1x128xi32, #tpu.memory_space<hbm>>) dst(%dma_wait3A_490 : memref<1x128xi32, #tpu.memory_space<vmem>>)
            "tpu.trace_stop"() : () -> ()
          } else {
          }
          %ne3A_327 = arith.cmpi ne, %add3A_221, %add3A_231 : i32
          %or3A_328 = arith.constant false
          %or3A_329 = arith.ori %or3A_328, %ne3A_327 : i1
          %or3A_330 = arith.ori %or3A_329, %eq3A_217 : i1
          %convert_element_type3A_331 = arith.extui %or3A_330 : i1 to i32
          %cond3A_332 = arith.constant 0 : i32
          %cond3A_333 = arith.cmpi ne, %convert_element_type3A_331, %cond3A_332 : i32
          scf.if %cond3A_333 {
            "tpu.trace_start"() <{level = 10 : i32, message = "ep_wait_in"}> : () -> ()
            %mul3A_476 = arith.constant 128 : i32
            %mul3A_477 = arith.muli %mul3A_476, %add3A_221 : i32
            %rem3A_478 = arith.constant 2 : i32
            %rem3A_479 = arith.remui %while3A_210, %rem3A_478 : i32
            %dma_wait3A = arith.constant 0 : i32
            %dma_wait3A_480 = arith.constant 0 : i32
            %dma_wait3A_481 = tpu.memref_slice %run_scoped3A_20[%rem3A_479, %dma_wait3A, %dma_wait3A_480] : memref<2x1x128xi32, #tpu.memory_space<vmem>> -> memref<1x1x128xi32, #tpu.memory_space<vmem>>
            %dma_wait3A_482 = tpu.memref_squeeze %dma_wait3A_481 : memref<1x1x128xi32, #tpu.memory_space<vmem>> -> memref<1x128xi32, #tpu.memory_space<vmem>>
            %dma_wait3A_483 = arith.constant 0 : i32
            %dma_wait3A_484 = tpu.memref_slice %arg5[%dma_wait3A_483, %mul3A_477] : memref<1x10240xi32, #tpu.memory_space<hbm>> -> memref<1x128xi32, #tpu.memory_space<hbm>>
            %dma_wait3A_485 = tpu.memref_slice %run_scoped3A_21[%rem3A_479] : memref<2x!tpu.dma_semaphore, #tpu.memory_space<semaphore_mem>> -> memref<1x!tpu.dma_semaphore, #tpu.memory_space<semaphore_mem>>
            %dma_wait3A_486 = tpu.memref_squeeze %dma_wait3A_485 : memref<1x!tpu.dma_semaphore, #tpu.memory_space<semaphore_mem>> -> memref<!tpu.dma_semaphore, #tpu.memory_space<semaphore_mem>>
            %dma_wait3A_487 = arith.constant 0 : i32
            %dma_wait3A_488 = arith.constant 0 : i32
            %dma_wait3A_489 = tpu.memref_slice %run_scoped3A_20[%rem3A_479, %dma_wait3A_487, %dma_wait3A_488] : memref<2x1x128xi32, #tpu.memory_space<vmem>> -> memref<1x1x128xi32, #tpu.memory_space<vmem>>
            %dma_wait3A_490 = tpu.memref_squeeze %dma_wait3A_489 : memref<1x1x128xi32, #tpu.memory_space<vmem>> -> memref<1x128xi32, #tpu.memory_space<vmem>>
            %dma_wait3A_491 = arith.constant 0 : i32
            %dma_wait3A_492 = tpu.memref_slice %arg5[%dma_wait3A_491, %mul3A_477] : memref<1x10240xi32, #tpu.memory_space<hbm>> -> memref<1x128xi32, #tpu.memory_space<hbm>>
            tpu.wait_dma2 semaphore(%dma_wait3A_486 : memref<!tpu.dma_semaphore, #tpu.memory_space<semaphore_mem>>) src(%dma_wait3A_492 : memref<1x128xi32, #tpu.memory_space<hbm>>) dst(%dma_wait3A_490 : memref<1x128xi32, #tpu.memory_space<vmem>>)
            "tpu.trace_stop"() : () -> ()
          } else {
          }
          %ne3A_334 = arith.cmpi ne, %add3A_221, %add3A_231 : i32
          %or3A_335 = arith.constant false
          %or3A_336 = arith.ori %or3A_335, %ne3A_334 : i1
          %or3A_337 = arith.constant false
          %or3A_338 = arith.ori %or3A_336, %or3A_337 : i1
          %or3A_339 = arith.ori %or3A_338, %eq3A_217 : i1
          %convert_element_type3A_340 = arith.extui %or3A_339 : i1 to i32
          %cond3A_341 = arith.constant 0 : i32
          %cond3A_342 = arith.cmpi ne, %convert_element_type3A_340, %cond3A_341 : i32
          scf.if %cond3A_342 {
          } else {
          }
          %rem3A_343 = arith.constant 2 : i32
          %rem3A_344 = arith.remui %while3A_206, %rem3A_343 : i32
          %rem3A_345 = arith.constant 2 : i32
          %rem3A_346 = arith.remui %while3A_208, %rem3A_345 : i32
          %rem3A_347 = arith.constant 2 : i32
          %rem3A_348 = arith.remui %while3A_210, %rem3A_347 : i32
          %rem3A_349 = arith.constant 2 : i32
          %rem3A_350 = arith.remui %while3A_211, %rem3A_349 : i32
          %run_scoped3A_351 = arith.constant 0 : i32
          "tpu.trace_start"() <{level = 10 : i32, message = "ep_run_kernel"}> : () -> ()
          "tpu.region"() ({
            %run_scoped3A_476 = tpu.sem_alloc : memref<!tpu.dma_semaphore, #tpu.memory_space<semaphore_mem>>
            %dma_start3A_477 = arith.constant 0 : i32
            %dma_start3A_478 = arith.constant 0 : i32
            %dma_start3A_479 = tpu.memref_slice %run_scoped3A[%rem3A_344, %dma_start3A_477, %dma_start3A_478] : memref<2x1x128xi32, #tpu.memory_space<vmem>> -> memref<1x1x128xi32, #tpu.memory_space<vmem>>
            %dma_start3A_480 = tpu.memref_squeeze %dma_start3A_479 : memref<1x1x128xi32, #tpu.memory_space<vmem>> -> memref<1x128xi32, #tpu.memory_space<vmem>>
            %dma_start3A_481 = arith.constant 0 : i32
            %dma_start3A_482 = tpu.memref_slice %dma_start3A_480[%run_scoped3A_351, %dma_start3A_481] : memref<1x128xi32, #tpu.memory_space<vmem>> -> memref<1x128xi32, #tpu.memory_space<vmem>>
            %dma_start3A_483 = tpu.memref_squeeze %dma_start3A_482 : memref<1x128xi32, #tpu.memory_space<vmem>> -> memref<128xi32, #tpu.memory_space<vmem>>
            %dma_start3A_484 = arith.constant 0 : i32
            %dma_start3A_485 = arith.constant 0 : i32
            %dma_start3A_486 = tpu.memref_slice %arg2[%dma_start3A_484, %dma_start3A_485] : memref<10000x16xf32, #tpu.memory_space<hbm>> -> memref<10000x16xf32, #tpu.memory_space<hbm>>
            tpu.enqueue_indirect_dma source(%dma_start3A_486 : memref<10000x16xf32, #tpu.memory_space<hbm>>) target(%arg7 : memref<128x16xf32, #tpu.memory_space<vmem>>) offsets(%dma_start3A_483 : memref<128xi32, #tpu.memory_space<vmem>>) semaphore(%run_scoped3A_476 : memref<!tpu.dma_semaphore, #tpu.memory_space<semaphore_mem>>)
            %dma_wait3A = arith.constant 0 : i32
            %dma_wait3A_487 = arith.constant 0 : i32
            %dma_wait3A_488 = tpu.memref_slice %run_scoped3A[%rem3A_344, %dma_wait3A, %dma_wait3A_487] : memref<2x1x128xi32, #tpu.memory_space<vmem>> -> memref<1x1x128xi32, #tpu.memory_space<vmem>>
            %dma_wait3A_489 = tpu.memref_squeeze %dma_wait3A_488 : memref<1x1x128xi32, #tpu.memory_space<vmem>> -> memref<1x128xi32, #tpu.memory_space<vmem>>
            %dma_wait3A_490 = arith.constant 0 : i32
            %dma_wait3A_491 = tpu.memref_slice %dma_wait3A_489[%run_scoped3A_351, %dma_wait3A_490] : memref<1x128xi32, #tpu.memory_space<vmem>> -> memref<1x128xi32, #tpu.memory_space<vmem>>
            %dma_wait3A_492 = tpu.memref_squeeze %dma_wait3A_491 : memref<1x128xi32, #tpu.memory_space<vmem>> -> memref<128xi32, #tpu.memory_space<vmem>>
            %dma_wait3A_493 = arith.constant 0 : i32
            %dma_wait3A_494 = arith.constant 0 : i32
            %dma_wait3A_495 = tpu.memref_slice %arg2[%dma_wait3A_493, %dma_wait3A_494] : memref<10000x16xf32, #tpu.memory_space<hbm>> -> memref<10000x16xf32, #tpu.memory_space<hbm>>
            tpu.wait_indirect_dma semaphore(%run_scoped3A_476 : memref<!tpu.dma_semaphore, #tpu.memory_space<semaphore_mem>>) src(%dma_wait3A_495 : memref<10000x16xf32, #tpu.memory_space<hbm>>) dst(%arg7 : memref<128x16xf32, #tpu.memory_space<vmem>>)
            tpu.yield
          }) : () -> ()
          %run_scoped3A_352 = arith.constant 0 : i32
          "tpu.region"() ({
            %run_scoped3A_476 = tpu.sem_alloc : memref<!tpu.dma_semaphore, #tpu.memory_space<semaphore_mem>>
            %dma_start3A_477 = arith.constant 0 : i32
            %dma_start3A_478 = arith.constant 0 : i32
            %dma_start3A_479 = tpu.memref_slice %run_scoped3A_18[%rem3A_346, %dma_start3A_477, %dma_start3A_478] : memref<2x1x128xi32, #tpu.memory_space<vmem>> -> memref<1x1x128xi32, #tpu.memory_space<vmem>>
            %dma_start3A_480 = tpu.memref_squeeze %dma_start3A_479 : memref<1x1x128xi32, #tpu.memory_space<vmem>> -> memref<1x128xi32, #tpu.memory_space<vmem>>
            %dma_start3A_481 = arith.constant 0 : i32
            %dma_start3A_482 = tpu.memref_slice %dma_start3A_480[%run_scoped3A_352, %dma_start3A_481] : memref<1x128xi32, #tpu.memory_space<vmem>> -> memref<1x128xi32, #tpu.memory_space<vmem>>
            %dma_start3A_483 = tpu.memref_squeeze %dma_start3A_482 : memref<1x128xi32, #tpu.memory_space<vmem>> -> memref<128xi32, #tpu.memory_space<vmem>>
            %dma_start3A_484 = arith.constant 0 : i32
            %dma_start3A_485 = arith.constant 0 : i32
            %dma_start3A_486 = tpu.memref_slice %arg2[%dma_start3A_484, %dma_start3A_485] : memref<10000x16xf32, #tpu.memory_space<hbm>> -> memref<10000x16xf32, #tpu.memory_space<hbm>>
            tpu.enqueue_indirect_dma source(%dma_start3A_486 : memref<10000x16xf32, #tpu.memory_space<hbm>>) target(%arg8 : memref<128x16xf32, #tpu.memory_space<vmem>>) offsets(%dma_start3A_483 : memref<128xi32, #tpu.memory_space<vmem>>) semaphore(%run_scoped3A_476 : memref<!tpu.dma_semaphore, #tpu.memory_space<semaphore_mem>>)
            %dma_wait3A = arith.constant 0 : i32
            %dma_wait3A_487 = arith.constant 0 : i32
            %dma_wait3A_488 = tpu.memref_slice %run_scoped3A_18[%rem3A_346, %dma_wait3A, %dma_wait3A_487] : memref<2x1x128xi32, #tpu.memory_space<vmem>> -> memref<1x1x128xi32, #tpu.memory_space<vmem>>
            %dma_wait3A_489 = tpu.memref_squeeze %dma_wait3A_488 : memref<1x1x128xi32, #tpu.memory_space<vmem>> -> memref<1x128xi32, #tpu.memory_space<vmem>>
            %dma_wait3A_490 = arith.constant 0 : i32
            %dma_wait3A_491 = tpu.memref_slice %dma_wait3A_489[%run_scoped3A_352, %dma_wait3A_490] : memref<1x128xi32, #tpu.memory_space<vmem>> -> memref<1x128xi32, #tpu.memory_space<vmem>>
            %dma_wait3A_492 = tpu.memref_squeeze %dma_wait3A_491 : memref<1x128xi32, #tpu.memory_space<vmem>> -> memref<128xi32, #tpu.memory_space<vmem>>
            %dma_wait3A_493 = arith.constant 0 : i32
            %dma_wait3A_494 = arith.constant 0 : i32
            %dma_wait3A_495 = tpu.memref_slice %arg2[%dma_wait3A_493, %dma_wait3A_494] : memref<10000x16xf32, #tpu.memory_space<hbm>> -> memref<10000x16xf32, #tpu.memory_space<hbm>>
            tpu.wait_indirect_dma semaphore(%run_scoped3A_476 : memref<!tpu.dma_semaphore, #tpu.memory_space<semaphore_mem>>) src(%dma_wait3A_495 : memref<10000x16xf32, #tpu.memory_space<hbm>>) dst(%arg8 : memref<128x16xf32, #tpu.memory_space<vmem>>)
            tpu.yield
          }) : () -> ()
          %run_scoped3A_353 = arith.constant 0 : i32
          "tpu.region"() ({
            %run_scoped3A_476 = tpu.sem_alloc : memref<!tpu.dma_semaphore, #tpu.memory_space<semaphore_mem>>
            %dma_start3A_477 = arith.constant 0 : i32
            %dma_start3A_478 = arith.constant 0 : i32
            %dma_start3A_479 = tpu.memref_slice %run_scoped3A_20[%rem3A_348, %dma_start3A_477, %dma_start3A_478] : memref<2x1x128xi32, #tpu.memory_space<vmem>> -> memref<1x1x128xi32, #tpu.memory_space<vmem>>
            %dma_start3A_480 = tpu.memref_squeeze %dma_start3A_479 : memref<1x1x128xi32, #tpu.memory_space<vmem>> -> memref<1x128xi32, #tpu.memory_space<vmem>>
            %dma_start3A_481 = arith.constant 0 : i32
            %dma_start3A_482 = tpu.memref_slice %dma_start3A_480[%run_scoped3A_353, %dma_start3A_481] : memref<1x128xi32, #tpu.memory_space<vmem>> -> memref<1x128xi32, #tpu.memory_space<vmem>>
            %dma_start3A_483 = tpu.memref_squeeze %dma_start3A_482 : memref<1x128xi32, #tpu.memory_space<vmem>> -> memref<128xi32, #tpu.memory_space<vmem>>
            %dma_start3A_484 = arith.constant 0 : i32
            %dma_start3A_485 = arith.constant 0 : i32
            %dma_start3A_486 = tpu.memref_slice %arg2[%dma_start3A_484, %dma_start3A_485] : memref<10000x16xf32, #tpu.memory_space<hbm>> -> memref<10000x16xf32, #tpu.memory_space<hbm>>
            tpu.enqueue_indirect_dma source(%dma_start3A_486 : memref<10000x16xf32, #tpu.memory_space<hbm>>) target(%arg9 : memref<128x16xf32, #tpu.memory_space<vmem>>) offsets(%dma_start3A_483 : memref<128xi32, #tpu.memory_space<vmem>>) semaphore(%run_scoped3A_476 : memref<!tpu.dma_semaphore, #tpu.memory_space<semaphore_mem>>)
            %dma_wait3A = arith.constant 0 : i32
            %dma_wait3A_487 = arith.constant 0 : i32
            %dma_wait3A_488 = tpu.memref_slice %run_scoped3A_20[%rem3A_348, %dma_wait3A, %dma_wait3A_487] : memref<2x1x128xi32, #tpu.memory_space<vmem>> -> memref<1x1x128xi32, #tpu.memory_space<vmem>>
            %dma_wait3A_489 = tpu.memref_squeeze %dma_wait3A_488 : memref<1x1x128xi32, #tpu.memory_space<vmem>> -> memref<1x128xi32, #tpu.memory_space<vmem>>
            %dma_wait3A_490 = arith.constant 0 : i32
            %dma_wait3A_491 = tpu.memref_slice %dma_wait3A_489[%run_scoped3A_353, %dma_wait3A_490] : memref<1x128xi32, #tpu.memory_space<vmem>> -> memref<1x128xi32, #tpu.memory_space<vmem>>
            %dma_wait3A_492 = tpu.memref_squeeze %dma_wait3A_491 : memref<1x128xi32, #tpu.memory_space<vmem>> -> memref<128xi32, #tpu.memory_space<vmem>>
            %dma_wait3A_493 = arith.constant 0 : i32
            %dma_wait3A_494 = arith.constant 0 : i32
            %dma_wait3A_495 = tpu.memref_slice %arg2[%dma_wait3A_493, %dma_wait3A_494] : memref<10000x16xf32, #tpu.memory_space<hbm>> -> memref<10000x16xf32, #tpu.memory_space<hbm>>
            tpu.wait_indirect_dma semaphore(%run_scoped3A_476 : memref<!tpu.dma_semaphore, #tpu.memory_space<semaphore_mem>>) src(%dma_wait3A_495 : memref<10000x16xf32, #tpu.memory_space<hbm>>) dst(%arg9 : memref<128x16xf32, #tpu.memory_space<vmem>>)
            tpu.yield
          }) : () -> ()
          %scan3A = arith.constant 0 : i32
          %scan3A_354 = arith.constant 128 : i32
          %scan3A_355 = arith.addi %scan3A, %scan3A_354 : i32
          %scan3A_356 = arith.constant 1 : i32
          scf.for %scan3A_476 = %scan3A to %scan3A_355 step %scan3A_356  : i32 {
            %mul3A_477 = arith.constant 1 : i32
            %mul3A_478 = arith.muli %scan3A_476, %mul3A_477 : i32
            %add3A_479 = arith.constant 0 : i32
            %add3A_480 = arith.addi %add3A_479, %mul3A_478 : i32
            %get3A = arith.index_cast %add3A_480 : i32 to index
            %get3A_481 = arith.constant 0 : index
            %get3A_482 = tpu.vector_load %arg7[%get3A, %get3A_481] {strides = array<i32>} : memref<128x16xf32, #tpu.memory_space<vmem>>, vector<16xf32>,
            %get3A_483 = arith.index_cast %add3A_480 : i32 to index
            %get3A_484 = arith.constant 0 : index
            %get3A_485 = tpu.vector_load %arg8[%get3A_483, %get3A_484] {strides = array<i32>} : memref<128x16xf32, #tpu.memory_space<vmem>>, vector<16xf32>,
            %add3A_486 = arith.addf %get3A_482, %get3A_485 : vector<16xf32>
            %get3A_487 = arith.index_cast %add3A_480 : i32 to index
            %get3A_488 = arith.constant 0 : index
            %get3A_489 = tpu.vector_load %arg9[%get3A_487, %get3A_488] {strides = array<i32>} : memref<128x16xf32, #tpu.memory_space<vmem>>, vector<16xf32>,
            %add3A_490 = arith.addf %add3A_486, %get3A_489 : vector<16xf32>
            %mul3A_491 = arith.constant 0.333333343 : f32
            %mul3A_492 = vector.broadcast %mul3A_491 : f32 to vector<16xf32>
            %mul3A_493 = arith.mulf %add3A_490, %mul3A_492 : vector<16xf32>
            %swap3A = arith.constant 0 : i32
            %swap3A_494 = arith.constant 0 : i32
            %swap3A_495 = tpu.memref_slice %run_scoped3A_22[%rem3A_350, %swap3A, %swap3A_494] : memref<2x128x16xf32, #tpu.memory_space<vmem>> -> memref<1x128x16xf32, #tpu.memory_space<vmem>>
            %swap3A_496 = tpu.memref_squeeze %swap3A_495 : memref<1x128x16xf32, #tpu.memory_space<vmem>> -> memref<128x16xf32, #tpu.memory_space<vmem>>
            %swap3A_497 = arith.index_cast %add3A_480 : i32 to index
            %swap3A_498 = arith.constant 0 : index
            %swap3A_499 = tpu.vector_load %swap3A_496[%swap3A_497, %swap3A_498] {strides = array<i32>} : memref<128x16xf32, #tpu.memory_space<vmem>>, vector<16xf32>,
            tpu.vector_store %swap3A_496[%swap3A_497, %swap3A_498], %mul3A_493 {strides = array<i32>} : memref<128x16xf32, #tpu.memory_space<vmem>>, vector<16xf32>,
          }
          %scan3A_357 = arith.constant 128 : i32
          "tpu.trace_stop"() : () -> ()
          %ne3A_358 = arith.cmpi ne, %add3A_221, %add3A_239 : i32
          %or3A_359 = arith.constant false
          %or3A_360 = arith.ori %or3A_359, %ne3A_358 : i1
          %or3A_361 = arith.ori %or3A_360, %eq3A_220 : i1
          %convert_element_type3A_362 = arith.extui %or3A_361 : i1 to i32
          %cond3A_363 = arith.constant 0 : i32
          %cond3A_364 = arith.cmpi ne, %convert_element_type3A_362, %cond3A_363 : i32
          scf.if %cond3A_364 {
          } else {
          }
          %and3A_365 = arith.constant false
          %and3A_366 = arith.andi %or3A_361, %and3A_365 : i1
          %ne3A_367 = arith.cmpi ne, %add3A_221, %add3A_239 : i32
          %or3A_368 = arith.constant false
          %or3A_369 = arith.ori %or3A_368, %ne3A_367 : i1
          %or3A_370 = arith.ori %or3A_369, %eq3A_220 : i1
          %convert_element_type3A_371 = arith.extui %or3A_370 : i1 to i32
          %cond3A_372 = arith.constant 0 : i32
          %cond3A_373 = arith.cmpi ne, %convert_element_type3A_371, %cond3A_372 : i32
          scf.if %cond3A_373 {
          } else {
          }
          %and3A_374 = arith.constant false
          %and3A_375 = arith.andi %or3A_370, %and3A_374 : i1
          %ne3A_376 = arith.cmpi ne, %add3A_221, %add3A_239 : i32
          %or3A_377 = arith.constant false
          %or3A_378 = arith.ori %or3A_377, %ne3A_376 : i1
          %or3A_379 = arith.ori %or3A_378, %eq3A_220 : i1
          %convert_element_type3A_380 = arith.extui %or3A_379 : i1 to i32
          %cond3A_381 = arith.constant 0 : i32
          %cond3A_382 = arith.cmpi ne, %convert_element_type3A_380, %cond3A_381 : i32
          scf.if %cond3A_382 {
          } else {
          }
          %and3A_383 = arith.constant false
          %and3A_384 = arith.andi %or3A_379, %and3A_383 : i1
          %ne3A_385 = arith.cmpi ne, %add3A_221, %add3A_239 : i32
          %or3A_386 = arith.constant false
          %or3A_387 = arith.ori %or3A_386, %ne3A_385 : i1
          %or3A_388 = arith.constant false
          %or3A_389 = arith.ori %or3A_387, %or3A_388 : i1
          %or3A_390 = arith.ori %or3A_389, %eq3A_220 : i1
          %convert_element_type3A_391 = arith.extui %or3A_390 : i1 to i32
          %cond3A_392 = arith.constant 0 : i32
          %cond3A_393 = arith.cmpi ne, %convert_element_type3A_391, %cond3A_392 : i32
          scf.if %cond3A_393 {
            "tpu.trace_start"() <{level = 10 : i32, message = "ep_copy_out"}> : () -> ()
            %rem3A_476 = arith.constant 2 : i32
            %rem3A_477 = arith.remui %while3A_211, %rem3A_476 : i32
            %mul3A_478 = arith.constant 128 : i32
            %mul3A_479 = arith.muli %mul3A_478, %add3A_221 : i32
            %dma_start3A_480 = arith.constant 0 : i32
            %dma_start3A_481 = arith.constant 0 : i32
            %dma_start3A_482 = tpu.memref_slice %run_scoped3A_22[%rem3A_477, %dma_start3A_480, %dma_start3A_481] : memref<2x128x16xf32, #tpu.memory_space<vmem>> -> memref<1x128x16xf32, #tpu.memory_space<vmem>>
            %dma_start3A_483 = tpu.memref_squeeze %dma_start3A_482 : memref<1x128x16xf32, #tpu.memory_space<vmem>> -> memref<128x16xf32, #tpu.memory_space<vmem>>
            %dma_start3A_484 = arith.constant 0 : i32
            %dma_start3A_485 = tpu.memref_slice %arg6[%mul3A_479, %dma_start3A_484] : memref<10240x16xf32, #tpu.memory_space<hbm>> -> memref<128x16xf32, #tpu.memory_space<hbm>>
            %dma_start3A_486 = tpu.memref_slice %run_scoped3A_23[%rem3A_477] : memref<2x!tpu.dma_semaphore, #tpu.memory_space<semaphore_mem>> -> memref<1x!tpu.dma_semaphore, #tpu.memory_space<semaphore_mem>>
            %dma_start3A_487 = tpu.memref_squeeze %dma_start3A_486 : memref<1x!tpu.dma_semaphore, #tpu.memory_space<semaphore_mem>> -> memref<!tpu.dma_semaphore, #tpu.memory_space<semaphore_mem>>
            %dma_start3A_488 = arith.constant 0 : i32
            %dma_start3A_489 = tpu.memref_slice %arg6[%mul3A_479, %dma_start3A_488] : memref<10240x16xf32, #tpu.memory_space<hbm>> -> memref<128x16xf32, #tpu.memory_space<hbm>>
            %dma_start3A_490 = arith.constant 0 : i32
            %dma_start3A_491 = arith.constant 0 : i32
            %dma_start3A_492 = tpu.memref_slice %run_scoped3A_22[%rem3A_477, %dma_start3A_490, %dma_start3A_491] : memref<2x128x16xf32, #tpu.memory_space<vmem>> -> memref<1x128x16xf32, #tpu.memory_space<vmem>>
            %dma_start3A_493 = tpu.memref_squeeze %dma_start3A_492 : memref<1x128x16xf32, #tpu.memory_space<vmem>> -> memref<128x16xf32, #tpu.memory_space<vmem>>
            tpu.enqueue_dma source(%dma_start3A_493 : memref<128x16xf32, #tpu.memory_space<vmem>>) target(%dma_start3A_489 : memref<128x16xf32, #tpu.memory_space<hbm>>) target_semaphore(%dma_start3A_487 : memref<!tpu.dma_semaphore, #tpu.memory_space<semaphore_mem>>)
            "tpu.trace_stop"() : () -> ()
          } else {
          }
          %and3A_394 = arith.constant true
          %and3A_395 = arith.andi %or3A_390, %and3A_394 : i1
          %add3A_396 = arith.constant 1 : i32
          %add3A_397 = arith.addi %while3A_211, %add3A_396 : i32
          %select_n3A_398 = arith.select %and3A_395, %add3A_397, %while3A_211 : i32
          %ne3A_399 = arith.cmpi ne, %add3A_221, %add3A_231 : i32
          %or3A_400 = arith.constant false
          %or3A_401 = arith.ori %or3A_400, %ne3A_399 : i1
          %not3A_402 = arith.constant true
          %not3A_403 = arith.xori %eq3A_217, %not3A_402 : i1
          %and3A_404 = arith.andi %or3A_401, %not3A_403 : i1
          %convert_element_type3A_405 = arith.extui %and3A_404 : i1 to i32
          %cond3A_406 = arith.constant 0 : i32
          %cond3A_407 = arith.cmpi ne, %convert_element_type3A_405, %cond3A_406 : i32
          scf.if %cond3A_407 {
          } else {
          }
          %and3A_408 = arith.constant false
          %and3A_409 = arith.andi %and3A_404, %and3A_408 : i1
          %ne3A_410 = arith.cmpi ne, %add3A_221, %add3A_231 : i32
          %or3A_411 = arith.constant false
          %or3A_412 = arith.ori %or3A_411, %ne3A_410 : i1
          %not3A_413 = arith.constant true
          %not3A_414 = arith.xori %eq3A_217, %not3A_413 : i1
          %and3A_415 = arith.andi %or3A_412, %not3A_414 : i1
          %convert_element_type3A_416 = arith.extui %and3A_415 : i1 to i32
          %cond3A_417 = arith.constant 0 : i32
          %cond3A_418 = arith.cmpi ne, %convert_element_type3A_416, %cond3A_417 : i32
          scf.if %cond3A_418 {
          } else {
          }
          %and3A_419 = arith.constant false
          %and3A_420 = arith.andi %and3A_415, %and3A_419 : i1
          %ne3A_421 = arith.cmpi ne, %add3A_221, %add3A_231 : i32
          %or3A_422 = arith.constant false
          %or3A_423 = arith.ori %or3A_422, %ne3A_421 : i1
          %not3A_424 = arith.constant true
          %not3A_425 = arith.xori %eq3A_217, %not3A_424 : i1
          %and3A_426 = arith.andi %or3A_423, %not3A_425 : i1
          %convert_element_type3A_427 = arith.extui %and3A_426 : i1 to i32
          %cond3A_428 = arith.constant 0 : i32
          %cond3A_429 = arith.cmpi ne, %convert_element_type3A_427, %cond3A_428 : i32
          scf.if %cond3A_429 {
          } else {
          }
          %and3A_430 = arith.constant false
          %and3A_431 = arith.andi %and3A_426, %and3A_430 : i1
          %ne3A_432 = arith.cmpi ne, %add3A_221, %add3A_231 : i32
          %or3A_433 = arith.constant false
          %or3A_434 = arith.ori %or3A_433, %ne3A_432 : i1
          %or3A_435 = arith.constant false
          %or3A_436 = arith.ori %or3A_434, %or3A_435 : i1
          %not3A_437 = arith.constant true
          %not3A_438 = arith.xori %eq3A_217, %not3A_437 : i1
          %and3A_439 = arith.andi %or3A_436, %not3A_438 : i1
          %convert_element_type3A_440 = arith.extui %and3A_439 : i1 to i32
          %cond3A_441 = arith.constant 0 : i32
          %cond3A_442 = arith.cmpi ne, %convert_element_type3A_440, %cond3A_441 : i32
          scf.if %cond3A_442 {
            "tpu.trace_start"() <{level = 10 : i32, message = "ep_wait_out"}> : () -> ()
            %rem3A_476 = arith.constant 2 : i32
            %rem3A_477 = arith.remui %while3A_212, %rem3A_476 : i32
            %mul3A_478 = arith.constant 128 : i32
            %mul3A_479 = arith.muli %mul3A_478, %add3A_231 : i32
            %dma_wait3A = arith.constant 0 : i32
            %dma_wait3A_480 = arith.constant 0 : i32
            %dma_wait3A_481 = tpu.memref_slice %run_scoped3A_22[%rem3A_477, %dma_wait3A, %dma_wait3A_480] : memref<2x128x16xf32, #tpu.memory_space<vmem>> -> memref<1x128x16xf32, #tpu.memory_space<vmem>>
            %dma_wait3A_482 = tpu.memref_squeeze %dma_wait3A_481 : memref<1x128x16xf32, #tpu.memory_space<vmem>> -> memref<128x16xf32, #tpu.memory_space<vmem>>
            %dma_wait3A_483 = arith.constant 0 : i32
            %dma_wait3A_484 = tpu.memref_slice %arg6[%mul3A_479, %dma_wait3A_483] : memref<10240x16xf32, #tpu.memory_space<hbm>> -> memref<128x16xf32, #tpu.memory_space<hbm>>
            %dma_wait3A_485 = tpu.memref_slice %run_scoped3A_23[%rem3A_477] : memref<2x!tpu.dma_semaphore, #tpu.memory_space<semaphore_mem>> -> memref<1x!tpu.dma_semaphore, #tpu.memory_space<semaphore_mem>>
            %dma_wait3A_486 = tpu.memref_squeeze %dma_wait3A_485 : memref<1x!tpu.dma_semaphore, #tpu.memory_space<semaphore_mem>> -> memref<!tpu.dma_semaphore, #tpu.memory_space<semaphore_mem>>
            %dma_wait3A_487 = arith.constant 0 : i32
            %dma_wait3A_488 = tpu.memref_slice %arg6[%mul3A_479, %dma_wait3A_487] : memref<10240x16xf32, #tpu.memory_space<hbm>> -> memref<128x16xf32, #tpu.memory_space<hbm>>
            %dma_wait3A_489 = arith.constant 0 : i32
            %dma_wait3A_490 = arith.constant 0 : i32
            %dma_wait3A_491 = tpu.memref_slice %run_scoped3A_22[%rem3A_477, %dma_wait3A_489, %dma_wait3A_490] : memref<2x128x16xf32, #tpu.memory_space<vmem>> -> memref<1x128x16xf32, #tpu.memory_space<vmem>>
            %dma_wait3A_492 = tpu.memref_squeeze %dma_wait3A_491 : memref<1x128x16xf32, #tpu.memory_space<vmem>> -> memref<128x16xf32, #tpu.memory_space<vmem>>
            tpu.wait_dma2 semaphore(%dma_wait3A_486 : memref<!tpu.dma_semaphore, #tpu.memory_space<semaphore_mem>>) src(%dma_wait3A_492 : memref<128x16xf32, #tpu.memory_space<vmem>>) dst(%dma_wait3A_488 : memref<128x16xf32, #tpu.memory_space<hbm>>)
            "tpu.trace_stop"() : () -> ()
          } else {
          }
          %and3A_443 = arith.constant true
          %and3A_444 = arith.andi %and3A_439, %and3A_443 : i1
          %add3A_445 = arith.constant 1 : i32
          %add3A_446 = arith.addi %while3A_212, %add3A_445 : i32
          %select_n3A_447 = arith.select %and3A_444, %add3A_446, %while3A_212 : i32
          %ne3A_448 = arith.cmpi ne, %add3A_221, %add3A_239 : i32
          %or3A_449 = arith.constant false
          %or3A_450 = arith.ori %or3A_449, %ne3A_448 : i1
          %or3A_451 = arith.ori %or3A_450, %eq3A_220 : i1
          %add3A_452 = arith.constant 1 : i32
          %add3A_453 = arith.addi %while3A_206, %add3A_452 : i32
          %select_n3A_454 = arith.select %or3A_451, %add3A_453, %while3A_206 : i32
          %ne3A_455 = arith.cmpi ne, %add3A_221, %add3A_239 : i32
          %or3A_456 = arith.constant false
          %or3A_457 = arith.ori %or3A_456, %ne3A_455 : i1
          %or3A_458 = arith.ori %or3A_457, %eq3A_220 : i1
          %add3A_459 = arith.constant 1 : i32
          %add3A_460 = arith.addi %while3A_208, %add3A_459 : i32
          %select_n3A_461 = arith.select %or3A_458, %add3A_460, %while3A_208 : i32
          %ne3A_462 = arith.cmpi ne, %add3A_221, %add3A_239 : i32
          %or3A_463 = arith.constant false
          %or3A_464 = arith.ori %or3A_463, %ne3A_462 : i1
          %or3A_465 = arith.ori %or3A_464, %eq3A_220 : i1
          %add3A_466 = arith.constant 1 : i32
          %add3A_467 = arith.addi %while3A_210, %add3A_466 : i32
          %select_n3A_468 = arith.select %or3A_465, %add3A_467, %while3A_210 : i32
          %add3A_469 = arith.constant 1 : i32
          %add3A_470 = arith.addi %while3A_213, %add3A_469 : i32
          %select_n3A_471 = arith.constant true
          %select_n3A_472 = arith.select %select_n3A_471, %add3A_470, %while3A_213 : i32
          %eq3A_473 = arith.cmpi eq, %select_n3A_472, %select_n3A : i32
          %select_n3A_474 = arith.constant 0 : i32
          %select_n3A_475 = arith.select %eq3A_473, %select_n3A_474, %select_n3A_472 : i32
          scf.yield %select_n3A_261, %select_n3A_454, %select_n3A_280, %select_n3A_461, %select_n3A_299, %select_n3A_468, %select_n3A_398, %select_n3A_447, %select_n3A_475 : i32, i32, i32, i32, i32, i32, i32, i32, i32
        }
        %while3A_145 = arith.constant 1 : i32
        %while3A_146:9 = scf.for %while3A_204 = %while3A_142 to %while3A_138 step %while3A_145 iter_args(%while3A_205 = %while3A_144#0, %while3A_206 = %while3A_144#1, %while3A_207 = %while3A_144#2, %while3A_208 = %while3A_144#3, %while3A_209 = %while3A_144#4, %while3A_210 = %while3A_144#5, %while3A_211 = %while3A_144#6, %while3A_212 = %while3A_144#7, %while3A_213 = %while3A_144#8) -> (i32, i32, i32, i32, i32, i32, i32, i32, i32)  : i32 {
          %mul3A_214 = arith.constant 1 : i32
          %mul3A_215 = arith.muli %mul3A_214, %select_n3A : i32
          %eq3A_216 = arith.constant 0 : i32
          %eq3A_217 = arith.cmpi eq, %while3A_204, %eq3A_216 : i32
          %sub3A_218 = arith.constant 1 : i32
          %sub3A_219 = arith.subi %mul3A_215, %sub3A_218 : i32
          %eq3A_220 = arith.cmpi eq, %while3A_204, %sub3A_219 : i32
          %add3A_221 = arith.addi %while3A_213, %select_n3A_14 : i32
          %sub3A_222 = arith.constant 1 : i32
          %sub3A_223 = arith.subi %while3A_213, %sub3A_222 : i32
          %select_n3A_224 = arith.constant true
          %select_n3A_225 = arith.select %select_n3A_224, %sub3A_223, %while3A_213 : i32
          %eq3A_226 = arith.constant -1 : i32
          %eq3A_227 = arith.cmpi eq, %select_n3A_225, %eq3A_226 : i32
          %sub3A_228 = arith.constant 1 : i32
          %sub3A_229 = arith.subi %select_n3A, %sub3A_228 : i32
          %select_n3A_230 = arith.select %eq3A_227, %sub3A_229, %select_n3A_225 : i32
          %add3A_231 = arith.addi %select_n3A_230, %select_n3A_14 : i32
          %add3A_232 = arith.constant 1 : i32
          %add3A_233 = arith.addi %while3A_213, %add3A_232 : i32
          %select_n3A_234 = arith.constant true
          %select_n3A_235 = arith.select %select_n3A_234, %add3A_233, %while3A_213 : i32
          %eq3A_236 = arith.cmpi eq, %select_n3A_235, %select_n3A : i32
          %select_n3A_237 = arith.constant 0 : i32
          %select_n3A_238 = arith.select %eq3A_236, %select_n3A_237, %select_n3A_235 : i32
          %add3A_239 = arith.addi %select_n3A_238, %select_n3A_14 : i32
          %add3A_240 = arith.constant 1 : i32
          %add3A_241 = arith.addi %select_n3A_238, %add3A_240 : i32
          %select_n3A_242 = arith.constant true
          %select_n3A_243 = arith.select %select_n3A_242, %add3A_241, %select_n3A_238 : i32
          %eq3A_244 = arith.cmpi eq, %select_n3A_243, %select_n3A : i32
          %select_n3A_245 = arith.constant 0 : i32
          %select_n3A_246 = arith.select %eq3A_244, %select_n3A_245, %select_n3A_243 : i32
          %add3A_247 = arith.addi %select_n3A_246, %select_n3A_14 : i32
          %ne3A = arith.cmpi ne, %add3A_221, %add3A_239 : i32
          %or3A = arith.constant false
          %or3A_248 = arith.ori %or3A, %ne3A : i1
          %sub3A_249 = arith.constant 2 : i32
          %sub3A_250 = arith.subi %mul3A_215, %sub3A_249 : i32
          %add3A_251 = arith.constant 1 : i32
          %add3A_252 = arith.addi %sub3A_250, %add3A_251 : i32
          %ge3A = arith.cmpi sge, %while3A_204, %add3A_252 : i32
          %not3A = arith.constant true
          %not3A_253 = arith.xori %ge3A, %not3A : i1
          %and3A = arith.andi %or3A_248, %not3A_253 : i1
          %convert_element_type3A_254 = arith.extui %and3A : i1 to i32
          %cond3A_255 = arith.constant 0 : i32
          %cond3A_256 = arith.cmpi ne, %convert_element_type3A_254, %cond3A_255 : i32
          scf.if %cond3A_256 {
            "tpu.trace_start"() <{level = 10 : i32, message = "ep_copy_in"}> : () -> ()
            %rem3A_476 = arith.constant 2 : i32
            %rem3A_477 = arith.remui %while3A_205, %rem3A_476 : i32
            %mul3A_478 = arith.constant 128 : i32
            %mul3A_479 = arith.muli %mul3A_478, %add3A_239 : i32
            %dma_start3A_480 = arith.constant 0 : i32
            %dma_start3A_481 = arith.constant 0 : i32
            %dma_start3A_482 = tpu.memref_slice %run_scoped3A[%rem3A_477, %dma_start3A_480, %dma_start3A_481] : memref<2x1x128xi32, #tpu.memory_space<vmem>> -> memref<1x1x128xi32, #tpu.memory_space<vmem>>
            %dma_start3A_483 = tpu.memref_squeeze %dma_start3A_482 : memref<1x1x128xi32, #tpu.memory_space<vmem>> -> memref<1x128xi32, #tpu.memory_space<vmem>>
            %dma_start3A_484 = arith.constant 0 : i32
            %dma_start3A_485 = tpu.memref_slice %arg3[%dma_start3A_484, %mul3A_479] : memref<1x10240xi32, #tpu.memory_space<hbm>> -> memref<1x128xi32, #tpu.memory_space<hbm>>
            %dma_start3A_486 = tpu.memref_slice %run_scoped3A_17[%rem3A_477] : memref<2x!tpu.dma_semaphore, #tpu.memory_space<semaphore_mem>> -> memref<1x!tpu.dma_semaphore, #tpu.memory_space<semaphore_mem>>
            %dma_start3A_487 = tpu.memref_squeeze %dma_start3A_486 : memref<1x!tpu.dma_semaphore, #tpu.memory_space<semaphore_mem>> -> memref<!tpu.dma_semaphore, #tpu.memory_space<semaphore_mem>>
            %dma_start3A_488 = arith.constant 0 : i32
            %dma_start3A_489 = arith.constant 0 : i32
            %dma_start3A_490 = tpu.memref_slice %run_scoped3A[%rem3A_477, %dma_start3A_488, %dma_start3A_489] : memref<2x1x128xi32, #tpu.memory_space<vmem>> -> memref<1x1x128xi32, #tpu.memory_space<vmem>>
            %dma_start3A_491 = tpu.memref_squeeze %dma_start3A_490 : memref<1x1x128xi32, #tpu.memory_space<vmem>> -> memref<1x128xi32, #tpu.memory_space<vmem>>
            %dma_start3A_492 = arith.constant 0 : i32
            %dma_start3A_493 = tpu.memref_slice %arg3[%dma_start3A_492, %mul3A_479] : memref<1x10240xi32, #tpu.memory_space<hbm>> -> memref<1x128xi32, #tpu.memory_space<hbm>>
            tpu.enqueue_dma source(%dma_start3A_493 : memref<1x128xi32, #tpu.memory_space<hbm>>) target(%dma_start3A_491 : memref<1x128xi32, #tpu.memory_space<vmem>>) target_semaphore(%dma_start3A_487 : memref<!tpu.dma_semaphore, #tpu.memory_space<semaphore_mem>>)
            "tpu.trace_stop"() : () -> ()
          } else {
          }
          %and3A_257 = arith.constant true
          %and3A_258 = arith.andi %and3A, %and3A_257 : i1
          %add3A_259 = arith.constant 1 : i32
          %add3A_260 = arith.addi %while3A_205, %add3A_259 : i32
          %select_n3A_261 = arith.select %and3A_258, %add3A_260, %while3A_205 : i32
          %ne3A_262 = arith.cmpi ne, %add3A_221, %add3A_239 : i32
          %or3A_263 = arith.constant false
          %or3A_264 = arith.ori %or3A_263, %ne3A_262 : i1
          %sub3A_265 = arith.constant 2 : i32
          %sub3A_266 = arith.subi %mul3A_215, %sub3A_265 : i32
          %add3A_267 = arith.constant 1 : i32
          %add3A_268 = arith.addi %sub3A_266, %add3A_267 : i32
          %ge3A_269 = arith.cmpi sge, %while3A_204, %add3A_268 : i32
          %not3A_270 = arith.constant true
          %not3A_271 = arith.xori %ge3A_269, %not3A_270 : i1
          %and3A_272 = arith.andi %or3A_264, %not3A_271 : i1
          %convert_element_type3A_273 = arith.extui %and3A_272 : i1 to i32
          %cond3A_274 = arith.constant 0 : i32
          %cond3A_275 = arith.cmpi ne, %convert_element_type3A_273, %cond3A_274 : i32
          scf.if %cond3A_275 {
            "tpu.trace_start"() <{level = 10 : i32, message = "ep_copy_in"}> : () -> ()
            %rem3A_476 = arith.constant 2 : i32
            %rem3A_477 = arith.remui %while3A_207, %rem3A_476 : i32
            %mul3A_478 = arith.constant 128 : i32
            %mul3A_479 = arith.muli %mul3A_478, %add3A_239 : i32
            %dma_start3A_480 = arith.constant 0 : i32
            %dma_start3A_481 = arith.constant 0 : i32
            %dma_start3A_482 = tpu.memref_slice %run_scoped3A_18[%rem3A_477, %dma_start3A_480, %dma_start3A_481] : memref<2x1x128xi32, #tpu.memory_space<vmem>> -> memref<1x1x128xi32, #tpu.memory_space<vmem>>
            %dma_start3A_483 = tpu.memref_squeeze %dma_start3A_482 : memref<1x1x128xi32, #tpu.memory_space<vmem>> -> memref<1x128xi32, #tpu.memory_space<vmem>>
            %dma_start3A_484 = arith.constant 0 : i32
            %dma_start3A_485 = tpu.memref_slice %arg4[%dma_start3A_484, %mul3A_479] : memref<1x10240xi32, #tpu.memory_space<hbm>> -> memref<1x128xi32, #tpu.memory_space<hbm>>
            %dma_start3A_486 = tpu.memref_slice %run_scoped3A_19[%rem3A_477] : memref<2x!tpu.dma_semaphore, #tpu.memory_space<semaphore_mem>> -> memref<1x!tpu.dma_semaphore, #tpu.memory_space<semaphore_mem>>
            %dma_start3A_487 = tpu.memref_squeeze %dma_start3A_486 : memref<1x!tpu.dma_semaphore, #tpu.memory_space<semaphore_mem>> -> memref<!tpu.dma_semaphore, #tpu.memory_space<semaphore_mem>>
            %dma_start3A_488 = arith.constant 0 : i32
            %dma_start3A_489 = arith.constant 0 : i32
            %dma_start3A_490 = tpu.memref_slice %run_scoped3A_18[%rem3A_477, %dma_start3A_488, %dma_start3A_489] : memref<2x1x128xi32, #tpu.memory_space<vmem>> -> memref<1x1x128xi32, #tpu.memory_space<vmem>>
            %dma_start3A_491 = tpu.memref_squeeze %dma_start3A_490 : memref<1x1x128xi32, #tpu.memory_space<vmem>> -> memref<1x128xi32, #tpu.memory_space<vmem>>
            %dma_start3A_492 = arith.constant 0 : i32
            %dma_start3A_493 = tpu.memref_slice %arg4[%dma_start3A_492, %mul3A_479] : memref<1x10240xi32, #tpu.memory_space<hbm>> -> memref<1x128xi32, #tpu.memory_space<hbm>>
            tpu.enqueue_dma source(%dma_start3A_493 : memref<1x128xi32, #tpu.memory_space<hbm>>) target(%dma_start3A_491 : memref<1x128xi32, #tpu.memory_space<vmem>>) target_semaphore(%dma_start3A_487 : memref<!tpu.dma_semaphore, #tpu.memory_space<semaphore_mem>>)
            "tpu.trace_stop"() : () -> ()
          } else {
          }
          %and3A_276 = arith.constant true
          %and3A_277 = arith.andi %and3A_272, %and3A_276 : i1
          %add3A_278 = arith.constant 1 : i32
          %add3A_279 = arith.addi %while3A_207, %add3A_278 : i32
          %select_n3A_280 = arith.select %and3A_277, %add3A_279, %while3A_207 : i32
          %ne3A_281 = arith.cmpi ne, %add3A_221, %add3A_239 : i32
          %or3A_282 = arith.constant false
          %or3A_283 = arith.ori %or3A_282, %ne3A_281 : i1
          %sub3A_284 = arith.constant 2 : i32
          %sub3A_285 = arith.subi %mul3A_215, %sub3A_284 : i32
          %add3A_286 = arith.constant 1 : i32
          %add3A_287 = arith.addi %sub3A_285, %add3A_286 : i32
          %ge3A_288 = arith.cmpi sge, %while3A_204, %add3A_287 : i32
          %not3A_289 = arith.constant true
          %not3A_290 = arith.xori %ge3A_288, %not3A_289 : i1
          %and3A_291 = arith.andi %or3A_283, %not3A_290 : i1
          %convert_element_type3A_292 = arith.extui %and3A_291 : i1 to i32
          %cond3A_293 = arith.constant 0 : i32
          %cond3A_294 = arith.cmpi ne, %convert_element_type3A_292, %cond3A_293 : i32
          scf.if %cond3A_294 {
            "tpu.trace_start"() <{level = 10 : i32, message = "ep_copy_in"}> : () -> ()
            %rem3A_476 = arith.constant 2 : i32
            %rem3A_477 = arith.remui %while3A_209, %rem3A_476 : i32
            %mul3A_478 = arith.constant 128 : i32
            %mul3A_479 = arith.muli %mul3A_478, %add3A_239 : i32
            %dma_start3A_480 = arith.constant 0 : i32
            %dma_start3A_481 = arith.constant 0 : i32
            %dma_start3A_482 = tpu.memref_slice %run_scoped3A_20[%rem3A_477, %dma_start3A_480, %dma_start3A_481] : memref<2x1x128xi32, #tpu.memory_space<vmem>> -> memref<1x1x128xi32, #tpu.memory_space<vmem>>
            %dma_start3A_483 = tpu.memref_squeeze %dma_start3A_482 : memref<1x1x128xi32, #tpu.memory_space<vmem>> -> memref<1x128xi32, #tpu.memory_space<vmem>>
            %dma_start3A_484 = arith.constant 0 : i32
            %dma_start3A_485 = tpu.memref_slice %arg5[%dma_start3A_484, %mul3A_479] : memref<1x10240xi32, #tpu.memory_space<hbm>> -> memref<1x128xi32, #tpu.memory_space<hbm>>
            %dma_start3A_486 = tpu.memref_slice %run_scoped3A_21[%rem3A_477] : memref<2x!tpu.dma_semaphore, #tpu.memory_space<semaphore_mem>> -> memref<1x!tpu.dma_semaphore, #tpu.memory_space<semaphore_mem>>
            %dma_start3A_487 = tpu.memref_squeeze %dma_start3A_486 : memref<1x!tpu.dma_semaphore, #tpu.memory_space<semaphore_mem>> -> memref<!tpu.dma_semaphore, #tpu.memory_space<semaphore_mem>>
            %dma_start3A_488 = arith.constant 0 : i32
            %dma_start3A_489 = arith.constant 0 : i32
            %dma_start3A_490 = tpu.memref_slice %run_scoped3A_20[%rem3A_477, %dma_start3A_488, %dma_start3A_489] : memref<2x1x128xi32, #tpu.memory_space<vmem>> -> memref<1x1x128xi32, #tpu.memory_space<vmem>>
            %dma_start3A_491 = tpu.memref_squeeze %dma_start3A_490 : memref<1x1x128xi32, #tpu.memory_space<vmem>> -> memref<1x128xi32, #tpu.memory_space<vmem>>
            %dma_start3A_492 = arith.constant 0 : i32
            %dma_start3A_493 = tpu.memref_slice %arg5[%dma_start3A_492, %mul3A_479] : memref<1x10240xi32, #tpu.memory_space<hbm>> -> memref<1x128xi32, #tpu.memory_space<hbm>>
            tpu.enqueue_dma source(%dma_start3A_493 : memref<1x128xi32, #tpu.memory_space<hbm>>) target(%dma_start3A_491 : memref<1x128xi32, #tpu.memory_space<vmem>>) target_semaphore(%dma_start3A_487 : memref<!tpu.dma_semaphore, #tpu.memory_space<semaphore_mem>>)
            "tpu.trace_stop"() : () -> ()
          } else {
          }
          %and3A_295 = arith.constant true
          %and3A_296 = arith.andi %and3A_291, %and3A_295 : i1
          %add3A_297 = arith.constant 1 : i32
          %add3A_298 = arith.addi %while3A_209, %add3A_297 : i32
          %select_n3A_299 = arith.select %and3A_296, %add3A_298, %while3A_209 : i32
          %ne3A_300 = arith.cmpi ne, %add3A_221, %add3A_239 : i32
          %or3A_301 = arith.constant false
          %or3A_302 = arith.ori %or3A_301, %ne3A_300 : i1
          %or3A_303 = arith.constant false
          %or3A_304 = arith.ori %or3A_302, %or3A_303 : i1
          %sub3A_305 = arith.constant 2 : i32
          %sub3A_306 = arith.subi %mul3A_215, %sub3A_305 : i32
          %add3A_307 = arith.constant 1 : i32
          %add3A_308 = arith.addi %sub3A_306, %add3A_307 : i32
          %ge3A_309 = arith.cmpi sge, %while3A_204, %add3A_308 : i32
          %not3A_310 = arith.constant true
          %not3A_311 = arith.xori %ge3A_309, %not3A_310 : i1
          %and3A_312 = arith.andi %or3A_304, %not3A_311 : i1
          %ne3A_313 = arith.cmpi ne, %add3A_221, %add3A_231 : i32
          %or3A_314 = arith.constant false
          %or3A_315 = arith.ori %or3A_314, %ne3A_313 : i1
          %or3A_316 = arith.ori %or3A_315, %eq3A_217 : i1
          %convert_element_type3A_317 = arith.extui %or3A_316 : i1 to i32
          %cond3A_318 = arith.constant 0 : i32
          %cond3A_319 = arith.cmpi ne, %convert_element_type3A_317, %cond3A_318 : i32
          scf.if %cond3A_319 {
            "tpu.trace_start"() <{level = 10 : i32, message = "ep_wait_in"}> : () -> ()
            %mul3A_476 = arith.constant 128 : i32
            %mul3A_477 = arith.muli %mul3A_476, %add3A_221 : i32
            %rem3A_478 = arith.constant 2 : i32
            %rem3A_479 = arith.remui %while3A_206, %rem3A_478 : i32
            %dma_wait3A = arith.constant 0 : i32
            %dma_wait3A_480 = arith.constant 0 : i32
            %dma_wait3A_481 = tpu.memref_slice %run_scoped3A[%rem3A_479, %dma_wait3A, %dma_wait3A_480] : memref<2x1x128xi32, #tpu.memory_space<vmem>> -> memref<1x1x128xi32, #tpu.memory_space<vmem>>
            %dma_wait3A_482 = tpu.memref_squeeze %dma_wait3A_481 : memref<1x1x128xi32, #tpu.memory_space<vmem>> -> memref<1x128xi32, #tpu.memory_space<vmem>>
            %dma_wait3A_483 = arith.constant 0 : i32
            %dma_wait3A_484 = tpu.memref_slice %arg3[%dma_wait3A_483, %mul3A_477] : memref<1x10240xi32, #tpu.memory_space<hbm>> -> memref<1x128xi32, #tpu.memory_space<hbm>>
            %dma_wait3A_485 = tpu.memref_slice %run_scoped3A_17[%rem3A_479] : memref<2x!tpu.dma_semaphore, #tpu.memory_space<semaphore_mem>> -> memref<1x!tpu.dma_semaphore, #tpu.memory_space<semaphore_mem>>
            %dma_wait3A_486 = tpu.memref_squeeze %dma_wait3A_485 : memref<1x!tpu.dma_semaphore, #tpu.memory_space<semaphore_mem>> -> memref<!tpu.dma_semaphore, #tpu.memory_space<semaphore_mem>>
            %dma_wait3A_487 = arith.constant 0 : i32
            %dma_wait3A_488 = arith.constant 0 : i32
            %dma_wait3A_489 = tpu.memref_slice %run_scoped3A[%rem3A_479, %dma_wait3A_487, %dma_wait3A_488] : memref<2x1x128xi32, #tpu.memory_space<vmem>> -> memref<1x1x128xi32, #tpu.memory_space<vmem>>
            %dma_wait3A_490 = tpu.memref_squeeze %dma_wait3A_489 : memref<1x1x128xi32, #tpu.memory_space<vmem>> -> memref<1x128xi32, #tpu.memory_space<vmem>>
            %dma_wait3A_491 = arith.constant 0 : i32
            %dma_wait3A_492 = tpu.memref_slice %arg3[%dma_wait3A_491, %mul3A_477] : memref<1x10240xi32, #tpu.memory_space<hbm>> -> memref<1x128xi32, #tpu.memory_space<hbm>>
            tpu.wait_dma2 semaphore(%dma_wait3A_486 : memref<!tpu.dma_semaphore, #tpu.memory_space<semaphore_mem>>) src(%dma_wait3A_492 : memref<1x128xi32, #tpu.memory_space<hbm>>) dst(%dma_wait3A_490 : memref<1x128xi32, #tpu.memory_space<vmem>>)
            "tpu.trace_stop"() : () -> ()
          } else {
          }
          %ne3A_320 = arith.cmpi ne, %add3A_221, %add3A_231 : i32
          %or3A_321 = arith.constant false
          %or3A_322 = arith.ori %or3A_321, %ne3A_320 : i1
          %or3A_323 = arith.ori %or3A_322, %eq3A_217 : i1
          %convert_element_type3A_324 = arith.extui %or3A_323 : i1 to i32
          %cond3A_325 = arith.constant 0 : i32
          %cond3A_326 = arith.cmpi ne, %convert_element_type3A_324, %cond3A_325 : i32
          scf.if %cond3A_326 {
            "tpu.trace_start"() <{level = 10 : i32, message = "ep_wait_in"}> : () -> ()
            %mul3A_476 = arith.constant 128 : i32
            %mul3A_477 = arith.muli %mul3A_476, %add3A_221 : i32
            %rem3A_478 = arith.constant 2 : i32
            %rem3A_479 = arith.remui %while3A_208, %rem3A_478 : i32
            %dma_wait3A = arith.constant 0 : i32
            %dma_wait3A_480 = arith.constant 0 : i32
            %dma_wait3A_481 = tpu.memref_slice %run_scoped3A_18[%rem3A_479, %dma_wait3A, %dma_wait3A_480] : memref<2x1x128xi32, #tpu.memory_space<vmem>> -> memref<1x1x128xi32, #tpu.memory_space<vmem>>
            %dma_wait3A_482 = tpu.memref_squeeze %dma_wait3A_481 : memref<1x1x128xi32, #tpu.memory_space<vmem>> -> memref<1x128xi32, #tpu.memory_space<vmem>>
            %dma_wait3A_483 = arith.constant 0 : i32
            %dma_wait3A_484 = tpu.memref_slice %arg4[%dma_wait3A_483, %mul3A_477] : memref<1x10240xi32, #tpu.memory_space<hbm>> -> memref<1x128xi32, #tpu.memory_space<hbm>>
            %dma_wait3A_485 = tpu.memref_slice %run_scoped3A_19[%rem3A_479] : memref<2x!tpu.dma_semaphore, #tpu.memory_space<semaphore_mem>> -> memref<1x!tpu.dma_semaphore, #tpu.memory_space<semaphore_mem>>
            %dma_wait3A_486 = tpu.memref_squeeze %dma_wait3A_485 : memref<1x!tpu.dma_semaphore, #tpu.memory_space<semaphore_mem>> -> memref<!tpu.dma_semaphore, #tpu.memory_space<semaphore_mem>>
            %dma_wait3A_487 = arith.constant 0 : i32
            %dma_wait3A_488 = arith.constant 0 : i32
            %dma_wait3A_489 = tpu.memref_slice %run_scoped3A_18[%rem3A_479, %dma_wait3A_487, %dma_wait3A_488] : memref<2x1x128xi32, #tpu.memory_space<vmem>> -> memref<1x1x128xi32, #tpu.memory_space<vmem>>
            %dma_wait3A_490 = tpu.memref_squeeze %dma_wait3A_489 : memref<1x1x128xi32, #tpu.memory_space<vmem>> -> memref<1x128xi32, #tpu.memory_space<vmem>>
            %dma_wait3A_491 = arith.constant 0 : i32
            %dma_wait3A_492 = tpu.memref_slice %arg4[%dma_wait3A_491, %mul3A_477] : memref<1x10240xi32, #tpu.memory_space<hbm>> -> memref<1x128xi32, #tpu.memory_space<hbm>>
            tpu.wait_dma2 semaphore(%dma_wait3A_486 : memref<!tpu.dma_semaphore, #tpu.memory_space<semaphore_mem>>) src(%dma_wait3A_492 : memref<1x128xi32, #tpu.memory_space<hbm>>) dst(%dma_wait3A_490 : memref<1x128xi32, #tpu.memory_space<vmem>>)
            "tpu.trace_stop"() : () -> ()
          } else {
          }
          %ne3A_327 = arith.cmpi ne, %add3A_221, %add3A_231 : i32
          %or3A_328 = arith.constant false
          %or3A_329 = arith.ori %or3A_328, %ne3A_327 : i1
          %or3A_330 = arith.ori %or3A_329, %eq3A_217 : i1
          %convert_element_type3A_331 = arith.extui %or3A_330 : i1 to i32
          %cond3A_332 = arith.constant 0 : i32
          %cond3A_333 = arith.cmpi ne, %convert_element_type3A_331, %cond3A_332 : i32
          scf.if %cond3A_333 {
            "tpu.trace_start"() <{level = 10 : i32, message = "ep_wait_in"}> : () -> ()
            %mul3A_476 = arith.constant 128 : i32
            %mul3A_477 = arith.muli %mul3A_476, %add3A_221 : i32
            %rem3A_478 = arith.constant 2 : i32
            %rem3A_479 = arith.remui %while3A_210, %rem3A_478 : i32
            %dma_wait3A = arith.constant 0 : i32
            %dma_wait3A_480 = arith.constant 0 : i32
            %dma_wait3A_481 = tpu.memref_slice %run_scoped3A_20[%rem3A_479, %dma_wait3A, %dma_wait3A_480] : memref<2x1x128xi32, #tpu.memory_space<vmem>> -> memref<1x1x128xi32, #tpu.memory_space<vmem>>
            %dma_wait3A_482 = tpu.memref_squeeze %dma_wait3A_481 : memref<1x1x128xi32, #tpu.memory_space<vmem>> -> memref<1x128xi32, #tpu.memory_space<vmem>>
            %dma_wait3A_483 = arith.constant 0 : i32
            %dma_wait3A_484 = tpu.memref_slice %arg5[%dma_wait3A_483, %mul3A_477] : memref<1x10240xi32, #tpu.memory_space<hbm>> -> memref<1x128xi32, #tpu.memory_space<hbm>>
            %dma_wait3A_485 = tpu.memref_slice %run_scoped3A_21[%rem3A_479] : memref<2x!tpu.dma_semaphore, #tpu.memory_space<semaphore_mem>> -> memref<1x!tpu.dma_semaphore, #tpu.memory_space<semaphore_mem>>
            %dma_wait3A_486 = tpu.memref_squeeze %dma_wait3A_485 : memref<1x!tpu.dma_semaphore, #tpu.memory_space<semaphore_mem>> -> memref<!tpu.dma_semaphore, #tpu.memory_space<semaphore_mem>>
            %dma_wait3A_487 = arith.constant 0 : i32
            %dma_wait3A_488 = arith.constant 0 : i32
            %dma_wait3A_489 = tpu.memref_slice %run_scoped3A_20[%rem3A_479, %dma_wait3A_487, %dma_wait3A_488] : memref<2x1x128xi32, #tpu.memory_space<vmem>> -> memref<1x1x128xi32, #tpu.memory_space<vmem>>
            %dma_wait3A_490 = tpu.memref_squeeze %dma_wait3A_489 : memref<1x1x128xi32, #tpu.memory_space<vmem>> -> memref<1x128xi32, #tpu.memory_space<vmem>>
            %dma_wait3A_491 = arith.constant 0 : i32
            %dma_wait3A_492 = tpu.memref_slice %arg5[%dma_wait3A_491, %mul3A_477] : memref<1x10240xi32, #tpu.memory_space<hbm>> -> memref<1x128xi32, #tpu.memory_space<hbm>>
            tpu.wait_dma2 semaphore(%dma_wait3A_486 : memref<!tpu.dma_semaphore, #tpu.memory_space<semaphore_mem>>) src(%dma_wait3A_492 : memref<1x128xi32, #tpu.memory_space<hbm>>) dst(%dma_wait3A_490 : memref<1x128xi32, #tpu.memory_space<vmem>>)
            "tpu.trace_stop"() : () -> ()
          } else {
          }
          %ne3A_334 = arith.cmpi ne, %add3A_221, %add3A_231 : i32
          %or3A_335 = arith.constant false
          %or3A_336 = arith.ori %or3A_335, %ne3A_334 : i1
          %or3A_337 = arith.constant false
          %or3A_338 = arith.ori %or3A_336, %or3A_337 : i1
          %or3A_339 = arith.ori %or3A_338, %eq3A_217 : i1
          %convert_element_type3A_340 = arith.extui %or3A_339 : i1 to i32
          %cond3A_341 = arith.constant 0 : i32
          %cond3A_342 = arith.cmpi ne, %convert_element_type3A_340, %cond3A_341 : i32
          scf.if %cond3A_342 {
          } else {
          }
          %rem3A_343 = arith.constant 2 : i32
          %rem3A_344 = arith.remui %while3A_206, %rem3A_343 : i32
          %rem3A_345 = arith.constant 2 : i32
          %rem3A_346 = arith.remui %while3A_208, %rem3A_345 : i32
          %rem3A_347 = arith.constant 2 : i32
          %rem3A_348 = arith.remui %while3A_210, %rem3A_347 : i32
          %rem3A_349 = arith.constant 2 : i32
          %rem3A_350 = arith.remui %while3A_211, %rem3A_349 : i32
          %run_scoped3A_351 = arith.constant 0 : i32
          "tpu.trace_start"() <{level = 10 : i32, message = "ep_run_kernel"}> : () -> ()
          "tpu.region"() ({
            %run_scoped3A_476 = tpu.sem_alloc : memref<!tpu.dma_semaphore, #tpu.memory_space<semaphore_mem>>
            %dma_start3A_477 = arith.constant 0 : i32
            %dma_start3A_478 = arith.constant 0 : i32
            %dma_start3A_479 = tpu.memref_slice %run_scoped3A[%rem3A_344, %dma_start3A_477, %dma_start3A_478] : memref<2x1x128xi32, #tpu.memory_space<vmem>> -> memref<1x1x128xi32, #tpu.memory_space<vmem>>
            %dma_start3A_480 = tpu.memref_squeeze %dma_start3A_479 : memref<1x1x128xi32, #tpu.memory_space<vmem>> -> memref<1x128xi32, #tpu.memory_space<vmem>>
            %dma_start3A_481 = arith.constant 0 : i32
            %dma_start3A_482 = tpu.memref_slice %dma_start3A_480[%run_scoped3A_351, %dma_start3A_481] : memref<1x128xi32, #tpu.memory_space<vmem>> -> memref<1x128xi32, #tpu.memory_space<vmem>>
            %dma_start3A_483 = tpu.memref_squeeze %dma_start3A_482 : memref<1x128xi32, #tpu.memory_space<vmem>> -> memref<128xi32, #tpu.memory_space<vmem>>
            %dma_start3A_484 = arith.constant 0 : i32
            %dma_start3A_485 = arith.constant 0 : i32
            %dma_start3A_486 = tpu.memref_slice %arg2[%dma_start3A_484, %dma_start3A_485] : memref<10000x16xf32, #tpu.memory_space<hbm>> -> memref<10000x16xf32, #tpu.memory_space<hbm>>
            tpu.enqueue_indirect_dma source(%dma_start3A_486 : memref<10000x16xf32, #tpu.memory_space<hbm>>) target(%arg7 : memref<128x16xf32, #tpu.memory_space<vmem>>) offsets(%dma_start3A_483 : memref<128xi32, #tpu.memory_space<vmem>>) semaphore(%run_scoped3A_476 : memref<!tpu.dma_semaphore, #tpu.memory_space<semaphore_mem>>)
            %dma_wait3A = arith.constant 0 : i32
            %dma_wait3A_487 = arith.constant 0 : i32
            %dma_wait3A_488 = tpu.memref_slice %run_scoped3A[%rem3A_344, %dma_wait3A, %dma_wait3A_487] : memref<2x1x128xi32, #tpu.memory_space<vmem>> -> memref<1x1x128xi32, #tpu.memory_space<vmem>>
            %dma_wait3A_489 = tpu.memref_squeeze %dma_wait3A_488 : memref<1x1x128xi32, #tpu.memory_space<vmem>> -> memref<1x128xi32, #tpu.memory_space<vmem>>
            %dma_wait3A_490 = arith.constant 0 : i32
            %dma_wait3A_491 = tpu.memref_slice %dma_wait3A_489[%run_scoped3A_351, %dma_wait3A_490] : memref<1x128xi32, #tpu.memory_space<vmem>> -> memref<1x128xi32, #tpu.memory_space<vmem>>
            %dma_wait3A_492 = tpu.memref_squeeze %dma_wait3A_491 : memref<1x128xi32, #tpu.memory_space<vmem>> -> memref<128xi32, #tpu.memory_space<vmem>>
            %dma_wait3A_493 = arith.constant 0 : i32
            %dma_wait3A_494 = arith.constant 0 : i32
            %dma_wait3A_495 = tpu.memref_slice %arg2[%dma_wait3A_493, %dma_wait3A_494] : memref<10000x16xf32, #tpu.memory_space<hbm>> -> memref<10000x16xf32, #tpu.memory_space<hbm>>
            tpu.wait_indirect_dma semaphore(%run_scoped3A_476 : memref<!tpu.dma_semaphore, #tpu.memory_space<semaphore_mem>>) src(%dma_wait3A_495 : memref<10000x16xf32, #tpu.memory_space<hbm>>) dst(%arg7 : memref<128x16xf32, #tpu.memory_space<vmem>>)
            tpu.yield
          }) : () -> ()
          %run_scoped3A_352 = arith.constant 0 : i32
          "tpu.region"() ({
            %run_scoped3A_476 = tpu.sem_alloc : memref<!tpu.dma_semaphore, #tpu.memory_space<semaphore_mem>>
            %dma_start3A_477 = arith.constant 0 : i32
            %dma_start3A_478 = arith.constant 0 : i32
            %dma_start3A_479 = tpu.memref_slice %run_scoped3A_18[%rem3A_346, %dma_start3A_477, %dma_start3A_478] : memref<2x1x128xi32, #tpu.memory_space<vmem>> -> memref<1x1x128xi32, #tpu.memory_space<vmem>>
            %dma_start3A_480 = tpu.memref_squeeze %dma_start3A_479 : memref<1x1x128xi32, #tpu.memory_space<vmem>> -> memref<1x128xi32, #tpu.memory_space<vmem>>
            %dma_start3A_481 = arith.constant 0 : i32
            %dma_start3A_482 = tpu.memref_slice %dma_start3A_480[%run_scoped3A_352, %dma_start3A_481] : memref<1x128xi32, #tpu.memory_space<vmem>> -> memref<1x128xi32, #tpu.memory_space<vmem>>
            %dma_start3A_483 = tpu.memref_squeeze %dma_start3A_482 : memref<1x128xi32, #tpu.memory_space<vmem>> -> memref<128xi32, #tpu.memory_space<vmem>>
            %dma_start3A_484 = arith.constant 0 : i32
            %dma_start3A_485 = arith.constant 0 : i32
            %dma_start3A_486 = tpu.memref_slice %arg2[%dma_start3A_484, %dma_start3A_485] : memref<10000x16xf32, #tpu.memory_space<hbm>> -> memref<10000x16xf32, #tpu.memory_space<hbm>>
            tpu.enqueue_indirect_dma source(%dma_start3A_486 : memref<10000x16xf32, #tpu.memory_space<hbm>>) target(%arg8 : memref<128x16xf32, #tpu.memory_space<vmem>>) offsets(%dma_start3A_483 : memref<128xi32, #tpu.memory_space<vmem>>) semaphore(%run_scoped3A_476 : memref<!tpu.dma_semaphore, #tpu.memory_space<semaphore_mem>>)
            %dma_wait3A = arith.constant 0 : i32
            %dma_wait3A_487 = arith.constant 0 : i32
            %dma_wait3A_488 = tpu.memref_slice %run_scoped3A_18[%rem3A_346, %dma_wait3A, %dma_wait3A_487] : memref<2x1x128xi32, #tpu.memory_space<vmem>> -> memref<1x1x128xi32, #tpu.memory_space<vmem>>
            %dma_wait3A_489 = tpu.memref_squeeze %dma_wait3A_488 : memref<1x1x128xi32, #tpu.memory_space<vmem>> -> memref<1x128xi32, #tpu.memory_space<vmem>>
            %dma_wait3A_490 = arith.constant 0 : i32
            %dma_wait3A_491 = tpu.memref_slice %dma_wait3A_489[%run_scoped3A_352, %dma_wait3A_490] : memref<1x128xi32, #tpu.memory_space<vmem>> -> memref<1x128xi32, #tpu.memory_space<vmem>>
            %dma_wait3A_492 = tpu.memref_squeeze %dma_wait3A_491 : memref<1x128xi32, #tpu.memory_space<vmem>> -> memref<128xi32, #tpu.memory_space<vmem>>
            %dma_wait3A_493 = arith.constant 0 : i32
            %dma_wait3A_494 = arith.constant 0 : i32
            %dma_wait3A_495 = tpu.memref_slice %arg2[%dma_wait3A_493, %dma_wait3A_494] : memref<10000x16xf32, #tpu.memory_space<hbm>> -> memref<10000x16xf32, #tpu.memory_space<hbm>>
            tpu.wait_indirect_dma semaphore(%run_scoped3A_476 : memref<!tpu.dma_semaphore, #tpu.memory_space<semaphore_mem>>) src(%dma_wait3A_495 : memref<10000x16xf32, #tpu.memory_space<hbm>>) dst(%arg8 : memref<128x16xf32, #tpu.memory_space<vmem>>)
            tpu.yield
          }) : () -> ()
          %run_scoped3A_353 = arith.constant 0 : i32
          "tpu.region"() ({
            %run_scoped3A_476 = tpu.sem_alloc : memref<!tpu.dma_semaphore, #tpu.memory_space<semaphore_mem>>
            %dma_start3A_477 = arith.constant 0 : i32
            %dma_start3A_478 = arith.constant 0 : i32
            %dma_start3A_479 = tpu.memref_slice %run_scoped3A_20[%rem3A_348, %dma_start3A_477, %dma_start3A_478] : memref<2x1x128xi32, #tpu.memory_space<vmem>> -> memref<1x1x128xi32, #tpu.memory_space<vmem>>
            %dma_start3A_480 = tpu.memref_squeeze %dma_start3A_479 : memref<1x1x128xi32, #tpu.memory_space<vmem>> -> memref<1x128xi32, #tpu.memory_space<vmem>>
            %dma_start3A_481 = arith.constant 0 : i32
            %dma_start3A_482 = tpu.memref_slice %dma_start3A_480[%run_scoped3A_353, %dma_start3A_481] : memref<1x128xi32, #tpu.memory_space<vmem>> -> memref<1x128xi32, #tpu.memory_space<vmem>>
            %dma_start3A_483 = tpu.memref_squeeze %dma_start3A_482 : memref<1x128xi32, #tpu.memory_space<vmem>> -> memref<128xi32, #tpu.memory_space<vmem>>
            %dma_start3A_484 = arith.constant 0 : i32
            %dma_start3A_485 = arith.constant 0 : i32
            %dma_start3A_486 = tpu.memref_slice %arg2[%dma_start3A_484, %dma_start3A_485] : memref<10000x16xf32, #tpu.memory_space<hbm>> -> memref<10000x16xf32, #tpu.memory_space<hbm>>
            tpu.enqueue_indirect_dma source(%dma_start3A_486 : memref<10000x16xf32, #tpu.memory_space<hbm>>) target(%arg9 : memref<128x16xf32, #tpu.memory_space<vmem>>) offsets(%dma_start3A_483 : memref<128xi32, #tpu.memory_space<vmem>>) semaphore(%run_scoped3A_476 : memref<!tpu.dma_semaphore, #tpu.memory_space<semaphore_mem>>)
            %dma_wait3A = arith.constant 0 : i32
            %dma_wait3A_487 = arith.constant 0 : i32
            %dma_wait3A_488 = tpu.memref_slice %run_scoped3A_20[%rem3A_348, %dma_wait3A, %dma_wait3A_487] : memref<2x1x128xi32, #tpu.memory_space<vmem>> -> memref<1x1x128xi32, #tpu.memory_space<vmem>>
            %dma_wait3A_489 = tpu.memref_squeeze %dma_wait3A_488 : memref<1x1x128xi32, #tpu.memory_space<vmem>> -> memref<1x128xi32, #tpu.memory_space<vmem>>
            %dma_wait3A_490 = arith.constant 0 : i32
            %dma_wait3A_491 = tpu.memref_slice %dma_wait3A_489[%run_scoped3A_353, %dma_wait3A_490] : memref<1x128xi32, #tpu.memory_space<vmem>> -> memref<1x128xi32, #tpu.memory_space<vmem>>
            %dma_wait3A_492 = tpu.memref_squeeze %dma_wait3A_491 : memref<1x128xi32, #tpu.memory_space<vmem>> -> memref<128xi32, #tpu.memory_space<vmem>>
            %dma_wait3A_493 = arith.constant 0 : i32
            %dma_wait3A_494 = arith.constant 0 : i32
            %dma_wait3A_495 = tpu.memref_slice %arg2[%dma_wait3A_493, %dma_wait3A_494] : memref<10000x16xf32, #tpu.memory_space<hbm>> -> memref<10000x16xf32, #tpu.memory_space<hbm>>
            tpu.wait_indirect_dma semaphore(%run_scoped3A_476 : memref<!tpu.dma_semaphore, #tpu.memory_space<semaphore_mem>>) src(%dma_wait3A_495 : memref<10000x16xf32, #tpu.memory_space<hbm>>) dst(%arg9 : memref<128x16xf32, #tpu.memory_space<vmem>>)
            tpu.yield
          }) : () -> ()
          %scan3A = arith.constant 0 : i32
          %scan3A_354 = arith.constant 128 : i32
          %scan3A_355 = arith.addi %scan3A, %scan3A_354 : i32
          %scan3A_356 = arith.constant 1 : i32
          scf.for %scan3A_476 = %scan3A to %scan3A_355 step %scan3A_356  : i32 {
            %mul3A_477 = arith.constant 1 : i32
            %mul3A_478 = arith.muli %scan3A_476, %mul3A_477 : i32
            %add3A_479 = arith.constant 0 : i32
            %add3A_480 = arith.addi %add3A_479, %mul3A_478 : i32
            %get3A = arith.index_cast %add3A_480 : i32 to index
            %get3A_481 = arith.constant 0 : index
            %get3A_482 = tpu.vector_load %arg7[%get3A, %get3A_481] {strides = array<i32>} : memref<128x16xf32, #tpu.memory_space<vmem>>, vector<16xf32>,
            %get3A_483 = arith.index_cast %add3A_480 : i32 to index
            %get3A_484 = arith.constant 0 : index
            %get3A_485 = tpu.vector_load %arg8[%get3A_483, %get3A_484] {strides = array<i32>} : memref<128x16xf32, #tpu.memory_space<vmem>>, vector<16xf32>,
            %add3A_486 = arith.addf %get3A_482, %get3A_485 : vector<16xf32>
            %get3A_487 = arith.index_cast %add3A_480 : i32 to index
            %get3A_488 = arith.constant 0 : index
            %get3A_489 = tpu.vector_load %arg9[%get3A_487, %get3A_488] {strides = array<i32>} : memref<128x16xf32, #tpu.memory_space<vmem>>, vector<16xf32>,
            %add3A_490 = arith.addf %add3A_486, %get3A_489 : vector<16xf32>
            %mul3A_491 = arith.constant 0.333333343 : f32
            %mul3A_492 = vector.broadcast %mul3A_491 : f32 to vector<16xf32>
            %mul3A_493 = arith.mulf %add3A_490, %mul3A_492 : vector<16xf32>
            %swap3A = arith.constant 0 : i32
            %swap3A_494 = arith.constant 0 : i32
            %swap3A_495 = tpu.memref_slice %run_scoped3A_22[%rem3A_350, %swap3A, %swap3A_494] : memref<2x128x16xf32, #tpu.memory_space<vmem>> -> memref<1x128x16xf32, #tpu.memory_space<vmem>>
            %swap3A_496 = tpu.memref_squeeze %swap3A_495 : memref<1x128x16xf32, #tpu.memory_space<vmem>> -> memref<128x16xf32, #tpu.memory_space<vmem>>
            %swap3A_497 = arith.index_cast %add3A_480 : i32 to index
            %swap3A_498 = arith.constant 0 : index
            %swap3A_499 = tpu.vector_load %swap3A_496[%swap3A_497, %swap3A_498] {strides = array<i32>} : memref<128x16xf32, #tpu.memory_space<vmem>>, vector<16xf32>,
            tpu.vector_store %swap3A_496[%swap3A_497, %swap3A_498], %mul3A_493 {strides = array<i32>} : memref<128x16xf32, #tpu.memory_space<vmem>>, vector<16xf32>,
          }
          %scan3A_357 = arith.constant 128 : i32
          "tpu.trace_stop"() : () -> ()
          %ne3A_358 = arith.cmpi ne, %add3A_221, %add3A_239 : i32
          %or3A_359 = arith.constant false
          %or3A_360 = arith.ori %or3A_359, %ne3A_358 : i1
          %or3A_361 = arith.ori %or3A_360, %eq3A_220 : i1
          %convert_element_type3A_362 = arith.extui %or3A_361 : i1 to i32
          %cond3A_363 = arith.constant 0 : i32
          %cond3A_364 = arith.cmpi ne, %convert_element_type3A_362, %cond3A_363 : i32
          scf.if %cond3A_364 {
          } else {
          }
          %and3A_365 = arith.constant false
          %and3A_366 = arith.andi %or3A_361, %and3A_365 : i1
          %ne3A_367 = arith.cmpi ne, %add3A_221, %add3A_239 : i32
          %or3A_368 = arith.constant false
          %or3A_369 = arith.ori %or3A_368, %ne3A_367 : i1
          %or3A_370 = arith.ori %or3A_369, %eq3A_220 : i1
          %convert_element_type3A_371 = arith.extui %or3A_370 : i1 to i32
          %cond3A_372 = arith.constant 0 : i32
          %cond3A_373 = arith.cmpi ne, %convert_element_type3A_371, %cond3A_372 : i32
          scf.if %cond3A_373 {
          } else {
          }
          %and3A_374 = arith.constant false
          %and3A_375 = arith.andi %or3A_370, %and3A_374 : i1
          %ne3A_376 = arith.cmpi ne, %add3A_221, %add3A_239 : i32
          %or3A_377 = arith.constant false
          %or3A_378 = arith.ori %or3A_377, %ne3A_376 : i1
          %or3A_379 = arith.ori %or3A_378, %eq3A_220 : i1
          %convert_element_type3A_380 = arith.extui %or3A_379 : i1 to i32
          %cond3A_381 = arith.constant 0 : i32
          %cond3A_382 = arith.cmpi ne, %convert_element_type3A_380, %cond3A_381 : i32
          scf.if %cond3A_382 {
          } else {
          }
          %and3A_383 = arith.constant false
          %and3A_384 = arith.andi %or3A_379, %and3A_383 : i1
          %ne3A_385 = arith.cmpi ne, %add3A_221, %add3A_239 : i32
          %or3A_386 = arith.constant false
          %or3A_387 = arith.ori %or3A_386, %ne3A_385 : i1
          %or3A_388 = arith.constant false
          %or3A_389 = arith.ori %or3A_387, %or3A_388 : i1
          %or3A_390 = arith.ori %or3A_389, %eq3A_220 : i1
          %convert_element_type3A_391 = arith.extui %or3A_390 : i1 to i32
          %cond3A_392 = arith.constant 0 : i32
          %cond3A_393 = arith.cmpi ne, %convert_element_type3A_391, %cond3A_392 : i32
          scf.if %cond3A_393 {
            "tpu.trace_start"() <{level = 10 : i32, message = "ep_copy_out"}> : () -> ()
            %rem3A_476 = arith.constant 2 : i32
            %rem3A_477 = arith.remui %while3A_211, %rem3A_476 : i32
            %mul3A_478 = arith.constant 128 : i32
            %mul3A_479 = arith.muli %mul3A_478, %add3A_221 : i32
            %dma_start3A_480 = arith.constant 0 : i32
            %dma_start3A_481 = arith.constant 0 : i32
            %dma_start3A_482 = tpu.memref_slice %run_scoped3A_22[%rem3A_477, %dma_start3A_480, %dma_start3A_481] : memref<2x128x16xf32, #tpu.memory_space<vmem>> -> memref<1x128x16xf32, #tpu.memory_space<vmem>>
            %dma_start3A_483 = tpu.memref_squeeze %dma_start3A_482 : memref<1x128x16xf32, #tpu.memory_space<vmem>> -> memref<128x16xf32, #tpu.memory_space<vmem>>
            %dma_start3A_484 = arith.constant 0 : i32
            %dma_start3A_485 = tpu.memref_slice %arg6[%mul3A_479, %dma_start3A_484] : memref<10240x16xf32, #tpu.memory_space<hbm>> -> memref<128x16xf32, #tpu.memory_space<hbm>>
            %dma_start3A_486 = tpu.memref_slice %run_scoped3A_23[%rem3A_477] : memref<2x!tpu.dma_semaphore, #tpu.memory_space<semaphore_mem>> -> memref<1x!tpu.dma_semaphore, #tpu.memory_space<semaphore_mem>>
            %dma_start3A_487 = tpu.memref_squeeze %dma_start3A_486 : memref<1x!tpu.dma_semaphore, #tpu.memory_space<semaphore_mem>> -> memref<!tpu.dma_semaphore, #tpu.memory_space<semaphore_mem>>
            %dma_start3A_488 = arith.constant 0 : i32
            %dma_start3A_489 = tpu.memref_slice %arg6[%mul3A_479, %dma_start3A_488] : memref<10240x16xf32, #tpu.memory_space<hbm>> -> memref<128x16xf32, #tpu.memory_space<hbm>>
            %dma_start3A_490 = arith.constant 0 : i32
            %dma_start3A_491 = arith.constant 0 : i32
            %dma_start3A_492 = tpu.memref_slice %run_scoped3A_22[%rem3A_477, %dma_start3A_490, %dma_start3A_491] : memref<2x128x16xf32, #tpu.memory_space<vmem>> -> memref<1x128x16xf32, #tpu.memory_space<vmem>>
            %dma_start3A_493 = tpu.memref_squeeze %dma_start3A_492 : memref<1x128x16xf32, #tpu.memory_space<vmem>> -> memref<128x16xf32, #tpu.memory_space<vmem>>
            tpu.enqueue_dma source(%dma_start3A_493 : memref<128x16xf32, #tpu.memory_space<vmem>>) target(%dma_start3A_489 : memref<128x16xf32, #tpu.memory_space<hbm>>) target_semaphore(%dma_start3A_487 : memref<!tpu.dma_semaphore, #tpu.memory_space<semaphore_mem>>)
            "tpu.trace_stop"() : () -> ()
          } else {
          }
          %and3A_394 = arith.constant true
          %and3A_395 = arith.andi %or3A_390, %and3A_394 : i1
          %add3A_396 = arith.constant 1 : i32
          %add3A_397 = arith.addi %while3A_211, %add3A_396 : i32
          %select_n3A_398 = arith.select %and3A_395, %add3A_397, %while3A_211 : i32
          %ne3A_399 = arith.cmpi ne, %add3A_221, %add3A_231 : i32
          %or3A_400 = arith.constant false
          %or3A_401 = arith.ori %or3A_400, %ne3A_399 : i1
          %not3A_402 = arith.constant true
          %not3A_403 = arith.xori %eq3A_217, %not3A_402 : i1
          %and3A_404 = arith.andi %or3A_401, %not3A_403 : i1
          %convert_element_type3A_405 = arith.extui %and3A_404 : i1 to i32
          %cond3A_406 = arith.constant 0 : i32
          %cond3A_407 = arith.cmpi ne, %convert_element_type3A_405, %cond3A_406 : i32
          scf.if %cond3A_407 {
          } else {
          }
          %and3A_408 = arith.constant false
          %and3A_409 = arith.andi %and3A_404, %and3A_408 : i1
          %ne3A_410 = arith.cmpi ne, %add3A_221, %add3A_231 : i32
          %or3A_411 = arith.constant false
          %or3A_412 = arith.ori %or3A_411, %ne3A_410 : i1
          %not3A_413 = arith.constant true
          %not3A_414 = arith.xori %eq3A_217, %not3A_413 : i1
          %and3A_415 = arith.andi %or3A_412, %not3A_414 : i1
          %convert_element_type3A_416 = arith.extui %and3A_415 : i1 to i32
          %cond3A_417 = arith.constant 0 : i32
          %cond3A_418 = arith.cmpi ne, %convert_element_type3A_416, %cond3A_417 : i32
          scf.if %cond3A_418 {
          } else {
          }
          %and3A_419 = arith.constant false
          %and3A_420 = arith.andi %and3A_415, %and3A_419 : i1
          %ne3A_421 = arith.cmpi ne, %add3A_221, %add3A_231 : i32
          %or3A_422 = arith.constant false
          %or3A_423 = arith.ori %or3A_422, %ne3A_421 : i1
          %not3A_424 = arith.constant true
          %not3A_425 = arith.xori %eq3A_217, %not3A_424 : i1
          %and3A_426 = arith.andi %or3A_423, %not3A_425 : i1
          %convert_element_type3A_427 = arith.extui %and3A_426 : i1 to i32
          %cond3A_428 = arith.constant 0 : i32
          %cond3A_429 = arith.cmpi ne, %convert_element_type3A_427, %cond3A_428 : i32
          scf.if %cond3A_429 {
          } else {
          }
          %and3A_430 = arith.constant false
          %and3A_431 = arith.andi %and3A_426, %and3A_430 : i1
          %ne3A_432 = arith.cmpi ne, %add3A_221, %add3A_231 : i32
          %or3A_433 = arith.constant false
          %or3A_434 = arith.ori %or3A_433, %ne3A_432 : i1
          %or3A_435 = arith.constant false
          %or3A_436 = arith.ori %or3A_434, %or3A_435 : i1
          %not3A_437 = arith.constant true
          %not3A_438 = arith.xori %eq3A_217, %not3A_437 : i1
          %and3A_439 = arith.andi %or3A_436, %not3A_438 : i1
          %convert_element_type3A_440 = arith.extui %and3A_439 : i1 to i32
          %cond3A_441 = arith.constant 0 : i32
          %cond3A_442 = arith.cmpi ne, %convert_element_type3A_440, %cond3A_441 : i32
          scf.if %cond3A_442 {
            "tpu.trace_start"() <{level = 10 : i32, message = "ep_wait_out"}> : () -> ()
            %rem3A_476 = arith.constant 2 : i32
            %rem3A_477 = arith.remui %while3A_212, %rem3A_476 : i32
            %mul3A_478 = arith.constant 128 : i32
            %mul3A_479 = arith.muli %mul3A_478, %add3A_231 : i32
            %dma_wait3A = arith.constant 0 : i32
            %dma_wait3A_480 = arith.constant 0 : i32
            %dma_wait3A_481 = tpu.memref_slice %run_scoped3A_22[%rem3A_477, %dma_wait3A, %dma_wait3A_480] : memref<2x128x16xf32, #tpu.memory_space<vmem>> -> memref<1x128x16xf32, #tpu.memory_space<vmem>>
            %dma_wait3A_482 = tpu.memref_squeeze %dma_wait3A_481 : memref<1x128x16xf32, #tpu.memory_space<vmem>> -> memref<128x16xf32, #tpu.memory_space<vmem>>
            %dma_wait3A_483 = arith.constant 0 : i32
            %dma_wait3A_484 = tpu.memref_slice %arg6[%mul3A_479, %dma_wait3A_483] : memref<10240x16xf32, #tpu.memory_space<hbm>> -> memref<128x16xf32, #tpu.memory_space<hbm>>
            %dma_wait3A_485 = tpu.memref_slice %run_scoped3A_23[%rem3A_477] : memref<2x!tpu.dma_semaphore, #tpu.memory_space<semaphore_mem>> -> memref<1x!tpu.dma_semaphore, #tpu.memory_space<semaphore_mem>>
            %dma_wait3A_486 = tpu.memref_squeeze %dma_wait3A_485 : memref<1x!tpu.dma_semaphore, #tpu.memory_space<semaphore_mem>> -> memref<!tpu.dma_semaphore, #tpu.memory_space<semaphore_mem>>
            %dma_wait3A_487 = arith.constant 0 : i32
            %dma_wait3A_488 = tpu.memref_slice %arg6[%mul3A_479, %dma_wait3A_487] : memref<10240x16xf32, #tpu.memory_space<hbm>> -> memref<128x16xf32, #tpu.memory_space<hbm>>
            %dma_wait3A_489 = arith.constant 0 : i32
            %dma_wait3A_490 = arith.constant 0 : i32
            %dma_wait3A_491 = tpu.memref_slice %run_scoped3A_22[%rem3A_477, %dma_wait3A_489, %dma_wait3A_490] : memref<2x128x16xf32, #tpu.memory_space<vmem>> -> memref<1x128x16xf32, #tpu.memory_space<vmem>>
            %dma_wait3A_492 = tpu.memref_squeeze %dma_wait3A_491 : memref<1x128x16xf32, #tpu.memory_space<vmem>> -> memref<128x16xf32, #tpu.memory_space<vmem>>
            tpu.wait_dma2 semaphore(%dma_wait3A_486 : memref<!tpu.dma_semaphore, #tpu.memory_space<semaphore_mem>>) src(%dma_wait3A_492 : memref<128x16xf32, #tpu.memory_space<vmem>>) dst(%dma_wait3A_488 : memref<128x16xf32, #tpu.memory_space<hbm>>)
            "tpu.trace_stop"() : () -> ()
          } else {
          }
          %and3A_443 = arith.constant true
          %and3A_444 = arith.andi %and3A_439, %and3A_443 : i1
          %add3A_445 = arith.constant 1 : i32
          %add3A_446 = arith.addi %while3A_212, %add3A_445 : i32
          %select_n3A_447 = arith.select %and3A_444, %add3A_446, %while3A_212 : i32
          %ne3A_448 = arith.cmpi ne, %add3A_221, %add3A_239 : i32
          %or3A_449 = arith.constant false
          %or3A_450 = arith.ori %or3A_449, %ne3A_448 : i1
          %or3A_451 = arith.ori %or3A_450, %eq3A_220 : i1
          %add3A_452 = arith.constant 1 : i32
          %add3A_453 = arith.addi %while3A_206, %add3A_452 : i32
          %select_n3A_454 = arith.select %or3A_451, %add3A_453, %while3A_206 : i32
          %ne3A_455 = arith.cmpi ne, %add3A_221, %add3A_239 : i32
          %or3A_456 = arith.constant false
          %or3A_457 = arith.ori %or3A_456, %ne3A_455 : i1
          %or3A_458 = arith.ori %or3A_457, %eq3A_220 : i1
          %add3A_459 = arith.constant 1 : i32
          %add3A_460 = arith.addi %while3A_208, %add3A_459 : i32
          %select_n3A_461 = arith.select %or3A_458, %add3A_460, %while3A_208 : i32
          %ne3A_462 = arith.cmpi ne, %add3A_221, %add3A_239 : i32
          %or3A_463 = arith.constant false
          %or3A_464 = arith.ori %or3A_463, %ne3A_462 : i1
          %or3A_465 = arith.ori %or3A_464, %eq3A_220 : i1
          %add3A_466 = arith.constant 1 : i32
          %add3A_467 = arith.addi %while3A_210, %add3A_466 : i32
          %select_n3A_468 = arith.select %or3A_465, %add3A_467, %while3A_210 : i32
          %add3A_469 = arith.constant 1 : i32
          %add3A_470 = arith.addi %while3A_213, %add3A_469 : i32
          %select_n3A_471 = arith.constant true
          %select_n3A_472 = arith.select %select_n3A_471, %add3A_470, %while3A_213 : i32
          %eq3A_473 = arith.cmpi eq, %select_n3A_472, %select_n3A : i32
          %select_n3A_474 = arith.constant 0 : i32
          %select_n3A_475 = arith.select %eq3A_473, %select_n3A_474, %select_n3A_472 : i32
          scf.yield %select_n3A_261, %select_n3A_454, %select_n3A_280, %select_n3A_461, %select_n3A_299, %select_n3A_468, %select_n3A_398, %select_n3A_447, %select_n3A_475 : i32, i32, i32, i32, i32, i32, i32, i32, i32
        }
        %sub3A_147 = arith.constant 1 : i32
        %sub3A_148 = arith.subi %while3A_146#8, %sub3A_147 : i32
        %select_n3A_149 = arith.constant true
        %select_n3A_150 = arith.select %select_n3A_149, %sub3A_148, %while3A_146#8 : i32
        %eq3A_151 = arith.constant -1 : i32
        %eq3A_152 = arith.cmpi eq, %select_n3A_150, %eq3A_151 : i32
        %sub3A_153 = arith.constant 1 : i32
        %sub3A_154 = arith.subi %select_n3A, %sub3A_153 : i32
        %select_n3A_155 = arith.select %eq3A_152, %sub3A_154, %select_n3A_150 : i32
        %sub3A_156 = arith.constant 1 : i32
        %sub3A_157 = arith.subi %mul3A_16, %sub3A_156 : i32
        %mul3A_158 = arith.constant 1 : i32
        %mul3A_159 = arith.muli %mul3A_158, %select_n3A : i32
        %eq3A_160 = arith.constant 0 : i32
        %eq3A_161 = arith.cmpi eq, %sub3A_157, %eq3A_160 : i32
        %sub3A_162 = arith.constant 1 : i32
        %sub3A_163 = arith.subi %mul3A_159, %sub3A_162 : i32
        %eq3A_164 = arith.cmpi eq, %sub3A_157, %sub3A_163 : i32
        %add3A_165 = arith.addi %select_n3A_155, %select_n3A_14 : i32
        %sub3A_166 = arith.constant 1 : i32
        %sub3A_167 = arith.subi %select_n3A_155, %sub3A_166 : i32
        %select_n3A_168 = arith.constant true
        %select_n3A_169 = arith.select %select_n3A_168, %sub3A_167, %select_n3A_155 : i32
        %eq3A_170 = arith.constant -1 : i32
        %eq3A_171 = arith.cmpi eq, %select_n3A_169, %eq3A_170 : i32
        %sub3A_172 = arith.constant 1 : i32
        %sub3A_173 = arith.subi %select_n3A, %sub3A_172 : i32
        %select_n3A_174 = arith.select %eq3A_171, %sub3A_173, %select_n3A_169 : i32
        %add3A_175 = arith.addi %select_n3A_174, %select_n3A_14 : i32
        %add3A_176 = arith.constant 1 : i32
        %add3A_177 = arith.addi %select_n3A_155, %add3A_176 : i32
        %select_n3A_178 = arith.constant true
        %select_n3A_179 = arith.select %select_n3A_178, %add3A_177, %select_n3A_155 : i32
        %eq3A_180 = arith.cmpi eq, %select_n3A_179, %select_n3A : i32
        %select_n3A_181 = arith.constant 0 : i32
        %select_n3A_182 = arith.select %eq3A_180, %select_n3A_181, %select_n3A_179 : i32
        %add3A_183 = arith.addi %select_n3A_182, %select_n3A_14 : i32
        %add3A_184 = arith.constant 1 : i32
        %add3A_185 = arith.addi %select_n3A_182, %add3A_184 : i32
        %select_n3A_186 = arith.constant true
        %select_n3A_187 = arith.select %select_n3A_186, %add3A_185, %select_n3A_182 : i32
        %eq3A_188 = arith.cmpi eq, %select_n3A_187, %select_n3A : i32
        %select_n3A_189 = arith.constant 0 : i32
        %select_n3A_190 = arith.select %eq3A_188, %select_n3A_189, %select_n3A_187 : i32
        %add3A_191 = arith.addi %select_n3A_190, %select_n3A_14 : i32
        %convert_element_type3A_192 = arith.extui %eq3A_164 : i1 to i32
        %cond3A_193 = arith.constant 0 : i32
        %cond3A_194 = arith.cmpi ne, %convert_element_type3A_192, %cond3A_193 : i32
        scf.if %cond3A_194 {
        } else {
        }
        %convert_element_type3A_195 = arith.extui %eq3A_164 : i1 to i32
        %cond3A_196 = arith.constant 0 : i32
        %cond3A_197 = arith.cmpi ne, %convert_element_type3A_195, %cond3A_196 : i32
        scf.if %cond3A_197 {
        } else {
        }
        %convert_element_type3A_198 = arith.extui %eq3A_164 : i1 to i32
        %cond3A_199 = arith.constant 0 : i32
        %cond3A_200 = arith.cmpi ne, %convert_element_type3A_198, %cond3A_199 : i32
        scf.if %cond3A_200 {
        } else {
        }
        %convert_element_type3A_201 = arith.extui %eq3A_164 : i1 to i32
        %cond3A_202 = arith.constant 0 : i32
        %cond3A_203 = arith.cmpi ne, %convert_element_type3A_201, %cond3A_202 : i32
        scf.if %cond3A_203 {
          "tpu.trace_start"() <{level = 10 : i32, message = "ep_finalize"}> : () -> ()
          %rem3A_204 = arith.constant 2 : i32
          %rem3A_205 = arith.remui %while3A_146#7, %rem3A_204 : i32
          %mul3A_206 = arith.constant 128 : i32
          %mul3A_207 = arith.muli %mul3A_206, %add3A_165 : i32
          %dma_wait3A = arith.constant 0 : i32
          %dma_wait3A_208 = arith.constant 0 : i32
          %dma_wait3A_209 = tpu.memref_slice %run_scoped3A_22[%rem3A_205, %dma_wait3A, %dma_wait3A_208] : memref<2x128x16xf32, #tpu.memory_space<vmem>> -> memref<1x128x16xf32, #tpu.memory_space<vmem>>
          %dma_wait3A_210 = tpu.memref_squeeze %dma_wait3A_209 : memref<1x128x16xf32, #tpu.memory_space<vmem>> -> memref<128x16xf32, #tpu.memory_space<vmem>>
          %dma_wait3A_211 = arith.constant 0 : i32
          %dma_wait3A_212 = tpu.memref_slice %arg6[%mul3A_207, %dma_wait3A_211] : memref<10240x16xf32, #tpu.memory_space<hbm>> -> memref<128x16xf32, #tpu.memory_space<hbm>>
          %dma_wait3A_213 = tpu.memref_slice %run_scoped3A_23[%rem3A_205] : memref<2x!tpu.dma_semaphore, #tpu.memory_space<semaphore_mem>> -> memref<1x!tpu.dma_semaphore, #tpu.memory_space<semaphore_mem>>
          %dma_wait3A_214 = tpu.memref_squeeze %dma_wait3A_213 : memref<1x!tpu.dma_semaphore, #tpu.memory_space<semaphore_mem>> -> memref<!tpu.dma_semaphore, #tpu.memory_space<semaphore_mem>>
          %dma_wait3A_215 = arith.constant 0 : i32
          %dma_wait3A_216 = tpu.memref_slice %arg6[%mul3A_207, %dma_wait3A_215] : memref<10240x16xf32, #tpu.memory_space<hbm>> -> memref<128x16xf32, #tpu.memory_space<hbm>>
          %dma_wait3A_217 = arith.constant 0 : i32
          %dma_wait3A_218 = arith.constant 0 : i32
          %dma_wait3A_219 = tpu.memref_slice %run_scoped3A_22[%rem3A_205, %dma_wait3A_217, %dma_wait3A_218] : memref<2x128x16xf32, #tpu.memory_space<vmem>> -> memref<1x128x16xf32, #tpu.memory_space<vmem>>
          %dma_wait3A_220 = tpu.memref_squeeze %dma_wait3A_219 : memref<1x128x16xf32, #tpu.memory_space<vmem>> -> memref<128x16xf32, #tpu.memory_space<vmem>>
          tpu.wait_dma2 semaphore(%dma_wait3A_214 : memref<!tpu.dma_semaphore, #tpu.memory_space<semaphore_mem>>) src(%dma_wait3A_220 : memref<128x16xf32, #tpu.memory_space<vmem>>) dst(%dma_wait3A_216 : memref<128x16xf32, #tpu.memory_space<hbm>>)
          "tpu.trace_stop"() : () -> ()
        } else {
        }
      } else {
      }
      tpu.yield
    }) : () -> ()
    return
  }
}

module attributes {stable_mosaic.version = 14 : i64} {
  func.func @_nn_kernel(%arg0: i32, %arg1: memref<1024x8xf32, #tpu.memory_space<vmem>>, %arg2: memref<8x10240xf32, #tpu.memory_space<vmem>>, %arg3: memref<8x128xf32, #tpu.memory_space<vmem>>, %arg4: memref<2xf32, #tpu.memory_space<smem>>) attributes {dimension_semantics = [#tpu.dimension_semantics<arbitrary>], iteration_bounds = array<i64: 5>, scalar_prefetch = 0 : i64, scratch_operands = 1 : i64, tpu.core_type = #tpu.core_type<tc>, window_params = [{transform_indices = @transform_0, window_bounds = array<i64: 1024, 8>}, {pipeline_mode = #tpu.pipeline_mode<synchronous>, transform_indices = @transform_1, window_bounds = array<i64: 8, 10240>}, {pipeline_mode = #tpu.pipeline_mode<synchronous>, transform_indices = @transform_2, window_bounds = array<i64: 8, 128>}]} {
    %eq3A = arith.constant 0 : i32
    %eq3A_0 = arith.cmpi eq, %arg0, %eq3A : i32
    %convert_element_type3A = arith.extui %eq3A_0 : i1 to i32
    %cond3A = arith.constant 0 : i32
    %cond3A_1 = arith.cmpi ne, %convert_element_type3A, %cond3A : i32
    scf.if %cond3A_1 {
      %swap3A_322 = arith.constant 0.000000e+00 : f32
      %swap3A_323 = arith.constant 0 : index
      %swap3A_324 = memref.load %arg4[%swap3A_323] : memref<2xf32, #tpu.memory_space<smem>>
      memref.store %swap3A_322, %arg4[%swap3A_323] : memref<2xf32, #tpu.memory_space<smem>>
      %swap3A_325 = arith.constant 0.000000e+00 : f32
      %swap3A_326 = arith.constant 1 : index
      %swap3A_327 = memref.load %arg4[%swap3A_326] : memref<2xf32, #tpu.memory_space<smem>>
      memref.store %swap3A_325, %arg4[%swap3A_326] : memref<2xf32, #tpu.memory_space<smem>>
    } else {
    }
    %get3A = arith.constant 0 : index
    %get3A_2 = arith.constant 0 : index
    %get3A_3 = vector.load %arg1[%get3A, %get3A_2] : memref<1024x8xf32, #tpu.memory_space<vmem>>, vector<1024x1xf32>
    %get3A_4 = arith.constant 0 : index
    %get3A_5 = arith.constant 1 : index
    %get3A_6 = vector.load %arg1[%get3A_4, %get3A_5] : memref<1024x8xf32, #tpu.memory_space<vmem>>, vector<1024x1xf32>
    %get3A_7 = arith.constant 0 : index
    %get3A_8 = arith.constant 2 : index
    %get3A_9 = vector.load %arg1[%get3A_7, %get3A_8] : memref<1024x8xf32, #tpu.memory_space<vmem>>, vector<1024x1xf32>
    %get3A_10 = arith.constant 0 : index
    %get3A_11 = arith.constant 3 : index
    %get3A_12 = vector.load %arg1[%get3A_10, %get3A_11] : memref<1024x8xf32, #tpu.memory_space<vmem>>, vector<1024x1xf32>
    %mul3A = arith.mulf %get3A_3, %get3A_3 : vector<1024x1xf32>
    %mul3A_13 = arith.mulf %get3A_6, %get3A_6 : vector<1024x1xf32>
    %add3A = arith.addf %mul3A, %mul3A_13 : vector<1024x1xf32>
    %mul3A_14 = arith.mulf %get3A_9, %get3A_9 : vector<1024x1xf32>
    %add3A_15 = arith.addf %add3A, %mul3A_14 : vector<1024x1xf32>
    %broadcast_in_dim3A = arith.constant 3.400000e+37 : f32
    %broadcast_in_dim3A_16 = vector.broadcast %broadcast_in_dim3A : f32 to vector<1024x1xf32>
    %get3A_17 = arith.constant 0 : index
    %get3A_18 = arith.constant 0 : index
    %get3A_19 = vector.load %arg2[%get3A_17, %get3A_18] : memref<8x10240xf32, #tpu.memory_space<vmem>>, vector<1x1024xf32>
    %get3A_20 = arith.constant 1 : index
    %get3A_21 = arith.constant 0 : index
    %get3A_22 = vector.load %arg2[%get3A_20, %get3A_21] : memref<8x10240xf32, #tpu.memory_space<vmem>>, vector<1x1024xf32>
    %get3A_23 = arith.constant 2 : index
    %get3A_24 = arith.constant 0 : index
    %get3A_25 = vector.load %arg2[%get3A_23, %get3A_24] : memref<8x10240xf32, #tpu.memory_space<vmem>>, vector<1x1024xf32>
    %get3A_26 = arith.constant 3 : index
    %get3A_27 = arith.constant 0 : index
    %get3A_28 = vector.load %arg2[%get3A_26, %get3A_27] : memref<8x10240xf32, #tpu.memory_space<vmem>>, vector<1x1024xf32>
    %mul3A_29 = vector.broadcast %get3A_3 : vector<1024x1xf32> to vector<1024x1024xf32>
    %mul3A_30 = vector.broadcast %get3A_19 : vector<1x1024xf32> to vector<1024x1024xf32>
    %mul3A_31 = arith.mulf %mul3A_29, %mul3A_30 : vector<1024x1024xf32>
    %add3A_32 = vector.broadcast %get3A_28 : vector<1x1024xf32> to vector<1024x1024xf32>
    %add3A_33 = arith.addf %add3A_32, %mul3A_31 : vector<1024x1024xf32>
    %mul3A_34 = vector.broadcast %get3A_6 : vector<1024x1xf32> to vector<1024x1024xf32>
    %mul3A_35 = vector.broadcast %get3A_22 : vector<1x1024xf32> to vector<1024x1024xf32>
    %mul3A_36 = arith.mulf %mul3A_34, %mul3A_35 : vector<1024x1024xf32>
    %add3A_37 = arith.addf %add3A_33, %mul3A_36 : vector<1024x1024xf32>
    %mul3A_38 = vector.broadcast %get3A_9 : vector<1024x1xf32> to vector<1024x1024xf32>
    %mul3A_39 = vector.broadcast %get3A_25 : vector<1x1024xf32> to vector<1024x1024xf32>
    %mul3A_40 = arith.mulf %mul3A_38, %mul3A_39 : vector<1024x1024xf32>
    %add3A_41 = arith.addf %add3A_37, %mul3A_40 : vector<1024x1024xf32>
    %reduce_min3A = arith.constant dense<0x7F800000> : vector<1024xf32>
    %reduce_min3A_42 = vector.multi_reduction <minimumf>, %add3A_41, %reduce_min3A [1] : vector<1024x1024xf32> to vector<1024xf32>
    %broadcast_in_dim3A_43 = vector.shape_cast %reduce_min3A_42 : vector<1024xf32> to vector<1024x1xf32>
    %min3A = arith.minimumf %broadcast_in_dim3A_16, %broadcast_in_dim3A_43 : vector<1024x1xf32>
    %get3A_44 = arith.constant 0 : index
    %get3A_45 = arith.constant 1024 : index
    %get3A_46 = vector.load %arg2[%get3A_44, %get3A_45] : memref<8x10240xf32, #tpu.memory_space<vmem>>, vector<1x1024xf32>
    %get3A_47 = arith.constant 1 : index
    %get3A_48 = arith.constant 1024 : index
    %get3A_49 = vector.load %arg2[%get3A_47, %get3A_48] : memref<8x10240xf32, #tpu.memory_space<vmem>>, vector<1x1024xf32>
    %get3A_50 = arith.constant 2 : index
    %get3A_51 = arith.constant 1024 : index
    %get3A_52 = vector.load %arg2[%get3A_50, %get3A_51] : memref<8x10240xf32, #tpu.memory_space<vmem>>, vector<1x1024xf32>
    %get3A_53 = arith.constant 3 : index
    %get3A_54 = arith.constant 1024 : index
    %get3A_55 = vector.load %arg2[%get3A_53, %get3A_54] : memref<8x10240xf32, #tpu.memory_space<vmem>>, vector<1x1024xf32>
    %mul3A_56 = vector.broadcast %get3A_3 : vector<1024x1xf32> to vector<1024x1024xf32>
    %mul3A_57 = vector.broadcast %get3A_46 : vector<1x1024xf32> to vector<1024x1024xf32>
    %mul3A_58 = arith.mulf %mul3A_56, %mul3A_57 : vector<1024x1024xf32>
    %add3A_59 = vector.broadcast %get3A_55 : vector<1x1024xf32> to vector<1024x1024xf32>
    %add3A_60 = arith.addf %add3A_59, %mul3A_58 : vector<1024x1024xf32>
    %mul3A_61 = vector.broadcast %get3A_6 : vector<1024x1xf32> to vector<1024x1024xf32>
    %mul3A_62 = vector.broadcast %get3A_49 : vector<1x1024xf32> to vector<1024x1024xf32>
    %mul3A_63 = arith.mulf %mul3A_61, %mul3A_62 : vector<1024x1024xf32>
    %add3A_64 = arith.addf %add3A_60, %mul3A_63 : vector<1024x1024xf32>
    %mul3A_65 = vector.broadcast %get3A_9 : vector<1024x1xf32> to vector<1024x1024xf32>
    %mul3A_66 = vector.broadcast %get3A_52 : vector<1x1024xf32> to vector<1024x1024xf32>
    %mul3A_67 = arith.mulf %mul3A_65, %mul3A_66 : vector<1024x1024xf32>
    %add3A_68 = arith.addf %add3A_64, %mul3A_67 : vector<1024x1024xf32>
    %reduce_min3A_69 = arith.constant dense<0x7F800000> : vector<1024xf32>
    %reduce_min3A_70 = vector.multi_reduction <minimumf>, %add3A_68, %reduce_min3A_69 [1] : vector<1024x1024xf32> to vector<1024xf32>
    %broadcast_in_dim3A_71 = vector.shape_cast %reduce_min3A_70 : vector<1024xf32> to vector<1024x1xf32>
    %min3A_72 = arith.minimumf %min3A, %broadcast_in_dim3A_71 : vector<1024x1xf32>
    %get3A_73 = arith.constant 0 : index
    %get3A_74 = arith.constant 2048 : index
    %get3A_75 = vector.load %arg2[%get3A_73, %get3A_74] : memref<8x10240xf32, #tpu.memory_space<vmem>>, vector<1x1024xf32>
    %get3A_76 = arith.constant 1 : index
    %get3A_77 = arith.constant 2048 : index
    %get3A_78 = vector.load %arg2[%get3A_76, %get3A_77] : memref<8x10240xf32, #tpu.memory_space<vmem>>, vector<1x1024xf32>
    %get3A_79 = arith.constant 2 : index
    %get3A_80 = arith.constant 2048 : index
    %get3A_81 = vector.load %arg2[%get3A_79, %get3A_80] : memref<8x10240xf32, #tpu.memory_space<vmem>>, vector<1x1024xf32>
    %get3A_82 = arith.constant 3 : index
    %get3A_83 = arith.constant 2048 : index
    %get3A_84 = vector.load %arg2[%get3A_82, %get3A_83] : memref<8x10240xf32, #tpu.memory_space<vmem>>, vector<1x1024xf32>
    %mul3A_85 = vector.broadcast %get3A_3 : vector<1024x1xf32> to vector<1024x1024xf32>
    %mul3A_86 = vector.broadcast %get3A_75 : vector<1x1024xf32> to vector<1024x1024xf32>
    %mul3A_87 = arith.mulf %mul3A_85, %mul3A_86 : vector<1024x1024xf32>
    %add3A_88 = vector.broadcast %get3A_84 : vector<1x1024xf32> to vector<1024x1024xf32>
    %add3A_89 = arith.addf %add3A_88, %mul3A_87 : vector<1024x1024xf32>
    %mul3A_90 = vector.broadcast %get3A_6 : vector<1024x1xf32> to vector<1024x1024xf32>
    %mul3A_91 = vector.broadcast %get3A_78 : vector<1x1024xf32> to vector<1024x1024xf32>
    %mul3A_92 = arith.mulf %mul3A_90, %mul3A_91 : vector<1024x1024xf32>
    %add3A_93 = arith.addf %add3A_89, %mul3A_92 : vector<1024x1024xf32>
    %mul3A_94 = vector.broadcast %get3A_9 : vector<1024x1xf32> to vector<1024x1024xf32>
    %mul3A_95 = vector.broadcast %get3A_81 : vector<1x1024xf32> to vector<1024x1024xf32>
    %mul3A_96 = arith.mulf %mul3A_94, %mul3A_95 : vector<1024x1024xf32>
    %add3A_97 = arith.addf %add3A_93, %mul3A_96 : vector<1024x1024xf32>
    %reduce_min3A_98 = arith.constant dense<0x7F800000> : vector<1024xf32>
    %reduce_min3A_99 = vector.multi_reduction <minimumf>, %add3A_97, %reduce_min3A_98 [1] : vector<1024x1024xf32> to vector<1024xf32>
    %broadcast_in_dim3A_100 = vector.shape_cast %reduce_min3A_99 : vector<1024xf32> to vector<1024x1xf32>
    %min3A_101 = arith.minimumf %min3A_72, %broadcast_in_dim3A_100 : vector<1024x1xf32>
    %get3A_102 = arith.constant 0 : index
    %get3A_103 = arith.constant 3072 : index
    %get3A_104 = vector.load %arg2[%get3A_102, %get3A_103] : memref<8x10240xf32, #tpu.memory_space<vmem>>, vector<1x1024xf32>
    %get3A_105 = arith.constant 1 : index
    %get3A_106 = arith.constant 3072 : index
    %get3A_107 = vector.load %arg2[%get3A_105, %get3A_106] : memref<8x10240xf32, #tpu.memory_space<vmem>>, vector<1x1024xf32>
    %get3A_108 = arith.constant 2 : index
    %get3A_109 = arith.constant 3072 : index
    %get3A_110 = vector.load %arg2[%get3A_108, %get3A_109] : memref<8x10240xf32, #tpu.memory_space<vmem>>, vector<1x1024xf32>
    %get3A_111 = arith.constant 3 : index
    %get3A_112 = arith.constant 3072 : index
    %get3A_113 = vector.load %arg2[%get3A_111, %get3A_112] : memref<8x10240xf32, #tpu.memory_space<vmem>>, vector<1x1024xf32>
    %mul3A_114 = vector.broadcast %get3A_3 : vector<1024x1xf32> to vector<1024x1024xf32>
    %mul3A_115 = vector.broadcast %get3A_104 : vector<1x1024xf32> to vector<1024x1024xf32>
    %mul3A_116 = arith.mulf %mul3A_114, %mul3A_115 : vector<1024x1024xf32>
    %add3A_117 = vector.broadcast %get3A_113 : vector<1x1024xf32> to vector<1024x1024xf32>
    %add3A_118 = arith.addf %add3A_117, %mul3A_116 : vector<1024x1024xf32>
    %mul3A_119 = vector.broadcast %get3A_6 : vector<1024x1xf32> to vector<1024x1024xf32>
    %mul3A_120 = vector.broadcast %get3A_107 : vector<1x1024xf32> to vector<1024x1024xf32>
    %mul3A_121 = arith.mulf %mul3A_119, %mul3A_120 : vector<1024x1024xf32>
    %add3A_122 = arith.addf %add3A_118, %mul3A_121 : vector<1024x1024xf32>
    %mul3A_123 = vector.broadcast %get3A_9 : vector<1024x1xf32> to vector<1024x1024xf32>
    %mul3A_124 = vector.broadcast %get3A_110 : vector<1x1024xf32> to vector<1024x1024xf32>
    %mul3A_125 = arith.mulf %mul3A_123, %mul3A_124 : vector<1024x1024xf32>
    %add3A_126 = arith.addf %add3A_122, %mul3A_125 : vector<1024x1024xf32>
    %reduce_min3A_127 = arith.constant dense<0x7F800000> : vector<1024xf32>
    %reduce_min3A_128 = vector.multi_reduction <minimumf>, %add3A_126, %reduce_min3A_127 [1] : vector<1024x1024xf32> to vector<1024xf32>
    %broadcast_in_dim3A_129 = vector.shape_cast %reduce_min3A_128 : vector<1024xf32> to vector<1024x1xf32>
    %min3A_130 = arith.minimumf %min3A_101, %broadcast_in_dim3A_129 : vector<1024x1xf32>
    %get3A_131 = arith.constant 0 : index
    %get3A_132 = arith.constant 4096 : index
    %get3A_133 = vector.load %arg2[%get3A_131, %get3A_132] : memref<8x10240xf32, #tpu.memory_space<vmem>>, vector<1x1024xf32>
    %get3A_134 = arith.constant 1 : index
    %get3A_135 = arith.constant 4096 : index
    %get3A_136 = vector.load %arg2[%get3A_134, %get3A_135] : memref<8x10240xf32, #tpu.memory_space<vmem>>, vector<1x1024xf32>
    %get3A_137 = arith.constant 2 : index
    %get3A_138 = arith.constant 4096 : index
    %get3A_139 = vector.load %arg2[%get3A_137, %get3A_138] : memref<8x10240xf32, #tpu.memory_space<vmem>>, vector<1x1024xf32>
    %get3A_140 = arith.constant 3 : index
    %get3A_141 = arith.constant 4096 : index
    %get3A_142 = vector.load %arg2[%get3A_140, %get3A_141] : memref<8x10240xf32, #tpu.memory_space<vmem>>, vector<1x1024xf32>
    %mul3A_143 = vector.broadcast %get3A_3 : vector<1024x1xf32> to vector<1024x1024xf32>
    %mul3A_144 = vector.broadcast %get3A_133 : vector<1x1024xf32> to vector<1024x1024xf32>
    %mul3A_145 = arith.mulf %mul3A_143, %mul3A_144 : vector<1024x1024xf32>
    %add3A_146 = vector.broadcast %get3A_142 : vector<1x1024xf32> to vector<1024x1024xf32>
    %add3A_147 = arith.addf %add3A_146, %mul3A_145 : vector<1024x1024xf32>
    %mul3A_148 = vector.broadcast %get3A_6 : vector<1024x1xf32> to vector<1024x1024xf32>
    %mul3A_149 = vector.broadcast %get3A_136 : vector<1x1024xf32> to vector<1024x1024xf32>
    %mul3A_150 = arith.mulf %mul3A_148, %mul3A_149 : vector<1024x1024xf32>
    %add3A_151 = arith.addf %add3A_147, %mul3A_150 : vector<1024x1024xf32>
    %mul3A_152 = vector.broadcast %get3A_9 : vector<1024x1xf32> to vector<1024x1024xf32>
    %mul3A_153 = vector.broadcast %get3A_139 : vector<1x1024xf32> to vector<1024x1024xf32>
    %mul3A_154 = arith.mulf %mul3A_152, %mul3A_153 : vector<1024x1024xf32>
    %add3A_155 = arith.addf %add3A_151, %mul3A_154 : vector<1024x1024xf32>
    %reduce_min3A_156 = arith.constant dense<0x7F800000> : vector<1024xf32>
    %reduce_min3A_157 = vector.multi_reduction <minimumf>, %add3A_155, %reduce_min3A_156 [1] : vector<1024x1024xf32> to vector<1024xf32>
    %broadcast_in_dim3A_158 = vector.shape_cast %reduce_min3A_157 : vector<1024xf32> to vector<1024x1xf32>
    %min3A_159 = arith.minimumf %min3A_130, %broadcast_in_dim3A_158 : vector<1024x1xf32>
    %get3A_160 = arith.constant 0 : index
    %get3A_161 = arith.constant 5120 : index
    %get3A_162 = vector.load %arg2[%get3A_160, %get3A_161] : memref<8x10240xf32, #tpu.memory_space<vmem>>, vector<1x1024xf32>
    %get3A_163 = arith.constant 1 : index
    %get3A_164 = arith.constant 5120 : index
    %get3A_165 = vector.load %arg2[%get3A_163, %get3A_164] : memref<8x10240xf32, #tpu.memory_space<vmem>>, vector<1x1024xf32>
    %get3A_166 = arith.constant 2 : index
    %get3A_167 = arith.constant 5120 : index
    %get3A_168 = vector.load %arg2[%get3A_166, %get3A_167] : memref<8x10240xf32, #tpu.memory_space<vmem>>, vector<1x1024xf32>
    %get3A_169 = arith.constant 3 : index
    %get3A_170 = arith.constant 5120 : index
    %get3A_171 = vector.load %arg2[%get3A_169, %get3A_170] : memref<8x10240xf32, #tpu.memory_space<vmem>>, vector<1x1024xf32>
    %mul3A_172 = vector.broadcast %get3A_3 : vector<1024x1xf32> to vector<1024x1024xf32>
    %mul3A_173 = vector.broadcast %get3A_162 : vector<1x1024xf32> to vector<1024x1024xf32>
    %mul3A_174 = arith.mulf %mul3A_172, %mul3A_173 : vector<1024x1024xf32>
    %add3A_175 = vector.broadcast %get3A_171 : vector<1x1024xf32> to vector<1024x1024xf32>
    %add3A_176 = arith.addf %add3A_175, %mul3A_174 : vector<1024x1024xf32>
    %mul3A_177 = vector.broadcast %get3A_6 : vector<1024x1xf32> to vector<1024x1024xf32>
    %mul3A_178 = vector.broadcast %get3A_165 : vector<1x1024xf32> to vector<1024x1024xf32>
    %mul3A_179 = arith.mulf %mul3A_177, %mul3A_178 : vector<1024x1024xf32>
    %add3A_180 = arith.addf %add3A_176, %mul3A_179 : vector<1024x1024xf32>
    %mul3A_181 = vector.broadcast %get3A_9 : vector<1024x1xf32> to vector<1024x1024xf32>
    %mul3A_182 = vector.broadcast %get3A_168 : vector<1x1024xf32> to vector<1024x1024xf32>
    %mul3A_183 = arith.mulf %mul3A_181, %mul3A_182 : vector<1024x1024xf32>
    %add3A_184 = arith.addf %add3A_180, %mul3A_183 : vector<1024x1024xf32>
    %reduce_min3A_185 = arith.constant dense<0x7F800000> : vector<1024xf32>
    %reduce_min3A_186 = vector.multi_reduction <minimumf>, %add3A_184, %reduce_min3A_185 [1] : vector<1024x1024xf32> to vector<1024xf32>
    %broadcast_in_dim3A_187 = vector.shape_cast %reduce_min3A_186 : vector<1024xf32> to vector<1024x1xf32>
    %min3A_188 = arith.minimumf %min3A_159, %broadcast_in_dim3A_187 : vector<1024x1xf32>
    %get3A_189 = arith.constant 0 : index
    %get3A_190 = arith.constant 6144 : index
    %get3A_191 = vector.load %arg2[%get3A_189, %get3A_190] : memref<8x10240xf32, #tpu.memory_space<vmem>>, vector<1x1024xf32>
    %get3A_192 = arith.constant 1 : index
    %get3A_193 = arith.constant 6144 : index
    %get3A_194 = vector.load %arg2[%get3A_192, %get3A_193] : memref<8x10240xf32, #tpu.memory_space<vmem>>, vector<1x1024xf32>
    %get3A_195 = arith.constant 2 : index
    %get3A_196 = arith.constant 6144 : index
    %get3A_197 = vector.load %arg2[%get3A_195, %get3A_196] : memref<8x10240xf32, #tpu.memory_space<vmem>>, vector<1x1024xf32>
    %get3A_198 = arith.constant 3 : index
    %get3A_199 = arith.constant 6144 : index
    %get3A_200 = vector.load %arg2[%get3A_198, %get3A_199] : memref<8x10240xf32, #tpu.memory_space<vmem>>, vector<1x1024xf32>
    %mul3A_201 = vector.broadcast %get3A_3 : vector<1024x1xf32> to vector<1024x1024xf32>
    %mul3A_202 = vector.broadcast %get3A_191 : vector<1x1024xf32> to vector<1024x1024xf32>
    %mul3A_203 = arith.mulf %mul3A_201, %mul3A_202 : vector<1024x1024xf32>
    %add3A_204 = vector.broadcast %get3A_200 : vector<1x1024xf32> to vector<1024x1024xf32>
    %add3A_205 = arith.addf %add3A_204, %mul3A_203 : vector<1024x1024xf32>
    %mul3A_206 = vector.broadcast %get3A_6 : vector<1024x1xf32> to vector<1024x1024xf32>
    %mul3A_207 = vector.broadcast %get3A_194 : vector<1x1024xf32> to vector<1024x1024xf32>
    %mul3A_208 = arith.mulf %mul3A_206, %mul3A_207 : vector<1024x1024xf32>
    %add3A_209 = arith.addf %add3A_205, %mul3A_208 : vector<1024x1024xf32>
    %mul3A_210 = vector.broadcast %get3A_9 : vector<1024x1xf32> to vector<1024x1024xf32>
    %mul3A_211 = vector.broadcast %get3A_197 : vector<1x1024xf32> to vector<1024x1024xf32>
    %mul3A_212 = arith.mulf %mul3A_210, %mul3A_211 : vector<1024x1024xf32>
    %add3A_213 = arith.addf %add3A_209, %mul3A_212 : vector<1024x1024xf32>
    %reduce_min3A_214 = arith.constant dense<0x7F800000> : vector<1024xf32>
    %reduce_min3A_215 = vector.multi_reduction <minimumf>, %add3A_213, %reduce_min3A_214 [1] : vector<1024x1024xf32> to vector<1024xf32>
    %broadcast_in_dim3A_216 = vector.shape_cast %reduce_min3A_215 : vector<1024xf32> to vector<1024x1xf32>
    %min3A_217 = arith.minimumf %min3A_188, %broadcast_in_dim3A_216 : vector<1024x1xf32>
    %get3A_218 = arith.constant 0 : index
    %get3A_219 = arith.constant 7168 : index
    %get3A_220 = vector.load %arg2[%get3A_218, %get3A_219] : memref<8x10240xf32, #tpu.memory_space<vmem>>, vector<1x1024xf32>
    %get3A_221 = arith.constant 1 : index
    %get3A_222 = arith.constant 7168 : index
    %get3A_223 = vector.load %arg2[%get3A_221, %get3A_222] : memref<8x10240xf32, #tpu.memory_space<vmem>>, vector<1x1024xf32>
    %get3A_224 = arith.constant 2 : index
    %get3A_225 = arith.constant 7168 : index
    %get3A_226 = vector.load %arg2[%get3A_224, %get3A_225] : memref<8x10240xf32, #tpu.memory_space<vmem>>, vector<1x1024xf32>
    %get3A_227 = arith.constant 3 : index
    %get3A_228 = arith.constant 7168 : index
    %get3A_229 = vector.load %arg2[%get3A_227, %get3A_228] : memref<8x10240xf32, #tpu.memory_space<vmem>>, vector<1x1024xf32>
    %mul3A_230 = vector.broadcast %get3A_3 : vector<1024x1xf32> to vector<1024x1024xf32>
    %mul3A_231 = vector.broadcast %get3A_220 : vector<1x1024xf32> to vector<1024x1024xf32>
    %mul3A_232 = arith.mulf %mul3A_230, %mul3A_231 : vector<1024x1024xf32>
    %add3A_233 = vector.broadcast %get3A_229 : vector<1x1024xf32> to vector<1024x1024xf32>
    %add3A_234 = arith.addf %add3A_233, %mul3A_232 : vector<1024x1024xf32>
    %mul3A_235 = vector.broadcast %get3A_6 : vector<1024x1xf32> to vector<1024x1024xf32>
    %mul3A_236 = vector.broadcast %get3A_223 : vector<1x1024xf32> to vector<1024x1024xf32>
    %mul3A_237 = arith.mulf %mul3A_235, %mul3A_236 : vector<1024x1024xf32>
    %add3A_238 = arith.addf %add3A_234, %mul3A_237 : vector<1024x1024xf32>
    %mul3A_239 = vector.broadcast %get3A_9 : vector<1024x1xf32> to vector<1024x1024xf32>
    %mul3A_240 = vector.broadcast %get3A_226 : vector<1x1024xf32> to vector<1024x1024xf32>
    %mul3A_241 = arith.mulf %mul3A_239, %mul3A_240 : vector<1024x1024xf32>
    %add3A_242 = arith.addf %add3A_238, %mul3A_241 : vector<1024x1024xf32>
    %reduce_min3A_243 = arith.constant dense<0x7F800000> : vector<1024xf32>
    %reduce_min3A_244 = vector.multi_reduction <minimumf>, %add3A_242, %reduce_min3A_243 [1] : vector<1024x1024xf32> to vector<1024xf32>
    %broadcast_in_dim3A_245 = vector.shape_cast %reduce_min3A_244 : vector<1024xf32> to vector<1024x1xf32>
    %min3A_246 = arith.minimumf %min3A_217, %broadcast_in_dim3A_245 : vector<1024x1xf32>
    %get3A_247 = arith.constant 0 : index
    %get3A_248 = arith.constant 8192 : index
    %get3A_249 = vector.load %arg2[%get3A_247, %get3A_248] : memref<8x10240xf32, #tpu.memory_space<vmem>>, vector<1x1024xf32>
    %get3A_250 = arith.constant 1 : index
    %get3A_251 = arith.constant 8192 : index
    %get3A_252 = vector.load %arg2[%get3A_250, %get3A_251] : memref<8x10240xf32, #tpu.memory_space<vmem>>, vector<1x1024xf32>
    %get3A_253 = arith.constant 2 : index
    %get3A_254 = arith.constant 8192 : index
    %get3A_255 = vector.load %arg2[%get3A_253, %get3A_254] : memref<8x10240xf32, #tpu.memory_space<vmem>>, vector<1x1024xf32>
    %get3A_256 = arith.constant 3 : index
    %get3A_257 = arith.constant 8192 : index
    %get3A_258 = vector.load %arg2[%get3A_256, %get3A_257] : memref<8x10240xf32, #tpu.memory_space<vmem>>, vector<1x1024xf32>
    %mul3A_259 = vector.broadcast %get3A_3 : vector<1024x1xf32> to vector<1024x1024xf32>
    %mul3A_260 = vector.broadcast %get3A_249 : vector<1x1024xf32> to vector<1024x1024xf32>
    %mul3A_261 = arith.mulf %mul3A_259, %mul3A_260 : vector<1024x1024xf32>
    %add3A_262 = vector.broadcast %get3A_258 : vector<1x1024xf32> to vector<1024x1024xf32>
    %add3A_263 = arith.addf %add3A_262, %mul3A_261 : vector<1024x1024xf32>
    %mul3A_264 = vector.broadcast %get3A_6 : vector<1024x1xf32> to vector<1024x1024xf32>
    %mul3A_265 = vector.broadcast %get3A_252 : vector<1x1024xf32> to vector<1024x1024xf32>
    %mul3A_266 = arith.mulf %mul3A_264, %mul3A_265 : vector<1024x1024xf32>
    %add3A_267 = arith.addf %add3A_263, %mul3A_266 : vector<1024x1024xf32>
    %mul3A_268 = vector.broadcast %get3A_9 : vector<1024x1xf32> to vector<1024x1024xf32>
    %mul3A_269 = vector.broadcast %get3A_255 : vector<1x1024xf32> to vector<1024x1024xf32>
    %mul3A_270 = arith.mulf %mul3A_268, %mul3A_269 : vector<1024x1024xf32>
    %add3A_271 = arith.addf %add3A_267, %mul3A_270 : vector<1024x1024xf32>
    %reduce_min3A_272 = arith.constant dense<0x7F800000> : vector<1024xf32>
    %reduce_min3A_273 = vector.multi_reduction <minimumf>, %add3A_271, %reduce_min3A_272 [1] : vector<1024x1024xf32> to vector<1024xf32>
    %broadcast_in_dim3A_274 = vector.shape_cast %reduce_min3A_273 : vector<1024xf32> to vector<1024x1xf32>
    %min3A_275 = arith.minimumf %min3A_246, %broadcast_in_dim3A_274 : vector<1024x1xf32>
    %get3A_276 = arith.constant 0 : index
    %get3A_277 = arith.constant 9216 : index
    %get3A_278 = vector.load %arg2[%get3A_276, %get3A_277] : memref<8x10240xf32, #tpu.memory_space<vmem>>, vector<1x1024xf32>
    %get3A_279 = arith.constant 1 : index
    %get3A_280 = arith.constant 9216 : index
    %get3A_281 = vector.load %arg2[%get3A_279, %get3A_280] : memref<8x10240xf32, #tpu.memory_space<vmem>>, vector<1x1024xf32>
    %get3A_282 = arith.constant 2 : index
    %get3A_283 = arith.constant 9216 : index
    %get3A_284 = vector.load %arg2[%get3A_282, %get3A_283] : memref<8x10240xf32, #tpu.memory_space<vmem>>, vector<1x1024xf32>
    %get3A_285 = arith.constant 3 : index
    %get3A_286 = arith.constant 9216 : index
    %get3A_287 = vector.load %arg2[%get3A_285, %get3A_286] : memref<8x10240xf32, #tpu.memory_space<vmem>>, vector<1x1024xf32>
    %mul3A_288 = vector.broadcast %get3A_3 : vector<1024x1xf32> to vector<1024x1024xf32>
    %mul3A_289 = vector.broadcast %get3A_278 : vector<1x1024xf32> to vector<1024x1024xf32>
    %mul3A_290 = arith.mulf %mul3A_288, %mul3A_289 : vector<1024x1024xf32>
    %add3A_291 = vector.broadcast %get3A_287 : vector<1x1024xf32> to vector<1024x1024xf32>
    %add3A_292 = arith.addf %add3A_291, %mul3A_290 : vector<1024x1024xf32>
    %mul3A_293 = vector.broadcast %get3A_6 : vector<1024x1xf32> to vector<1024x1024xf32>
    %mul3A_294 = vector.broadcast %get3A_281 : vector<1x1024xf32> to vector<1024x1024xf32>
    %mul3A_295 = arith.mulf %mul3A_293, %mul3A_294 : vector<1024x1024xf32>
    %add3A_296 = arith.addf %add3A_292, %mul3A_295 : vector<1024x1024xf32>
    %mul3A_297 = vector.broadcast %get3A_9 : vector<1024x1xf32> to vector<1024x1024xf32>
    %mul3A_298 = vector.broadcast %get3A_284 : vector<1x1024xf32> to vector<1024x1024xf32>
    %mul3A_299 = arith.mulf %mul3A_297, %mul3A_298 : vector<1024x1024xf32>
    %add3A_300 = arith.addf %add3A_296, %mul3A_299 : vector<1024x1024xf32>
    %reduce_min3A_301 = arith.constant dense<0x7F800000> : vector<1024xf32>
    %reduce_min3A_302 = vector.multi_reduction <minimumf>, %add3A_300, %reduce_min3A_301 [1] : vector<1024x1024xf32> to vector<1024xf32>
    %broadcast_in_dim3A_303 = vector.shape_cast %reduce_min3A_302 : vector<1024xf32> to vector<1024x1xf32>
    %min3A_304 = arith.minimumf %min3A_275, %broadcast_in_dim3A_303 : vector<1024x1xf32>
    %add3A_305 = arith.addf %add3A_15, %min3A_304 : vector<1024x1xf32>
    %max3A = arith.constant 0.000000e+00 : f32
    %max3A_306 = vector.broadcast %max3A : f32 to vector<1024x1xf32>
    %max3A_307 = arith.maximumf %add3A_305, %max3A_306 : vector<1024x1xf32>
    %get3A_308 = arith.constant 0 : index
    %get3A_309 = memref.load %arg4[%get3A_308] : memref<2xf32, #tpu.memory_space<smem>>
    %mul3A_310 = arith.mulf %get3A_12, %max3A_307 : vector<1024x1xf32>
    %reduce_sum3A = vector.shape_cast %mul3A_310 : vector<1024x1xf32> to vector<1x1024x1xf32>
    %reduce_sum3A_311 = arith.constant dense<0.000000e+00> : vector<1xf32>
    %reduce_sum3A_312 = vector.multi_reduction <add>, %reduce_sum3A, %reduce_sum3A_311 [1, 2] : vector<1x1024x1xf32> to vector<1xf32>
    %reduce_sum3A_313 = vector.shape_cast %reduce_sum3A_312 : vector<1xf32> to vector<1x1x1xf32>
    %reduce_sum3A_314 = vector.extract %reduce_sum3A_313[0, 0, 0] : f32 from vector<1x1x1xf32>
    %add3A_315 = arith.addf %get3A_309, %reduce_sum3A_314 : f32
    %swap3A = arith.constant 0 : index
    %swap3A_316 = memref.load %arg4[%swap3A] : memref<2xf32, #tpu.memory_space<smem>>
    memref.store %add3A_315, %arg4[%swap3A] : memref<2xf32, #tpu.memory_space<smem>>
    %eq3A_317 = arith.constant 4 : i32
    %eq3A_318 = arith.cmpi eq, %arg0, %eq3A_317 : i32
    %convert_element_type3A_319 = arith.extui %eq3A_318 : i1 to i32
    %cond3A_320 = arith.constant 0 : i32
    %cond3A_321 = arith.cmpi ne, %convert_element_type3A_319, %cond3A_320 : i32
    scf.if %cond3A_321 {
      %iota3A = tpu.iota {dimensions = array<i32: 0>} : vector<8x128xi32>
      %iota3A_322 = tpu.iota {dimensions = array<i32: 1>} : vector<8x128xi32>
      %eq3A_323 = arith.constant 0 : i32
      %eq3A_324 = vector.broadcast %eq3A_323 : i32 to vector<8x128xi32>
      %eq3A_325 = arith.cmpi eq, %iota3A, %eq3A_324 : vector<8x128xi32>
      %eq3A_326 = arith.constant 0 : i32
      %eq3A_327 = vector.broadcast %eq3A_326 : i32 to vector<8x128xi32>
      %eq3A_328 = arith.cmpi eq, %iota3A_322, %eq3A_327 : vector<8x128xi32>
      %and3A = arith.andi %eq3A_325, %eq3A_328 : vector<8x128xi1>
      %get3A_329 = arith.constant 0 : index
      %get3A_330 = memref.load %arg4[%get3A_329] : memref<2xf32, #tpu.memory_space<smem>>
      %eq3A_331 = arith.constant 0 : i32
      %eq3A_332 = vector.broadcast %eq3A_331 : i32 to vector<8x128xi32>
      %eq3A_333 = arith.cmpi eq, %iota3A, %eq3A_332 : vector<8x128xi32>
      %eq3A_334 = arith.constant 1 : i32
      %eq3A_335 = vector.broadcast %eq3A_334 : i32 to vector<8x128xi32>
      %eq3A_336 = arith.cmpi eq, %iota3A_322, %eq3A_335 : vector<8x128xi32>
      %and3A_337 = arith.andi %eq3A_333, %eq3A_336 : vector<8x128xi1>
      %get3A_338 = arith.constant 1 : index
      %get3A_339 = memref.load %arg4[%get3A_338] : memref<2xf32, #tpu.memory_space<smem>>
      %jit3A = arith.constant 0.000000e+00 : f32
      %broadcast_in_dim3A_340 = vector.broadcast %get3A_339 : f32 to vector<8x128xf32>
      %broadcast_in_dim3A_341 = vector.broadcast %jit3A : f32 to vector<8x128xf32>
      %select_n3A = arith.select %and3A_337, %broadcast_in_dim3A_340, %broadcast_in_dim3A_341 : vector<8x128xi1>, vector<8x128xf32>
      %broadcast_in_dim3A_342 = vector.broadcast %get3A_330 : f32 to vector<8x128xf32>
      %select_n3A_343 = arith.select %and3A, %broadcast_in_dim3A_342, %select_n3A : vector<8x128xi1>, vector<8x128xf32>
      %swap3A_344 = arith.constant 0 : index
      %swap3A_345 = arith.constant 0 : index
      %swap3A_346 = vector.load %arg3[%swap3A_344, %swap3A_345] : memref<8x128xf32, #tpu.memory_space<vmem>>, vector<8x128xf32>
      tpu.vector_store %arg3[%swap3A_344, %swap3A_345], %select_n3A_343 {strides = array<i32>} : memref<8x128xf32, #tpu.memory_space<vmem>>, vector<8x128xf32>,
    } else {
    }
    return
  }
  func.func @transform_0(%arg0: i32) -> (i32, i32) {
    %c0_i32 = arith.constant 0 : i32
    %c0_i32_0 = arith.constant 0 : i32
    return %arg0, %c0_i32 : i32, i32
  }
  func.func @transform_1(%arg0: i32) -> (i32, i32) {
    %c0_i32 = arith.constant 0 : i32
    %c0_i32_0 = arith.constant 0 : i32
    %c0_i32_1 = arith.constant 0 : i32
    return %c0_i32, %c0_i32_0 : i32, i32
  }
  func.func @transform_2(%arg0: i32) -> (i32, i32) {
    %c0_i32 = arith.constant 0 : i32
    %c0_i32_0 = arith.constant 0 : i32
    %c0_i32_1 = arith.constant 0 : i32
    return %c0_i32, %c0_i32_0 : i32, i32
  }
}

module attributes {stable_mosaic.version = 14 : i64} {
  func.func @_nn_kernel(%arg0: i32, %arg1: memref<1024x8xf32, #tpu.memory_space<vmem>>, %arg2: memref<8x10240xf32, #tpu.memory_space<vmem>>, %arg3: memref<8x128xf32, #tpu.memory_space<vmem>>, %arg4: memref<2xf32, #tpu.memory_space<smem>>) attributes {dimension_semantics = [#tpu.dimension_semantics<arbitrary>], iteration_bounds = array<i64: 40>, scalar_prefetch = 0 : i64, scratch_operands = 1 : i64, tpu.core_type = #tpu.core_type<tc>, window_params = [{transform_indices = @transform_0, window_bounds = array<i64: 1024, 8>}, {pipeline_mode = #tpu.pipeline_mode<synchronous>, transform_indices = @transform_1, window_bounds = array<i64: 8, 10240>}, {pipeline_mode = #tpu.pipeline_mode<synchronous>, transform_indices = @transform_2, window_bounds = array<i64: 8, 128>}]} {
    %eq3A = arith.constant 0 : i32
    %eq3A_0 = arith.cmpi eq, %arg0, %eq3A : i32
    %convert_element_type3A = arith.extui %eq3A_0 : i1 to i32
    %cond3A = arith.constant 0 : i32
    %cond3A_1 = arith.cmpi ne, %convert_element_type3A, %cond3A : i32
    scf.if %cond3A_1 {
      %swap3A_335 = arith.constant 0.000000e+00 : f32
      %swap3A_336 = arith.constant 0 : index
      %swap3A_337 = memref.load %arg4[%swap3A_336] : memref<2xf32, #tpu.memory_space<smem>>
      memref.store %swap3A_335, %arg4[%swap3A_336] : memref<2xf32, #tpu.memory_space<smem>>
      %swap3A_338 = arith.constant 0.000000e+00 : f32
      %swap3A_339 = arith.constant 1 : index
      %swap3A_340 = memref.load %arg4[%swap3A_339] : memref<2xf32, #tpu.memory_space<smem>>
      memref.store %swap3A_338, %arg4[%swap3A_339] : memref<2xf32, #tpu.memory_space<smem>>
    } else {
    }
    %get3A = arith.constant 0 : index
    %get3A_2 = arith.constant 0 : index
    %get3A_3 = vector.load %arg1[%get3A, %get3A_2] : memref<1024x8xf32, #tpu.memory_space<vmem>>, vector<1024x1xf32>
    %get3A_4 = arith.constant 0 : index
    %get3A_5 = arith.constant 1 : index
    %get3A_6 = vector.load %arg1[%get3A_4, %get3A_5] : memref<1024x8xf32, #tpu.memory_space<vmem>>, vector<1024x1xf32>
    %get3A_7 = arith.constant 0 : index
    %get3A_8 = arith.constant 2 : index
    %get3A_9 = vector.load %arg1[%get3A_7, %get3A_8] : memref<1024x8xf32, #tpu.memory_space<vmem>>, vector<1024x1xf32>
    %get3A_10 = arith.constant 0 : index
    %get3A_11 = arith.constant 3 : index
    %get3A_12 = vector.load %arg1[%get3A_10, %get3A_11] : memref<1024x8xf32, #tpu.memory_space<vmem>>, vector<1024x1xf32>
    %mul3A = arith.mulf %get3A_3, %get3A_3 : vector<1024x1xf32>
    %mul3A_13 = arith.mulf %get3A_6, %get3A_6 : vector<1024x1xf32>
    %add3A = arith.addf %mul3A, %mul3A_13 : vector<1024x1xf32>
    %mul3A_14 = arith.mulf %get3A_9, %get3A_9 : vector<1024x1xf32>
    %add3A_15 = arith.addf %add3A, %mul3A_14 : vector<1024x1xf32>
    %broadcast_in_dim3A = arith.constant 3.400000e+37 : f32
    %broadcast_in_dim3A_16 = vector.broadcast %broadcast_in_dim3A : f32 to vector<1024x1xf32>
    %get3A_17 = arith.constant 0 : index
    %get3A_18 = arith.constant 0 : index
    %get3A_19 = vector.load %arg2[%get3A_17, %get3A_18] : memref<8x10240xf32, #tpu.memory_space<vmem>>, vector<1x1024xf32>
    %get3A_20 = arith.constant 1 : index
    %get3A_21 = arith.constant 0 : index
    %get3A_22 = vector.load %arg2[%get3A_20, %get3A_21] : memref<8x10240xf32, #tpu.memory_space<vmem>>, vector<1x1024xf32>
    %get3A_23 = arith.constant 2 : index
    %get3A_24 = arith.constant 0 : index
    %get3A_25 = vector.load %arg2[%get3A_23, %get3A_24] : memref<8x10240xf32, #tpu.memory_space<vmem>>, vector<1x1024xf32>
    %get3A_26 = arith.constant 3 : index
    %get3A_27 = arith.constant 0 : index
    %get3A_28 = vector.load %arg2[%get3A_26, %get3A_27] : memref<8x10240xf32, #tpu.memory_space<vmem>>, vector<1x1024xf32>
    %mul3A_29 = vector.broadcast %get3A_3 : vector<1024x1xf32> to vector<1024x1024xf32>
    %mul3A_30 = vector.broadcast %get3A_19 : vector<1x1024xf32> to vector<1024x1024xf32>
    %mul3A_31 = arith.mulf %mul3A_29, %mul3A_30 : vector<1024x1024xf32>
    %add3A_32 = vector.broadcast %get3A_28 : vector<1x1024xf32> to vector<1024x1024xf32>
    %add3A_33 = arith.addf %add3A_32, %mul3A_31 : vector<1024x1024xf32>
    %mul3A_34 = vector.broadcast %get3A_6 : vector<1024x1xf32> to vector<1024x1024xf32>
    %mul3A_35 = vector.broadcast %get3A_22 : vector<1x1024xf32> to vector<1024x1024xf32>
    %mul3A_36 = arith.mulf %mul3A_34, %mul3A_35 : vector<1024x1024xf32>
    %add3A_37 = arith.addf %add3A_33, %mul3A_36 : vector<1024x1024xf32>
    %mul3A_38 = vector.broadcast %get3A_9 : vector<1024x1xf32> to vector<1024x1024xf32>
    %mul3A_39 = vector.broadcast %get3A_25 : vector<1x1024xf32> to vector<1024x1024xf32>
    %mul3A_40 = arith.mulf %mul3A_38, %mul3A_39 : vector<1024x1024xf32>
    %add3A_41 = arith.addf %add3A_37, %mul3A_40 : vector<1024x1024xf32>
    %reduce_min3A = arith.constant dense<0x7F800000> : vector<1024xf32>
    %reduce_min3A_42 = vector.multi_reduction <minimumf>, %add3A_41, %reduce_min3A [1] : vector<1024x1024xf32> to vector<1024xf32>
    %broadcast_in_dim3A_43 = vector.shape_cast %reduce_min3A_42 : vector<1024xf32> to vector<1024x1xf32>
    %min3A = arith.minimumf %broadcast_in_dim3A_16, %broadcast_in_dim3A_43 : vector<1024x1xf32>
    %get3A_44 = arith.constant 0 : index
    %get3A_45 = arith.constant 1024 : index
    %get3A_46 = vector.load %arg2[%get3A_44, %get3A_45] : memref<8x10240xf32, #tpu.memory_space<vmem>>, vector<1x1024xf32>
    %get3A_47 = arith.constant 1 : index
    %get3A_48 = arith.constant 1024 : index
    %get3A_49 = vector.load %arg2[%get3A_47, %get3A_48] : memref<8x10240xf32, #tpu.memory_space<vmem>>, vector<1x1024xf32>
    %get3A_50 = arith.constant 2 : index
    %get3A_51 = arith.constant 1024 : index
    %get3A_52 = vector.load %arg2[%get3A_50, %get3A_51] : memref<8x10240xf32, #tpu.memory_space<vmem>>, vector<1x1024xf32>
    %get3A_53 = arith.constant 3 : index
    %get3A_54 = arith.constant 1024 : index
    %get3A_55 = vector.load %arg2[%get3A_53, %get3A_54] : memref<8x10240xf32, #tpu.memory_space<vmem>>, vector<1x1024xf32>
    %mul3A_56 = vector.broadcast %get3A_3 : vector<1024x1xf32> to vector<1024x1024xf32>
    %mul3A_57 = vector.broadcast %get3A_46 : vector<1x1024xf32> to vector<1024x1024xf32>
    %mul3A_58 = arith.mulf %mul3A_56, %mul3A_57 : vector<1024x1024xf32>
    %add3A_59 = vector.broadcast %get3A_55 : vector<1x1024xf32> to vector<1024x1024xf32>
    %add3A_60 = arith.addf %add3A_59, %mul3A_58 : vector<1024x1024xf32>
    %mul3A_61 = vector.broadcast %get3A_6 : vector<1024x1xf32> to vector<1024x1024xf32>
    %mul3A_62 = vector.broadcast %get3A_49 : vector<1x1024xf32> to vector<1024x1024xf32>
    %mul3A_63 = arith.mulf %mul3A_61, %mul3A_62 : vector<1024x1024xf32>
    %add3A_64 = arith.addf %add3A_60, %mul3A_63 : vector<1024x1024xf32>
    %mul3A_65 = vector.broadcast %get3A_9 : vector<1024x1xf32> to vector<1024x1024xf32>
    %mul3A_66 = vector.broadcast %get3A_52 : vector<1x1024xf32> to vector<1024x1024xf32>
    %mul3A_67 = arith.mulf %mul3A_65, %mul3A_66 : vector<1024x1024xf32>
    %add3A_68 = arith.addf %add3A_64, %mul3A_67 : vector<1024x1024xf32>
    %reduce_min3A_69 = arith.constant dense<0x7F800000> : vector<1024xf32>
    %reduce_min3A_70 = vector.multi_reduction <minimumf>, %add3A_68, %reduce_min3A_69 [1] : vector<1024x1024xf32> to vector<1024xf32>
    %broadcast_in_dim3A_71 = vector.shape_cast %reduce_min3A_70 : vector<1024xf32> to vector<1024x1xf32>
    %min3A_72 = arith.minimumf %min3A, %broadcast_in_dim3A_71 : vector<1024x1xf32>
    %get3A_73 = arith.constant 0 : index
    %get3A_74 = arith.constant 2048 : index
    %get3A_75 = vector.load %arg2[%get3A_73, %get3A_74] : memref<8x10240xf32, #tpu.memory_space<vmem>>, vector<1x1024xf32>
    %get3A_76 = arith.constant 1 : index
    %get3A_77 = arith.constant 2048 : index
    %get3A_78 = vector.load %arg2[%get3A_76, %get3A_77] : memref<8x10240xf32, #tpu.memory_space<vmem>>, vector<1x1024xf32>
    %get3A_79 = arith.constant 2 : index
    %get3A_80 = arith.constant 2048 : index
    %get3A_81 = vector.load %arg2[%get3A_79, %get3A_80] : memref<8x10240xf32, #tpu.memory_space<vmem>>, vector<1x1024xf32>
    %get3A_82 = arith.constant 3 : index
    %get3A_83 = arith.constant 2048 : index
    %get3A_84 = vector.load %arg2[%get3A_82, %get3A_83] : memref<8x10240xf32, #tpu.memory_space<vmem>>, vector<1x1024xf32>
    %mul3A_85 = vector.broadcast %get3A_3 : vector<1024x1xf32> to vector<1024x1024xf32>
    %mul3A_86 = vector.broadcast %get3A_75 : vector<1x1024xf32> to vector<1024x1024xf32>
    %mul3A_87 = arith.mulf %mul3A_85, %mul3A_86 : vector<1024x1024xf32>
    %add3A_88 = vector.broadcast %get3A_84 : vector<1x1024xf32> to vector<1024x1024xf32>
    %add3A_89 = arith.addf %add3A_88, %mul3A_87 : vector<1024x1024xf32>
    %mul3A_90 = vector.broadcast %get3A_6 : vector<1024x1xf32> to vector<1024x1024xf32>
    %mul3A_91 = vector.broadcast %get3A_78 : vector<1x1024xf32> to vector<1024x1024xf32>
    %mul3A_92 = arith.mulf %mul3A_90, %mul3A_91 : vector<1024x1024xf32>
    %add3A_93 = arith.addf %add3A_89, %mul3A_92 : vector<1024x1024xf32>
    %mul3A_94 = vector.broadcast %get3A_9 : vector<1024x1xf32> to vector<1024x1024xf32>
    %mul3A_95 = vector.broadcast %get3A_81 : vector<1x1024xf32> to vector<1024x1024xf32>
    %mul3A_96 = arith.mulf %mul3A_94, %mul3A_95 : vector<1024x1024xf32>
    %add3A_97 = arith.addf %add3A_93, %mul3A_96 : vector<1024x1024xf32>
    %reduce_min3A_98 = arith.constant dense<0x7F800000> : vector<1024xf32>
    %reduce_min3A_99 = vector.multi_reduction <minimumf>, %add3A_97, %reduce_min3A_98 [1] : vector<1024x1024xf32> to vector<1024xf32>
    %broadcast_in_dim3A_100 = vector.shape_cast %reduce_min3A_99 : vector<1024xf32> to vector<1024x1xf32>
    %min3A_101 = arith.minimumf %min3A_72, %broadcast_in_dim3A_100 : vector<1024x1xf32>
    %get3A_102 = arith.constant 0 : index
    %get3A_103 = arith.constant 3072 : index
    %get3A_104 = vector.load %arg2[%get3A_102, %get3A_103] : memref<8x10240xf32, #tpu.memory_space<vmem>>, vector<1x1024xf32>
    %get3A_105 = arith.constant 1 : index
    %get3A_106 = arith.constant 3072 : index
    %get3A_107 = vector.load %arg2[%get3A_105, %get3A_106] : memref<8x10240xf32, #tpu.memory_space<vmem>>, vector<1x1024xf32>
    %get3A_108 = arith.constant 2 : index
    %get3A_109 = arith.constant 3072 : index
    %get3A_110 = vector.load %arg2[%get3A_108, %get3A_109] : memref<8x10240xf32, #tpu.memory_space<vmem>>, vector<1x1024xf32>
    %get3A_111 = arith.constant 3 : index
    %get3A_112 = arith.constant 3072 : index
    %get3A_113 = vector.load %arg2[%get3A_111, %get3A_112] : memref<8x10240xf32, #tpu.memory_space<vmem>>, vector<1x1024xf32>
    %mul3A_114 = vector.broadcast %get3A_3 : vector<1024x1xf32> to vector<1024x1024xf32>
    %mul3A_115 = vector.broadcast %get3A_104 : vector<1x1024xf32> to vector<1024x1024xf32>
    %mul3A_116 = arith.mulf %mul3A_114, %mul3A_115 : vector<1024x1024xf32>
    %add3A_117 = vector.broadcast %get3A_113 : vector<1x1024xf32> to vector<1024x1024xf32>
    %add3A_118 = arith.addf %add3A_117, %mul3A_116 : vector<1024x1024xf32>
    %mul3A_119 = vector.broadcast %get3A_6 : vector<1024x1xf32> to vector<1024x1024xf32>
    %mul3A_120 = vector.broadcast %get3A_107 : vector<1x1024xf32> to vector<1024x1024xf32>
    %mul3A_121 = arith.mulf %mul3A_119, %mul3A_120 : vector<1024x1024xf32>
    %add3A_122 = arith.addf %add3A_118, %mul3A_121 : vector<1024x1024xf32>
    %mul3A_123 = vector.broadcast %get3A_9 : vector<1024x1xf32> to vector<1024x1024xf32>
    %mul3A_124 = vector.broadcast %get3A_110 : vector<1x1024xf32> to vector<1024x1024xf32>
    %mul3A_125 = arith.mulf %mul3A_123, %mul3A_124 : vector<1024x1024xf32>
    %add3A_126 = arith.addf %add3A_122, %mul3A_125 : vector<1024x1024xf32>
    %reduce_min3A_127 = arith.constant dense<0x7F800000> : vector<1024xf32>
    %reduce_min3A_128 = vector.multi_reduction <minimumf>, %add3A_126, %reduce_min3A_127 [1] : vector<1024x1024xf32> to vector<1024xf32>
    %broadcast_in_dim3A_129 = vector.shape_cast %reduce_min3A_128 : vector<1024xf32> to vector<1024x1xf32>
    %min3A_130 = arith.minimumf %min3A_101, %broadcast_in_dim3A_129 : vector<1024x1xf32>
    %get3A_131 = arith.constant 0 : index
    %get3A_132 = arith.constant 4096 : index
    %get3A_133 = vector.load %arg2[%get3A_131, %get3A_132] : memref<8x10240xf32, #tpu.memory_space<vmem>>, vector<1x1024xf32>
    %get3A_134 = arith.constant 1 : index
    %get3A_135 = arith.constant 4096 : index
    %get3A_136 = vector.load %arg2[%get3A_134, %get3A_135] : memref<8x10240xf32, #tpu.memory_space<vmem>>, vector<1x1024xf32>
    %get3A_137 = arith.constant 2 : index
    %get3A_138 = arith.constant 4096 : index
    %get3A_139 = vector.load %arg2[%get3A_137, %get3A_138] : memref<8x10240xf32, #tpu.memory_space<vmem>>, vector<1x1024xf32>
    %get3A_140 = arith.constant 3 : index
    %get3A_141 = arith.constant 4096 : index
    %get3A_142 = vector.load %arg2[%get3A_140, %get3A_141] : memref<8x10240xf32, #tpu.memory_space<vmem>>, vector<1x1024xf32>
    %mul3A_143 = vector.broadcast %get3A_3 : vector<1024x1xf32> to vector<1024x1024xf32>
    %mul3A_144 = vector.broadcast %get3A_133 : vector<1x1024xf32> to vector<1024x1024xf32>
    %mul3A_145 = arith.mulf %mul3A_143, %mul3A_144 : vector<1024x1024xf32>
    %add3A_146 = vector.broadcast %get3A_142 : vector<1x1024xf32> to vector<1024x1024xf32>
    %add3A_147 = arith.addf %add3A_146, %mul3A_145 : vector<1024x1024xf32>
    %mul3A_148 = vector.broadcast %get3A_6 : vector<1024x1xf32> to vector<1024x1024xf32>
    %mul3A_149 = vector.broadcast %get3A_136 : vector<1x1024xf32> to vector<1024x1024xf32>
    %mul3A_150 = arith.mulf %mul3A_148, %mul3A_149 : vector<1024x1024xf32>
    %add3A_151 = arith.addf %add3A_147, %mul3A_150 : vector<1024x1024xf32>
    %mul3A_152 = vector.broadcast %get3A_9 : vector<1024x1xf32> to vector<1024x1024xf32>
    %mul3A_153 = vector.broadcast %get3A_139 : vector<1x1024xf32> to vector<1024x1024xf32>
    %mul3A_154 = arith.mulf %mul3A_152, %mul3A_153 : vector<1024x1024xf32>
    %add3A_155 = arith.addf %add3A_151, %mul3A_154 : vector<1024x1024xf32>
    %reduce_min3A_156 = arith.constant dense<0x7F800000> : vector<1024xf32>
    %reduce_min3A_157 = vector.multi_reduction <minimumf>, %add3A_155, %reduce_min3A_156 [1] : vector<1024x1024xf32> to vector<1024xf32>
    %broadcast_in_dim3A_158 = vector.shape_cast %reduce_min3A_157 : vector<1024xf32> to vector<1024x1xf32>
    %min3A_159 = arith.minimumf %min3A_130, %broadcast_in_dim3A_158 : vector<1024x1xf32>
    %get3A_160 = arith.constant 0 : index
    %get3A_161 = arith.constant 5120 : index
    %get3A_162 = vector.load %arg2[%get3A_160, %get3A_161] : memref<8x10240xf32, #tpu.memory_space<vmem>>, vector<1x1024xf32>
    %get3A_163 = arith.constant 1 : index
    %get3A_164 = arith.constant 5120 : index
    %get3A_165 = vector.load %arg2[%get3A_163, %get3A_164] : memref<8x10240xf32, #tpu.memory_space<vmem>>, vector<1x1024xf32>
    %get3A_166 = arith.constant 2 : index
    %get3A_167 = arith.constant 5120 : index
    %get3A_168 = vector.load %arg2[%get3A_166, %get3A_167] : memref<8x10240xf32, #tpu.memory_space<vmem>>, vector<1x1024xf32>
    %get3A_169 = arith.constant 3 : index
    %get3A_170 = arith.constant 5120 : index
    %get3A_171 = vector.load %arg2[%get3A_169, %get3A_170] : memref<8x10240xf32, #tpu.memory_space<vmem>>, vector<1x1024xf32>
    %mul3A_172 = vector.broadcast %get3A_3 : vector<1024x1xf32> to vector<1024x1024xf32>
    %mul3A_173 = vector.broadcast %get3A_162 : vector<1x1024xf32> to vector<1024x1024xf32>
    %mul3A_174 = arith.mulf %mul3A_172, %mul3A_173 : vector<1024x1024xf32>
    %add3A_175 = vector.broadcast %get3A_171 : vector<1x1024xf32> to vector<1024x1024xf32>
    %add3A_176 = arith.addf %add3A_175, %mul3A_174 : vector<1024x1024xf32>
    %mul3A_177 = vector.broadcast %get3A_6 : vector<1024x1xf32> to vector<1024x1024xf32>
    %mul3A_178 = vector.broadcast %get3A_165 : vector<1x1024xf32> to vector<1024x1024xf32>
    %mul3A_179 = arith.mulf %mul3A_177, %mul3A_178 : vector<1024x1024xf32>
    %add3A_180 = arith.addf %add3A_176, %mul3A_179 : vector<1024x1024xf32>
    %mul3A_181 = vector.broadcast %get3A_9 : vector<1024x1xf32> to vector<1024x1024xf32>
    %mul3A_182 = vector.broadcast %get3A_168 : vector<1x1024xf32> to vector<1024x1024xf32>
    %mul3A_183 = arith.mulf %mul3A_181, %mul3A_182 : vector<1024x1024xf32>
    %add3A_184 = arith.addf %add3A_180, %mul3A_183 : vector<1024x1024xf32>
    %reduce_min3A_185 = arith.constant dense<0x7F800000> : vector<1024xf32>
    %reduce_min3A_186 = vector.multi_reduction <minimumf>, %add3A_184, %reduce_min3A_185 [1] : vector<1024x1024xf32> to vector<1024xf32>
    %broadcast_in_dim3A_187 = vector.shape_cast %reduce_min3A_186 : vector<1024xf32> to vector<1024x1xf32>
    %min3A_188 = arith.minimumf %min3A_159, %broadcast_in_dim3A_187 : vector<1024x1xf32>
    %get3A_189 = arith.constant 0 : index
    %get3A_190 = arith.constant 6144 : index
    %get3A_191 = vector.load %arg2[%get3A_189, %get3A_190] : memref<8x10240xf32, #tpu.memory_space<vmem>>, vector<1x1024xf32>
    %get3A_192 = arith.constant 1 : index
    %get3A_193 = arith.constant 6144 : index
    %get3A_194 = vector.load %arg2[%get3A_192, %get3A_193] : memref<8x10240xf32, #tpu.memory_space<vmem>>, vector<1x1024xf32>
    %get3A_195 = arith.constant 2 : index
    %get3A_196 = arith.constant 6144 : index
    %get3A_197 = vector.load %arg2[%get3A_195, %get3A_196] : memref<8x10240xf32, #tpu.memory_space<vmem>>, vector<1x1024xf32>
    %get3A_198 = arith.constant 3 : index
    %get3A_199 = arith.constant 6144 : index
    %get3A_200 = vector.load %arg2[%get3A_198, %get3A_199] : memref<8x10240xf32, #tpu.memory_space<vmem>>, vector<1x1024xf32>
    %mul3A_201 = vector.broadcast %get3A_3 : vector<1024x1xf32> to vector<1024x1024xf32>
    %mul3A_202 = vector.broadcast %get3A_191 : vector<1x1024xf32> to vector<1024x1024xf32>
    %mul3A_203 = arith.mulf %mul3A_201, %mul3A_202 : vector<1024x1024xf32>
    %add3A_204 = vector.broadcast %get3A_200 : vector<1x1024xf32> to vector<1024x1024xf32>
    %add3A_205 = arith.addf %add3A_204, %mul3A_203 : vector<1024x1024xf32>
    %mul3A_206 = vector.broadcast %get3A_6 : vector<1024x1xf32> to vector<1024x1024xf32>
    %mul3A_207 = vector.broadcast %get3A_194 : vector<1x1024xf32> to vector<1024x1024xf32>
    %mul3A_208 = arith.mulf %mul3A_206, %mul3A_207 : vector<1024x1024xf32>
    %add3A_209 = arith.addf %add3A_205, %mul3A_208 : vector<1024x1024xf32>
    %mul3A_210 = vector.broadcast %get3A_9 : vector<1024x1xf32> to vector<1024x1024xf32>
    %mul3A_211 = vector.broadcast %get3A_197 : vector<1x1024xf32> to vector<1024x1024xf32>
    %mul3A_212 = arith.mulf %mul3A_210, %mul3A_211 : vector<1024x1024xf32>
    %add3A_213 = arith.addf %add3A_209, %mul3A_212 : vector<1024x1024xf32>
    %reduce_min3A_214 = arith.constant dense<0x7F800000> : vector<1024xf32>
    %reduce_min3A_215 = vector.multi_reduction <minimumf>, %add3A_213, %reduce_min3A_214 [1] : vector<1024x1024xf32> to vector<1024xf32>
    %broadcast_in_dim3A_216 = vector.shape_cast %reduce_min3A_215 : vector<1024xf32> to vector<1024x1xf32>
    %min3A_217 = arith.minimumf %min3A_188, %broadcast_in_dim3A_216 : vector<1024x1xf32>
    %get3A_218 = arith.constant 0 : index
    %get3A_219 = arith.constant 7168 : index
    %get3A_220 = vector.load %arg2[%get3A_218, %get3A_219] : memref<8x10240xf32, #tpu.memory_space<vmem>>, vector<1x1024xf32>
    %get3A_221 = arith.constant 1 : index
    %get3A_222 = arith.constant 7168 : index
    %get3A_223 = vector.load %arg2[%get3A_221, %get3A_222] : memref<8x10240xf32, #tpu.memory_space<vmem>>, vector<1x1024xf32>
    %get3A_224 = arith.constant 2 : index
    %get3A_225 = arith.constant 7168 : index
    %get3A_226 = vector.load %arg2[%get3A_224, %get3A_225] : memref<8x10240xf32, #tpu.memory_space<vmem>>, vector<1x1024xf32>
    %get3A_227 = arith.constant 3 : index
    %get3A_228 = arith.constant 7168 : index
    %get3A_229 = vector.load %arg2[%get3A_227, %get3A_228] : memref<8x10240xf32, #tpu.memory_space<vmem>>, vector<1x1024xf32>
    %mul3A_230 = vector.broadcast %get3A_3 : vector<1024x1xf32> to vector<1024x1024xf32>
    %mul3A_231 = vector.broadcast %get3A_220 : vector<1x1024xf32> to vector<1024x1024xf32>
    %mul3A_232 = arith.mulf %mul3A_230, %mul3A_231 : vector<1024x1024xf32>
    %add3A_233 = vector.broadcast %get3A_229 : vector<1x1024xf32> to vector<1024x1024xf32>
    %add3A_234 = arith.addf %add3A_233, %mul3A_232 : vector<1024x1024xf32>
    %mul3A_235 = vector.broadcast %get3A_6 : vector<1024x1xf32> to vector<1024x1024xf32>
    %mul3A_236 = vector.broadcast %get3A_223 : vector<1x1024xf32> to vector<1024x1024xf32>
    %mul3A_237 = arith.mulf %mul3A_235, %mul3A_236 : vector<1024x1024xf32>
    %add3A_238 = arith.addf %add3A_234, %mul3A_237 : vector<1024x1024xf32>
    %mul3A_239 = vector.broadcast %get3A_9 : vector<1024x1xf32> to vector<1024x1024xf32>
    %mul3A_240 = vector.broadcast %get3A_226 : vector<1x1024xf32> to vector<1024x1024xf32>
    %mul3A_241 = arith.mulf %mul3A_239, %mul3A_240 : vector<1024x1024xf32>
    %add3A_242 = arith.addf %add3A_238, %mul3A_241 : vector<1024x1024xf32>
    %reduce_min3A_243 = arith.constant dense<0x7F800000> : vector<1024xf32>
    %reduce_min3A_244 = vector.multi_reduction <minimumf>, %add3A_242, %reduce_min3A_243 [1] : vector<1024x1024xf32> to vector<1024xf32>
    %broadcast_in_dim3A_245 = vector.shape_cast %reduce_min3A_244 : vector<1024xf32> to vector<1024x1xf32>
    %min3A_246 = arith.minimumf %min3A_217, %broadcast_in_dim3A_245 : vector<1024x1xf32>
    %get3A_247 = arith.constant 0 : index
    %get3A_248 = arith.constant 8192 : index
    %get3A_249 = vector.load %arg2[%get3A_247, %get3A_248] : memref<8x10240xf32, #tpu.memory_space<vmem>>, vector<1x1024xf32>
    %get3A_250 = arith.constant 1 : index
    %get3A_251 = arith.constant 8192 : index
    %get3A_252 = vector.load %arg2[%get3A_250, %get3A_251] : memref<8x10240xf32, #tpu.memory_space<vmem>>, vector<1x1024xf32>
    %get3A_253 = arith.constant 2 : index
    %get3A_254 = arith.constant 8192 : index
    %get3A_255 = vector.load %arg2[%get3A_253, %get3A_254] : memref<8x10240xf32, #tpu.memory_space<vmem>>, vector<1x1024xf32>
    %get3A_256 = arith.constant 3 : index
    %get3A_257 = arith.constant 8192 : index
    %get3A_258 = vector.load %arg2[%get3A_256, %get3A_257] : memref<8x10240xf32, #tpu.memory_space<vmem>>, vector<1x1024xf32>
    %mul3A_259 = vector.broadcast %get3A_3 : vector<1024x1xf32> to vector<1024x1024xf32>
    %mul3A_260 = vector.broadcast %get3A_249 : vector<1x1024xf32> to vector<1024x1024xf32>
    %mul3A_261 = arith.mulf %mul3A_259, %mul3A_260 : vector<1024x1024xf32>
    %add3A_262 = vector.broadcast %get3A_258 : vector<1x1024xf32> to vector<1024x1024xf32>
    %add3A_263 = arith.addf %add3A_262, %mul3A_261 : vector<1024x1024xf32>
    %mul3A_264 = vector.broadcast %get3A_6 : vector<1024x1xf32> to vector<1024x1024xf32>
    %mul3A_265 = vector.broadcast %get3A_252 : vector<1x1024xf32> to vector<1024x1024xf32>
    %mul3A_266 = arith.mulf %mul3A_264, %mul3A_265 : vector<1024x1024xf32>
    %add3A_267 = arith.addf %add3A_263, %mul3A_266 : vector<1024x1024xf32>
    %mul3A_268 = vector.broadcast %get3A_9 : vector<1024x1xf32> to vector<1024x1024xf32>
    %mul3A_269 = vector.broadcast %get3A_255 : vector<1x1024xf32> to vector<1024x1024xf32>
    %mul3A_270 = arith.mulf %mul3A_268, %mul3A_269 : vector<1024x1024xf32>
    %add3A_271 = arith.addf %add3A_267, %mul3A_270 : vector<1024x1024xf32>
    %reduce_min3A_272 = arith.constant dense<0x7F800000> : vector<1024xf32>
    %reduce_min3A_273 = vector.multi_reduction <minimumf>, %add3A_271, %reduce_min3A_272 [1] : vector<1024x1024xf32> to vector<1024xf32>
    %broadcast_in_dim3A_274 = vector.shape_cast %reduce_min3A_273 : vector<1024xf32> to vector<1024x1xf32>
    %min3A_275 = arith.minimumf %min3A_246, %broadcast_in_dim3A_274 : vector<1024x1xf32>
    %get3A_276 = arith.constant 0 : index
    %get3A_277 = arith.constant 9216 : index
    %get3A_278 = vector.load %arg2[%get3A_276, %get3A_277] : memref<8x10240xf32, #tpu.memory_space<vmem>>, vector<1x1024xf32>
    %get3A_279 = arith.constant 1 : index
    %get3A_280 = arith.constant 9216 : index
    %get3A_281 = vector.load %arg2[%get3A_279, %get3A_280] : memref<8x10240xf32, #tpu.memory_space<vmem>>, vector<1x1024xf32>
    %get3A_282 = arith.constant 2 : index
    %get3A_283 = arith.constant 9216 : index
    %get3A_284 = vector.load %arg2[%get3A_282, %get3A_283] : memref<8x10240xf32, #tpu.memory_space<vmem>>, vector<1x1024xf32>
    %get3A_285 = arith.constant 3 : index
    %get3A_286 = arith.constant 9216 : index
    %get3A_287 = vector.load %arg2[%get3A_285, %get3A_286] : memref<8x10240xf32, #tpu.memory_space<vmem>>, vector<1x1024xf32>
    %mul3A_288 = vector.broadcast %get3A_3 : vector<1024x1xf32> to vector<1024x1024xf32>
    %mul3A_289 = vector.broadcast %get3A_278 : vector<1x1024xf32> to vector<1024x1024xf32>
    %mul3A_290 = arith.mulf %mul3A_288, %mul3A_289 : vector<1024x1024xf32>
    %add3A_291 = vector.broadcast %get3A_287 : vector<1x1024xf32> to vector<1024x1024xf32>
    %add3A_292 = arith.addf %add3A_291, %mul3A_290 : vector<1024x1024xf32>
    %mul3A_293 = vector.broadcast %get3A_6 : vector<1024x1xf32> to vector<1024x1024xf32>
    %mul3A_294 = vector.broadcast %get3A_281 : vector<1x1024xf32> to vector<1024x1024xf32>
    %mul3A_295 = arith.mulf %mul3A_293, %mul3A_294 : vector<1024x1024xf32>
    %add3A_296 = arith.addf %add3A_292, %mul3A_295 : vector<1024x1024xf32>
    %mul3A_297 = vector.broadcast %get3A_9 : vector<1024x1xf32> to vector<1024x1024xf32>
    %mul3A_298 = vector.broadcast %get3A_284 : vector<1x1024xf32> to vector<1024x1024xf32>
    %mul3A_299 = arith.mulf %mul3A_297, %mul3A_298 : vector<1024x1024xf32>
    %add3A_300 = arith.addf %add3A_296, %mul3A_299 : vector<1024x1024xf32>
    %reduce_min3A_301 = arith.constant dense<0x7F800000> : vector<1024xf32>
    %reduce_min3A_302 = vector.multi_reduction <minimumf>, %add3A_300, %reduce_min3A_301 [1] : vector<1024x1024xf32> to vector<1024xf32>
    %broadcast_in_dim3A_303 = vector.shape_cast %reduce_min3A_302 : vector<1024xf32> to vector<1024x1xf32>
    %min3A_304 = arith.minimumf %min3A_275, %broadcast_in_dim3A_303 : vector<1024x1xf32>
    %add3A_305 = arith.addf %add3A_15, %min3A_304 : vector<1024x1xf32>
    %max3A = arith.constant 0.000000e+00 : f32
    %max3A_306 = vector.broadcast %max3A : f32 to vector<1024x1xf32>
    %max3A_307 = arith.maximumf %add3A_305, %max3A_306 : vector<1024x1xf32>
    %get3A_308 = arith.constant 0 : index
    %get3A_309 = arith.constant 4 : index
    %get3A_310 = vector.load %arg1[%get3A_308, %get3A_309] : memref<1024x8xf32, #tpu.memory_space<vmem>>, vector<1024x1xf32>
    %sqrt3A = math.sqrt %max3A_307 : vector<1024x1xf32>
    %get3A_311 = arith.constant 0 : index
    %get3A_312 = memref.load %arg4[%get3A_311] : memref<2xf32, #tpu.memory_space<smem>>
    %mul3A_313 = arith.mulf %get3A_12, %sqrt3A : vector<1024x1xf32>
    %reduce_sum3A = vector.shape_cast %mul3A_313 : vector<1024x1xf32> to vector<1x1024x1xf32>
    %reduce_sum3A_314 = arith.constant dense<0.000000e+00> : vector<1xf32>
    %reduce_sum3A_315 = vector.multi_reduction <add>, %reduce_sum3A, %reduce_sum3A_314 [1, 2] : vector<1x1024x1xf32> to vector<1xf32>
    %reduce_sum3A_316 = vector.shape_cast %reduce_sum3A_315 : vector<1xf32> to vector<1x1x1xf32>
    %reduce_sum3A_317 = vector.extract %reduce_sum3A_316[0, 0, 0] : f32 from vector<1x1x1xf32>
    %add3A_318 = arith.addf %get3A_312, %reduce_sum3A_317 : f32
    %swap3A = arith.constant 0 : index
    %swap3A_319 = memref.load %arg4[%swap3A] : memref<2xf32, #tpu.memory_space<smem>>
    memref.store %add3A_318, %arg4[%swap3A] : memref<2xf32, #tpu.memory_space<smem>>
    %get3A_320 = arith.constant 1 : index
    %get3A_321 = memref.load %arg4[%get3A_320] : memref<2xf32, #tpu.memory_space<smem>>
    %mul3A_322 = arith.mulf %sqrt3A, %get3A_310 : vector<1024x1xf32>
    %reduce_max3A = vector.shape_cast %mul3A_322 : vector<1024x1xf32> to vector<1x1024x1xf32>
    %reduce_max3A_323 = arith.constant dense<0xFF800000> : vector<1xf32>
    %reduce_max3A_324 = vector.multi_reduction <maximumf>, %reduce_max3A, %reduce_max3A_323 [1, 2] : vector<1x1024x1xf32> to vector<1xf32>
    %reduce_max3A_325 = vector.shape_cast %reduce_max3A_324 : vector<1xf32> to vector<1x1x1xf32>
    %reduce_max3A_326 = vector.extract %reduce_max3A_325[0, 0, 0] : f32 from vector<1x1x1xf32>
    %max3A_327 = arith.maximumf %get3A_321, %reduce_max3A_326 : f32
    %swap3A_328 = arith.constant 1 : index
    %swap3A_329 = memref.load %arg4[%swap3A_328] : memref<2xf32, #tpu.memory_space<smem>>
    memref.store %max3A_327, %arg4[%swap3A_328] : memref<2xf32, #tpu.memory_space<smem>>
    %eq3A_330 = arith.constant 39 : i32
    %eq3A_331 = arith.cmpi eq, %arg0, %eq3A_330 : i32
    %convert_element_type3A_332 = arith.extui %eq3A_331 : i1 to i32
    %cond3A_333 = arith.constant 0 : i32
    %cond3A_334 = arith.cmpi ne, %convert_element_type3A_332, %cond3A_333 : i32
    scf.if %cond3A_334 {
      %iota3A = tpu.iota {dimensions = array<i32: 0>} : vector<8x128xi32>
      %iota3A_335 = tpu.iota {dimensions = array<i32: 1>} : vector<8x128xi32>
      %eq3A_336 = arith.constant 0 : i32
      %eq3A_337 = vector.broadcast %eq3A_336 : i32 to vector<8x128xi32>
      %eq3A_338 = arith.cmpi eq, %iota3A, %eq3A_337 : vector<8x128xi32>
      %eq3A_339 = arith.constant 0 : i32
      %eq3A_340 = vector.broadcast %eq3A_339 : i32 to vector<8x128xi32>
      %eq3A_341 = arith.cmpi eq, %iota3A_335, %eq3A_340 : vector<8x128xi32>
      %and3A = arith.andi %eq3A_338, %eq3A_341 : vector<8x128xi1>
      %get3A_342 = arith.constant 0 : index
      %get3A_343 = memref.load %arg4[%get3A_342] : memref<2xf32, #tpu.memory_space<smem>>
      %eq3A_344 = arith.constant 0 : i32
      %eq3A_345 = vector.broadcast %eq3A_344 : i32 to vector<8x128xi32>
      %eq3A_346 = arith.cmpi eq, %iota3A, %eq3A_345 : vector<8x128xi32>
      %eq3A_347 = arith.constant 1 : i32
      %eq3A_348 = vector.broadcast %eq3A_347 : i32 to vector<8x128xi32>
      %eq3A_349 = arith.cmpi eq, %iota3A_335, %eq3A_348 : vector<8x128xi32>
      %and3A_350 = arith.andi %eq3A_346, %eq3A_349 : vector<8x128xi1>
      %get3A_351 = arith.constant 1 : index
      %get3A_352 = memref.load %arg4[%get3A_351] : memref<2xf32, #tpu.memory_space<smem>>
      %jit3A = arith.constant 0.000000e+00 : f32
      %broadcast_in_dim3A_353 = vector.broadcast %get3A_352 : f32 to vector<8x128xf32>
      %broadcast_in_dim3A_354 = vector.broadcast %jit3A : f32 to vector<8x128xf32>
      %select_n3A = arith.select %and3A_350, %broadcast_in_dim3A_353, %broadcast_in_dim3A_354 : vector<8x128xi1>, vector<8x128xf32>
      %broadcast_in_dim3A_355 = vector.broadcast %get3A_343 : f32 to vector<8x128xf32>
      %select_n3A_356 = arith.select %and3A, %broadcast_in_dim3A_355, %select_n3A : vector<8x128xi1>, vector<8x128xf32>
      %swap3A_357 = arith.constant 0 : index
      %swap3A_358 = arith.constant 0 : index
      %swap3A_359 = vector.load %arg3[%swap3A_357, %swap3A_358] : memref<8x128xf32, #tpu.memory_space<vmem>>, vector<8x128xf32>
      tpu.vector_store %arg3[%swap3A_357, %swap3A_358], %select_n3A_356 {strides = array<i32>} : memref<8x128xf32, #tpu.memory_space<vmem>>, vector<8x128xf32>,
    } else {
    }
    return
  }
  func.func @transform_0(%arg0: i32) -> (i32, i32) {
    %c0_i32 = arith.constant 0 : i32
    %c0_i32_0 = arith.constant 0 : i32
    return %arg0, %c0_i32 : i32, i32
  }
  func.func @transform_1(%arg0: i32) -> (i32, i32) {
    %c0_i32 = arith.constant 0 : i32
    %c0_i32_0 = arith.constant 0 : i32
    %c0_i32_1 = arith.constant 0 : i32
    return %c0_i32, %c0_i32_0 : i32, i32
  }
  func.func @transform_2(%arg0: i32) -> (i32, i32) {
    %c0_i32 = arith.constant 0 : i32
    %c0_i32_0 = arith.constant 0 : i32
    %c0_i32_1 = arith.constant 0 : i32
    return %c0_i32, %c0_i32_0 : i32, i32
  }
}

</mosaic_0001>

<sc_bundles>
// kernel: kernel.6.cloned.1.call-start
scs
__scs_entry_jumppad:
0x0: {  	(pc) =	sbr.rel $0x88, $3  }
0x1: {  	(tag) =	ssettag $0x0;
	lr =	simm.s32 $0x1  }
0x2: {  	[smem:$0x3F9C] =	sst lr;
	_ =	strace $0xD0000000  }
0x3: {  	_ = 	snop  }
0x4: {  	_ = 	snop  }
0x5: {  	_ = 	snop  }
0x6: {  	_ = 	snop  }
0x7: {  	_ = 	snop  }
__scs_overlays_trampoline_lowered:
0x8: {  	[smem:$0x3FAB] =	sst s0  }
0x9: {  	[smem:$0x3FAC] =	sst s1  }
0xa: {  	[smem:$0x3FAD] =	sst s2  }
0xb: {  	[smem:$0x3FAE] =	sst s3  }
0xc: {  	[smem:$0x3FAF] =	sst s4  }
0xd: {  	[smem:$0x3FB0] =	sst s5  }
0xe: {  	[smem:$0x3FB1] =	sst s6  }
0xf: {  	[smem:$0x3FB2] =	sst s7  }
0x10: {  	[smem:$0x3FB3] =	sst s8  }
0x11: {  	[smem:$0x3FB4] =	sst s9;
	s0 =	simm.s32 @!p0 $0x0  }
0x12: {  	s1 =	sld [smem:$0x3F9A];
	s0 =	simm.s32 @p0 $0x1  }
0x13: {  	[smem:$0x3FB5] =	sst s0;
	s0 =	simm.s32 @!p1 $0x0  }
0x14: {  	s2 =	sld [smem:$0x3F99];
	s0 =	simm.s32 @p1 $0x1  }
0x15: {  	[smem:$0x3FB6] =	sst s0;
	s0 =	simm.s32 @!p2 $0x0  }
0x16: {  	s3 =	sld [smem:$0x3FDB];
	s0 =	simm.s32 @p2 $0x1  }
0x17: {  	s4 =	simm.s32 $0x1BF5;
	[smem:$0x3FB8] =	sst s0  }
0x18: {  	s0 =	sld [smem:$0x3F9B];
	_ =	swait.ge [sflag:s4], $0x0  }
0x19: {  	s7 =	sld [smem:$0x3F9C]  }
0x1a: {  	s8 =	sadd.s32 $0xFFFFE003, lr  }
0x1b: {  	s9 =	sadd.s32 $0xFFFFFEF7, lr;
	s5 =	simm.s32 $0xFFFFFFFF;
	p2 =	slt.u32 s8, $0xFFFFF086  }
0x1c: {  	p1 =	slt.u32 s9, $0xF7A;
	s5 =	simm.s32 @!p2 $0x0  }
0x1d: {  	s5 =	simm.s32 @p1 $0x1;
	p0 =	seq.s32 s7, s2  }
0x1e: {  	s7 =	smul.u32 @!p0 $0xF7A, s2;
	p2 =	seq.s32 @!p0 s5, $0x0  }
0x1f: {  	s9 =	smul.u32 $0xF7A, s1;
	s8 =	simm.s32 @!p0 $0x1BF5;
	p2 =	por !p2, p0  }
0x20: {  	[sflag:s8] =	ssyncset.s32 @!p0 $0xFFFFF086;
	s6 =	sadd.s32 @!p0 s3, s7;
	s7 =	simm.s32 @!p0 $0x108  }
0x21: {  	s3 =	sadd.s32 s3, s9;
	s6 =	sadd.s32 @!p0 $0x88, s6;
	s7 =	simm.s32 @p2 $0x1082  }
0x22: {  	[simem:s7], [sflag:s8] =	dma.local @!p0 [hbm:s6], $0xF7A  }
0x23: {  	s9 =	sor.u32 $0xD0000000, s2;
	s6 =	simm.s32 $0x108;
	_ =	swait.ge @!p0 [sflag:s8], $0x0  }
0x24: {  	s3 =	sadd.s32 $0x88, s3;
	s6 =	simm.s32 @!p1 $0x1082;
	[sflag:s4] =	ssyncset.s32 $0xFFFFF086  }
0x25: {  	[simem:s6], [sflag:s4] =	dma.local [hbm:s3], $0xF7A  }
0x26: {  	[smem:$0x3F9C] =	sst s1;
	(tag) =	ssettag s2;
	_ =	strace s9  }
0x27: {  	s1 =	sld [smem:$0x3FAC]  }
0x28: {  	s2 =	sld [smem:$0x3FAD]  }
0x29: {  	s4 =	sld [smem:$0x3FAF]  }
0x2a: {  	p0 =	seq.s32 s5, $0x0;
	s5 =	sld [smem:$0x3FB0]  }
0x2b: {  	s6 =	sld [smem:$0x3FB1]  }
0x2c: {  	s7 =	sld [smem:$0x3FB2]  }
0x2d: {  	s3 =	simm.s32 $0x108;
	s8 =	sld [smem:$0x3FB3]  }
0x2e: {  	s3 =	simm.s32 @!p0 $0x1082;
	s9 =	sld [smem:$0x3FB4]  }
0x2f: {  	lr =	sadd.s32 s0, s3;
	s0 =	sld [smem:$0x3FAB]  }
0x30: {  	s3 =	sld [smem:$0x3FAE]  }
0x31: {  	[smem:$0x3FB7] =	sst s10  }
0x32: {  	s10 =	sld [smem:$0x3FB5];
	_ =	sdelay $0x3  }
0x33: {  	p0 =	seq.s32 s10, $0x1;
	s10 =	sld [smem:$0x3FB7];
	_ =	sdelay $0x3  }
0x34: {  	[smem:$0x3FB7] =	sst s10  }
0x35: {  	s10 =	sld [smem:$0x3FB6];
	_ =	sdelay $0x3  }
0x36: {  	p1 =	seq.s32 s10, $0x1;
	s10 =	sld [smem:$0x3FB7];
	_ =	sdelay $0x3  }
0x37: {  	[smem:$0x3FB7] =	sst s10  }
0x38: {  	s10 =	sld [smem:$0x3FB8]  }
0x39: {  	_ = 	snop;
	(pc) =	sbr.ind lr, $3  }
0x3a: {  	_ = 	snop  }
0x3b: {  	_ = 	snop  }
0x3c: {  	p2 =	seq.s32 s10, $0x1;
	s10 =	sld [smem:$0x3FB7]  }
0x3d: {  	_ =	shalt  }
0x3e: {  	_ =	shalt  }
0x3f: {  	_ =	shalt  }
0x40: {  	_ =	shalt  }
0x41: {  	_ =	shalt  }
0x42: {  	_ =	shalt  }
0x43: {  	_ =	shalt  }
0x44: {  	_ =	shalt  }
0x45: {  	_ =	shalt  }
0x46: {  	_ =	shalt  }
0x47: {  	_ =	shalt  }
0x48: {  	_ =	shalt  }
0x49: {  	_ =	shalt  }
0x4a: {  	_ =	shalt  }
0x4b: {  	_ =	shalt  }
0x4c: {  	_ =	shalt  }
0x4d: {  	_ =	shalt  }
0x4e: {  	_ =	shalt  }
0x4f: {  	_ =	shalt  }
0x50: {  	_ =	shalt  }
0x51: {  	_ =	shalt  }
0x52: {  	_ =	shalt  }
0x53: {  	_ =	shalt  }
0x54: {  	_ =	shalt  }
0x55: {  	_ =	shalt  }
0x56: {  	_ =	shalt  }
0x57: {  	_ =	shalt  }
0x58: {  	_ =	shalt  }
0x59: {  	_ =	shalt  }
0x5a: {  	_ =	shalt  }
0x5b: {  	_ =	shalt  }
0x5c: {  	_ =	shalt  }
0x5d: {  	_ =	shalt  }
0x5e: {  	_ =	shalt  }
0x5f: {  	_ =	shalt  }
0x60: {  	_ =	shalt  }
0x61: {  	_ =	shalt  }
0x62: {  	_ =	shalt  }
0x63: {  	_ =	shalt  }
0x64: {  	_ =	shalt  }
0x65: {  	_ =	shalt  }
0x66: {  	_ =	shalt  }
0x67: {  	_ =	shalt  }
0x68: {  	_ =	shalt  }
0x69: {  	_ =	shalt  }
0x6a: {  	_ =	shalt  }
0x6b: {  	_ =	shalt  }
0x6c: {  	_ =	shalt  }
0x6d: {  	_ =	shalt  }
0x6e: {  	_ =	shalt  }
0x6f: {  	_ =	shalt  }
0x70: {  	_ =	shalt  }
0x71: {  	_ =	shalt  }
0x72: {  	_ =	shalt  }
0x73: {  	_ =	shalt  }
0x74: {  	_ =	shalt  }
0x75: {  	_ =	shalt  }
0x76: {  	_ =	shalt  }
0x77: {  	_ =	shalt  }
0x78: {  	_ =	shalt  }
0x79: {  	_ =	shalt  }
0x7a: {  	_ =	shalt  }
0x7b: {  	_ =	shalt  }
0x7c: {  	_ =	shalt  }
0x7d: {  	_ =	shalt  }
0x7e: {  	_ =	shalt  }
0x7f: {  	_ =	shalt  }
0x80: {  	_ =	shalt  }
0x81: {  	_ =	shalt  }
0x82: {  	_ =	shalt  }
0x83: {  	_ =	shalt  }
0x84: {  	_ =	shalt  }
0x85: {  	_ =	shalt  }
0x86: {  	_ =	shalt  }
0x87: {  	_ =	shalt  }
.Lfunc_end0:
.L_simem_size_0:
called_computation_lowered:
.L_overlay_start_0:
0x88: {  	s2 =	sld [smem:$0x3FD9]  }
0x89: {  	s3 =	sld [smem:$0x3FFE];
	_ =	sdelay $0x1  }
0x8a: {  	s1 =	srdreg.scid  }
0x8b: {  	s0 =	sand.u32 $0x1, s1  }
0x8c: {  	s16 =	sshll.u32 s0, $0xA;
	s2 =	sadd.s32 s3, s2  }
0x8d: {  	s2 =	sadd.s32 s2, s16  }
0x8e: {  	[smem:$0x3FC3] =	sst s2  }
0x8f: {  	_ = 	snop  }
0x90: {  	(tm) =	ssettm $0x1  }
0x91: {  	s17 =	sld [smem:$0x3FFB];
	_ =	sdelay $0x3  }
0x92: {  	_ =	strace s17  }
0x93: {  	s2 =	sld [smem:$0x3FFC];
	_ =	sdelay $0x3  }
0x94: {  	_ =	strace s2  }
0x95: {  	s2 =	sld [smem:$0x3FFD];
	_ =	sdelay $0x3  }
0x96: {  	_ =	strace s2  }
0x97: {  	_ =	strace $0x8FFFFFFF  }
0x98: {  	s18 =	sld [smem:$0x3FDB];
	_ =	sdelay $0x1  }
0x99: {  	s19 =	simm.s32 $_scs_section_size  }
0x9a: {  	s4 =	simm.s32 $_size__tile_overlayer_lowered;
	s5 =	simm.s32 $_tile_overlayer_lowered  }
0x9b: {  	s22 =	simm.s32 $0x1BFF;
	s21 =	sshll.u32 s5, $0x1;
	s2 =	sadd.s32 s19, s18  }
0x9c: {  	s6 =	simm.s32 $0x0;
	s20 =	sshll.u32 s4, $0x1;
	s4 =	sadd.s32 s21, s2  }
0x9d: {  	[timem:s6], [sflag:s22] =	dma.local [hbm:s4], s20  }
0x9e: {  	_ =	swait.ge [sflag:s22], s20  }
0x9f: {  	s3 =	ssub.s32 $0x0, s20;
	[sflag:s22] =	ssyncset.done $0x0  }
0xa0: {  	[sflag:s22] =	ssyncadd.s32 s3;
	_ =	sdelay $0x1  }
0xa1: {  	s23 =	simm.s32 $0x1B8B  }
0xa2: {  	_ =	swait.ge [sflag:s23], $0x1  }
0xa3: {  	[sflag:s23] =	ssyncset.done $0x0  }
0xa4: {  	s25 =	simm.s32 $0x1B8E;
	s24 =	sld [smem:$0x3FFE];
	[sflag:s23] =	ssyncadd.s32 $0xFFFFFFFF  }
0xa5: {  	s26 =	simm.s32 $execute0_lowered;
	[smem:$0x3FD2] =	sst s25  }
0xa6: {  	s4 =	sshll.u32 s26, $0x1;
	_ =	strace $0x80000046;
	[dreg:$0x1] =	wrdreg $0xFFFFFFFF  }
0xa7: {  	s28 =	simm.s32 $_size_execute0_lowered;
	s2 =	sadd.s32 s2, s4;
	[dreg:$0x0] =	wrdreg $0x0  }
0xa8: {  	s4 =	sshll.u32 s28, $0x1;
	[dreg:$0x2] =	wrdreg s2  }
0xa9: {  	[dreg:$0x3] =	wrdreg s4  }
0xaa: {  	[dreg:$0x4] =	wrdreg $0xC0  }
0xab: {  	_ =	task [dreg:s6], $0x5FFFF  }
0xac: {  	[dreg:$0x1] =	wrdreg $0xFFFFFFFF  }
0xad: {  	[dreg:$0x0] =	wrdreg $0x60  }
0xae: {  	[dreg:$0x2] =	wrdreg s24  }
0xaf: {  	[dreg:$0x3] =	wrdreg $0x9  }
0xb0: {  	_ =	task.clear_ibuf [dreg:s6], $0x4FFFF;
	_ =	strace $0x90000046  }
0xb1: {  	s29 =	simm.s32 $0x9;
	_ =	strace $0x80000062  }
0xb2: {  	_ =	swait.ge [sflag:s29], $0x1  }
0xb3: {  	[sflag:s29] =	ssyncadd.s32 $0xFFFFFFFF  }
0xb4: {  	_ =	strace $0x90000062  }
0xb5: {  	_ =	sfence  }
0xb6: {  	s30 =	sld [smem:$0x0];
	_ =	sdelay $0x2  }
0xb7: {  	s31 =	sshll.u32 s1, $0xD;
	s1 =	sshrl.u32 s1, $0x2  }
0xb8: {  	s3 =	sand.u32 $0x4000, s31;
	s1 =	sadd.s32 s1, s30  }
0xb9: {  	s0 =	sor.u32 s3, s0;
	s1 =	sshll.u32 s1, $0x11  }
0xba: {  	s0 =	sor.u32 s1, s0  }
0xbb: {  	s0 =	sadd.s32 $0x8F2B, s0  }
0xbc: {  	[sflag:s0] =	ssyncadd.remote.s32 $0x1  }
0xbd: {  	_ =	sfence.sel $0xFFFF  }
0xbe: {  	[dreg:$0x0] =	wrdreg $0xFFFFFFFF;
	(pc) =	sbr.abs _section_cstart, $3  }
0xbf: {  	[dreg:$0x1] =	wrdreg $0xFFFFFFFF  }
0xc0: {  	_ =	task.clear_ibuf [dreg:s6], $0x2FFFF;
	_ =	strace $0x9FFFFFFF  }
0xc1: {  	(tm) =	ssettm $0x7FFFFFFF  }
tec
execute0_lowered:
.L_overlay_start_1:
0x0: {  	(tag) =	ssettag $0x1  }
0x1: {  	s0 =	rddreg [dreg:$0x0];
	s1 =	simm.s32 $0x0  }
0x2: {  	[smem:$0x7FF] =	sst s1;
	s2 =	sadd.s32 $0xC00, s0  }
0x3: {  	s5 =	sadd.s32 $0x2000, s0;
	s6 =	sadd.s32 $0x2400, s0;
	s7 =	sadd.s32 $0x2800, s0  }
0x4: {  	s3 =	sadd.s32 $0x6800, s0;
	_ =	strace $0x80000047;
	[dreg:$0x2] =	wrdreg s2  }
0x5: {  	s8 =	sadd.s32 $0x2C00, s0;
	s22 =	sadd.s32 $0x9000, s0;
	[dreg:$0x9] =	wrdreg s3  }
0x6: {  	s9 =	sadd.s32 $0x4000, s0;
	s11 =	sadd.s32 $0xA400, s0;
	[dreg:$0xa] =	wrdreg s22  }
0x7: {  	s10 =	sadd.s32 $0x5400, s0;
	s0 =	sadd.s32 $0xB800, s0;
	[dreg:$0xb] =	wrdreg s11  }
0x8: {  	[dreg:$0xd] =	wrdreg s0  }
0x9: {  	[dreg:$0x3] =	wrdreg s5  }
0xa: {  	s21 =	srdreg.scid;
	[dreg:$0x4] =	wrdreg s6  }
0xb: {  	s4 =	stileid.u32;
	s2 =	sand.u32 $0x1, s21;
	[dreg:$0x5] =	wrdreg s7  }
0xc: {  	[dreg:$0x6] =	wrdreg s8;
	s23 =	sshll.u32 s2, $0x4;
	s2 =	ssub.s32 $0x2, s2  }
0xd: {  	[dreg:$0x7] =	wrdreg s9;
	s3 =	sor.u32 s4, s23;
	s24 =	sshrl.u32 s2, $0x1  }
0xe: {  	p0 =	slt.u32 s3, $0x8;
	s4 =	sshll.u32 s3, $0x1;
	s3 =	sadd.s32 $0x8, s3  }
0xf: {  	[dreg:$0x8] =	wrdreg s10;
	s0 =	ssub.s32 s2, s24;
	s3 =	smov.u32 @p0 s4  }
0x10: {  	s13 =	simm.s32 $0x2;
	s0 =	smax.u32 s0, $0x1;
	[dreg:$0xc] =	wrdreg s3  }
0x11: {  	s13 =	simm.s32 @!p0 $0x1;
	[dreg:$0x16] =	wrdreg s0  }
0x12: {  	s25 =	sshll.u32 s3, $0x4;
	s15 =	sadd.s32 $0xFFFFFFFF, s13;
	[dreg:$0xe] =	wrdreg s13  }
0x13: {  	s26 =	sadd.s32 s5, s25;
	[dreg:$0x15] =	wrdreg s15  }
0x14: {  	s28 =	sadd.s32 s6, s25;
	[dreg:$0xf] =	wrdreg s26  }
0x15: {  	s3 =	sshll.u32 s3, $0x7;
	s2 =	sadd.s32 s7, s25;
	[dreg:$0x10] =	wrdreg s28  }
0x16: {  	s29 =	sadd.s32 s8, s3;
	[dreg:$0x11] =	wrdreg s2  }
0x17: {  	v0 =	vlaneseq.u32;
	s30 =	sadd.s32 s9, s3;
	[dreg:$0x12] =	wrdreg s29  }
0x18: {  	v0 =	vshrl.u32 v0, $0x3;
	s24 =	simm.s32 $0x1000;
	s31 =	sadd.s32 s10, s3;
	[dreg:$0x13] =	wrdreg s30  }
0x19: {  	v0 =	vmul.u32 $0x10, v0;
	s8 =	simm.s32 $0x800;
	[dreg:$0x14] =	wrdreg s31;
	s2 =	simm.s32 $0x0  }
.LBB2_1:
0x1a: {  	[dreg:$0x17] =	wrdreg s2  }
0x1b: {  	s6 =	simm.s32 $0x1800;
	_ =	strace $0x80000048  }
0x1c: {  	s9 =	simm.s32 $0x1900;
	s11 =	simm.s32 $0x1A00;
	s0 =	rddreg [dreg:$0xf]  }
0x1d: {  	[tilespmem:s6], [sflag:$0x1] =	stream.linear.gather [hbm4b:s0+s1], $0x80, $0x200038;
	[tilespmem:$0x5B00] =	vst v63  }
0x1e: {  	s14 =	simm.s32 $0x1B00;
	s17 =	simm.s32 $0x2300;
	s7 =	rddreg [dreg:$0x10]  }
0x1f: {  	[tilespmem:s9], [sflag:$0x3] =	stream.linear.gather [hbm4b:s7+s1], $0x80, $0x200038;
	[tilespmem:$0x5B00] =	vst v63  }
0x20: {  	s19 =	simm.s32 $0x2B00;
	s20 =	simm.s32 $0x1;
	s10 =	rddreg [dreg:$0x11]  }
0x21: {  	[tilespmem:s11], [sflag:$0x5] =	stream.linear.gather [hbm4b:s10+s1], $0x80, $0x200038;
	[tilespmem:$0x5B00] =	vst v63  }
0x22: {  	s26 =	simm.s32 $0x0;
	s28 =	simm.s32 $0x0;
	s12 =	rddreg [dreg:$0x12]  }
0x23: {  	[tilespmem:s14], [sflag:$0x7] =	stream.linear.gather [hbm4b:s12+s1], $0x400, $0x200038;
	[tilespmem:$0x5B00] =	vst v63  }
0x24: {  	s21 =	simm.s32 $0x0;
	s22 =	simm.s32 $0x0;
	s16 =	rddreg [dreg:$0x13]  }
0x25: {  	[tilespmem:s17], [sflag:$0x9] =	stream.linear.gather [hbm4b:s16+s1], $0x400, $0x200038;
	[tilespmem:$0x5B00] =	vst v63  }
0x26: {  	s4 =	simm.s32 $0x0;
	s23 =	simm.s32 $0x0;
	s18 =	rddreg [dreg:$0x14]  }
0x27: {  	[tilespmem:s19], [sflag:$0xB] =	stream.linear.gather [hbm4b:s18+s1], $0x400, $0x200038;
	[tilespmem:$0x5B00] =	vst v63  }
0x28: {  	s25 =	simm.s32 $0x1;
	_ =	strace $0x90000048;
	[dreg:$0x1b] =	wrdreg s20  }
0x29: {  	s29 =	simm.s32 $0x1;
	s30 =	simm.s32 $0x1;
	[dreg:$0x18] =	wrdreg s21  }
0x2a: {  	s31 =	simm.s32 $0x1;
	s3 =	simm.s32 $0x0;
	[dreg:$0x19] =	wrdreg s22  }
0x2b: {  	s9 =	simm.s32 $0x0;
	s11 =	simm.s32 $0x0;
	[dreg:$0x1a] =	wrdreg s23  }
0x2c: {  	s10 =	simm.s32 $0x0;
	s12 =	simm.s32 $0x0;
	[dreg:$0x1d] =	wrdreg s25  }
0x2d: {  	s17 =	simm.s32 $0x1;
	s18 =	simm.s32 $0x0;
	[dreg:$0x1e] =	wrdreg s29  }
0x2e: {  	s20 =	simm.s32 $0x0;
	s21 =	simm.s32 $0x0;
	[dreg:$0x1f] =	wrdreg s30  }
0x2f: {  	s23 =	simm.s32 $0x0;
	s25 =	simm.s32 $0x0;
	[smem:$0x7FD] =	sst s31  }
.LBB2_2:
0x30: {  	p1 =	sge.s32 s3, s15  }
.Ltmp0:
0x31: {  	_ = 	snop;
	(pc) =	sbr.rel @p1 .LBB2_4-.Ltmp0, $4  }
0x32: {  	_ = 	snop  }
0x33: {  	s31 =	sadd.s32 $0x1, s9  }
0x34: {  	p0 =	seq.s32 s31, s13  }
0x35: {  	s0 =	simm.s32 $0x0;
	s31 =	simm.s32 @p0 $0x0  }
0x36: {  	s30 =	sld [smem:$0x7FD]  }
0x37: {  	p0 =	seq.s32 s9, s31;
	s0 =	rddreg [dreg:$0xc]  }
0x38: {  	s0 =	sadd.s32 @!p0 s0, s31;
	_ =	strace @!p0 $0x80000049  }
0x39: {  	s13 =	simm.s32 @!p0 $0x0;
	s6 =	sshll.u32 @!p0 s0, $0x4;
	s2 =	sand.u32 @!p0 $0x1, s30  }
0x3a: {  	s7 =	rddreg [dreg:$0x3];
	s6 =	sand.u32 @!p0 $0x1FFFFFF0, s6;
	s5 =	sshll.u32 @!p0 s2, $0x7  }
0x3b: {  	s2 =	sadd.s32 @!p0 $0x1, s2;
	s7 =	sadd.s32 @!p0 s7, s6;
	s5 =	sor.u32 @!p0 $0x1800, s5  }
0x3c: {  	[tilespmem:s5], [sflag:s2] =	stream.linear.gather @!p0 [hbm4b:s7+s13], $0x80, $0x200038;
	[tilespmem:$0x5B00] =	vst v63  }
0x3d: {  	_ =	strace @!p0 $0x90000049  }
0x3e: {  	s29 =	rddreg [dreg:$0x1f]  }
0x3f: {  	_ =	strace @!p0 $0x8000004A;
	s2 =	sand.u32 @!p0 $0x1, s29  }
0x40: {  	s7 =	rddreg [dreg:$0x4];
	s5 =	sshll.u32 @!p0 s2, $0x7  }
0x41: {  	s2 =	sadd.s32 @!p0 $0x3, s2;
	s7 =	sadd.s32 @!p0 s7, s6;
	s5 =	sor.u32 @!p0 $0x1900, s5  }
0x42: {  	[tilespmem:s5], [sflag:s2] =	stream.linear.gather @!p0 [hbm4b:s7+s13], $0x80, $0x200038;
	[tilespmem:$0x5B00] =	vst v63  }
0x43: {  	_ =	strace @!p0 $0x9000004A  }
0x44: {  	s22 =	rddreg [dreg:$0x1e]  }
0x45: {  	_ =	strace @!p0 $0x8000004B;
	s2 =	sand.u32 @!p0 $0x1, s22  }
0x46: {  	s7 =	rddreg [dreg:$0x5];
	s5 =	sshll.u32 @!p0 s2, $0x7  }
0x47: {  	s2 =	sadd.s32 @!p0 $0x5, s2;
	s6 =	sadd.s32 @!p0 s7, s6;
	s5 =	sor.u32 @!p0 $0x1A00, s5  }
0x48: {  	[tilespmem:s5], [sflag:s2] =	stream.linear.gather @!p0 [hbm4b:s6+s13], $0x80, $0x200038;
	[tilespmem:$0x5B00] =	vst v63  }
0x49: {  	_ =	strace @!p0 $0x9000004B  }
0x4a: {  	_ =	strace @!p0 $0x8000004C  }
0x4b: {  	s19 =	rddreg [dreg:$0x1d]  }
0x4c: {  	s0 =	sshll.u32 @!p0 s0, $0x7;
	s2 =	sand.u32 @!p0 $0x1, s19  }
0x4d: {  	s0 =	sand.u32 @!p0 $0x1FFFFF80, s0;
	s6 =	rddreg [dreg:$0x6];
	s5 =	sshll.u32 @!p0 s2, $0xA  }
0x4e: {  	s6 =	sadd.s32 @!p0 s6, s0;
	s2 =	sadd.s32 @!p0 $0x7, s2;
	s5 =	sor.u32 @!p0 $0x1B00, s5  }
0x4f: {  	[tilespmem:s5], [sflag:s2] =	stream.linear.gather @!p0 [hbm4b:s6+s13], $0x400, $0x200038;
	[tilespmem:$0x5B00] =	vst v63  }
0x50: {  	_ =	strace @!p0 $0x9000004C  }
0x51: {  	s16 =	rddreg [dreg:$0x1b]  }
0x52: {  	_ =	strace @!p0 $0x8000004D;
	s2 =	sand.u32 @!p0 $0x1, s16  }
0x53: {  	s6 =	rddreg [dreg:$0x7];
	s5 =	sshll.u32 @!p0 s2, $0xA  }
0x54: {  	s2 =	sadd.s32 @!p0 $0x9, s2;
	s6 =	sadd.s32 @!p0 s6, s0;
	s5 =	sor.u32 @!p0 $0x2300, s5  }
0x55: {  	[tilespmem:s5], [sflag:s2] =	stream.linear.gather @!p0 [hbm4b:s6+s13], $0x400, $0x200038;
	[tilespmem:$0x5B00] =	vst v63  }
0x56: {  	s2 =	sadd.s32 @!p0 $0x1, s30;
	s5 =	sand.u32 @!p0 $0x1, s17;
	_ =	strace @!p0 $0x9000004D  }
0x57: {  	s6 =	sadd.s32 @!p0 $0x1, s16;
	s7 =	sshll.u32 @!p0 s5, $0xA;
	_ =	strace @!p0 $0x8000004E  }
0x58: {  	s5 =	sadd.s32 @!p0 $0xB, s5;
	s6 =	smov.u32 @p0 s16;
	s14 =	rddreg [dreg:$0x8]  }
0x59: {  	s2 =	smov.u32 @p0 s30;
	s7 =	sor.u32 @!p0 $0x2B00, s7;
	s0 =	sadd.s32 @!p0 s14, s0  }
0x5a: {  	[tilespmem:s7], [sflag:s5] =	stream.linear.gather @!p0 [hbm4b:s0+s13], $0x400, $0x200038;
	[tilespmem:$0x5B00] =	vst v63  }
0x5b: {  	s7 =	sadd.s32 @!p0 $0x1, s22;
	_ =	strace @!p0 $0x9000004E;
	[dreg:$0x1b] =	wrdreg s6  }
0x5c: {  	s5 =	sadd.s32 @!p0 $0x1, s29;
	s7 =	smov.u32 @p0 s22;
	[smem:$0x7FD] =	sst s2  }
0x5d: {  	s13 =	sadd.s32 @!p0 $0x1, s19;
	s5 =	smov.u32 @p0 s29;
	[dreg:$0x1e] =	wrdreg s7  }
0x5e: {  	s0 =	simm.s32 @!p0 $0x1;
	s13 =	smov.u32 @p0 s19;
	[dreg:$0x1f] =	wrdreg s5  }
0x5f: {  	s0 =	simm.s32 @p0 $0x0;
	[dreg:$0x1d] =	wrdreg s13  }
.LBB2_4:
0x60: {  	p0 =	seq.s32 s3, $0x0;
	s2 =	sor.u32 s15, s9  }
0x61: {  	p1 =	seq.s32 @!p0 s2, $0x0  }
0x62: {  	p2 =	por p0, !p1  }
0x63: {  	s2 =	sand.u32 @p2 $0x1, s12  }
0x64: {  	_ =	strace @p2 $0x8000004F;
	s2 =	sadd.s32 @p2 $0x1, s2  }
0x65: {  	_ =	swait.ge @p2 [sflag:s2], $0x80  }
0x66: {  	[sflag:s2] =	ssyncset.done @p2 $0x0  }
0x67: {  	[sflag:s2] =	ssyncadd.s32 @p2 $0xFFFFFF80  }
0x68: {  	s2 =	sand.u32 @p2 $0x1, s25;
	_ =	strace @p2 $0x9000004F  }
0x69: {  	s2 =	sadd.s32 @p2 $0x3, s2;
	_ =	strace @p2 $0x80000050  }
0x6a: {  	_ =	swait.ge @p2 [sflag:s2], $0x80  }
0x6b: {  	[sflag:s2] =	ssyncset.done @p2 $0x0  }
0x6c: {  	[sflag:s2] =	ssyncadd.s32 @p2 $0xFFFFFF80  }
0x6d: {  	s2 =	sand.u32 @p2 $0x1, s23;
	_ =	strace @p2 $0x90000050  }
0x6e: {  	s2 =	sadd.s32 @p2 $0x5, s2;
	_ =	strace @p2 $0x80000051  }
0x6f: {  	_ =	swait.ge @p2 [sflag:s2], $0x80  }
0x70: {  	[sflag:s2] =	ssyncset.done @p2 $0x0  }
0x71: {  	[sflag:s2] =	ssyncadd.s32 @p2 $0xFFFFFF80  }
0x72: {  	s2 =	sand.u32 @p2 $0x1, s21;
	_ =	strace @p2 $0x90000051  }
0x73: {  	s2 =	sadd.s32 @p2 $0x7, s2;
	_ =	strace @p2 $0x80000052  }
0x74: {  	_ =	swait.ge @p2 [sflag:s2], $0x400  }
0x75: {  	[sflag:s2] =	ssyncset.done @p2 $0x0  }
0x76: {  	[sflag:s2] =	ssyncadd.s32 @p2 $0xFFFFFC00  }
0x77: {  	s2 =	sand.u32 @p2 $0x1, s20;
	_ =	strace @p2 $0x90000052  }
0x78: {  	s2 =	sadd.s32 @p2 $0x9, s2;
	_ =	strace @p2 $0x80000053  }
0x79: {  	_ =	swait.ge @p2 [sflag:s2], $0x400  }
0x7a: {  	[sflag:s2] =	ssyncset.done @p2 $0x0  }
0x7b: {  	[sflag:s2] =	ssyncadd.s32 @p2 $0xFFFFFC00  }
0x7c: {  	s2 =	sand.u32 @p2 $0x1, s18;
	_ =	strace @p2 $0x90000053  }
0x7d: {  	s2 =	sadd.s32 @p2 $0xB, s2;
	_ =	strace @p2 $0x80000054  }
0x7e: {  	_ =	swait.ge @p2 [sflag:s2], $0x400  }
0x7f: {  	[sflag:s2] =	ssyncset.done @p2 $0x0  }
0x80: {  	[sflag:s2] =	ssyncadd.s32 @p2 $0xFFFFFC00  }
0x81: {  	s14 =	sshll.u32 s12, $0x7;
	s5 =	simm.s32 $0x0;
	_ =	strace @p2 $0x90000054  }
0x82: {  	s7 =	simm.s32 $0x80;
	s2 =	sand.u32 $0x80, s14;
	_ =	strace $0x80000055  }
0x83: {  	s15 =	simm.s32 $0x15;
	s2 =	sor.u32 $0x1800, s2;
	s6 =	rddreg [dreg:$0x2]  }
0x84: {  	[tilespmem:s5], [sflag:$0x15] =	stream.indirect.gather [hbm4b:s6+s7], $0x10, s2, s7, $0x2000b8;
	[tilespmem:$0x5B00] =	vst v63  }
0x85: {  	s16 =	sshll.u32 s25, $0x7;
	_ =	swait.ge [sflag:s15], $0x800  }
0x86: {  	s2 =	sand.u32 $0x80, s16;
	[sflag:s15] =	ssyncset.done $0x0  }
0x87: {  	s2 =	sor.u32 $0x1900, s2;
	[sflag:s15] =	ssyncadd.s32 $0xFFFFF800  }
0x88: {  	[tilespmem:s8], [sflag:$0x15] =	stream.indirect.gather [hbm4b:s6+s7], $0x10, s2, s7, $0x2000b8;
	[tilespmem:$0x5B00] =	vst v63  }
0x89: {  	s19 =	sshll.u32 s23, $0x7;
	_ =	swait.ge [sflag:s15], $0x800  }
0x8a: {  	s2 =	sand.u32 $0x80, s19;
	[sflag:s15] =	ssyncset.done $0x0  }
0x8b: {  	s2 =	sor.u32 $0x1A00, s2;
	s13 =	rddreg [dreg:$0x1a];
	[sflag:s15] =	ssyncadd.s32 $0xFFFFF800  }
0x8c: {  	[tilespmem:s24], [sflag:$0x15] =	stream.indirect.gather [hbm4b:s6+s7], $0x10, s2, s7, $0x2000b8;
	[tilespmem:$0x5B00] =	vst v63  }
0x8d: {  	s17 =	sadd.s32 s17, s0;
	s13 =	sand.u32 $0x1, s13;
	_ =	swait.ge [sflag:s15], $0x800  }
0x8e: {  	s0 =	simm.s32 $0x0;
	s22 =	sshll.u32 s13, $0xB;
	[smem:$0x7FA] =	sst s13  }
0x8f: {  	s29 =	sor.u32 $0x3300, s22;
	[sflag:s15] =	ssyncset.done $0x0;
	s30 =	rddreg [dreg:$0xc]  }
0x90: {  	[smem:$0x7FC] =	sst s29;
	s2 =	sadd.s32 s30, s9;
	[sflag:s15] =	ssyncadd.s32 $0xFFFFF800  }
0x91: {  	v1 =	vmov s29;
	[smem:$0x7FB] =	sst s2;
	v2 =	vld [tilespmem:s0+$0x800];
	s2 =	simm.s32 $0x40  }
.LBB2_5:
0x92: {  	p2 =	seq.s32 s2, $0x1FC0;
	v3 =	vld [tilespmem:s0+$0x0];
	_ =	sdelay $0x1  }
0x93: {  	v4 =	vld [tilespmem:s0+$0x1000];
	_ =	sdelay $0x2  }
0x94: {  	v2 =	vadd.f32 v2, v3;
	_ =	sdelay $0x1  }
0x95: {  	v2 =	vadd.f32 v4, v2  }
.Ltmp1:
0x96: {  	(pc) =	sbr.rel @!p2 .LBB2_5-.Ltmp1, $3  }
0x97: {  	v2 =	vmul.f32 $3.333333430e-01, v2;
	_ =	sdelay $0x1  }
0x98: {  	[tilespmem:v1+s0+$0x0 ss:$0x1] =	vst.idx.msk $0xffff, v2;
	s0 =	sshra.s32 s2, $0x2  }
0x99: {  	s2 =	sadd.s32 $0x40, s2;
	v2 =	vld [tilespmem:s0+$0x800]  }
0x9a: {  	v3 =	vld [tilespmem:s0+$0x0];
	_ =	sdelay $0x1  }
0x9b: {  	v4 =	vld [tilespmem:s0+$0x1000];
	_ =	sdelay $0x2  }
0x9c: {  	v2 =	vadd.f32 v2, v3;
	_ =	sdelay $0x1  }
0x9d: {  	v2 =	vadd.f32 v4, v2;
	_ =	sdelay $0x1  }
0x9e: {  	v2 =	vmul.f32 $3.333333430e-01, v2  }
0x9f: {  	s16 =	sshll.u32 s21, $0xA  }
0xa0: {  	[tilespmem:v1+s0+$0x0 ss:$0x1] =	vst.idx.msk $0xffff, v2;
	s0 =	sand.u32 $0x400, s16;
	s16 =	simm.s32 $0x0  }
0xa1: {  	v1 =	vmov s16  }
0xa2: {  	v1 =	vshll.u32 v1, $0x4  }
0xa3: {  	[dreg:$0x1c] =	wrdreg s17;
	s6 =	sshll.u32 s20, $0xA;
	v1 =	vor.u32 v0, v1  }
0xa4: {  	s14 =	rddreg [dreg:$0x19];
	s17 =	sand.u32 $0x400, s6  }
0xa5: {  	s2 =	sand.u32 $0x1, s14;
	s14 =	sor.u32 $0x2300, s17  }
0xa6: {  	s5 =	sor.u32 $0x1B00, s0;
	v5 =	vld [tilespmem:s14+$0x0]  }
0xa7: {  	s7 =	sshll.u32 s18, $0xA;
	v2 =	vld [tilespmem:s5+$0x0]  }
0xa8: {  	s19 =	sand.u32 $0x400, s7;
	v3 =	vld.idx.msk [tilespmem:v1+s1+$0x0], $0xffff  }
0xa9: {  	s0 =	sor.u32 $0x2B00, s19;
	v4 =	vld.idx.msk [tilespmem:v1+s8+$0x0], $0xffff  }
0xaa: {  	v7 =	vld [tilespmem:s0+$0x0]  }
0xab: {  	v6 =	vld.idx.msk [tilespmem:v1+s24+$0x0], $0xffff;
	_ =	sdelay $0x2  }
0xac: {  	v3 =	vmul.f32 v3, v2;
	v4 =	vmul.f32 v4, v5;
	_ =	sdelay $0x1  }
0xad: {  	v3 =	vadd.f32 v4, v3;
	v4 =	vmul.f32 v6, v7;
	v6 =	vor.u32 $0x1, v1;
	_ =	sdelay $0x1  }
0xae: {  	s22 =	sshll.u32 s2, $0xA;
	v3 =	vadd.f32 v4, v3  }
0xaf: {  	s17 =	sor.u32 $0x4300, s22  }
0xb0: {  	[tilespmem:s17+$0x0] =	vst v3  }
0xb1: {  	v3 =	vld.idx.msk [tilespmem:v6+s1+$0x0], $0xffff  }
0xb2: {  	v4 =	vld.idx.msk [tilespmem:v6+s8+$0x0], $0xffff;
	_ =	sdelay $0x1  }
0xb3: {  	v6 =	vld.idx.msk [tilespmem:v6+s24+$0x0], $0xffff;
	_ =	sdelay $0x2  }
0xb4: {  	v3 =	vmul.f32 v3, v2;
	v4 =	vmul.f32 v4, v5;
	_ =	sdelay $0x1  }
0xb5: {  	s15 =	rddreg [dreg:$0x18];
	v1 =	vor.u32 $0x2, v1;
	v3 =	vadd.f32 v4, v3;
	v4 =	vmul.f32 v6, v7  }
0xb6: {  	s15 =	sand.u32 $0x1, s15  }
0xb7: {  	s7 =	sshll.u32 s15, $0xA;
	v3 =	vadd.f32 v4, v3  }
0xb8: {  	s19 =	sor.u32 $0x4B00, s7  }
0xb9: {  	[tilespmem:s19+$0x0] =	vst v3  }
0xba: {  	v3 =	vld.idx.msk [tilespmem:v1+s1+$0x0], $0xffff  }
0xbb: {  	v4 =	vld.idx.msk [tilespmem:v1+s8+$0x0], $0xffff  }
0xbc: {  	v6 =	vld.idx.msk [tilespmem:v1+s24+$0x0], $0xffff  }
0xbd: {  	s13 =	sand.u32 $0x1, s28  }
0xbe: {  	[smem:$0x7F8] =	sst s15;
	s15 =	sshll.u32 s13, $0xA  }
0xbf: {  	[smem:$0x7F9] =	sst s13;
	s13 =	sor.u32 $0x5300, s15;
	s22 =	simm.s32 $0x2  }
0xc0: {  	s30 =	simm.s32 $0x4;
	s6 =	sadd.s32 $0x10, s13;
	s29 =	sadd.s32 $0x10, s17;
	v1 =	vmul.f32 v3, v2;
	v2 =	vmov s22  }
0xc1: {  	s0 =	sadd.s32 $0x10, s0;
	s7 =	sadd.s32 $0x10, s19;
	v3 =	vmul.f32 v4, v5;
	s22 =	smov.u32 s13;
	v4 =	vshll.u32 v2, $0x4;
	v2 =	vmul.f32 v6, v7  }
.LBB2_7:
0xc2: {  	s5 =	sadd.s32 $0x10, s5  }
0xc3: {  	v4 =	vor.u32 v0, v4;
	v1 =	vadd.f32 v3, v1;
	s14 =	sadd.s32 $0x10, s14;
	s16 =	smov.u32 s30;
	s15 =	sadd.s32 $0x2, s30  }
0xc4: {  	p2 =	sne.s32 s30, $0x7E  }
0xc5: {  	v1 =	vadd.f32 v2, v1;
	_ =	sdelay $0x1  }
0xc6: {  	[tilespmem:s22+$0x0] =	vst v1;
	s22 =	smov.u32 s6  }
0xc7: {  	v1 =	vld [tilespmem:s5+$0x0]  }
0xc8: {  	v2 =	vld.idx.msk [tilespmem:v4+s1+$0x0], $0xffff  }
0xc9: {  	v3 =	vld.idx.msk [tilespmem:v4+s8+$0x0], $0xffff  }
0xca: {  	v5 =	vld [tilespmem:s14+$0x0]  }
0xcb: {  	v6 =	vld.idx.msk [tilespmem:v4+s24+$0x0], $0xffff  }
0xcc: {  	v7 =	vld [tilespmem:s0+$0x0];
	_ =	sdelay $0x1  }
0xcd: {  	v2 =	vmul.f32 v2, v1  }
0xce: {  	v3 =	vmul.f32 v3, v5;
	_ =	sdelay $0x1  }
0xcf: {  	v2 =	vadd.f32 v3, v2;
	v3 =	vmul.f32 v6, v7;
	v6 =	vor.u32 $0x1, v4;
	_ =	sdelay $0x1  }
0xd0: {  	v2 =	vadd.f32 v3, v2;
	_ =	sdelay $0x1  }
0xd1: {  	[tilespmem:s29+$0x0] =	vst v2  }
0xd2: {  	v2 =	vld.idx.msk [tilespmem:v6+s1+$0x0], $0xffff  }
0xd3: {  	v3 =	vld.idx.msk [tilespmem:v6+s8+$0x0], $0xffff;
	_ =	sdelay $0x1  }
0xd4: {  	v6 =	vld.idx.msk [tilespmem:v6+s24+$0x0], $0xffff;
	_ =	sdelay $0x2  }
0xd5: {  	v2 =	vmul.f32 v2, v1  }
0xd6: {  	v3 =	vmul.f32 v3, v5;
	_ =	sdelay $0x1  }
0xd7: {  	v4 =	vor.u32 $0x2, v4;
	v2 =	vadd.f32 v3, v2;
	v3 =	vmul.f32 v6, v7;
	_ =	sdelay $0x1  }
0xd8: {  	v2 =	vadd.f32 v3, v2;
	_ =	sdelay $0x1  }
0xd9: {  	[tilespmem:s7+$0x0] =	vst v2  }
0xda: {  	v2 =	vld.idx.msk [tilespmem:v4+s1+$0x0], $0xffff  }
0xdb: {  	v3 =	vld.idx.msk [tilespmem:v4+s8+$0x0], $0xffff  }
0xdc: {  	v6 =	vld.idx.msk [tilespmem:v4+s24+$0x0], $0xffff;
	_ =	sdelay $0x1  }
.Ltmp2:
0xdd: {  	(pc) =	sbr.rel @p2 .LBB2_7-.Ltmp2, $4  }
0xde: {  	_ = 	snop  }
0xdf: {  	v1 =	vmul.f32 v2, v1  }
0xe0: {  	s30 =	smov.u32 s15;
	s6 =	sadd.s32 $0x10, s6;
	v2 =	vmov s16;
	v3 =	vmul.f32 v3, v5  }
0xe1: {  	s0 =	sadd.s32 $0x10, s0;
	s29 =	sadd.s32 $0x10, s29;
	s7 =	sadd.s32 $0x10, s7;
	v4 =	vshll.u32 v2, $0x4;
	v2 =	vmul.f32 v6, v7  }
0xe2: {  	v1 =	vadd.f32 v3, v1  }
0xe3: {  	v3 =	vor.u32 v0, v4  }
0xe4: {  	v1 =	vadd.f32 v2, v1;
	_ =	sdelay $0x1  }
0xe5: {  	s5 =	sadd.s32 $0x10, s5;
	[tilespmem:s22+$0x0] =	vst v1  }
0xe6: {  	v1 =	vld [tilespmem:s5+$0x0]  }
0xe7: {  	v2 =	vld.idx.msk [tilespmem:v3+s1+$0x0], $0xffff  }
0xe8: {  	s30 =	sadd.s32 $0x10, s14;
	v4 =	vld.idx.msk [tilespmem:v3+s8+$0x0], $0xffff  }
0xe9: {  	v5 =	vld [tilespmem:s30+$0x0]  }
0xea: {  	v6 =	vld.idx.msk [tilespmem:v3+s24+$0x0], $0xffff  }
0xeb: {  	v7 =	vld [tilespmem:s0+$0x0];
	_ =	sdelay $0x2  }
0xec: {  	v2 =	vmul.f32 v2, v1;
	v4 =	vmul.f32 v4, v5;
	_ =	sdelay $0x1  }
0xed: {  	v60 =	vor.u32 $0x1, v3;
	v59 =	vmul.f32 v6, v7;
	v2 =	vadd.f32 v4, v2;
	_ =	sdelay $0x1  }
0xee: {  	v2 =	vadd.f32 v59, v2;
	_ =	sdelay $0x1  }
0xef: {  	[tilespmem:s29+$0x0] =	vst v2  }
0xf0: {  	v2 =	vld.idx.msk [tilespmem:v60+s1+$0x0], $0xffff  }
0xf1: {  	v61 =	vld.idx.msk [tilespmem:v60+s8+$0x0], $0xffff;
	_ =	sdelay $0x1  }
0xf2: {  	v6 =	vld.idx.msk [tilespmem:v60+s24+$0x0], $0xffff;
	_ =	sdelay $0x2  }
0xf3: {  	v2 =	vmul.f32 v2, v1;
	v4 =	vmul.f32 v61, v5;
	_ =	sdelay $0x1  }
0xf4: {  	v3 =	vor.u32 $0x2, v3;
	v62 =	vmul.f32 v6, v7;
	v2 =	vadd.f32 v4, v2;
	_ =	sdelay $0x1  }
0xf5: {  	v2 =	vadd.f32 v62, v2;
	_ =	sdelay $0x1  }
0xf6: {  	[tilespmem:s7+$0x0] =	vst v2  }
0xf7: {  	v2 =	vld.idx.msk [tilespmem:v3+s1+$0x0], $0xffff  }
0xf8: {  	v63 =	vld.idx.msk [tilespmem:v3+s8+$0x0], $0xffff;
	_ =	sdelay $0x1  }
0xf9: {  	v3 =	vld.idx.msk [tilespmem:v3+s24+$0x0], $0xffff;
	_ =	sdelay $0x2  }
0xfa: {  	v1 =	vmul.f32 v2, v1;
	v2 =	vmul.f32 v63, v5;
	_ =	sdelay $0x1  }
0xfb: {  	v3 =	vmul.f32 v3, v7;
	v1 =	vadd.f32 v2, v1;
	_ =	sdelay $0x1  }
0xfc: {  	s15 =	rddreg [dreg:$0x15];
	v1 =	vadd.f32 v3, v1  }
0xfd: {  	p2 =	seq.s32 s3, s15  }
0xfe: {  	p3 =	seq.s32 @!p2 s9, s31;
	[tilespmem:s6+$0x0] =	vst v1  }
0xff: {  	p2 =	por p2, !p3;
	_ =	strace $0x90000055  }
0x100: {  	s7 =	sld @p2 [smem:$0x7FB];
	_ =	sdelay $0x1  }
0x101: {  	s0 =	simm.s32 $0x0;
	_ =	strace @p2 $0x80000056  }
0x102: {  	s5 =	sld @p2 [smem:$0x7FA];
	s0 =	sshll.u32 @p2 s7, $0x8  }
0x103: {  	s6 =	rddreg @p2 [dreg:$0x9];
	s0 =	sand.u32 @p2 $0x1FFFFF00, s0  }
0x104: {  	s0 =	sadd.s32 @p2 s6, s0;
	s6 =	sld @p2 [smem:$0x7FC];
	_ =	sdelay $0x1  }
0x105: {  	s5 =	sadd.s32 @p2 $0xD, s5  }
0x106: {  	[hbm4b:s0+s1] =	stream.linear.scatter @p2 [tilespmem:s6], [sflag:s5], $0x800, $0x200038;
	[tilespmem:$0x5B00] =	vst v63  }
0x107: {  	_ =	strace @p2 $0x90000056  }
0x108: {  	s0 =	sshll.u32 @p2 s7, $0x7;
	_ =	strace @p2 $0x80000057  }
0x109: {  	s0 =	sand.u32 @p2 $0x1FFFFF80, s0;
	s5 =	rddreg @p2 [dreg:$0xa]  }
0x10a: {  	s2 =	sadd.s32 @p2 $0xF, s2;
	s5 =	sadd.s32 @p2 s5, s0  }
0x10b: {  	[hbm4b:s5+s1] =	stream.linear.scatter @p2 [tilespmem:s17], [sflag:s2], $0x400, $0x200038;
	[tilespmem:$0x5B00] =	vst v63  }
0x10c: {  	_ =	strace @p2 $0x90000057  }
0x10d: {  	_ =	strace @p2 $0x80000058  }
0x10e: {  	s2 =	sld @p2 [smem:$0x7F8];
	_ =	sdelay $0x1  }
0x10f: {  	s5 =	rddreg @p2 [dreg:$0xb]  }
0x110: {  	s5 =	sadd.s32 @p2 s5, s0;
	s2 =	sadd.s32 @p2 $0x11, s2  }
0x111: {  	[hbm4b:s5+s1] =	stream.linear.scatter @p2 [tilespmem:s19], [sflag:s2], $0x400, $0x200038;
	[tilespmem:$0x5B00] =	vst v63  }
0x112: {  	_ =	strace @p2 $0x90000058  }
0x113: {  	_ =	strace @p2 $0x80000059  }
0x114: {  	s2 =	sld @p2 [smem:$0x7F9];
	_ =	sdelay $0x1  }
0x115: {  	s5 =	rddreg @p2 [dreg:$0xd]  }
0x116: {  	s0 =	sadd.s32 @p2 s5, s0;
	s2 =	sadd.s32 @p2 $0x13, s2  }
0x117: {  	[hbm4b:s0+s1] =	stream.linear.scatter @p2 [tilespmem:s13], [sflag:s2], $0x400, $0x200038;
	[tilespmem:$0x5B00] =	vst v63  }
0x118: {  	s0 =	rddreg @p2 [dreg:$0x1a]  }
0x119: {  	s0 =	sadd.s32 @p2 $0x1, s0  }
0x11a: {  	[dreg:$0x1a] =	wrdreg @p2 s0  }
0x11b: {  	s0 =	rddreg @p2 [dreg:$0x19]  }
0x11c: {  	s0 =	sadd.s32 @p2 $0x1, s0  }
0x11d: {  	[dreg:$0x19] =	wrdreg @p2 s0  }
0x11e: {  	s0 =	rddreg @p2 [dreg:$0x18]  }
0x11f: {  	s0 =	sadd.s32 @p2 $0x1, s0  }
0x120: {  	[dreg:$0x18] =	wrdreg @p2 s0  }
0x121: {  	s0 =	simm.s32 @p2 $0x1;
	_ =	strace @p2 $0x90000059;
	p2 =	por p1, p0  }
0x122: {  	s13 =	rddreg [dreg:$0xe];
	s2 =	sand.u32 @!p2 $0x1, s4  }
0x123: {  	s17 =	rddreg [dreg:$0x1c];
	_ =	strace @!p2 $0x8000005A;
	s2 =	sadd.s32 @!p2 $0xD, s2  }
0x124: {  	_ =	swait.ge @!p2 [sflag:s2], $0x800  }
0x125: {  	[sflag:s2] =	ssyncset.done @!p2 $0x0  }
0x126: {  	[sflag:s2] =	ssyncadd.s32 @!p2 $0xFFFFF800  }
0x127: {  	s2 =	sand.u32 @!p2 $0x1, s10;
	_ =	strace @!p2 $0x9000005A  }
0x128: {  	s2 =	sadd.s32 @!p2 $0xF, s2;
	_ =	strace @!p2 $0x8000005B  }
0x129: {  	_ =	swait.ge @!p2 [sflag:s2], $0x400  }
0x12a: {  	[sflag:s2] =	ssyncset.done @!p2 $0x0  }
0x12b: {  	s3 =	sadd.s32 $0x1, s3;
	[sflag:s2] =	ssyncadd.s32 @!p2 $0xFFFFFC00  }
0x12c: {  	p1 =	por !p1, p0;
	s2 =	sand.u32 @!p2 $0x1, s11;
	_ =	strace @!p2 $0x9000005B  }
0x12d: {  	s28 =	sadd.s32 s28, s0;
	s2 =	sadd.s32 @!p2 $0x11, s2;
	_ =	strace @!p2 $0x8000005C  }
0x12e: {  	s12 =	sadd.s32 s12, s0;
	s25 =	sadd.s32 s25, s0;
	_ =	swait.ge @!p2 [sflag:s2], $0x400  }
0x12f: {  	s23 =	sadd.s32 s23, s0;
	s5 =	sadd.s32 @!p2 $0x1, s4;
	[sflag:s2] =	ssyncset.done @!p2 $0x0  }
0x130: {  	s6 =	sadd.s32 @!p2 $0x1, s11;
	[sflag:s2] =	ssyncadd.s32 @!p2 $0xFFFFFC00;
	s2 =	smov.u32 s11  }
0x131: {  	s7 =	sadd.s32 @!p2 $0x1, s10;
	s2 =	smov.u32 @p1 s6;
	s6 =	smov.u32 s4  }
0x132: {  	s9 =	sand.u32 @!p2 $0x1, s26;
	s6 =	smov.u32 @p1 s5;
	s5 =	smov.u32 s10  }
0x133: {  	_ =	strace @!p2 $0x9000005C;
	s5 =	smov.u32 @p1 s7;
	s7 =	simm.s32 $0x0  }
0x134: {  	s2 =	smov.u32 @p0 s11;
	s6 =	smov.u32 @p0 s4;
	s7 =	simm.s32 @p1 $0x1  }
0x135: {  	s5 =	smov.u32 @p0 s10;
	s7 =	simm.s32 @p0 $0x0;
	p0 =	sne.s32 s3, s13  }
.Ltmp3:
0x136: {  	s9 =	sadd.s32 @!p2 $0x13, s9;
	_ =	strace @!p2 $0x8000005D;
	(pc) =	sbr.rel @p0 .LBB2_2-.Ltmp3, $4  }
0x137: {  	s21 =	sadd.s32 s21, s0;
	s20 =	sadd.s32 s20, s0;
	_ =	swait.ge @!p2 [sflag:s9], $0x400  }
0x138: {  	s18 =	sadd.s32 s18, s0;
	s11 =	smov.u32 s2;
	[sflag:s9] =	ssyncset.done @!p2 $0x0  }
0x139: {  	s4 =	smov.u32 s6;
	[sflag:s9] =	ssyncadd.s32 @!p2 $0xFFFFFC00;
	s9 =	smov.u32 s31  }
0x13a: {  	s10 =	smov.u32 s5;
	_ =	strace @!p2 $0x9000005D;
	s26 =	sadd.s32 s26, s7  }
0x13b: {  	s0 =	sand.u32 $0x1, s6  }
0x13c: {  	_ =	strace $0x8000005E;
	s0 =	sadd.s32 $0xD, s0  }
0x13d: {  	_ =	swait.ge [sflag:s0], $0x800  }
0x13e: {  	[sflag:s0] =	ssyncset.done $0x0  }
0x13f: {  	[sflag:s0] =	ssyncadd.s32 $0xFFFFF800  }
0x140: {  	s25 =	sand.u32 $0x1, s5;
	_ =	strace $0x9000005E  }
0x141: {  	s0 =	sadd.s32 $0xF, s25;
	_ =	strace $0x8000005F  }
0x142: {  	_ =	swait.ge [sflag:s0], $0x400  }
0x143: {  	[sflag:s0] =	ssyncset.done $0x0  }
0x144: {  	[sflag:s0] =	ssyncadd.s32 $0xFFFFFC00  }
0x145: {  	s28 =	sand.u32 $0x1, s2;
	_ =	strace $0x9000005F  }
0x146: {  	s0 =	sadd.s32 $0x11, s28;
	_ =	strace $0x80000060  }
0x147: {  	_ =	swait.ge [sflag:s0], $0x400  }
0x148: {  	[sflag:s0] =	ssyncset.done $0x0  }
0x149: {  	[sflag:s0] =	ssyncadd.s32 $0xFFFFFC00  }
0x14a: {  	s29 =	sand.u32 $0x1, s26;
	_ =	strace $0x90000060  }
0x14b: {  	s0 =	sadd.s32 $0x13, s29;
	_ =	strace $0x80000061  }
0x14c: {  	_ =	swait.ge [sflag:s0], $0x400  }
0x14d: {  	s30 =	rddreg [dreg:$0x17]  }
0x14e: {  	s31 =	rddreg [dreg:$0x16];
	s2 =	sadd.s32 $0x1, s30  }
0x14f: {  	p0 =	sne.s32 s2, s31  }
.Ltmp4:
0x150: {  	_ = 	snop;
	(pc) =	sbr.rel @p0 .LBB2_1-.Ltmp4, $4  }
0x151: {  	_ = 	snop  }
0x152: {  	[sflag:s0] =	ssyncset.done $0x0  }
0x153: {  	[sflag:s0] =	ssyncadd.s32 $0xFFFFFC00  }
0x154: {  	_ =	strace $0x90000061  }
0x155: {  	_ =	sfence.sel $0x180000  }
0x156: {  	[bflag:$0x0] =	sbarrier.arrive $0xFFFF  }
0x157: {  	_ =	strace $0x90000047  }
0x158: {  	s0 =	stileid.u32;
	[bflag:$0x2] =	sbarrier.arrive $0xFFFF  }
0x159: {  	p0 =	sne.s32 s0, $0x0;
	s0 =	rddreg [dreg:$0x1]  }
0x15a: {  	s0 =	sadd.s32 @!p0 $0x100000, s0  }
0x15b: {  	[sflag:s0] =	ssyncadd.tile.s32 @!p0 $0x1;
	_ =	shalt  }
.Lfunc_end2:
_tile_overlayer_lowered:
.L_overlay_start_2:
0x15c: {  	(tag) =	ssettag $0x2  }
0x15d: {  	s0 =	rddreg [dreg:$0x0];
	s2 =	stileid.u32  }
0x15e: {  	s1 =	rddreg [dreg:$0x1];
	p0 =	sne.s32 s2, $0x0  }
0x15f: {  	s3 =	rddreg [dreg:$0x2];
	[bflag:$0x3] =	sbarrier.arrive $0xFFFF;
	s2 =	simm.s32 @!p0 $0x1C01  }
0x160: {  	[timem:s3], [sflag:s2] =	dma.local @!p0 [hbm:s0], s1  }
0x161: {  	s0 =	simm.s32 @!p0 $0x1  }
0x162: {  	_ =	swait.ge @!p0 [sflag:s0], s1  }
0x163: {  	s1 =	ssub.s32 @!p0 $0x0, s1;
	[sflag:s0] =	ssyncset.done @!p0 $0x0  }
0x164: {  	[sflag:s0] =	ssyncadd.s32 @!p0 s1  }
0x165: {  	[bflag:$0x3] =	sbarrier.arrive $0xFFFF  }
0x166: {  	_ =	shalt  }

// kernel: kernel.9.cloned.1.call-start
scs
__scs_entry_jumppad:
0x0: {  	(pc) =	sbr.rel $0x88, $3  }
0x1: {  	(tag) =	ssettag $0x0;
	lr =	simm.s32 $0x1  }
0x2: {  	[smem:$0x3F9C] =	sst lr;
	_ =	strace $0xD0000000  }
0x3: {  	_ = 	snop  }
0x4: {  	_ = 	snop  }
0x5: {  	_ = 	snop  }
0x6: {  	_ = 	snop  }
0x7: {  	_ = 	snop  }
__scs_overlays_trampoline_lowered:
0x8: {  	[smem:$0x3FAB] =	sst s0  }
0x9: {  	[smem:$0x3FAC] =	sst s1  }
0xa: {  	[smem:$0x3FAD] =	sst s2  }
0xb: {  	[smem:$0x3FAE] =	sst s3  }
0xc: {  	[smem:$0x3FAF] =	sst s4  }
0xd: {  	[smem:$0x3FB0] =	sst s5  }
0xe: {  	[smem:$0x3FB1] =	sst s6  }
0xf: {  	[smem:$0x3FB2] =	sst s7  }
0x10: {  	[smem:$0x3FB3] =	sst s8  }
0x11: {  	[smem:$0x3FB4] =	sst s9;
	s0 =	simm.s32 @!p0 $0x0  }
0x12: {  	s1 =	sld [smem:$0x3F9A];
	s0 =	simm.s32 @p0 $0x1  }
0x13: {  	[smem:$0x3FB5] =	sst s0;
	s0 =	simm.s32 @!p1 $0x0  }
0x14: {  	s2 =	sld [smem:$0x3F99];
	s0 =	simm.s32 @p1 $0x1  }
0x15: {  	[smem:$0x3FB6] =	sst s0;
	s0 =	simm.s32 @!p2 $0x0  }
0x16: {  	s3 =	sld [smem:$0x3FDB];
	s0 =	simm.s32 @p2 $0x1  }
0x17: {  	s4 =	simm.s32 $0x1BF5;
	[smem:$0x3FB8] =	sst s0  }
0x18: {  	s0 =	sld [smem:$0x3F9B];
	_ =	swait.ge [sflag:s4], $0x0  }
0x19: {  	s7 =	sld [smem:$0x3F9C]  }
0x1a: {  	s8 =	sadd.s32 $0xFFFFE003, lr  }
0x1b: {  	s9 =	sadd.s32 $0xFFFFFEF7, lr;
	s5 =	simm.s32 $0xFFFFFFFF;
	p2 =	slt.u32 s8, $0xFFFFF086  }
0x1c: {  	p1 =	slt.u32 s9, $0xF7A;
	s5 =	simm.s32 @!p2 $0x0  }
0x1d: {  	s5 =	simm.s32 @p1 $0x1;
	p0 =	seq.s32 s7, s2  }
0x1e: {  	s7 =	smul.u32 @!p0 $0xF7A, s2;
	p2 =	seq.s32 @!p0 s5, $0x0  }
0x1f: {  	s9 =	smul.u32 $0xF7A, s1;
	s8 =	simm.s32 @!p0 $0x1BF5;
	p2 =	por !p2, p0  }
0x20: {  	[sflag:s8] =	ssyncset.s32 @!p0 $0xFFFFF086;
	s6 =	sadd.s32 @!p0 s3, s7;
	s7 =	simm.s32 @!p0 $0x108  }
0x21: {  	s3 =	sadd.s32 s3, s9;
	s6 =	sadd.s32 @!p0 $0x88, s6;
	s7 =	simm.s32 @p2 $0x1082  }
0x22: {  	[simem:s7], [sflag:s8] =	dma.local @!p0 [hbm:s6], $0xF7A  }
0x23: {  	s9 =	sor.u32 $0xD0000000, s2;
	s6 =	simm.s32 $0x108;
	_ =	swait.ge @!p0 [sflag:s8], $0x0  }
0x24: {  	s3 =	sadd.s32 $0x88, s3;
	s6 =	simm.s32 @!p1 $0x1082;
	[sflag:s4] =	ssyncset.s32 $0xFFFFF086  }
0x25: {  	[simem:s6], [sflag:s4] =	dma.local [hbm:s3], $0xF7A  }
0x26: {  	[smem:$0x3F9C] =	sst s1;
	(tag) =	ssettag s2;
	_ =	strace s9  }
0x27: {  	s1 =	sld [smem:$0x3FAC]  }
0x28: {  	s2 =	sld [smem:$0x3FAD]  }
0x29: {  	s4 =	sld [smem:$0x3FAF]  }
0x2a: {  	p0 =	seq.s32 s5, $0x0;
	s5 =	sld [smem:$0x3FB0]  }
0x2b: {  	s6 =	sld [smem:$0x3FB1]  }
0x2c: {  	s7 =	sld [smem:$0x3FB2]  }
0x2d: {  	s3 =	simm.s32 $0x108;
	s8 =	sld [smem:$0x3FB3]  }
0x2e: {  	s3 =	simm.s32 @!p0 $0x1082;
	s9 =	sld [smem:$0x3FB4]  }
0x2f: {  	lr =	sadd.s32 s0, s3;
	s0 =	sld [smem:$0x3FAB]  }
0x30: {  	s3 =	sld [smem:$0x3FAE]  }
0x31: {  	[smem:$0x3FB7] =	sst s10  }
0x32: {  	s10 =	sld [smem:$0x3FB5];
	_ =	sdelay $0x3  }
0x33: {  	p0 =	seq.s32 s10, $0x1;
	s10 =	sld [smem:$0x3FB7];
	_ =	sdelay $0x3  }
0x34: {  	[smem:$0x3FB7] =	sst s10  }
0x35: {  	s10 =	sld [smem:$0x3FB6];
	_ =	sdelay $0x3  }
0x36: {  	p1 =	seq.s32 s10, $0x1;
	s10 =	sld [smem:$0x3FB7];
	_ =	sdelay $0x3  }
0x37: {  	[smem:$0x3FB7] =	sst s10  }
0x38: {  	s10 =	sld [smem:$0x3FB8]  }
0x39: {  	_ = 	snop;
	(pc) =	sbr.ind lr, $3  }
0x3a: {  	_ = 	snop  }
0x3b: {  	_ = 	snop  }
0x3c: {  	p2 =	seq.s32 s10, $0x1;
	s10 =	sld [smem:$0x3FB7]  }
0x3d: {  	_ =	shalt  }
0x3e: {  	_ =	shalt  }
0x3f: {  	_ =	shalt  }
0x40: {  	_ =	shalt  }
0x41: {  	_ =	shalt  }
0x42: {  	_ =	shalt  }
0x43: {  	_ =	shalt  }
0x44: {  	_ =	shalt  }
0x45: {  	_ =	shalt  }
0x46: {  	_ =	shalt  }
0x47: {  	_ =	shalt  }
0x48: {  	_ =	shalt  }
0x49: {  	_ =	shalt  }
0x4a: {  	_ =	shalt  }
0x4b: {  	_ =	shalt  }
0x4c: {  	_ =	shalt  }
0x4d: {  	_ =	shalt  }
0x4e: {  	_ =	shalt  }
0x4f: {  	_ =	shalt  }
0x50: {  	_ =	shalt  }
0x51: {  	_ =	shalt  }
0x52: {  	_ =	shalt  }
0x53: {  	_ =	shalt  }
0x54: {  	_ =	shalt  }
0x55: {  	_ =	shalt  }
0x56: {  	_ =	shalt  }
0x57: {  	_ =	shalt  }
0x58: {  	_ =	shalt  }
0x59: {  	_ =	shalt  }
0x5a: {  	_ =	shalt  }
0x5b: {  	_ =	shalt  }
0x5c: {  	_ =	shalt  }
0x5d: {  	_ =	shalt  }
0x5e: {  	_ =	shalt  }
0x5f: {  	_ =	shalt  }
0x60: {  	_ =	shalt  }
0x61: {  	_ =	shalt  }
0x62: {  	_ =	shalt  }
0x63: {  	_ =	shalt  }
0x64: {  	_ =	shalt  }
0x65: {  	_ =	shalt  }
0x66: {  	_ =	shalt  }
0x67: {  	_ =	shalt  }
0x68: {  	_ =	shalt  }
0x69: {  	_ =	shalt  }
0x6a: {  	_ =	shalt  }
0x6b: {  	_ =	shalt  }
0x6c: {  	_ =	shalt  }
0x6d: {  	_ =	shalt  }
0x6e: {  	_ =	shalt  }
0x6f: {  	_ =	shalt  }
0x70: {  	_ =	shalt  }
0x71: {  	_ =	shalt  }
0x72: {  	_ =	shalt  }
0x73: {  	_ =	shalt  }
0x74: {  	_ =	shalt  }
0x75: {  	_ =	shalt  }
0x76: {  	_ =	shalt  }
0x77: {  	_ =	shalt  }
0x78: {  	_ =	shalt  }
0x79: {  	_ =	shalt  }
0x7a: {  	_ =	shalt  }
0x7b: {  	_ =	shalt  }
0x7c: {  	_ =	shalt  }
0x7d: {  	_ =	shalt  }
0x7e: {  	_ =	shalt  }
0x7f: {  	_ =	shalt  }
0x80: {  	_ =	shalt  }
0x81: {  	_ =	shalt  }
0x82: {  	_ =	shalt  }
0x83: {  	_ =	shalt  }
0x84: {  	_ =	shalt  }
0x85: {  	_ =	shalt  }
0x86: {  	_ =	shalt  }
0x87: {  	_ =	shalt  }
.Lfunc_end0:
.L_simem_size_0:
called_computation.1_lowered:
.L_overlay_start_0:
0x88: {  	s2 =	sld [smem:$0x3FD9]  }
0x89: {  	s3 =	sld [smem:$0x3FFE];
	_ =	sdelay $0x1  }
0x8a: {  	s1 =	srdreg.scid  }
0x8b: {  	s0 =	sand.u32 $0x1, s1  }
0x8c: {  	s17 =	sshll.u32 s0, $0xA;
	s2 =	sadd.s32 s3, s2  }
0x8d: {  	s2 =	sadd.s32 s2, s17  }
0x8e: {  	[smem:$0x3FC3] =	sst s2  }
0x8f: {  	_ = 	snop  }
0x90: {  	(tm) =	ssettm $0x1  }
0x91: {  	s18 =	sld [smem:$0x3FFB];
	_ =	sdelay $0x3  }
0x92: {  	_ =	strace s18  }
0x93: {  	s2 =	sld [smem:$0x3FFC];
	_ =	sdelay $0x3  }
0x94: {  	_ =	strace s2  }
0x95: {  	s2 =	sld [smem:$0x3FFD];
	_ =	sdelay $0x3  }
0x96: {  	_ =	strace s2  }
0x97: {  	_ =	strace $0x8FFFFFFF  }
0x98: {  	s19 =	sld [smem:$0x3FDB];
	_ =	sdelay $0x1  }
0x99: {  	s20 =	simm.s32 $_scs_section_size  }
0x9a: {  	s4 =	simm.s32 $_size__tile_overlayer_lowered;
	s5 =	simm.s32 $_tile_overlayer_lowered  }
0x9b: {  	s6 =	simm.s32 $0x1BFF;
	s21 =	sshll.u32 s5, $0x1;
	s3 =	sadd.s32 s20, s19  }
0x9c: {  	s22 =	simm.s32 $0x0;
	s4 =	sshll.u32 s4, $0x1;
	s5 =	sadd.s32 s21, s3  }
0x9d: {  	[timem:s22], [sflag:s6] =	dma.local [hbm:s5], s4  }
0x9e: {  	_ =	swait.ge [sflag:s6], s4  }
0x9f: {  	s4 =	ssub.s32 $0x0, s4;
	[sflag:s6] =	ssyncset.done $0x0  }
0xa0: {  	[sflag:s6] =	ssyncadd.s32 s4;
	_ =	sdelay $0x1  }
0xa1: {  	s23 =	simm.s32 $0x1B8B  }
0xa2: {  	_ =	swait.ge [sflag:s23], $0x1  }
0xa3: {  	[sflag:s23] =	ssyncset.done $0x0  }
0xa4: {  	[sflag:s23] =	ssyncadd.s32 $0xFFFFFFFF  }
0xa5: {  	s4 =	sld [smem:$0x0]  }
0xa6: {  	s5 =	sand.u32 $0xFFFFFFFE, s1  }
0xa7: {  	p0 =	sne.s32 s1, s5  }
0xa8: {  	s5 =	sshll.u32 @p0 s5, $0xE  }
0xa9: {  	s5 =	sadd.s32 @p0 $0x11B8D, s5;
	s6 =	sshll.u32 @p0 s4, $0x11  }
0xaa: {  	s5 =	sor.u32 @p0 s6, s5  }
0xab: {  	[sflag:s5] =	ssyncadd.remote.s32 @p0 $0x1;
	_ =	sdelay $0x1  }
0xac: {  	s5 =	simm.s32 @p0 $0x1B8D  }
0xad: {  	_ =	swait.eq @p0 [sflag:s5], $0x1  }
0xae: {  	[sflag:s5] =	ssyncadd.s32 @p0 $0xFFFFFFFF  }
0xaf: {  	s6 =	sshll.u32 @!p0 s1, $0xE  }
0xb0: {  	s6 =	sor.u32 @!p0 $0x4000, s6;
	s5 =	simm.s32 @!p0 $0x1B8D  }
0xb1: {  	s4 =	sshll.u32 @!p0 s4, $0x11;
	s6 =	sadd.s32 @!p0 $0x11B8D, s6;
	_ =	swait.eq @!p0 [sflag:s5], $0x1  }
0xb2: {  	s4 =	sor.u32 @!p0 s4, s6;
	[sflag:s5] =	ssyncadd.s32 @!p0 $0xFFFFFFFF  }
0xb3: {  	s25 =	simm.s32 $0x1B8E;
	s24 =	sld [smem:$0x3FFE];
	[sflag:s4] =	ssyncadd.remote.s32 @!p0 $0x1  }
0xb4: {  	s26 =	simm.s32 $execute0_lowered;
	[smem:$0x3FD2] =	sst s25  }
0xb5: {  	s5 =	sshll.u32 s26, $0x1;
	_ =	strace $0x80000063;
	[dreg:$0x1] =	wrdreg $0xFFFFFFFF  }
0xb6: {  	s28 =	simm.s32 $_size_execute0_lowered;
	s3 =	sadd.s32 s3, s5;
	[dreg:$0x0] =	wrdreg $0x0  }
0xb7: {  	s5 =	sshll.u32 s28, $0x1;
	[dreg:$0x2] =	wrdreg s3  }
0xb8: {  	[dreg:$0x3] =	wrdreg s5  }
0xb9: {  	[dreg:$0x4] =	wrdreg $0xC0  }
0xba: {  	_ =	task [dreg:s22], $0x5FFFF  }
0xbb: {  	[dreg:$0x1] =	wrdreg $0xFFFFFFFF  }
0xbc: {  	[dreg:$0x0] =	wrdreg $0x60  }
0xbd: {  	[dreg:$0x2] =	wrdreg s24  }
0xbe: {  	[dreg:$0x3] =	wrdreg $0xA  }
0xbf: {  	_ =	task.clear_ibuf [dreg:s22], $0x4FFFF;
	_ =	strace $0x90000063  }
0xc0: {  	s29 =	simm.s32 $0xA;
	_ =	strace $0x80000070  }
0xc1: {  	_ =	swait.ge [sflag:s29], $0x1  }
0xc2: {  	[sflag:s29] =	ssyncadd.s32 $0xFFFFFFFF  }
0xc3: {  	_ =	strace $0x90000070  }
0xc4: {  	_ =	sfence  }
0xc5: {  	s30 =	sld [smem:$0x0];
	_ =	sdelay $0x2  }
0xc6: {  	s31 =	sshll.u32 s1, $0xD;
	s1 =	sshrl.u32 s1, $0x2  }
0xc7: {  	s4 =	sand.u32 $0x4000, s31;
	s1 =	sadd.s32 s1, s30  }
0xc8: {  	s0 =	sor.u32 s4, s0;
	s1 =	sshll.u32 s1, $0x11  }
0xc9: {  	s0 =	sor.u32 s1, s0  }
0xca: {  	s0 =	sadd.s32 $0x8F2B, s0  }
0xcb: {  	[sflag:s0] =	ssyncadd.remote.s32 $0x1  }
0xcc: {  	_ =	sfence.sel $0xFFFF  }
0xcd: {  	[dreg:$0x0] =	wrdreg $0xFFFFFFFF;
	(pc) =	sbr.abs _section_cstart, $3  }
0xce: {  	[dreg:$0x1] =	wrdreg $0xFFFFFFFF  }
0xcf: {  	_ =	task.clear_ibuf [dreg:s22], $0x2FFFF;
	_ =	strace $0x9FFFFFFF  }
0xd0: {  	(tm) =	ssettm $0x7FFFFFFF  }
0xd1: {  	_ =	shalt  }
tec
execute0_lowered:
.L_overlay_start_1:
0x0: {  	(tag) =	ssettag $0x1  }
0x1: {  	s0 =	rddreg [dreg:$0x0];
	s1 =	srdreg.scid  }
0x2: {  	s2 =	simm.s32 $0x0;
	s26 =	stileid.u32;
	s1 =	sand.u32 $0x1, s1  }
0x3: {  	s18 =	simm.s32 $0x80;
	s19 =	simm.s32 $0x9;
	s4 =	sshll.u32 s1, $0x4  }
0x4: {  	s3 =	sadd.s32 $0xCC00, s0;
	s7 =	sadd.s32 $0x12800, s0;
	s5 =	sor.u32 s26, s4  }
0x5: {  	p0 =	seq.s32 s1, $0x0;
	s9 =	smul.u32 $0x3, s5;
	s6 =	sshll.u32 s5, $0x1  }
0x6: {  	s8 =	ssub.s32 $0x2, s1;
	s4 =	sadd.s32 $0x11C00, s0;
	s6 =	sadd.s32 $0x10, s6  }
0x7: {  	s28 =	sshrl.u32 s8, $0x1;
	s5 =	sadd.s32 $0x12200, s0;
	s6 =	smov.u32 @p0 s9  }
0x8: {  	s9 =	sadd.s32 $0x12E00, s0;
	s0 =	ssub.s32 s8, s28;
	s11 =	sshll.u32 s6, $0x4  }
0x9: {  	[smem:$0x7FF] =	sst s2;
	s0 =	smax.u32 s0, $0x1;
	s29 =	sand.u32 $0x1FFFFFF0, s11  }
0xa: {  	_ =	strace $0x80000064;
	[dreg:$0x5] =	wrdreg s0;
	s30 =	sadd.s32 s4, s29  }
0xb: {  	s20 =	simm.s32 $0x800;
	s31 =	sadd.s32 s5, s29;
	[dreg:$0x2] =	wrdreg s30  }
0xc: {  	s10 =	sxor.u32 $0x3, s1;
	s1 =	sadd.s32 s7, s29;
	[dreg:$0x3] =	wrdreg s31  }
0xd: {  	s21 =	simm.s32 $0x1000;
	s22 =	simm.s32 $0x0;
	[dreg:$0x4] =	wrdreg s1  }
.LBB2_1:
0xe: {  	_ =	strace $0x80000065  }
0xf: {  	s0 =	simm.s32 $0x0;
	s2 =	simm.s32 $0x1800;
	s26 =	simm.s32 $0x1900  }
0x10: {  	s31 =	simm.s32 $0x1A00;
	s15 =	simm.s32 $0x0;
	s23 =	simm.s32 $0x0  }
0x11: {  	s24 =	simm.s32 $0x0;
	s28 =	simm.s32 $0x0;
	s1 =	rddreg [dreg:$0x2]  }
0x12: {  	[tilespmem:s2], [sflag:$0x1] =	stream.linear.gather [hbm4b:s1+s0], $0x80, $0x200038;
	[tilespmem:$0x2B00] =	vst v63  }
0x13: {  	s12 =	simm.s32 $0x1;
	s30 =	simm.s32 $0x0;
	s25 =	rddreg [dreg:$0x3]  }
0x14: {  	[tilespmem:s26], [sflag:$0x3] =	stream.linear.gather [hbm4b:s25+s0], $0x80, $0x200038;
	[tilespmem:$0x2B00] =	vst v63  }
0x15: {  	s16 =	simm.s32 $0x1;
	s29 =	rddreg [dreg:$0x4];
	s25 =	simm.s32 $0x0  }
0x16: {  	[tilespmem:s31], [sflag:$0x5] =	stream.linear.gather [hbm4b:s29+s0], $0x80, $0x200038;
	[tilespmem:$0x2B00] =	vst v63  }
0x17: {  	s26 =	simm.s32 $0x1;
	s0 =	simm.s32 $0x0;
	_ =	strace $0x90000065  }
.LBB2_2:
0x18: {  	s1 =	sadd.s32 $0x1, s15  }
0x19: {  	p0 =	seq.s32 s1, s10  }
0x1a: {  	s1 =	simm.s32 @p0 $0x0;
	p0 =	sge.u32 s0, s8  }
0x1b: {  	p1 =	seq.s32 @!p0 s15, s1  }
0x1c: {  	p2 =	por p1, p0  }
0x1d: {  	s11 =	sadd.s32 @!p2 s6, s1  }
0x1e: {  	s13 =	sand.u32 @!p2 $0x1, s16;
	_ =	strace @!p2 $0x80000066;
	s11 =	sshll.u32 @!p2 s11, $0x4  }
0x1f: {  	s2 =	simm.s32 @!p2 $0x0;
	s14 =	sshll.u32 @!p2 s13, $0x7;
	s11 =	sand.u32 @!p2 $0x1FFFFFF0, s11  }
0x20: {  	s13 =	sadd.s32 @!p2 $0x1, s13;
	s14 =	sor.u32 @!p2 $0x1800, s14;
	s17 =	sadd.s32 @!p2 s4, s11  }
0x21: {  	[tilespmem:s14], [sflag:s13] =	stream.linear.gather @!p2 [hbm4b:s17+s2], $0x80, $0x200038;
	[tilespmem:$0x2B00] =	vst v63  }
0x22: {  	s13 =	sand.u32 @!p2 $0x1, s12  }
0x23: {  	s17 =	sadd.s32 @!p2 s5, s11;
	_ =	strace @!p2 $0x90000066;
	s14 =	sshll.u32 @!p2 s13, $0x7  }
0x24: {  	s13 =	sadd.s32 @!p2 $0x3, s13;
	_ =	strace @!p2 $0x80000067;
	s14 =	sor.u32 @!p2 $0x1900, s14  }
0x25: {  	[tilespmem:s14], [sflag:s13] =	stream.linear.gather @!p2 [hbm4b:s17+s2], $0x80, $0x200038;
	[tilespmem:$0x2B00] =	vst v63  }
0x26: {  	s13 =	sand.u32 @!p2 $0x1, s26  }
0x27: {  	s11 =	sadd.s32 @!p2 s7, s11;
	_ =	strace @!p2 $0x90000067;
	s14 =	sshll.u32 @!p2 s13, $0x7  }
0x28: {  	s13 =	sadd.s32 @!p2 $0x5, s13;
	_ =	strace @!p2 $0x80000068;
	s14 =	sor.u32 @!p2 $0x1A00, s14  }
0x29: {  	[tilespmem:s14], [sflag:s13] =	stream.linear.gather @!p2 [hbm4b:s11+s2], $0x80, $0x200038;
	[tilespmem:$0x2B00] =	vst v63  }
0x2a: {  	s13 =	sand.u32 $0x1, s30;
	_ =	strace @!p2 $0x90000068  }
0x2b: {  	s2 =	sadd.s32 $0x1, s13;
	_ =	strace $0x80000069  }
0x2c: {  	_ =	swait.ge [sflag:s2], $0x80  }
0x2d: {  	[sflag:s2] =	ssyncset.done $0x0  }
0x2e: {  	[sflag:s2] =	ssyncadd.s32 $0xFFFFFF80  }
0x2f: {  	s14 =	sand.u32 $0x1, s28;
	_ =	strace $0x90000069  }
0x30: {  	s2 =	sadd.s32 $0x3, s14;
	_ =	strace $0x8000006A  }
0x31: {  	_ =	swait.ge [sflag:s2], $0x80  }
0x32: {  	[sflag:s2] =	ssyncset.done $0x0  }
0x33: {  	[sflag:s2] =	ssyncadd.s32 $0xFFFFFF80  }
0x34: {  	s17 =	sand.u32 $0x1, s25;
	_ =	strace $0x9000006A  }
0x35: {  	s2 =	sadd.s32 $0x5, s17;
	_ =	strace $0x8000006B  }
0x36: {  	_ =	swait.ge [sflag:s2], $0x80  }
0x37: {  	s31 =	smov.u32 s16;
	[sflag:s2] =	ssyncset.done $0x0  }
0x38: {  	s29 =	smov.u32 s12;
	s11 =	sshll.u32 s30, $0x7;
	[sflag:s2] =	ssyncadd.s32 $0xFFFFFF80  }
0x39: {  	p1 =	por !p1, p0;
	s2 =	sand.u32 $0x80, s11;
	_ =	strace $0x9000006B  }
0x3a: {  	s13 =	simm.s32 $0x0;
	s2 =	sor.u32 $0x1800, s2;
	_ =	strace $0x8000006C  }
0x3b: {  	[tilespmem:s13], [sflag:$0x9] =	stream.indirect.gather [hbm4b:s3+s18], $0x10, s2, s18, $0x2000b8;
	[tilespmem:$0x2B00] =	vst v63  }
0x3c: {  	s14 =	sshll.u32 s28, $0x7;
	s17 =	sadd.s32 s6, s15;
	_ =	swait.ge [sflag:s19], $0x800  }
0x3d: {  	s11 =	sand.u32 $0x80, s14;
	s14 =	sshll.u32 s25, $0x7;
	[sflag:s19] =	ssyncset.done $0x0  }
0x3e: {  	s11 =	sor.u32 $0x1900, s11;
	s13 =	sadd.s32 @!p2 $0x1, s12;
	[sflag:s19] =	ssyncadd.s32 $0xFFFFF800  }
0x3f: {  	[tilespmem:s20], [sflag:$0x9] =	stream.indirect.gather [hbm4b:s3+s18], $0x10, s11, s18, $0x2000b8;
	[tilespmem:$0x2B00] =	vst v63  }
0x40: {  	s2 =	sadd.s32 @!p2 $0x1, s16;
	s12 =	smov.u32 @p1 s13;
	_ =	swait.ge [sflag:s19], $0x800  }
0x41: {  	s13 =	sand.u32 $0x80, s14;
	s16 =	smov.u32 @p1 s2;
	[sflag:s19] =	ssyncset.done $0x0  }
0x42: {  	s13 =	sor.u32 $0x1A00, s13;
	s12 =	smov.u32 @p0 s29;
	[sflag:s19] =	ssyncadd.s32 $0xFFFFF800  }
0x43: {  	[tilespmem:s21], [sflag:$0x9] =	stream.indirect.gather [hbm4b:s3+s18], $0x10, s13, s18, $0x2000b8;
	[tilespmem:$0x2B00] =	vst v63  }
0x44: {  	s11 =	simm.s32 $0x0;
	s13 =	sand.u32 $0x1, s24;
	_ =	swait.ge [sflag:s19], $0x800  }
0x45: {  	s11 =	simm.s32 @p1 $0x1;
	s14 =	sshll.u32 s13, $0xB;
	[sflag:s19] =	ssyncset.done $0x0  }
0x46: {  	s29 =	sadd.s32 $0x1B00, s14;
	s14 =	simm.s32 $0x0;
	[sflag:s19] =	ssyncadd.s32 $0xFFFFF800  }
0x47: {  	s16 =	smov.u32 @p0 s31;
	s31 =	simm.s32 $0x40;
	s11 =	simm.s32 @p0 $0x0;
	v0 =	vmov s29;
	v1 =	vld [tilespmem:s14+$0x800]  }
.LBB2_3:
0x48: {  	p0 =	sne.s32 s31, $0x1FC0;
	v2 =	vld [tilespmem:s14+$0x0];
	_ =	sdelay $0x1  }
0x49: {  	v3 =	vld [tilespmem:s14+$0x1000];
	_ =	sdelay $0x2  }
0x4a: {  	v1 =	vadd.f32 v1, v2;
	_ =	sdelay $0x1  }
0x4b: {  	v1 =	vadd.f32 v3, v1  }
.Ltmp0:
0x4c: {  	(pc) =	sbr.rel @p0 .LBB2_3-.Ltmp0, $3  }
0x4d: {  	v1 =	vmul.f32 $3.333333430e-01, v1;
	_ =	sdelay $0x1  }
0x4e: {  	[tilespmem:v0+s14+$0x0 ss:$0x1] =	vst.idx.msk $0xffff, v1;
	s14 =	sshra.s32 s31, $0x2  }
0x4f: {  	s31 =	sadd.s32 $0x40, s31;
	v1 =	vld [tilespmem:s14+$0x800]  }
0x50: {  	v2 =	vld [tilespmem:s14+$0x0];
	_ =	sdelay $0x1  }
0x51: {  	v3 =	vld [tilespmem:s14+$0x1000];
	_ =	sdelay $0x2  }
0x52: {  	v1 =	vadd.f32 v1, v2;
	_ =	sdelay $0x1  }
0x53: {  	v1 =	vadd.f32 v3, v1;
	_ =	sdelay $0x1  }
0x54: {  	p0 =	sne.s32 s15, s1;
	p1 =	seq.s32 s0, s8;
	v1 =	vmul.f32 $3.333333430e-01, v1  }
0x55: {  	p1 =	por p1, p0  }
0x56: {  	p0 =	seq.s32 s0, $0x0;
	s2 =	sshll.u32 @p1 s17, $0x8;
	[tilespmem:v0+s14+$0x0 ss:$0x1] =	vst.idx.msk $0xffff, v1  }
0x57: {  	s13 =	sadd.s32 @p1 $0x7, s13;
	s2 =	sand.u32 @p1 $0x1FFFFF00, s2;
	_ =	strace $0x9000006C  }
0x58: {  	s2 =	sadd.s32 @p1 s9, s2;
	s14 =	simm.s32 @p1 $0x0;
	_ =	strace @p1 $0x8000006D  }
0x59: {  	[hbm4b:s2+s14] =	stream.linear.scatter @p1 [tilespmem:s29], [sflag:s13], $0x800, $0x200038;
	[tilespmem:$0x2B00] =	vst v63  }
0x5a: {  	s13 =	sand.u32 @!p0 $0x1, s23;
	_ =	strace @p1 $0x9000006D  }
0x5b: {  	s13 =	sadd.s32 @!p0 $0x7, s13;
	_ =	strace @!p0 $0x8000006E  }
0x5c: {  	s2 =	simm.s32 $0x1;
	_ =	swait.ge @!p0 [sflag:s13], $0x800  }
0x5d: {  	s2 =	simm.s32 @!p1 $0x0;
	[sflag:s13] =	ssyncset.done @!p0 $0x0  }
0x5e: {  	p1 =	sne.s32 s0, $0x0;
	s0 =	sadd.s32 $0x1, s0;
	[sflag:s13] =	ssyncadd.s32 @!p0 $0xFFFFF800  }
0x5f: {  	_ =	strace @!p0 $0x9000006E;
	p0 =	sne.s32 s0, s10  }
.Ltmp1:
0x60: {  	_ = 	snop;
	(pc) =	sbr.rel @p0 .LBB2_2-.Ltmp1, $4  }
0x61: {  	_ = 	snop  }
0x62: {  	s26 =	sadd.s32 s26, s11;
	s11 =	simm.s32 $0x1;
	s15 =	smov.u32 s1  }
0x63: {  	s24 =	sadd.s32 s2, s24;
	s11 =	simm.s32 @!p1 $0x0;
	s30 =	sadd.s32 s2, s30  }
0x64: {  	s28 =	sadd.s32 s2, s28;
	s25 =	sadd.s32 s2, s25;
	s23 =	sadd.s32 s11, s23  }
0x65: {  	s0 =	sand.u32 $0x1, s23  }
0x66: {  	_ =	strace $0x8000006F;
	s0 =	sadd.s32 $0x7, s0  }
0x67: {  	_ =	swait.ge [sflag:s0], $0x800  }
0x68: {  	s22 =	sadd.s32 $0x1, s22;
	s31 =	rddreg [dreg:$0x5]  }
0x69: {  	p0 =	sne.s32 s22, s31  }
.Ltmp2:
0x6a: {  	_ = 	snop;
	(pc) =	sbr.rel @p0 .LBB2_1-.Ltmp2, $4  }
0x6b: {  	_ = 	snop  }
0x6c: {  	[sflag:s0] =	ssyncset.done $0x0  }
0x6d: {  	[sflag:s0] =	ssyncadd.s32 $0xFFFFF800  }
0x6e: {  	_ =	strace $0x9000006F  }
0x6f: {  	_ =	sfence.sel $0x180000  }
0x70: {  	[bflag:$0x0] =	sbarrier.arrive $0xFFFF  }
0x71: {  	_ =	strace $0x90000064  }
0x72: {  	s0 =	stileid.u32;
	[bflag:$0x2] =	sbarrier.arrive $0xFFFF  }
0x73: {  	p0 =	sne.s32 s0, $0x0;
	s0 =	rddreg [dreg:$0x1]  }
0x74: {  	s0 =	sadd.s32 @!p0 $0x100000, s0  }
0x75: {  	[sflag:s0] =	ssyncadd.tile.s32 @!p0 $0x1;
	_ =	shalt  }
.Lfunc_end2:
_tile_overlayer_lowered:
.L_overlay_start_2:
0x76: {  	(tag) =	ssettag $0x2  }
0x77: {  	s0 =	rddreg [dreg:$0x0];
	s2 =	stileid.u32  }
0x78: {  	s1 =	rddreg [dreg:$0x1];
	p0 =	sne.s32 s2, $0x0  }
0x79: {  	s3 =	rddreg [dreg:$0x2];
	[bflag:$0x3] =	sbarrier.arrive $0xFFFF;
	s2 =	simm.s32 @!p0 $0x1C01  }
0x7a: {  	[timem:s3], [sflag:s2] =	dma.local @!p0 [hbm:s0], s1  }
0x7b: {  	s0 =	simm.s32 @!p0 $0x1  }
0x7c: {  	_ =	swait.ge @!p0 [sflag:s0], s1  }
0x7d: {  	s1 =	ssub.s32 @!p0 $0x0, s1;
	[sflag:s0] =	ssyncset.done @!p0 $0x0  }
0x7e: {  	[sflag:s0] =	ssyncadd.s32 @!p0 s1  }
0x7f: {  	[bflag:$0x3] =	sbarrier.arrive $0xFFFF  }
0x80: {  	_ =	shalt  }

</sc_bundles>
